<compile_context>
chip_gen: v7x
topology: tpu7x:2x2x1
jax: 0.10.2.dev20260603
libtpu: 0.0.44.dev20260713+nightly
codegen_flags: <defaults>
</compile_context>

<pallas_src>
import functools

import jax
import jax.numpy as jnp
from jax import lax
from jax.experimental import pallas as pl
from jax.experimental.pallas import tpu as pltpu
from jax.experimental.pallas import tpu_sc as plsc

B = 512
D = 512
C = 3
DELTA = 1.5

_SC_MESH = plsc.VectorSubcoreMesh(core_axis_name="c", subcore_axis_name="s")


@functools.partial(
    pl.kernel,
    mesh=_SC_MESH,
    compiler_params=pltpu.CompilerParams(use_tc_tiling_on_sc=False,
                                         needs_layout_passes=False),
    out_type=jax.ShapeDtypeStruct((3 * C * B,), jnp.float32),
    scratch_types=[
        pltpu.VMEM((B * C,), jnp.float32),
        pltpu.VMEM((B,), jnp.float32),
    ],
)
def _label_prep_sc(tl_hbm, al_hbm, vl_hbm, out_hbm, flat_v, row_v):
    wid = lax.axis_index("s") * 2 + lax.axis_index("c")
    lanes = lax.iota(jnp.int32, 16)

    for m, l_hbm in enumerate((tl_hbm, al_hbm, vl_hbm)):
        for k in range(C):
            @pl.when(wid == C * m + k)
            def _(l_hbm=l_hbm, m=m, k=k):
                pltpu.sync_copy(l_hbm, flat_v)
                for cidx in range(B // 16):
                    idx = 48 * cidx + C * lanes + k
                    vals = plsc.load_gather(flat_v, [idx])
                    row_v[pl.ds(16 * cidx, 16)] = vals
                pltpu.sync_copy(row_v, out_hbm.at[pl.ds((C * m + k) * B, B)])


def _row_argmax_onehot(lT):
    l0, l1, l2 = lT[0], lT[1], lT[2]
    is0 = jnp.logical_and(l0 >= l1, l0 >= l2)
    is1 = jnp.logical_and(jnp.logical_not(is0), l1 >= l2)
    pred = jnp.where(is0, 0, jnp.where(is1, 1, 2))
    kiota = jax.lax.broadcasted_iota(jnp.int32, (C, lT.shape[1]), 0)
    return (kiota == pred[None, :]).astype(jnp.float32)


def _fused_kernel(tf_ref, af_ref, vf_ref, labsT_ref, fr_ref, lc_ref,
                  adj_ref, nf_ref):
    s = 0.5 / (3.0 * DELTA)

    wacc = jnp.zeros((B, B), dtype=jnp.float32)
    centers_sum = jnp.zeros((C, D), dtype=jnp.float32)

    for m, f_ref in enumerate((tf_ref, af_ref, vf_ref)):
        feats = f_ref[:]
        labT = labsT_ref[C * m:C * m + C, :]

        onehotT = _row_argmax_onehot(labT)

        logpT = jnp.log(labT)
        hT = jnp.sum(labT * logpT, axis=0, keepdims=True)
        ones = jnp.ones((1, B), dtype=jnp.float32)
        UT = jnp.concatenate([labT, logpT, hT, ones], axis=0)
        VT = jnp.concatenate([s * logpT, s * labT, -s * ones,
                              1.0 / 3.0 - s * hT], axis=0)
        T = jax.lax.dot_general(UT, VT, (((0,), (0,)), ((), ())),
                                preferred_element_type=jnp.float32)

        counts = jnp.sum(onehotT, axis=1)
        centers = jnp.dot(onehotT, feats,
                          preferred_element_type=jnp.float32)
        centers = centers / jnp.maximum(counts, 1.0)[:, None]
        centers_sum = centers_sum + centers

        f2k = jnp.sum(feats * feats, axis=1, keepdims=True)
        c2k = jnp.sum(centers * centers, axis=1, keepdims=True)
        onesC = jnp.ones((C, 1), dtype=jnp.float32)
        onesB = jnp.ones((B, 1), dtype=jnp.float32)
        lhs2 = jnp.concatenate([-0.5 * c2k, onesC], axis=1)
        rhs2 = jnp.concatenate([onesB, -0.5 * f2k], axis=1)
        GT = jax.lax.dot_general(centers, feats, (((1,), (1,)), ((), ())),
                                 preferred_element_type=jnp.float32)
        GT = GT + jax.lax.dot_general(lhs2, rhs2, (((1,), (1,)), ((), ())),
                                      preferred_element_type=jnp.float32)
        gT = jnp.exp(GT)

        dij = jax.lax.dot_general(gT, onehotT, (((0,), (0,)), ((), ())),
                                  preferred_element_type=jnp.float32)
        dji = jax.lax.dot_general(onehotT, gT, (((0,), (0,)), ((), ())),
                                  preferred_element_type=jnp.float32)

        wacc = wacc + jnp.maximum(T, 0.0) * dij * dji

    ri = jax.lax.broadcasted_iota(jnp.int32, (B, B), 0)
    ci = jax.lax.broadcasted_iota(jnp.int32, (B, B), 1)
    w = jnp.where(ri == ci, 0.0, wacc)

    fused = fr_ref[:]
    lcent = lc_ref[:]
    logitsT = jax.lax.dot_general(lcent, fused, (((1,), (1,)), ((), ())),
                                  preferred_element_type=jnp.float32)
    onehot_fT = _row_argmax_onehot(logitsT)

    avg_c = centers_sum * (1.0 / 3.0)
    fu2 = jnp.sum(fused * fused, axis=1)
    a2k = jnp.sum(avg_c * avg_c, axis=1, keepdims=True)
    onesBf = jnp.ones((B, 1), dtype=jnp.float32)
    GfT = jax.lax.dot_general(avg_c, fused, (((1,), (1,)), ((), ())),
                              preferred_element_type=jnp.float32)
    A2T = jax.lax.dot_general(a2k, onesBf, (((1,), (1,)), ((), ())),
                              preferred_element_type=jnp.float32)
    d2f = fu2 + jnp.sum(onehot_fT * (A2T - 2.0 * GfT), axis=0)
    wf = jnp.exp(-0.5 * d2f)

    RT = wf[None, :] * onehot_fT

    adj_ref[0:B, 0:B] = w
    adj_ref[0:B, B:B + C] = RT.T
    adj_ref[B:B + C, 0:B] = RT
    adj_ref[B:B + C, B:B + C] = jnp.zeros((C, C), dtype=jnp.float32)

    nf_ref[0:B, :] = fused
    nf_ref[B:B + C, :] = lcent


@functools.partial(jax.jit)
def kernel(text_features, audio_features, vision_features, text_labels,
           audio_labels, vision_labels, fused_representations,
           learnable_class_centers):
    n = B + C
    labsT = _label_prep_sc(text_labels.reshape(B * C),
                           audio_labels.reshape(B * C),
                           vision_labels.reshape(B * C)).reshape(3 * C, B)
    adj, node_features = pl.pallas_call(
        _fused_kernel,
        out_shape=(
            jax.ShapeDtypeStruct((n, n), jnp.float32),
            jax.ShapeDtypeStruct((n, D), jnp.float32),
        ),
    )(text_features, audio_features, vision_features, labsT,
      fused_representations, learnable_class_centers)
    return adj, node_features

# --- scband reference (transcript-rebuilt; emitter-appended) ---
"""Pipeline reference for scband-cross-modal-semantic-graph-40647570489402 (READ-ONLY COPY).

The authoritative reference and input builder live on the scoring server;
editing this copy changes nothing except your own understanding.
"""

import jax, jax.numpy as jnp
import numpy as np

B = 512
D = 512
C = 3
DELTA = 1.5

def setup_inputs(seed: int = 0):
    key = jax.random.key(seed)
    ks = jax.random.split(key, 8)
    def probs(k):
        p = jax.random.uniform(k, (B, C), minval=1e-3, maxval=1.0, dtype=jnp.float32)
        return p / jnp.sum(p, axis=1, keepdims=True)
    return {
        "text_features": jax.random.normal(ks[0], (B, D), dtype=jnp.float32),
        "audio_features": jax.random.normal(ks[1], (B, D), dtype=jnp.float32),
        "vision_features": jax.random.normal(ks[2], (B, D), dtype=jnp.float32),
        "text_labels": probs(ks[3]),
        "audio_labels": probs(ks[4]),
        "vision_labels": probs(ks[5]),
        "fused_representations": jax.random.normal(ks[6], (B, D), dtype=jnp.float32),
        "learnable_class_centers": jax.random.normal(ks[7], (C, D), dtype=jnp.float32),
    }

def _class_centers(features, labels):
    # faithful to ClassCenterCalculator.compute_class_centers (vectorized scatter-add)
    pred = jnp.argmax(labels, axis=1)
    centers = jax.ops.segment_sum(features, pred, num_segments=C)
    counts = jax.ops.segment_sum(jnp.ones((features.shape[0],), features.dtype), pred, num_segments=C)
    return centers / jnp.maximum(counts, 1.0)[:, None]

def _modality_weights(features, labels, centers):
    # pairwise symmetric-KL between label rows: 0.5*sum_k (p_i - p_j)(log p_i - log p_j)
    logp = jnp.log(labels)
    h = jnp.sum(labels * logp, axis=1)
    cross = labels @ logp.T
    skl = 0.5 * (h[:, None] + h[None, :] - cross - cross.T)
    pred = jnp.argmax(labels, axis=1)
    c = jnp.take(centers, pred, axis=0)  # c[j] = center of predicted class of sample j
    # d2[i, j] = ||z_i - c_{pred_j}||^2
    d2 = jnp.sum(features ** 2, axis=1)[:, None] + jnp.sum(c ** 2, axis=1)[None, :] - 2.0 * (features @ c.T)
    dij = jnp.exp(-0.5 * d2)           # dist_i_to_cj
    w = jnp.where(skl < DELTA, (1.0 - skl / DELTA) * dij * dij.T, 0.0)
    w = w * (1.0 - jnp.eye(features.shape[0], dtype=w.dtype))  # torch loop only fills i != j
    return w

def reference(text_features, audio_features, vision_features, text_labels, audio_labels, vision_labels, fused_representations, learnable_class_centers):
    mods = [(text_features, text_labels), (audio_features, audio_labels), (vision_features, vision_labels)]
    centers_list = [_class_centers(f, l) for f, l in mods]
    w = sum(_modality_weights(f, l, c) for (f, l), c in zip(mods, centers_list)) / float(len(mods))
    n = B + C
    adj = jnp.zeros((n, n), dtype=jnp.float32)
    adj = adj.at[:B, :B].set(w)
    fused_pl = jax.nn.softmax(fused_representations @ learnable_class_centers.T / 0.1, axis=-1)
    pred = jnp.argmax(fused_pl, axis=-1)
    avg_centers = jnp.mean(jnp.stack(centers_list, axis=0), axis=0)
    d2f = jnp.sum((fused_representations - jnp.take(avg_centers, pred, axis=0)) ** 2, axis=-1)
    wf = jnp.exp(-0.5 * d2f)
    rows = jnp.arange(B)
    adj = adj.at[rows, B + pred].set(wf)
    adj = adj.at[B + pred, rows].set(wf)
    node_features = jnp.concatenate([fused_representations, learnable_class_centers], axis=0)
    return adj, node_features

if __name__ == "__main__":
    import jax
    _d = setup_inputs()
    print(jax.jit(kernel)(*tuple(_d.values())))

</pallas_src>

<mosaic_0001>
#map = affine_map<(d0, d1) -> (0)>
module attributes {stable_mosaic.version = 14 : i64} {
  func.func @_label_prep_sc(%arg0: i32, %arg1: i32, %arg2: memref<1536xf32, #tpu.memory_space<hbm>>, %arg3: memref<1536xf32, #tpu.memory_space<hbm>>, %arg4: memref<1536xf32, #tpu.memory_space<hbm>>, %arg5: memref<4608xf32, #tpu.memory_space<hbm>>, %arg6: memref<1536xf32, #tpu.memory_space<vmem>>, %arg7: memref<512xf32, #tpu.memory_space<vmem>>) attributes {dimension_semantics = [#tpu.dimension_semantics<core_parallel>, #tpu.dimension_semantics<subcore_parallel>], iteration_bounds = array<i64: 2, 16>, scalar_prefetch = 0 : i64, scratch_operands = 2 : i64, tpu.core_type = #tpu.core_type<sc_vector_subcore>, window_params = [{transform_indices = #map}, {transform_indices = #map}, {transform_indices = #map}, {transform_indices = #map}]} {
    %mul3A = arith.constant 2 : i32
    %mul3A_0 = arith.muli %arg1, %mul3A : i32
    %add3A = arith.addi %mul3A_0, %arg0 : i32
    %iota3A = tpu.iota {dimensions = array<i32: 0>} : vector<16xi32>
    %eq3A = arith.constant 0 : i32
    %eq3A_1 = arith.cmpi eq, %add3A, %eq3A : i32
    %convert_element_type3A = arith.extui %eq3A_1 : i1 to i32
    %cond3A = arith.constant 0 : i32
    %cond3A_2 = arith.cmpi ne, %convert_element_type3A, %cond3A : i32
    scf.if %cond3A_2 {
      "tpu.region"() ({
        %run_scoped3A = tpu.sem_alloc : memref<!tpu.dma_semaphore, #tpu.memory_space<semaphore_mem>>
        tpu.enqueue_dma source(%arg2 : memref<1536xf32, #tpu.memory_space<hbm>>) target(%arg6 : memref<1536xf32, #tpu.memory_space<vmem>>) target_semaphore(%run_scoped3A : memref<!tpu.dma_semaphore, #tpu.memory_space<semaphore_mem>>)
        tpu.wait_dma2 semaphore(%run_scoped3A : memref<!tpu.dma_semaphore, #tpu.memory_space<semaphore_mem>>) src(%arg2 : memref<1536xf32, #tpu.memory_space<hbm>>) dst(%arg6 : memref<1536xf32, #tpu.memory_space<vmem>>)
        tpu.yield
      }) : () -> ()
      %mul3A_43 = arith.constant 3 : i32
      %mul3A_44 = vector.broadcast %mul3A_43 : i32 to vector<16xi32>
      %mul3A_45 = arith.muli %mul3A_44, %iota3A : vector<16xi32>
      %add3A_46 = arith.constant 0 : i32
      %add3A_47 = vector.broadcast %add3A_46 : i32 to vector<16xi32>
      %add3A_48 = arith.addi %add3A_47, %mul3A_45 : vector<16xi32>
      %add3A_49 = arith.constant 0 : i32
      %add3A_50 = vector.broadcast %add3A_49 : i32 to vector<16xi32>
      %add3A_51 = arith.addi %add3A_48, %add3A_50 : vector<16xi32>
      %gather3A = tpu.vector_load_idx %arg6[%add3A_51] : memref<1536xf32, #tpu.memory_space<vmem>>[vector<16xi32>], vector<16xf32>,
      %swap3A = arith.constant 0 : index
      %swap3A_52 = tpu.vector_load %arg7[%swap3A] {strides = array<i32>} : memref<512xf32, #tpu.memory_space<vmem>>, vector<16xf32>,
      tpu.vector_store %arg7[%swap3A], %gather3A {strides = array<i32>} : memref<512xf32, #tpu.memory_space<vmem>>, vector<16xf32>,
      %mul3A_53 = arith.constant 3 : i32
      %mul3A_54 = vector.broadcast %mul3A_53 : i32 to vector<16xi32>
      %mul3A_55 = arith.muli %mul3A_54, %iota3A : vector<16xi32>
      %add3A_56 = arith.constant 48 : i32
      %add3A_57 = vector.broadcast %add3A_56 : i32 to vector<16xi32>
      %add3A_58 = arith.addi %add3A_57, %mul3A_55 : vector<16xi32>
      %add3A_59 = arith.constant 0 : i32
      %add3A_60 = vector.broadcast %add3A_59 : i32 to vector<16xi32>
      %add3A_61 = arith.addi %add3A_58, %add3A_60 : vector<16xi32>
      %gather3A_62 = tpu.vector_load_idx %arg6[%add3A_61] : memref<1536xf32, #tpu.memory_space<vmem>>[vector<16xi32>], vector<16xf32>,
      %swap3A_63 = arith.constant 16 : index
      %swap3A_64 = tpu.vector_load %arg7[%swap3A_63] {strides = array<i32>} : memref<512xf32, #tpu.memory_space<vmem>>, vector<16xf32>,
      tpu.vector_store %arg7[%swap3A_63], %gather3A_62 {strides = array<i32>} : memref<512xf32, #tpu.memory_space<vmem>>, vector<16xf32>,
      %mul3A_65 = arith.constant 3 : i32
      %mul3A_66 = vector.broadcast %mul3A_65 : i32 to vector<16xi32>
      %mul3A_67 = arith.muli %mul3A_66, %iota3A : vector<16xi32>
      %add3A_68 = arith.constant 96 : i32
      %add3A_69 = vector.broadcast %add3A_68 : i32 to vector<16xi32>
      %add3A_70 = arith.addi %add3A_69, %mul3A_67 : vector<16xi32>
      %add3A_71 = arith.constant 0 : i32
      %add3A_72 = vector.broadcast %add3A_71 : i32 to vector<16xi32>
      %add3A_73 = arith.addi %add3A_70, %add3A_72 : vector<16xi32>
      %gather3A_74 = tpu.vector_load_idx %arg6[%add3A_73] : memref<1536xf32, #tpu.memory_space<vmem>>[vector<16xi32>], vector<16xf32>,
      %swap3A_75 = arith.constant 32 : index
      %swap3A_76 = tpu.vector_load %arg7[%swap3A_75] {strides = array<i32>} : memref<512xf32, #tpu.memory_space<vmem>>, vector<16xf32>,
      tpu.vector_store %arg7[%swap3A_75], %gather3A_74 {strides = array<i32>} : memref<512xf32, #tpu.memory_space<vmem>>, vector<16xf32>,
      %mul3A_77 = arith.constant 3 : i32
      %mul3A_78 = vector.broadcast %mul3A_77 : i32 to vector<16xi32>
      %mul3A_79 = arith.muli %mul3A_78, %iota3A : vector<16xi32>
      %add3A_80 = arith.constant 144 : i32
      %add3A_81 = vector.broadcast %add3A_80 : i32 to vector<16xi32>
      %add3A_82 = arith.addi %add3A_81, %mul3A_79 : vector<16xi32>
      %add3A_83 = arith.constant 0 : i32
      %add3A_84 = vector.broadcast %add3A_83 : i32 to vector<16xi32>
      %add3A_85 = arith.addi %add3A_82, %add3A_84 : vector<16xi32>
      %gather3A_86 = tpu.vector_load_idx %arg6[%add3A_85] : memref<1536xf32, #tpu.memory_space<vmem>>[vector<16xi32>], vector<16xf32>,
      %swap3A_87 = arith.constant 48 : index
      %swap3A_88 = tpu.vector_load %arg7[%swap3A_87] {strides = array<i32>} : memref<512xf32, #tpu.memory_space<vmem>>, vector<16xf32>,
      tpu.vector_store %arg7[%swap3A_87], %gather3A_86 {strides = array<i32>} : memref<512xf32, #tpu.memory_space<vmem>>, vector<16xf32>,
      %mul3A_89 = arith.constant 3 : i32
      %mul3A_90 = vector.broadcast %mul3A_89 : i32 to vector<16xi32>
      %mul3A_91 = arith.muli %mul3A_90, %iota3A : vector<16xi32>
      %add3A_92 = arith.constant 192 : i32
      %add3A_93 = vector.broadcast %add3A_92 : i32 to vector<16xi32>
      %add3A_94 = arith.addi %add3A_93, %mul3A_91 : vector<16xi32>
      %add3A_95 = arith.constant 0 : i32
      %add3A_96 = vector.broadcast %add3A_95 : i32 to vector<16xi32>
      %add3A_97 = arith.addi %add3A_94, %add3A_96 : vector<16xi32>
      %gather3A_98 = tpu.vector_load_idx %arg6[%add3A_97] : memref<1536xf32, #tpu.memory_space<vmem>>[vector<16xi32>], vector<16xf32>,
      %swap3A_99 = arith.constant 64 : index
      %swap3A_100 = tpu.vector_load %arg7[%swap3A_99] {strides = array<i32>} : memref<512xf32, #tpu.memory_space<vmem>>, vector<16xf32>,
      tpu.vector_store %arg7[%swap3A_99], %gather3A_98 {strides = array<i32>} : memref<512xf32, #tpu.memory_space<vmem>>, vector<16xf32>,
      %mul3A_101 = arith.constant 3 : i32
      %mul3A_102 = vector.broadcast %mul3A_101 : i32 to vector<16xi32>
      %mul3A_103 = arith.muli %mul3A_102, %iota3A : vector<16xi32>
      %add3A_104 = arith.constant 240 : i32
      %add3A_105 = vector.broadcast %add3A_104 : i32 to vector<16xi32>
      %add3A_106 = arith.addi %add3A_105, %mul3A_103 : vector<16xi32>
      %add3A_107 = arith.constant 0 : i32
      %add3A_108 = vector.broadcast %add3A_107 : i32 to vector<16xi32>
      %add3A_109 = arith.addi %add3A_106, %add3A_108 : vector<16xi32>
      %gather3A_110 = tpu.vector_load_idx %arg6[%add3A_109] : memref<1536xf32, #tpu.memory_space<vmem>>[vector<16xi32>], vector<16xf32>,
      %swap3A_111 = arith.constant 80 : index
      %swap3A_112 = tpu.vector_load %arg7[%swap3A_111] {strides = array<i32>} : memref<512xf32, #tpu.memory_space<vmem>>, vector<16xf32>,
      tpu.vector_store %arg7[%swap3A_111], %gather3A_110 {strides = array<i32>} : memref<512xf32, #tpu.memory_space<vmem>>, vector<16xf32>,
      %mul3A_113 = arith.constant 3 : i32
      %mul3A_114 = vector.broadcast %mul3A_113 : i32 to vector<16xi32>
      %mul3A_115 = arith.muli %mul3A_114, %iota3A : vector<16xi32>
      %add3A_116 = arith.constant 288 : i32
      %add3A_117 = vector.broadcast %add3A_116 : i32 to vector<16xi32>
      %add3A_118 = arith.addi %add3A_117, %mul3A_115 : vector<16xi32>
      %add3A_119 = arith.constant 0 : i32
      %add3A_120 = vector.broadcast %add3A_119 : i32 to vector<16xi32>
      %add3A_121 = arith.addi %add3A_118, %add3A_120 : vector<16xi32>
      %gather3A_122 = tpu.vector_load_idx %arg6[%add3A_121] : memref<1536xf32, #tpu.memory_space<vmem>>[vector<16xi32>], vector<16xf32>,
      %swap3A_123 = arith.constant 96 : index
      %swap3A_124 = tpu.vector_load %arg7[%swap3A_123] {strides = array<i32>} : memref<512xf32, #tpu.memory_space<vmem>>, vector<16xf32>,
      tpu.vector_store %arg7[%swap3A_123], %gather3A_122 {strides = array<i32>} : memref<512xf32, #tpu.memory_space<vmem>>, vector<16xf32>,
      %mul3A_125 = arith.constant 3 : i32
      %mul3A_126 = vector.broadcast %mul3A_125 : i32 to vector<16xi32>
      %mul3A_127 = arith.muli %mul3A_126, %iota3A : vector<16xi32>
      %add3A_128 = arith.constant 336 : i32
      %add3A_129 = vector.broadcast %add3A_128 : i32 to vector<16xi32>
      %add3A_130 = arith.addi %add3A_129, %mul3A_127 : vector<16xi32>
      %add3A_131 = arith.constant 0 : i32
      %add3A_132 = vector.broadcast %add3A_131 : i32 to vector<16xi32>
      %add3A_133 = arith.addi %add3A_130, %add3A_132 : vector<16xi32>
      %gather3A_134 = tpu.vector_load_idx %arg6[%add3A_133] : memref<1536xf32, #tpu.memory_space<vmem>>[vector<16xi32>], vector<16xf32>,
      %swap3A_135 = arith.constant 112 : index
      %swap3A_136 = tpu.vector_load %arg7[%swap3A_135] {strides = array<i32>} : memref<512xf32, #tpu.memory_space<vmem>>, vector<16xf32>,
      tpu.vector_store %arg7[%swap3A_135], %gather3A_134 {strides = array<i32>} : memref<512xf32, #tpu.memory_space<vmem>>, vector<16xf32>,
      %mul3A_137 = arith.constant 3 : i32
      %mul3A_138 = vector.broadcast %mul3A_137 : i32 to vector<16xi32>
      %mul3A_139 = arith.muli %mul3A_138, %iota3A : vector<16xi32>
      %add3A_140 = arith.constant 384 : i32
      %add3A_141 = vector.broadcast %add3A_140 : i32 to vector<16xi32>
      %add3A_142 = arith.addi %add3A_141, %mul3A_139 : vector<16xi32>
      %add3A_143 = arith.constant 0 : i32
      %add3A_144 = vector.broadcast %add3A_143 : i32 to vector<16xi32>
      %add3A_145 = arith.addi %add3A_142, %add3A_144 : vector<16xi32>
      %gather3A_146 = tpu.vector_load_idx %arg6[%add3A_145] : memref<1536xf32, #tpu.memory_space<vmem>>[vector<16xi32>], vector<16xf32>,
      %swap3A_147 = arith.constant 128 : index
      %swap3A_148 = tpu.vector_load %arg7[%swap3A_147] {strides = array<i32>} : memref<512xf32, #tpu.memory_space<vmem>>, vector<16xf32>,
      tpu.vector_store %arg7[%swap3A_147], %gather3A_146 {strides = array<i32>} : memref<512xf32, #tpu.memory_space<vmem>>, vector<16xf32>,
      %mul3A_149 = arith.constant 3 : i32
      %mul3A_150 = vector.broadcast %mul3A_149 : i32 to vector<16xi32>
      %mul3A_151 = arith.muli %mul3A_150, %iota3A : vector<16xi32>
      %add3A_152 = arith.constant 432 : i32
      %add3A_153 = vector.broadcast %add3A_152 : i32 to vector<16xi32>
      %add3A_154 = arith.addi %add3A_153, %mul3A_151 : vector<16xi32>
      %add3A_155 = arith.constant 0 : i32
      %add3A_156 = vector.broadcast %add3A_155 : i32 to vector<16xi32>
      %add3A_157 = arith.addi %add3A_154, %add3A_156 : vector<16xi32>
      %gather3A_158 = tpu.vector_load_idx %arg6[%add3A_157] : memref<1536xf32, #tpu.memory_space<vmem>>[vector<16xi32>], vector<16xf32>,
      %swap3A_159 = arith.constant 144 : index
      %swap3A_160 = tpu.vector_load %arg7[%swap3A_159] {strides = array<i32>} : memref<512xf32, #tpu.memory_space<vmem>>, vector<16xf32>,
      tpu.vector_store %arg7[%swap3A_159], %gather3A_158 {strides = array<i32>} : memref<512xf32, #tpu.memory_space<vmem>>, vector<16xf32>,
      %mul3A_161 = arith.constant 3 : i32
      %mul3A_162 = vector.broadcast %mul3A_161 : i32 to vector<16xi32>
      %mul3A_163 = arith.muli %mul3A_162, %iota3A : vector<16xi32>
      %add3A_164 = arith.constant 480 : i32
      %add3A_165 = vector.broadcast %add3A_164 : i32 to vector<16xi32>
      %add3A_166 = arith.addi %add3A_165, %mul3A_163 : vector<16xi32>
      %add3A_167 = arith.constant 0 : i32
      %add3A_168 = vector.broadcast %add3A_167 : i32 to vector<16xi32>
      %add3A_169 = arith.addi %add3A_166, %add3A_168 : vector<16xi32>
      %gather3A_170 = tpu.vector_load_idx %arg6[%add3A_169] : memref<1536xf32, #tpu.memory_space<vmem>>[vector<16xi32>], vector<16xf32>,
      %swap3A_171 = arith.constant 160 : index
      %swap3A_172 = tpu.vector_load %arg7[%swap3A_171] {strides = array<i32>} : memref<512xf32, #tpu.memory_space<vmem>>, vector<16xf32>,
      tpu.vector_store %arg7[%swap3A_171], %gather3A_170 {strides = array<i32>} : memref<512xf32, #tpu.memory_space<vmem>>, vector<16xf32>,
      %mul3A_173 = arith.constant 3 : i32
      %mul3A_174 = vector.broadcast %mul3A_173 : i32 to vector<16xi32>
      %mul3A_175 = arith.muli %mul3A_174, %iota3A : vector<16xi32>
      %add3A_176 = arith.constant 528 : i32
      %add3A_177 = vector.broadcast %add3A_176 : i32 to vector<16xi32>
      %add3A_178 = arith.addi %add3A_177, %mul3A_175 : vector<16xi32>
      %add3A_179 = arith.constant 0 : i32
      %add3A_180 = vector.broadcast %add3A_179 : i32 to vector<16xi32>
      %add3A_181 = arith.addi %add3A_178, %add3A_180 : vector<16xi32>
      %gather3A_182 = tpu.vector_load_idx %arg6[%add3A_181] : memref<1536xf32, #tpu.memory_space<vmem>>[vector<16xi32>], vector<16xf32>,
      %swap3A_183 = arith.constant 176 : index
      %swap3A_184 = tpu.vector_load %arg7[%swap3A_183] {strides = array<i32>} : memref<512xf32, #tpu.memory_space<vmem>>, vector<16xf32>,
      tpu.vector_store %arg7[%swap3A_183], %gather3A_182 {strides = array<i32>} : memref<512xf32, #tpu.memory_space<vmem>>, vector<16xf32>,
      %mul3A_185 = arith.constant 3 : i32
      %mul3A_186 = vector.broadcast %mul3A_185 : i32 to vector<16xi32>
      %mul3A_187 = arith.muli %mul3A_186, %iota3A : vector<16xi32>
      %add3A_188 = arith.constant 576 : i32
      %add3A_189 = vector.broadcast %add3A_188 : i32 to vector<16xi32>
      %add3A_190 = arith.addi %add3A_189, %mul3A_187 : vector<16xi32>
      %add3A_191 = arith.constant 0 : i32
      %add3A_192 = vector.broadcast %add3A_191 : i32 to vector<16xi32>
      %add3A_193 = arith.addi %add3A_190, %add3A_192 : vector<16xi32>
      %gather3A_194 = tpu.vector_load_idx %arg6[%add3A_193] : memref<1536xf32, #tpu.memory_space<vmem>>[vector<16xi32>], vector<16xf32>,
      %swap3A_195 = arith.constant 192 : index
      %swap3A_196 = tpu.vector_load %arg7[%swap3A_195] {strides = array<i32>} : memref<512xf32, #tpu.memory_space<vmem>>, vector<16xf32>,
      tpu.vector_store %arg7[%swap3A_195], %gather3A_194 {strides = array<i32>} : memref<512xf32, #tpu.memory_space<vmem>>, vector<16xf32>,
      %mul3A_197 = arith.constant 3 : i32
      %mul3A_198 = vector.broadcast %mul3A_197 : i32 to vector<16xi32>
      %mul3A_199 = arith.muli %mul3A_198, %iota3A : vector<16xi32>
      %add3A_200 = arith.constant 624 : i32
      %add3A_201 = vector.broadcast %add3A_200 : i32 to vector<16xi32>
      %add3A_202 = arith.addi %add3A_201, %mul3A_199 : vector<16xi32>
      %add3A_203 = arith.constant 0 : i32
      %add3A_204 = vector.broadcast %add3A_203 : i32 to vector<16xi32>
      %add3A_205 = arith.addi %add3A_202, %add3A_204 : vector<16xi32>
      %gather3A_206 = tpu.vector_load_idx %arg6[%add3A_205] : memref<1536xf32, #tpu.memory_space<vmem>>[vector<16xi32>], vector<16xf32>,
      %swap3A_207 = arith.constant 208 : index
      %swap3A_208 = tpu.vector_load %arg7[%swap3A_207] {strides = array<i32>} : memref<512xf32, #tpu.memory_space<vmem>>, vector<16xf32>,
      tpu.vector_store %arg7[%swap3A_207], %gather3A_206 {strides = array<i32>} : memref<512xf32, #tpu.memory_space<vmem>>, vector<16xf32>,
      %mul3A_209 = arith.constant 3 : i32
      %mul3A_210 = vector.broadcast %mul3A_209 : i32 to vector<16xi32>
      %mul3A_211 = arith.muli %mul3A_210, %iota3A : vector<16xi32>
      %add3A_212 = arith.constant 672 : i32
      %add3A_213 = vector.broadcast %add3A_212 : i32 to vector<16xi32>
      %add3A_214 = arith.addi %add3A_213, %mul3A_211 : vector<16xi32>
      %add3A_215 = arith.constant 0 : i32
      %add3A_216 = vector.broadcast %add3A_215 : i32 to vector<16xi32>
      %add3A_217 = arith.addi %add3A_214, %add3A_216 : vector<16xi32>
      %gather3A_218 = tpu.vector_load_idx %arg6[%add3A_217] : memref<1536xf32, #tpu.memory_space<vmem>>[vector<16xi32>], vector<16xf32>,
      %swap3A_219 = arith.constant 224 : index
      %swap3A_220 = tpu.vector_load %arg7[%swap3A_219] {strides = array<i32>} : memref<512xf32, #tpu.memory_space<vmem>>, vector<16xf32>,
      tpu.vector_store %arg7[%swap3A_219], %gather3A_218 {strides = array<i32>} : memref<512xf32, #tpu.memory_space<vmem>>, vector<16xf32>,
      %mul3A_221 = arith.constant 3 : i32
      %mul3A_222 = vector.broadcast %mul3A_221 : i32 to vector<16xi32>
      %mul3A_223 = arith.muli %mul3A_222, %iota3A : vector<16xi32>
      %add3A_224 = arith.constant 720 : i32
      %add3A_225 = vector.broadcast %add3A_224 : i32 to vector<16xi32>
      %add3A_226 = arith.addi %add3A_225, %mul3A_223 : vector<16xi32>
      %add3A_227 = arith.constant 0 : i32
      %add3A_228 = vector.broadcast %add3A_227 : i32 to vector<16xi32>
      %add3A_229 = arith.addi %add3A_226, %add3A_228 : vector<16xi32>
      %gather3A_230 = tpu.vector_load_idx %arg6[%add3A_229] : memref<1536xf32, #tpu.memory_space<vmem>>[vector<16xi32>], vector<16xf32>,
      %swap3A_231 = arith.constant 240 : index
      %swap3A_232 = tpu.vector_load %arg7[%swap3A_231] {strides = array<i32>} : memref<512xf32, #tpu.memory_space<vmem>>, vector<16xf32>,
      tpu.vector_store %arg7[%swap3A_231], %gather3A_230 {strides = array<i32>} : memref<512xf32, #tpu.memory_space<vmem>>, vector<16xf32>,
      %mul3A_233 = arith.constant 3 : i32
      %mul3A_234 = vector.broadcast %mul3A_233 : i32 to vector<16xi32>
      %mul3A_235 = arith.muli %mul3A_234, %iota3A : vector<16xi32>
      %add3A_236 = arith.constant 768 : i32
      %add3A_237 = vector.broadcast %add3A_236 : i32 to vector<16xi32>
      %add3A_238 = arith.addi %add3A_237, %mul3A_235 : vector<16xi32>
      %add3A_239 = arith.constant 0 : i32
      %add3A_240 = vector.broadcast %add3A_239 : i32 to vector<16xi32>
      %add3A_241 = arith.addi %add3A_238, %add3A_240 : vector<16xi32>
      %gather3A_242 = tpu.vector_load_idx %arg6[%add3A_241] : memref<1536xf32, #tpu.memory_space<vmem>>[vector<16xi32>], vector<16xf32>,
      %swap3A_243 = arith.constant 256 : index
      %swap3A_244 = tpu.vector_load %arg7[%swap3A_243] {strides = array<i32>} : memref<512xf32, #tpu.memory_space<vmem>>, vector<16xf32>,
      tpu.vector_store %arg7[%swap3A_243], %gather3A_242 {strides = array<i32>} : memref<512xf32, #tpu.memory_space<vmem>>, vector<16xf32>,
      %mul3A_245 = arith.constant 3 : i32
      %mul3A_246 = vector.broadcast %mul3A_245 : i32 to vector<16xi32>
      %mul3A_247 = arith.muli %mul3A_246, %iota3A : vector<16xi32>
      %add3A_248 = arith.constant 816 : i32
      %add3A_249 = vector.broadcast %add3A_248 : i32 to vector<16xi32>
      %add3A_250 = arith.addi %add3A_249, %mul3A_247 : vector<16xi32>
      %add3A_251 = arith.constant 0 : i32
      %add3A_252 = vector.broadcast %add3A_251 : i32 to vector<16xi32>
      %add3A_253 = arith.addi %add3A_250, %add3A_252 : vector<16xi32>
      %gather3A_254 = tpu.vector_load_idx %arg6[%add3A_253] : memref<1536xf32, #tpu.memory_space<vmem>>[vector<16xi32>], vector<16xf32>,
      %swap3A_255 = arith.constant 272 : index
      %swap3A_256 = tpu.vector_load %arg7[%swap3A_255] {strides = array<i32>} : memref<512xf32, #tpu.memory_space<vmem>>, vector<16xf32>,
      tpu.vector_store %arg7[%swap3A_255], %gather3A_254 {strides = array<i32>} : memref<512xf32, #tpu.memory_space<vmem>>, vector<16xf32>,
      %mul3A_257 = arith.constant 3 : i32
      %mul3A_258 = vector.broadcast %mul3A_257 : i32 to vector<16xi32>
      %mul3A_259 = arith.muli %mul3A_258, %iota3A : vector<16xi32>
      %add3A_260 = arith.constant 864 : i32
      %add3A_261 = vector.broadcast %add3A_260 : i32 to vector<16xi32>
      %add3A_262 = arith.addi %add3A_261, %mul3A_259 : vector<16xi32>
      %add3A_263 = arith.constant 0 : i32
      %add3A_264 = vector.broadcast %add3A_263 : i32 to vector<16xi32>
      %add3A_265 = arith.addi %add3A_262, %add3A_264 : vector<16xi32>
      %gather3A_266 = tpu.vector_load_idx %arg6[%add3A_265] : memref<1536xf32, #tpu.memory_space<vmem>>[vector<16xi32>], vector<16xf32>,
      %swap3A_267 = arith.constant 288 : index
      %swap3A_268 = tpu.vector_load %arg7[%swap3A_267] {strides = array<i32>} : memref<512xf32, #tpu.memory_space<vmem>>, vector<16xf32>,
      tpu.vector_store %arg7[%swap3A_267], %gather3A_266 {strides = array<i32>} : memref<512xf32, #tpu.memory_space<vmem>>, vector<16xf32>,
      %mul3A_269 = arith.constant 3 : i32
      %mul3A_270 = vector.broadcast %mul3A_269 : i32 to vector<16xi32>
      %mul3A_271 = arith.muli %mul3A_270, %iota3A : vector<16xi32>
      %add3A_272 = arith.constant 912 : i32
      %add3A_273 = vector.broadcast %add3A_272 : i32 to vector<16xi32>
      %add3A_274 = arith.addi %add3A_273, %mul3A_271 : vector<16xi32>
      %add3A_275 = arith.constant 0 : i32
      %add3A_276 = vector.broadcast %add3A_275 : i32 to vector<16xi32>
      %add3A_277 = arith.addi %add3A_274, %add3A_276 : vector<16xi32>
      %gather3A_278 = tpu.vector_load_idx %arg6[%add3A_277] : memref<1536xf32, #tpu.memory_space<vmem>>[vector<16xi32>], vector<16xf32>,
      %swap3A_279 = arith.constant 304 : index
      %swap3A_280 = tpu.vector_load %arg7[%swap3A_279] {strides = array<i32>} : memref<512xf32, #tpu.memory_space<vmem>>, vector<16xf32>,
      tpu.vector_store %arg7[%swap3A_279], %gather3A_278 {strides = array<i32>} : memref<512xf32, #tpu.memory_space<vmem>>, vector<16xf32>,
      %mul3A_281 = arith.constant 3 : i32
      %mul3A_282 = vector.broadcast %mul3A_281 : i32 to vector<16xi32>
      %mul3A_283 = arith.muli %mul3A_282, %iota3A : vector<16xi32>
      %add3A_284 = arith.constant 960 : i32
      %add3A_285 = vector.broadcast %add3A_284 : i32 to vector<16xi32>
      %add3A_286 = arith.addi %add3A_285, %mul3A_283 : vector<16xi32>
      %add3A_287 = arith.constant 0 : i32
      %add3A_288 = vector.broadcast %add3A_287 : i32 to vector<16xi32>
      %add3A_289 = arith.addi %add3A_286, %add3A_288 : vector<16xi32>
      %gather3A_290 = tpu.vector_load_idx %arg6[%add3A_289] : memref<1536xf32, #tpu.memory_space<vmem>>[vector<16xi32>], vector<16xf32>,
      %swap3A_291 = arith.constant 320 : index
      %swap3A_292 = tpu.vector_load %arg7[%swap3A_291] {strides = array<i32>} : memref<512xf32, #tpu.memory_space<vmem>>, vector<16xf32>,
      tpu.vector_store %arg7[%swap3A_291], %gather3A_290 {strides = array<i32>} : memref<512xf32, #tpu.memory_space<vmem>>, vector<16xf32>,
      %mul3A_293 = arith.constant 3 : i32
      %mul3A_294 = vector.broadcast %mul3A_293 : i32 to vector<16xi32>
      %mul3A_295 = arith.muli %mul3A_294, %iota3A : vector<16xi32>
      %add3A_296 = arith.constant 1008 : i32
      %add3A_297 = vector.broadcast %add3A_296 : i32 to vector<16xi32>
      %add3A_298 = arith.addi %add3A_297, %mul3A_295 : vector<16xi32>
      %add3A_299 = arith.constant 0 : i32
      %add3A_300 = vector.broadcast %add3A_299 : i32 to vector<16xi32>
      %add3A_301 = arith.addi %add3A_298, %add3A_300 : vector<16xi32>
      %gather3A_302 = tpu.vector_load_idx %arg6[%add3A_301] : memref<1536xf32, #tpu.memory_space<vmem>>[vector<16xi32>], vector<16xf32>,
      %swap3A_303 = arith.constant 336 : index
      %swap3A_304 = tpu.vector_load %arg7[%swap3A_303] {strides = array<i32>} : memref<512xf32, #tpu.memory_space<vmem>>, vector<16xf32>,
      tpu.vector_store %arg7[%swap3A_303], %gather3A_302 {strides = array<i32>} : memref<512xf32, #tpu.memory_space<vmem>>, vector<16xf32>,
      %mul3A_305 = arith.constant 3 : i32
      %mul3A_306 = vector.broadcast %mul3A_305 : i32 to vector<16xi32>
      %mul3A_307 = arith.muli %mul3A_306, %iota3A : vector<16xi32>
      %add3A_308 = arith.constant 1056 : i32
      %add3A_309 = vector.broadcast %add3A_308 : i32 to vector<16xi32>
      %add3A_310 = arith.addi %add3A_309, %mul3A_307 : vector<16xi32>
      %add3A_311 = arith.constant 0 : i32
      %add3A_312 = vector.broadcast %add3A_311 : i32 to vector<16xi32>
      %add3A_313 = arith.addi %add3A_310, %add3A_312 : vector<16xi32>
      %gather3A_314 = tpu.vector_load_idx %arg6[%add3A_313] : memref<1536xf32, #tpu.memory_space<vmem>>[vector<16xi32>], vector<16xf32>,
      %swap3A_315 = arith.constant 352 : index
      %swap3A_316 = tpu.vector_load %arg7[%swap3A_315] {strides = array<i32>} : memref<512xf32, #tpu.memory_space<vmem>>, vector<16xf32>,
      tpu.vector_store %arg7[%swap3A_315], %gather3A_314 {strides = array<i32>} : memref<512xf32, #tpu.memory_space<vmem>>, vector<16xf32>,
      %mul3A_317 = arith.constant 3 : i32
      %mul3A_318 = vector.broadcast %mul3A_317 : i32 to vector<16xi32>
      %mul3A_319 = arith.muli %mul3A_318, %iota3A : vector<16xi32>
      %add3A_320 = arith.constant 1104 : i32
      %add3A_321 = vector.broadcast %add3A_320 : i32 to vector<16xi32>
      %add3A_322 = arith.addi %add3A_321, %mul3A_319 : vector<16xi32>
      %add3A_323 = arith.constant 0 : i32
      %add3A_324 = vector.broadcast %add3A_323 : i32 to vector<16xi32>
      %add3A_325 = arith.addi %add3A_322, %add3A_324 : vector<16xi32>
      %gather3A_326 = tpu.vector_load_idx %arg6[%add3A_325] : memref<1536xf32, #tpu.memory_space<vmem>>[vector<16xi32>], vector<16xf32>,
      %swap3A_327 = arith.constant 368 : index
      %swap3A_328 = tpu.vector_load %arg7[%swap3A_327] {strides = array<i32>} : memref<512xf32, #tpu.memory_space<vmem>>, vector<16xf32>,
      tpu.vector_store %arg7[%swap3A_327], %gather3A_326 {strides = array<i32>} : memref<512xf32, #tpu.memory_space<vmem>>, vector<16xf32>,
      %mul3A_329 = arith.constant 3 : i32
      %mul3A_330 = vector.broadcast %mul3A_329 : i32 to vector<16xi32>
      %mul3A_331 = arith.muli %mul3A_330, %iota3A : vector<16xi32>
      %add3A_332 = arith.constant 1152 : i32
      %add3A_333 = vector.broadcast %add3A_332 : i32 to vector<16xi32>
      %add3A_334 = arith.addi %add3A_333, %mul3A_331 : vector<16xi32>
      %add3A_335 = arith.constant 0 : i32
      %add3A_336 = vector.broadcast %add3A_335 : i32 to vector<16xi32>
      %add3A_337 = arith.addi %add3A_334, %add3A_336 : vector<16xi32>
      %gather3A_338 = tpu.vector_load_idx %arg6[%add3A_337] : memref<1536xf32, #tpu.memory_space<vmem>>[vector<16xi32>], vector<16xf32>,
      %swap3A_339 = arith.constant 384 : index
      %swap3A_340 = tpu.vector_load %arg7[%swap3A_339] {strides = array<i32>} : memref<512xf32, #tpu.memory_space<vmem>>, vector<16xf32>,
      tpu.vector_store %arg7[%swap3A_339], %gather3A_338 {strides = array<i32>} : memref<512xf32, #tpu.memory_space<vmem>>, vector<16xf32>,
      %mul3A_341 = arith.constant 3 : i32
      %mul3A_342 = vector.broadcast %mul3A_341 : i32 to vector<16xi32>
      %mul3A_343 = arith.muli %mul3A_342, %iota3A : vector<16xi32>
      %add3A_344 = arith.constant 1200 : i32
      %add3A_345 = vector.broadcast %add3A_344 : i32 to vector<16xi32>
      %add3A_346 = arith.addi %add3A_345, %mul3A_343 : vector<16xi32>
      %add3A_347 = arith.constant 0 : i32
      %add3A_348 = vector.broadcast %add3A_347 : i32 to vector<16xi32>
      %add3A_349 = arith.addi %add3A_346, %add3A_348 : vector<16xi32>
      %gather3A_350 = tpu.vector_load_idx %arg6[%add3A_349] : memref<1536xf32, #tpu.memory_space<vmem>>[vector<16xi32>], vector<16xf32>,
      %swap3A_351 = arith.constant 400 : index
      %swap3A_352 = tpu.vector_load %arg7[%swap3A_351] {strides = array<i32>} : memref<512xf32, #tpu.memory_space<vmem>>, vector<16xf32>,
      tpu.vector_store %arg7[%swap3A_351], %gather3A_350 {strides = array<i32>} : memref<512xf32, #tpu.memory_space<vmem>>, vector<16xf32>,
      %mul3A_353 = arith.constant 3 : i32
      %mul3A_354 = vector.broadcast %mul3A_353 : i32 to vector<16xi32>
      %mul3A_355 = arith.muli %mul3A_354, %iota3A : vector<16xi32>
      %add3A_356 = arith.constant 1248 : i32
      %add3A_357 = vector.broadcast %add3A_356 : i32 to vector<16xi32>
      %add3A_358 = arith.addi %add3A_357, %mul3A_355 : vector<16xi32>
      %add3A_359 = arith.constant 0 : i32
      %add3A_360 = vector.broadcast %add3A_359 : i32 to vector<16xi32>
      %add3A_361 = arith.addi %add3A_358, %add3A_360 : vector<16xi32>
      %gather3A_362 = tpu.vector_load_idx %arg6[%add3A_361] : memref<1536xf32, #tpu.memory_space<vmem>>[vector<16xi32>], vector<16xf32>,
      %swap3A_363 = arith.constant 416 : index
      %swap3A_364 = tpu.vector_load %arg7[%swap3A_363] {strides = array<i32>} : memref<512xf32, #tpu.memory_space<vmem>>, vector<16xf32>,
      tpu.vector_store %arg7[%swap3A_363], %gather3A_362 {strides = array<i32>} : memref<512xf32, #tpu.memory_space<vmem>>, vector<16xf32>,
      %mul3A_365 = arith.constant 3 : i32
      %mul3A_366 = vector.broadcast %mul3A_365 : i32 to vector<16xi32>
      %mul3A_367 = arith.muli %mul3A_366, %iota3A : vector<16xi32>
      %add3A_368 = arith.constant 1296 : i32
      %add3A_369 = vector.broadcast %add3A_368 : i32 to vector<16xi32>
      %add3A_370 = arith.addi %add3A_369, %mul3A_367 : vector<16xi32>
      %add3A_371 = arith.constant 0 : i32
      %add3A_372 = vector.broadcast %add3A_371 : i32 to vector<16xi32>
      %add3A_373 = arith.addi %add3A_370, %add3A_372 : vector<16xi32>
      %gather3A_374 = tpu.vector_load_idx %arg6[%add3A_373] : memref<1536xf32, #tpu.memory_space<vmem>>[vector<16xi32>], vector<16xf32>,
      %swap3A_375 = arith.constant 432 : index
      %swap3A_376 = tpu.vector_load %arg7[%swap3A_375] {strides = array<i32>} : memref<512xf32, #tpu.memory_space<vmem>>, vector<16xf32>,
      tpu.vector_store %arg7[%swap3A_375], %gather3A_374 {strides = array<i32>} : memref<512xf32, #tpu.memory_space<vmem>>, vector<16xf32>,
      %mul3A_377 = arith.constant 3 : i32
      %mul3A_378 = vector.broadcast %mul3A_377 : i32 to vector<16xi32>
      %mul3A_379 = arith.muli %mul3A_378, %iota3A : vector<16xi32>
      %add3A_380 = arith.constant 1344 : i32
      %add3A_381 = vector.broadcast %add3A_380 : i32 to vector<16xi32>
      %add3A_382 = arith.addi %add3A_381, %mul3A_379 : vector<16xi32>
      %add3A_383 = arith.constant 0 : i32
      %add3A_384 = vector.broadcast %add3A_383 : i32 to vector<16xi32>
      %add3A_385 = arith.addi %add3A_382, %add3A_384 : vector<16xi32>
      %gather3A_386 = tpu.vector_load_idx %arg6[%add3A_385] : memref<1536xf32, #tpu.memory_space<vmem>>[vector<16xi32>], vector<16xf32>,
      %swap3A_387 = arith.constant 448 : index
      %swap3A_388 = tpu.vector_load %arg7[%swap3A_387] {strides = array<i32>} : memref<512xf32, #tpu.memory_space<vmem>>, vector<16xf32>,
      tpu.vector_store %arg7[%swap3A_387], %gather3A_386 {strides = array<i32>} : memref<512xf32, #tpu.memory_space<vmem>>, vector<16xf32>,
      %mul3A_389 = arith.constant 3 : i32
      %mul3A_390 = vector.broadcast %mul3A_389 : i32 to vector<16xi32>
      %mul3A_391 = arith.muli %mul3A_390, %iota3A : vector<16xi32>
      %add3A_392 = arith.constant 1392 : i32
      %add3A_393 = vector.broadcast %add3A_392 : i32 to vector<16xi32>
      %add3A_394 = arith.addi %add3A_393, %mul3A_391 : vector<16xi32>
      %add3A_395 = arith.constant 0 : i32
      %add3A_396 = vector.broadcast %add3A_395 : i32 to vector<16xi32>
      %add3A_397 = arith.addi %add3A_394, %add3A_396 : vector<16xi32>
      %gather3A_398 = tpu.vector_load_idx %arg6[%add3A_397] : memref<1536xf32, #tpu.memory_space<vmem>>[vector<16xi32>], vector<16xf32>,
      %swap3A_399 = arith.constant 464 : index
      %swap3A_400 = tpu.vector_load %arg7[%swap3A_399] {strides = array<i32>} : memref<512xf32, #tpu.memory_space<vmem>>, vector<16xf32>,
      tpu.vector_store %arg7[%swap3A_399], %gather3A_398 {strides = array<i32>} : memref<512xf32, #tpu.memory_space<vmem>>, vector<16xf32>,
      %mul3A_401 = arith.constant 3 : i32
      %mul3A_402 = vector.broadcast %mul3A_401 : i32 to vector<16xi32>
      %mul3A_403 = arith.muli %mul3A_402, %iota3A : vector<16xi32>
      %add3A_404 = arith.constant 1440 : i32
      %add3A_405 = vector.broadcast %add3A_404 : i32 to vector<16xi32>
      %add3A_406 = arith.addi %add3A_405, %mul3A_403 : vector<16xi32>
      %add3A_407 = arith.constant 0 : i32
      %add3A_408 = vector.broadcast %add3A_407 : i32 to vector<16xi32>
      %add3A_409 = arith.addi %add3A_406, %add3A_408 : vector<16xi32>
      %gather3A_410 = tpu.vector_load_idx %arg6[%add3A_409] : memref<1536xf32, #tpu.memory_space<vmem>>[vector<16xi32>], vector<16xf32>,
      %swap3A_411 = arith.constant 480 : index
      %swap3A_412 = tpu.vector_load %arg7[%swap3A_411] {strides = array<i32>} : memref<512xf32, #tpu.memory_space<vmem>>, vector<16xf32>,
      tpu.vector_store %arg7[%swap3A_411], %gather3A_410 {strides = array<i32>} : memref<512xf32, #tpu.memory_space<vmem>>, vector<16xf32>,
      %mul3A_413 = arith.constant 3 : i32
      %mul3A_414 = vector.broadcast %mul3A_413 : i32 to vector<16xi32>
      %mul3A_415 = arith.muli %mul3A_414, %iota3A : vector<16xi32>
      %add3A_416 = arith.constant 1488 : i32
      %add3A_417 = vector.broadcast %add3A_416 : i32 to vector<16xi32>
      %add3A_418 = arith.addi %add3A_417, %mul3A_415 : vector<16xi32>
      %add3A_419 = arith.constant 0 : i32
      %add3A_420 = vector.broadcast %add3A_419 : i32 to vector<16xi32>
      %add3A_421 = arith.addi %add3A_418, %add3A_420 : vector<16xi32>
      %gather3A_422 = tpu.vector_load_idx %arg6[%add3A_421] : memref<1536xf32, #tpu.memory_space<vmem>>[vector<16xi32>], vector<16xf32>,
      %swap3A_423 = arith.constant 496 : index
      %swap3A_424 = tpu.vector_load %arg7[%swap3A_423] {strides = array<i32>} : memref<512xf32, #tpu.memory_space<vmem>>, vector<16xf32>,
      tpu.vector_store %arg7[%swap3A_423], %gather3A_422 {strides = array<i32>} : memref<512xf32, #tpu.memory_space<vmem>>, vector<16xf32>,
      "tpu.region"() ({
        %run_scoped3A = tpu.sem_alloc : memref<!tpu.dma_semaphore, #tpu.memory_space<semaphore_mem>>
        %dma_start3A = arith.constant 0 : i32
        %dma_start3A_425 = tpu.memref_slice %arg5[%dma_start3A] : memref<4608xf32, #tpu.memory_space<hbm>> -> memref<512xf32, #tpu.memory_space<hbm>>
        %dma_start3A_426 = arith.constant 0 : i32
        %dma_start3A_427 = tpu.memref_slice %arg5[%dma_start3A_426] : memref<4608xf32, #tpu.memory_space<hbm>> -> memref<512xf32, #tpu.memory_space<hbm>>
        tpu.enqueue_dma source(%arg7 : memref<512xf32, #tpu.memory_space<vmem>>) target(%dma_start3A_427 : memref<512xf32, #tpu.memory_space<hbm>>) target_semaphore(%run_scoped3A : memref<!tpu.dma_semaphore, #tpu.memory_space<semaphore_mem>>)
        %dma_wait3A = arith.constant 0 : i32
        %dma_wait3A_428 = tpu.memref_slice %arg5[%dma_wait3A] : memref<4608xf32, #tpu.memory_space<hbm>> -> memref<512xf32, #tpu.memory_space<hbm>>
        %dma_wait3A_429 = arith.constant 0 : i32
        %dma_wait3A_430 = tpu.memref_slice %arg5[%dma_wait3A_429] : memref<4608xf32, #tpu.memory_space<hbm>> -> memref<512xf32, #tpu.memory_space<hbm>>
        tpu.wait_dma2 semaphore(%run_scoped3A : memref<!tpu.dma_semaphore, #tpu.memory_space<semaphore_mem>>) src(%arg7 : memref<512xf32, #tpu.memory_space<vmem>>) dst(%dma_wait3A_430 : memref<512xf32, #tpu.memory_space<hbm>>)
        tpu.yield
      }) : () -> ()
    } else {
    }
    %eq3A_3 = arith.constant 1 : i32
    %eq3A_4 = arith.cmpi eq, %add3A, %eq3A_3 : i32
    %convert_element_type3A_5 = arith.extui %eq3A_4 : i1 to i32
    %cond3A_6 = arith.constant 0 : i32
    %cond3A_7 = arith.cmpi ne, %convert_element_type3A_5, %cond3A_6 : i32
    scf.if %cond3A_7 {
      "tpu.region"() ({
        %run_scoped3A = tpu.sem_alloc : memref<!tpu.dma_semaphore, #tpu.memory_space<semaphore_mem>>
        tpu.enqueue_dma source(%arg2 : memref<1536xf32, #tpu.memory_space<hbm>>) target(%arg6 : memref<1536xf32, #tpu.memory_space<vmem>>) target_semaphore(%run_scoped3A : memref<!tpu.dma_semaphore, #tpu.memory_space<semaphore_mem>>)
        tpu.wait_dma2 semaphore(%run_scoped3A : memref<!tpu.dma_semaphore, #tpu.memory_space<semaphore_mem>>) src(%arg2 : memref<1536xf32, #tpu.memory_space<hbm>>) dst(%arg6 : memref<1536xf32, #tpu.memory_space<vmem>>)
        tpu.yield
      }) : () -> ()
      %mul3A_43 = arith.constant 3 : i32
      %mul3A_44 = vector.broadcast %mul3A_43 : i32 to vector<16xi32>
      %mul3A_45 = arith.muli %mul3A_44, %iota3A : vector<16xi32>
      %add3A_46 = arith.constant 0 : i32
      %add3A_47 = vector.broadcast %add3A_46 : i32 to vector<16xi32>
      %add3A_48 = arith.addi %add3A_47, %mul3A_45 : vector<16xi32>
      %add3A_49 = arith.constant 1 : i32
      %add3A_50 = vector.broadcast %add3A_49 : i32 to vector<16xi32>
      %add3A_51 = arith.addi %add3A_48, %add3A_50 : vector<16xi32>
      %gather3A = tpu.vector_load_idx %arg6[%add3A_51] : memref<1536xf32, #tpu.memory_space<vmem>>[vector<16xi32>], vector<16xf32>,
      %swap3A = arith.constant 0 : index
      %swap3A_52 = tpu.vector_load %arg7[%swap3A] {strides = array<i32>} : memref<512xf32, #tpu.memory_space<vmem>>, vector<16xf32>,
      tpu.vector_store %arg7[%swap3A], %gather3A {strides = array<i32>} : memref<512xf32, #tpu.memory_space<vmem>>, vector<16xf32>,
      %mul3A_53 = arith.constant 3 : i32
      %mul3A_54 = vector.broadcast %mul3A_53 : i32 to vector<16xi32>
      %mul3A_55 = arith.muli %mul3A_54, %iota3A : vector<16xi32>
      %add3A_56 = arith.constant 48 : i32
      %add3A_57 = vector.broadcast %add3A_56 : i32 to vector<16xi32>
      %add3A_58 = arith.addi %add3A_57, %mul3A_55 : vector<16xi32>
      %add3A_59 = arith.constant 1 : i32
      %add3A_60 = vector.broadcast %add3A_59 : i32 to vector<16xi32>
      %add3A_61 = arith.addi %add3A_58, %add3A_60 : vector<16xi32>
      %gather3A_62 = tpu.vector_load_idx %arg6[%add3A_61] : memref<1536xf32, #tpu.memory_space<vmem>>[vector<16xi32>], vector<16xf32>,
      %swap3A_63 = arith.constant 16 : index
      %swap3A_64 = tpu.vector_load %arg7[%swap3A_63] {strides = array<i32>} : memref<512xf32, #tpu.memory_space<vmem>>, vector<16xf32>,
      tpu.vector_store %arg7[%swap3A_63], %gather3A_62 {strides = array<i32>} : memref<512xf32, #tpu.memory_space<vmem>>, vector<16xf32>,
      %mul3A_65 = arith.constant 3 : i32
      %mul3A_66 = vector.broadcast %mul3A_65 : i32 to vector<16xi32>
      %mul3A_67 = arith.muli %mul3A_66, %iota3A : vector<16xi32>
      %add3A_68 = arith.constant 96 : i32
      %add3A_69 = vector.broadcast %add3A_68 : i32 to vector<16xi32>
      %add3A_70 = arith.addi %add3A_69, %mul3A_67 : vector<16xi32>
      %add3A_71 = arith.constant 1 : i32
      %add3A_72 = vector.broadcast %add3A_71 : i32 to vector<16xi32>
      %add3A_73 = arith.addi %add3A_70, %add3A_72 : vector<16xi32>
      %gather3A_74 = tpu.vector_load_idx %arg6[%add3A_73] : memref<1536xf32, #tpu.memory_space<vmem>>[vector<16xi32>], vector<16xf32>,
      %swap3A_75 = arith.constant 32 : index
      %swap3A_76 = tpu.vector_load %arg7[%swap3A_75] {strides = array<i32>} : memref<512xf32, #tpu.memory_space<vmem>>, vector<16xf32>,
      tpu.vector_store %arg7[%swap3A_75], %gather3A_74 {strides = array<i32>} : memref<512xf32, #tpu.memory_space<vmem>>, vector<16xf32>,
      %mul3A_77 = arith.constant 3 : i32
      %mul3A_78 = vector.broadcast %mul3A_77 : i32 to vector<16xi32>
      %mul3A_79 = arith.muli %mul3A_78, %iota3A : vector<16xi32>
      %add3A_80 = arith.constant 144 : i32
      %add3A_81 = vector.broadcast %add3A_80 : i32 to vector<16xi32>
      %add3A_82 = arith.addi %add3A_81, %mul3A_79 : vector<16xi32>
      %add3A_83 = arith.constant 1 : i32
      %add3A_84 = vector.broadcast %add3A_83 : i32 to vector<16xi32>
      %add3A_85 = arith.addi %add3A_82, %add3A_84 : vector<16xi32>
      %gather3A_86 = tpu.vector_load_idx %arg6[%add3A_85] : memref<1536xf32, #tpu.memory_space<vmem>>[vector<16xi32>], vector<16xf32>,
      %swap3A_87 = arith.constant 48 : index
      %swap3A_88 = tpu.vector_load %arg7[%swap3A_87] {strides = array<i32>} : memref<512xf32, #tpu.memory_space<vmem>>, vector<16xf32>,
      tpu.vector_store %arg7[%swap3A_87], %gather3A_86 {strides = array<i32>} : memref<512xf32, #tpu.memory_space<vmem>>, vector<16xf32>,
      %mul3A_89 = arith.constant 3 : i32
      %mul3A_90 = vector.broadcast %mul3A_89 : i32 to vector<16xi32>
      %mul3A_91 = arith.muli %mul3A_90, %iota3A : vector<16xi32>
      %add3A_92 = arith.constant 192 : i32
      %add3A_93 = vector.broadcast %add3A_92 : i32 to vector<16xi32>
      %add3A_94 = arith.addi %add3A_93, %mul3A_91 : vector<16xi32>
      %add3A_95 = arith.constant 1 : i32
      %add3A_96 = vector.broadcast %add3A_95 : i32 to vector<16xi32>
      %add3A_97 = arith.addi %add3A_94, %add3A_96 : vector<16xi32>
      %gather3A_98 = tpu.vector_load_idx %arg6[%add3A_97] : memref<1536xf32, #tpu.memory_space<vmem>>[vector<16xi32>], vector<16xf32>,
      %swap3A_99 = arith.constant 64 : index
      %swap3A_100 = tpu.vector_load %arg7[%swap3A_99] {strides = array<i32>} : memref<512xf32, #tpu.memory_space<vmem>>, vector<16xf32>,
      tpu.vector_store %arg7[%swap3A_99], %gather3A_98 {strides = array<i32>} : memref<512xf32, #tpu.memory_space<vmem>>, vector<16xf32>,
      %mul3A_101 = arith.constant 3 : i32
      %mul3A_102 = vector.broadcast %mul3A_101 : i32 to vector<16xi32>
      %mul3A_103 = arith.muli %mul3A_102, %iota3A : vector<16xi32>
      %add3A_104 = arith.constant 240 : i32
      %add3A_105 = vector.broadcast %add3A_104 : i32 to vector<16xi32>
      %add3A_106 = arith.addi %add3A_105, %mul3A_103 : vector<16xi32>
      %add3A_107 = arith.constant 1 : i32
      %add3A_108 = vector.broadcast %add3A_107 : i32 to vector<16xi32>
      %add3A_109 = arith.addi %add3A_106, %add3A_108 : vector<16xi32>
      %gather3A_110 = tpu.vector_load_idx %arg6[%add3A_109] : memref<1536xf32, #tpu.memory_space<vmem>>[vector<16xi32>], vector<16xf32>,
      %swap3A_111 = arith.constant 80 : index
      %swap3A_112 = tpu.vector_load %arg7[%swap3A_111] {strides = array<i32>} : memref<512xf32, #tpu.memory_space<vmem>>, vector<16xf32>,
      tpu.vector_store %arg7[%swap3A_111], %gather3A_110 {strides = array<i32>} : memref<512xf32, #tpu.memory_space<vmem>>, vector<16xf32>,
      %mul3A_113 = arith.constant 3 : i32
      %mul3A_114 = vector.broadcast %mul3A_113 : i32 to vector<16xi32>
      %mul3A_115 = arith.muli %mul3A_114, %iota3A : vector<16xi32>
      %add3A_116 = arith.constant 288 : i32
      %add3A_117 = vector.broadcast %add3A_116 : i32 to vector<16xi32>
      %add3A_118 = arith.addi %add3A_117, %mul3A_115 : vector<16xi32>
      %add3A_119 = arith.constant 1 : i32
      %add3A_120 = vector.broadcast %add3A_119 : i32 to vector<16xi32>
      %add3A_121 = arith.addi %add3A_118, %add3A_120 : vector<16xi32>
      %gather3A_122 = tpu.vector_load_idx %arg6[%add3A_121] : memref<1536xf32, #tpu.memory_space<vmem>>[vector<16xi32>], vector<16xf32>,
      %swap3A_123 = arith.constant 96 : index
      %swap3A_124 = tpu.vector_load %arg7[%swap3A_123] {strides = array<i32>} : memref<512xf32, #tpu.memory_space<vmem>>, vector<16xf32>,
      tpu.vector_store %arg7[%swap3A_123], %gather3A_122 {strides = array<i32>} : memref<512xf32, #tpu.memory_space<vmem>>, vector<16xf32>,
      %mul3A_125 = arith.constant 3 : i32
      %mul3A_126 = vector.broadcast %mul3A_125 : i32 to vector<16xi32>
      %mul3A_127 = arith.muli %mul3A_126, %iota3A : vector<16xi32>
      %add3A_128 = arith.constant 336 : i32
      %add3A_129 = vector.broadcast %add3A_128 : i32 to vector<16xi32>
      %add3A_130 = arith.addi %add3A_129, %mul3A_127 : vector<16xi32>
      %add3A_131 = arith.constant 1 : i32
      %add3A_132 = vector.broadcast %add3A_131 : i32 to vector<16xi32>
      %add3A_133 = arith.addi %add3A_130, %add3A_132 : vector<16xi32>
      %gather3A_134 = tpu.vector_load_idx %arg6[%add3A_133] : memref<1536xf32, #tpu.memory_space<vmem>>[vector<16xi32>], vector<16xf32>,
      %swap3A_135 = arith.constant 112 : index
      %swap3A_136 = tpu.vector_load %arg7[%swap3A_135] {strides = array<i32>} : memref<512xf32, #tpu.memory_space<vmem>>, vector<16xf32>,
      tpu.vector_store %arg7[%swap3A_135], %gather3A_134 {strides = array<i32>} : memref<512xf32, #tpu.memory_space<vmem>>, vector<16xf32>,
      %mul3A_137 = arith.constant 3 : i32
      %mul3A_138 = vector.broadcast %mul3A_137 : i32 to vector<16xi32>
      %mul3A_139 = arith.muli %mul3A_138, %iota3A : vector<16xi32>
      %add3A_140 = arith.constant 384 : i32
      %add3A_141 = vector.broadcast %add3A_140 : i32 to vector<16xi32>
      %add3A_142 = arith.addi %add3A_141, %mul3A_139 : vector<16xi32>
      %add3A_143 = arith.constant 1 : i32
      %add3A_144 = vector.broadcast %add3A_143 : i32 to vector<16xi32>
      %add3A_145 = arith.addi %add3A_142, %add3A_144 : vector<16xi32>
      %gather3A_146 = tpu.vector_load_idx %arg6[%add3A_145] : memref<1536xf32, #tpu.memory_space<vmem>>[vector<16xi32>], vector<16xf32>,
      %swap3A_147 = arith.constant 128 : index
      %swap3A_148 = tpu.vector_load %arg7[%swap3A_147] {strides = array<i32>} : memref<512xf32, #tpu.memory_space<vmem>>, vector<16xf32>,
      tpu.vector_store %arg7[%swap3A_147], %gather3A_146 {strides = array<i32>} : memref<512xf32, #tpu.memory_space<vmem>>, vector<16xf32>,
      %mul3A_149 = arith.constant 3 : i32
      %mul3A_150 = vector.broadcast %mul3A_149 : i32 to vector<16xi32>
      %mul3A_151 = arith.muli %mul3A_150, %iota3A : vector<16xi32>
      %add3A_152 = arith.constant 432 : i32
      %add3A_153 = vector.broadcast %add3A_152 : i32 to vector<16xi32>
      %add3A_154 = arith.addi %add3A_153, %mul3A_151 : vector<16xi32>
      %add3A_155 = arith.constant 1 : i32
      %add3A_156 = vector.broadcast %add3A_155 : i32 to vector<16xi32>
      %add3A_157 = arith.addi %add3A_154, %add3A_156 : vector<16xi32>
      %gather3A_158 = tpu.vector_load_idx %arg6[%add3A_157] : memref<1536xf32, #tpu.memory_space<vmem>>[vector<16xi32>], vector<16xf32>,
      %swap3A_159 = arith.constant 144 : index
      %swap3A_160 = tpu.vector_load %arg7[%swap3A_159] {strides = array<i32>} : memref<512xf32, #tpu.memory_space<vmem>>, vector<16xf32>,
      tpu.vector_store %arg7[%swap3A_159], %gather3A_158 {strides = array<i32>} : memref<512xf32, #tpu.memory_space<vmem>>, vector<16xf32>,
      %mul3A_161 = arith.constant 3 : i32
      %mul3A_162 = vector.broadcast %mul3A_161 : i32 to vector<16xi32>
      %mul3A_163 = arith.muli %mul3A_162, %iota3A : vector<16xi32>
      %add3A_164 = arith.constant 480 : i32
      %add3A_165 = vector.broadcast %add3A_164 : i32 to vector<16xi32>
      %add3A_166 = arith.addi %add3A_165, %mul3A_163 : vector<16xi32>
      %add3A_167 = arith.constant 1 : i32
      %add3A_168 = vector.broadcast %add3A_167 : i32 to vector<16xi32>
      %add3A_169 = arith.addi %add3A_166, %add3A_168 : vector<16xi32>
      %gather3A_170 = tpu.vector_load_idx %arg6[%add3A_169] : memref<1536xf32, #tpu.memory_space<vmem>>[vector<16xi32>], vector<16xf32>,
      %swap3A_171 = arith.constant 160 : index
      %swap3A_172 = tpu.vector_load %arg7[%swap3A_171] {strides = array<i32>} : memref<512xf32, #tpu.memory_space<vmem>>, vector<16xf32>,
      tpu.vector_store %arg7[%swap3A_171], %gather3A_170 {strides = array<i32>} : memref<512xf32, #tpu.memory_space<vmem>>, vector<16xf32>,
      %mul3A_173 = arith.constant 3 : i32
      %mul3A_174 = vector.broadcast %mul3A_173 : i32 to vector<16xi32>
      %mul3A_175 = arith.muli %mul3A_174, %iota3A : vector<16xi32>
      %add3A_176 = arith.constant 528 : i32
      %add3A_177 = vector.broadcast %add3A_176 : i32 to vector<16xi32>
      %add3A_178 = arith.addi %add3A_177, %mul3A_175 : vector<16xi32>
      %add3A_179 = arith.constant 1 : i32
      %add3A_180 = vector.broadcast %add3A_179 : i32 to vector<16xi32>
      %add3A_181 = arith.addi %add3A_178, %add3A_180 : vector<16xi32>
      %gather3A_182 = tpu.vector_load_idx %arg6[%add3A_181] : memref<1536xf32, #tpu.memory_space<vmem>>[vector<16xi32>], vector<16xf32>,
      %swap3A_183 = arith.constant 176 : index
      %swap3A_184 = tpu.vector_load %arg7[%swap3A_183] {strides = array<i32>} : memref<512xf32, #tpu.memory_space<vmem>>, vector<16xf32>,
      tpu.vector_store %arg7[%swap3A_183], %gather3A_182 {strides = array<i32>} : memref<512xf32, #tpu.memory_space<vmem>>, vector<16xf32>,
      %mul3A_185 = arith.constant 3 : i32
      %mul3A_186 = vector.broadcast %mul3A_185 : i32 to vector<16xi32>
      %mul3A_187 = arith.muli %mul3A_186, %iota3A : vector<16xi32>
      %add3A_188 = arith.constant 576 : i32
      %add3A_189 = vector.broadcast %add3A_188 : i32 to vector<16xi32>
      %add3A_190 = arith.addi %add3A_189, %mul3A_187 : vector<16xi32>
      %add3A_191 = arith.constant 1 : i32
      %add3A_192 = vector.broadcast %add3A_191 : i32 to vector<16xi32>
      %add3A_193 = arith.addi %add3A_190, %add3A_192 : vector<16xi32>
      %gather3A_194 = tpu.vector_load_idx %arg6[%add3A_193] : memref<1536xf32, #tpu.memory_space<vmem>>[vector<16xi32>], vector<16xf32>,
      %swap3A_195 = arith.constant 192 : index
      %swap3A_196 = tpu.vector_load %arg7[%swap3A_195] {strides = array<i32>} : memref<512xf32, #tpu.memory_space<vmem>>, vector<16xf32>,
      tpu.vector_store %arg7[%swap3A_195], %gather3A_194 {strides = array<i32>} : memref<512xf32, #tpu.memory_space<vmem>>, vector<16xf32>,
      %mul3A_197 = arith.constant 3 : i32
      %mul3A_198 = vector.broadcast %mul3A_197 : i32 to vector<16xi32>
      %mul3A_199 = arith.muli %mul3A_198, %iota3A : vector<16xi32>
      %add3A_200 = arith.constant 624 : i32
      %add3A_201 = vector.broadcast %add3A_200 : i32 to vector<16xi32>
      %add3A_202 = arith.addi %add3A_201, %mul3A_199 : vector<16xi32>
      %add3A_203 = arith.constant 1 : i32
      %add3A_204 = vector.broadcast %add3A_203 : i32 to vector<16xi32>
      %add3A_205 = arith.addi %add3A_202, %add3A_204 : vector<16xi32>
      %gather3A_206 = tpu.vector_load_idx %arg6[%add3A_205] : memref<1536xf32, #tpu.memory_space<vmem>>[vector<16xi32>], vector<16xf32>,
      %swap3A_207 = arith.constant 208 : index
      %swap3A_208 = tpu.vector_load %arg7[%swap3A_207] {strides = array<i32>} : memref<512xf32, #tpu.memory_space<vmem>>, vector<16xf32>,
      tpu.vector_store %arg7[%swap3A_207], %gather3A_206 {strides = array<i32>} : memref<512xf32, #tpu.memory_space<vmem>>, vector<16xf32>,
      %mul3A_209 = arith.constant 3 : i32
      %mul3A_210 = vector.broadcast %mul3A_209 : i32 to vector<16xi32>
      %mul3A_211 = arith.muli %mul3A_210, %iota3A : vector<16xi32>
      %add3A_212 = arith.constant 672 : i32
      %add3A_213 = vector.broadcast %add3A_212 : i32 to vector<16xi32>
      %add3A_214 = arith.addi %add3A_213, %mul3A_211 : vector<16xi32>
      %add3A_215 = arith.constant 1 : i32
      %add3A_216 = vector.broadcast %add3A_215 : i32 to vector<16xi32>
      %add3A_217 = arith.addi %add3A_214, %add3A_216 : vector<16xi32>
      %gather3A_218 = tpu.vector_load_idx %arg6[%add3A_217] : memref<1536xf32, #tpu.memory_space<vmem>>[vector<16xi32>], vector<16xf32>,
      %swap3A_219 = arith.constant 224 : index
      %swap3A_220 = tpu.vector_load %arg7[%swap3A_219] {strides = array<i32>} : memref<512xf32, #tpu.memory_space<vmem>>, vector<16xf32>,
      tpu.vector_store %arg7[%swap3A_219], %gather3A_218 {strides = array<i32>} : memref<512xf32, #tpu.memory_space<vmem>>, vector<16xf32>,
      %mul3A_221 = arith.constant 3 : i32
      %mul3A_222 = vector.broadcast %mul3A_221 : i32 to vector<16xi32>
      %mul3A_223 = arith.muli %mul3A_222, %iota3A : vector<16xi32>
      %add3A_224 = arith.constant 720 : i32
      %add3A_225 = vector.broadcast %add3A_224 : i32 to vector<16xi32>
      %add3A_226 = arith.addi %add3A_225, %mul3A_223 : vector<16xi32>
      %add3A_227 = arith.constant 1 : i32
      %add3A_228 = vector.broadcast %add3A_227 : i32 to vector<16xi32>
      %add3A_229 = arith.addi %add3A_226, %add3A_228 : vector<16xi32>
      %gather3A_230 = tpu.vector_load_idx %arg6[%add3A_229] : memref<1536xf32, #tpu.memory_space<vmem>>[vector<16xi32>], vector<16xf32>,
      %swap3A_231 = arith.constant 240 : index
      %swap3A_232 = tpu.vector_load %arg7[%swap3A_231] {strides = array<i32>} : memref<512xf32, #tpu.memory_space<vmem>>, vector<16xf32>,
      tpu.vector_store %arg7[%swap3A_231], %gather3A_230 {strides = array<i32>} : memref<512xf32, #tpu.memory_space<vmem>>, vector<16xf32>,
      %mul3A_233 = arith.constant 3 : i32
      %mul3A_234 = vector.broadcast %mul3A_233 : i32 to vector<16xi32>
      %mul3A_235 = arith.muli %mul3A_234, %iota3A : vector<16xi32>
      %add3A_236 = arith.constant 768 : i32
      %add3A_237 = vector.broadcast %add3A_236 : i32 to vector<16xi32>
      %add3A_238 = arith.addi %add3A_237, %mul3A_235 : vector<16xi32>
      %add3A_239 = arith.constant 1 : i32
      %add3A_240 = vector.broadcast %add3A_239 : i32 to vector<16xi32>
      %add3A_241 = arith.addi %add3A_238, %add3A_240 : vector<16xi32>
      %gather3A_242 = tpu.vector_load_idx %arg6[%add3A_241] : memref<1536xf32, #tpu.memory_space<vmem>>[vector<16xi32>], vector<16xf32>,
      %swap3A_243 = arith.constant 256 : index
      %swap3A_244 = tpu.vector_load %arg7[%swap3A_243] {strides = array<i32>} : memref<512xf32, #tpu.memory_space<vmem>>, vector<16xf32>,
      tpu.vector_store %arg7[%swap3A_243], %gather3A_242 {strides = array<i32>} : memref<512xf32, #tpu.memory_space<vmem>>, vector<16xf32>,
      %mul3A_245 = arith.constant 3 : i32
      %mul3A_246 = vector.broadcast %mul3A_245 : i32 to vector<16xi32>
      %mul3A_247 = arith.muli %mul3A_246, %iota3A : vector<16xi32>
      %add3A_248 = arith.constant 816 : i32
      %add3A_249 = vector.broadcast %add3A_248 : i32 to vector<16xi32>
      %add3A_250 = arith.addi %add3A_249, %mul3A_247 : vector<16xi32>
      %add3A_251 = arith.constant 1 : i32
      %add3A_252 = vector.broadcast %add3A_251 : i32 to vector<16xi32>
      %add3A_253 = arith.addi %add3A_250, %add3A_252 : vector<16xi32>
      %gather3A_254 = tpu.vector_load_idx %arg6[%add3A_253] : memref<1536xf32, #tpu.memory_space<vmem>>[vector<16xi32>], vector<16xf32>,
      %swap3A_255 = arith.constant 272 : index
      %swap3A_256 = tpu.vector_load %arg7[%swap3A_255] {strides = array<i32>} : memref<512xf32, #tpu.memory_space<vmem>>, vector<16xf32>,
      tpu.vector_store %arg7[%swap3A_255], %gather3A_254 {strides = array<i32>} : memref<512xf32, #tpu.memory_space<vmem>>, vector<16xf32>,
      %mul3A_257 = arith.constant 3 : i32
      %mul3A_258 = vector.broadcast %mul3A_257 : i32 to vector<16xi32>
      %mul3A_259 = arith.muli %mul3A_258, %iota3A : vector<16xi32>
      %add3A_260 = arith.constant 864 : i32
      %add3A_261 = vector.broadcast %add3A_260 : i32 to vector<16xi32>
      %add3A_262 = arith.addi %add3A_261, %mul3A_259 : vector<16xi32>
      %add3A_263 = arith.constant 1 : i32
      %add3A_264 = vector.broadcast %add3A_263 : i32 to vector<16xi32>
      %add3A_265 = arith.addi %add3A_262, %add3A_264 : vector<16xi32>
      %gather3A_266 = tpu.vector_load_idx %arg6[%add3A_265] : memref<1536xf32, #tpu.memory_space<vmem>>[vector<16xi32>], vector<16xf32>,
      %swap3A_267 = arith.constant 288 : index
      %swap3A_268 = tpu.vector_load %arg7[%swap3A_267] {strides = array<i32>} : memref<512xf32, #tpu.memory_space<vmem>>, vector<16xf32>,
      tpu.vector_store %arg7[%swap3A_267], %gather3A_266 {strides = array<i32>} : memref<512xf32, #tpu.memory_space<vmem>>, vector<16xf32>,
      %mul3A_269 = arith.constant 3 : i32
      %mul3A_270 = vector.broadcast %mul3A_269 : i32 to vector<16xi32>
      %mul3A_271 = arith.muli %mul3A_270, %iota3A : vector<16xi32>
      %add3A_272 = arith.constant 912 : i32
      %add3A_273 = vector.broadcast %add3A_272 : i32 to vector<16xi32>
      %add3A_274 = arith.addi %add3A_273, %mul3A_271 : vector<16xi32>
      %add3A_275 = arith.constant 1 : i32
      %add3A_276 = vector.broadcast %add3A_275 : i32 to vector<16xi32>
      %add3A_277 = arith.addi %add3A_274, %add3A_276 : vector<16xi32>
      %gather3A_278 = tpu.vector_load_idx %arg6[%add3A_277] : memref<1536xf32, #tpu.memory_space<vmem>>[vector<16xi32>], vector<16xf32>,
      %swap3A_279 = arith.constant 304 : index
      %swap3A_280 = tpu.vector_load %arg7[%swap3A_279] {strides = array<i32>} : memref<512xf32, #tpu.memory_space<vmem>>, vector<16xf32>,
      tpu.vector_store %arg7[%swap3A_279], %gather3A_278 {strides = array<i32>} : memref<512xf32, #tpu.memory_space<vmem>>, vector<16xf32>,
      %mul3A_281 = arith.constant 3 : i32
      %mul3A_282 = vector.broadcast %mul3A_281 : i32 to vector<16xi32>
      %mul3A_283 = arith.muli %mul3A_282, %iota3A : vector<16xi32>
      %add3A_284 = arith.constant 960 : i32
      %add3A_285 = vector.broadcast %add3A_284 : i32 to vector<16xi32>
      %add3A_286 = arith.addi %add3A_285, %mul3A_283 : vector<16xi32>
      %add3A_287 = arith.constant 1 : i32
      %add3A_288 = vector.broadcast %add3A_287 : i32 to vector<16xi32>
      %add3A_289 = arith.addi %add3A_286, %add3A_288 : vector<16xi32>
      %gather3A_290 = tpu.vector_load_idx %arg6[%add3A_289] : memref<1536xf32, #tpu.memory_space<vmem>>[vector<16xi32>], vector<16xf32>,
      %swap3A_291 = arith.constant 320 : index
      %swap3A_292 = tpu.vector_load %arg7[%swap3A_291] {strides = array<i32>} : memref<512xf32, #tpu.memory_space<vmem>>, vector<16xf32>,
      tpu.vector_store %arg7[%swap3A_291], %gather3A_290 {strides = array<i32>} : memref<512xf32, #tpu.memory_space<vmem>>, vector<16xf32>,
      %mul3A_293 = arith.constant 3 : i32
      %mul3A_294 = vector.broadcast %mul3A_293 : i32 to vector<16xi32>
      %mul3A_295 = arith.muli %mul3A_294, %iota3A : vector<16xi32>
      %add3A_296 = arith.constant 1008 : i32
      %add3A_297 = vector.broadcast %add3A_296 : i32 to vector<16xi32>
      %add3A_298 = arith.addi %add3A_297, %mul3A_295 : vector<16xi32>
      %add3A_299 = arith.constant 1 : i32
      %add3A_300 = vector.broadcast %add3A_299 : i32 to vector<16xi32>
      %add3A_301 = arith.addi %add3A_298, %add3A_300 : vector<16xi32>
      %gather3A_302 = tpu.vector_load_idx %arg6[%add3A_301] : memref<1536xf32, #tpu.memory_space<vmem>>[vector<16xi32>], vector<16xf32>,
      %swap3A_303 = arith.constant 336 : index
      %swap3A_304 = tpu.vector_load %arg7[%swap3A_303] {strides = array<i32>} : memref<512xf32, #tpu.memory_space<vmem>>, vector<16xf32>,
      tpu.vector_store %arg7[%swap3A_303], %gather3A_302 {strides = array<i32>} : memref<512xf32, #tpu.memory_space<vmem>>, vector<16xf32>,
      %mul3A_305 = arith.constant 3 : i32
      %mul3A_306 = vector.broadcast %mul3A_305 : i32 to vector<16xi32>
      %mul3A_307 = arith.muli %mul3A_306, %iota3A : vector<16xi32>
      %add3A_308 = arith.constant 1056 : i32
      %add3A_309 = vector.broadcast %add3A_308 : i32 to vector<16xi32>
      %add3A_310 = arith.addi %add3A_309, %mul3A_307 : vector<16xi32>
      %add3A_311 = arith.constant 1 : i32
      %add3A_312 = vector.broadcast %add3A_311 : i32 to vector<16xi32>
      %add3A_313 = arith.addi %add3A_310, %add3A_312 : vector<16xi32>
      %gather3A_314 = tpu.vector_load_idx %arg6[%add3A_313] : memref<1536xf32, #tpu.memory_space<vmem>>[vector<16xi32>], vector<16xf32>,
      %swap3A_315 = arith.constant 352 : index
      %swap3A_316 = tpu.vector_load %arg7[%swap3A_315] {strides = array<i32>} : memref<512xf32, #tpu.memory_space<vmem>>, vector<16xf32>,
      tpu.vector_store %arg7[%swap3A_315], %gather3A_314 {strides = array<i32>} : memref<512xf32, #tpu.memory_space<vmem>>, vector<16xf32>,
      %mul3A_317 = arith.constant 3 : i32
      %mul3A_318 = vector.broadcast %mul3A_317 : i32 to vector<16xi32>
      %mul3A_319 = arith.muli %mul3A_318, %iota3A : vector<16xi32>
      %add3A_320 = arith.constant 1104 : i32
      %add3A_321 = vector.broadcast %add3A_320 : i32 to vector<16xi32>
      %add3A_322 = arith.addi %add3A_321, %mul3A_319 : vector<16xi32>
      %add3A_323 = arith.constant 1 : i32
      %add3A_324 = vector.broadcast %add3A_323 : i32 to vector<16xi32>
      %add3A_325 = arith.addi %add3A_322, %add3A_324 : vector<16xi32>
      %gather3A_326 = tpu.vector_load_idx %arg6[%add3A_325] : memref<1536xf32, #tpu.memory_space<vmem>>[vector<16xi32>], vector<16xf32>,
      %swap3A_327 = arith.constant 368 : index
      %swap3A_328 = tpu.vector_load %arg7[%swap3A_327] {strides = array<i32>} : memref<512xf32, #tpu.memory_space<vmem>>, vector<16xf32>,
      tpu.vector_store %arg7[%swap3A_327], %gather3A_326 {strides = array<i32>} : memref<512xf32, #tpu.memory_space<vmem>>, vector<16xf32>,
      %mul3A_329 = arith.constant 3 : i32
      %mul3A_330 = vector.broadcast %mul3A_329 : i32 to vector<16xi32>
      %mul3A_331 = arith.muli %mul3A_330, %iota3A : vector<16xi32>
      %add3A_332 = arith.constant 1152 : i32
      %add3A_333 = vector.broadcast %add3A_332 : i32 to vector<16xi32>
      %add3A_334 = arith.addi %add3A_333, %mul3A_331 : vector<16xi32>
      %add3A_335 = arith.constant 1 : i32
      %add3A_336 = vector.broadcast %add3A_335 : i32 to vector<16xi32>
      %add3A_337 = arith.addi %add3A_334, %add3A_336 : vector<16xi32>
      %gather3A_338 = tpu.vector_load_idx %arg6[%add3A_337] : memref<1536xf32, #tpu.memory_space<vmem>>[vector<16xi32>], vector<16xf32>,
      %swap3A_339 = arith.constant 384 : index
      %swap3A_340 = tpu.vector_load %arg7[%swap3A_339] {strides = array<i32>} : memref<512xf32, #tpu.memory_space<vmem>>, vector<16xf32>,
      tpu.vector_store %arg7[%swap3A_339], %gather3A_338 {strides = array<i32>} : memref<512xf32, #tpu.memory_space<vmem>>, vector<16xf32>,
      %mul3A_341 = arith.constant 3 : i32
      %mul3A_342 = vector.broadcast %mul3A_341 : i32 to vector<16xi32>
      %mul3A_343 = arith.muli %mul3A_342, %iota3A : vector<16xi32>
      %add3A_344 = arith.constant 1200 : i32
      %add3A_345 = vector.broadcast %add3A_344 : i32 to vector<16xi32>
      %add3A_346 = arith.addi %add3A_345, %mul3A_343 : vector<16xi32>
      %add3A_347 = arith.constant 1 : i32
      %add3A_348 = vector.broadcast %add3A_347 : i32 to vector<16xi32>
      %add3A_349 = arith.addi %add3A_346, %add3A_348 : vector<16xi32>
      %gather3A_350 = tpu.vector_load_idx %arg6[%add3A_349] : memref<1536xf32, #tpu.memory_space<vmem>>[vector<16xi32>], vector<16xf32>,
      %swap3A_351 = arith.constant 400 : index
      %swap3A_352 = tpu.vector_load %arg7[%swap3A_351] {strides = array<i32>} : memref<512xf32, #tpu.memory_space<vmem>>, vector<16xf32>,
      tpu.vector_store %arg7[%swap3A_351], %gather3A_350 {strides = array<i32>} : memref<512xf32, #tpu.memory_space<vmem>>, vector<16xf32>,
      %mul3A_353 = arith.constant 3 : i32
      %mul3A_354 = vector.broadcast %mul3A_353 : i32 to vector<16xi32>
      %mul3A_355 = arith.muli %mul3A_354, %iota3A : vector<16xi32>
      %add3A_356 = arith.constant 1248 : i32
      %add3A_357 = vector.broadcast %add3A_356 : i32 to vector<16xi32>
      %add3A_358 = arith.addi %add3A_357, %mul3A_355 : vector<16xi32>
      %add3A_359 = arith.constant 1 : i32
      %add3A_360 = vector.broadcast %add3A_359 : i32 to vector<16xi32>
      %add3A_361 = arith.addi %add3A_358, %add3A_360 : vector<16xi32>
      %gather3A_362 = tpu.vector_load_idx %arg6[%add3A_361] : memref<1536xf32, #tpu.memory_space<vmem>>[vector<16xi32>], vector<16xf32>,
      %swap3A_363 = arith.constant 416 : index
      %swap3A_364 = tpu.vector_load %arg7[%swap3A_363] {strides = array<i32>} : memref<512xf32, #tpu.memory_space<vmem>>, vector<16xf32>,
      tpu.vector_store %arg7[%swap3A_363], %gather3A_362 {strides = array<i32>} : memref<512xf32, #tpu.memory_space<vmem>>, vector<16xf32>,
      %mul3A_365 = arith.constant 3 : i32
      %mul3A_366 = vector.broadcast %mul3A_365 : i32 to vector<16xi32>
      %mul3A_367 = arith.muli %mul3A_366, %iota3A : vector<16xi32>
      %add3A_368 = arith.constant 1296 : i32
      %add3A_369 = vector.broadcast %add3A_368 : i32 to vector<16xi32>
      %add3A_370 = arith.addi %add3A_369, %mul3A_367 : vector<16xi32>
      %add3A_371 = arith.constant 1 : i32
      %add3A_372 = vector.broadcast %add3A_371 : i32 to vector<16xi32>
      %add3A_373 = arith.addi %add3A_370, %add3A_372 : vector<16xi32>
      %gather3A_374 = tpu.vector_load_idx %arg6[%add3A_373] : memref<1536xf32, #tpu.memory_space<vmem>>[vector<16xi32>], vector<16xf32>,
      %swap3A_375 = arith.constant 432 : index
      %swap3A_376 = tpu.vector_load %arg7[%swap3A_375] {strides = array<i32>} : memref<512xf32, #tpu.memory_space<vmem>>, vector<16xf32>,
      tpu.vector_store %arg7[%swap3A_375], %gather3A_374 {strides = array<i32>} : memref<512xf32, #tpu.memory_space<vmem>>, vector<16xf32>,
      %mul3A_377 = arith.constant 3 : i32
      %mul3A_378 = vector.broadcast %mul3A_377 : i32 to vector<16xi32>
      %mul3A_379 = arith.muli %mul3A_378, %iota3A : vector<16xi32>
      %add3A_380 = arith.constant 1344 : i32
      %add3A_381 = vector.broadcast %add3A_380 : i32 to vector<16xi32>
      %add3A_382 = arith.addi %add3A_381, %mul3A_379 : vector<16xi32>
      %add3A_383 = arith.constant 1 : i32
      %add3A_384 = vector.broadcast %add3A_383 : i32 to vector<16xi32>
      %add3A_385 = arith.addi %add3A_382, %add3A_384 : vector<16xi32>
      %gather3A_386 = tpu.vector_load_idx %arg6[%add3A_385] : memref<1536xf32, #tpu.memory_space<vmem>>[vector<16xi32>], vector<16xf32>,
      %swap3A_387 = arith.constant 448 : index
      %swap3A_388 = tpu.vector_load %arg7[%swap3A_387] {strides = array<i32>} : memref<512xf32, #tpu.memory_space<vmem>>, vector<16xf32>,
      tpu.vector_store %arg7[%swap3A_387], %gather3A_386 {strides = array<i32>} : memref<512xf32, #tpu.memory_space<vmem>>, vector<16xf32>,
      %mul3A_389 = arith.constant 3 : i32
      %mul3A_390 = vector.broadcast %mul3A_389 : i32 to vector<16xi32>
      %mul3A_391 = arith.muli %mul3A_390, %iota3A : vector<16xi32>
      %add3A_392 = arith.constant 1392 : i32
      %add3A_393 = vector.broadcast %add3A_392 : i32 to vector<16xi32>
      %add3A_394 = arith.addi %add3A_393, %mul3A_391 : vector<16xi32>
      %add3A_395 = arith.constant 1 : i32
      %add3A_396 = vector.broadcast %add3A_395 : i32 to vector<16xi32>
      %add3A_397 = arith.addi %add3A_394, %add3A_396 : vector<16xi32>
      %gather3A_398 = tpu.vector_load_idx %arg6[%add3A_397] : memref<1536xf32, #tpu.memory_space<vmem>>[vector<16xi32>], vector<16xf32>,
      %swap3A_399 = arith.constant 464 : index
      %swap3A_400 = tpu.vector_load %arg7[%swap3A_399] {strides = array<i32>} : memref<512xf32, #tpu.memory_space<vmem>>, vector<16xf32>,
      tpu.vector_store %arg7[%swap3A_399], %gather3A_398 {strides = array<i32>} : memref<512xf32, #tpu.memory_space<vmem>>, vector<16xf32>,
      %mul3A_401 = arith.constant 3 : i32
      %mul3A_402 = vector.broadcast %mul3A_401 : i32 to vector<16xi32>
      %mul3A_403 = arith.muli %mul3A_402, %iota3A : vector<16xi32>
      %add3A_404 = arith.constant 1440 : i32
      %add3A_405 = vector.broadcast %add3A_404 : i32 to vector<16xi32>
      %add3A_406 = arith.addi %add3A_405, %mul3A_403 : vector<16xi32>
      %add3A_407 = arith.constant 1 : i32
      %add3A_408 = vector.broadcast %add3A_407 : i32 to vector<16xi32>
      %add3A_409 = arith.addi %add3A_406, %add3A_408 : vector<16xi32>
      %gather3A_410 = tpu.vector_load_idx %arg6[%add3A_409] : memref<1536xf32, #tpu.memory_space<vmem>>[vector<16xi32>], vector<16xf32>,
      %swap3A_411 = arith.constant 480 : index
      %swap3A_412 = tpu.vector_load %arg7[%swap3A_411] {strides = array<i32>} : memref<512xf32, #tpu.memory_space<vmem>>, vector<16xf32>,
      tpu.vector_store %arg7[%swap3A_411], %gather3A_410 {strides = array<i32>} : memref<512xf32, #tpu.memory_space<vmem>>, vector<16xf32>,
      %mul3A_413 = arith.constant 3 : i32
      %mul3A_414 = vector.broadcast %mul3A_413 : i32 to vector<16xi32>
      %mul3A_415 = arith.muli %mul3A_414, %iota3A : vector<16xi32>
      %add3A_416 = arith.constant 1488 : i32
      %add3A_417 = vector.broadcast %add3A_416 : i32 to vector<16xi32>
      %add3A_418 = arith.addi %add3A_417, %mul3A_415 : vector<16xi32>
      %add3A_419 = arith.constant 1 : i32
      %add3A_420 = vector.broadcast %add3A_419 : i32 to vector<16xi32>
      %add3A_421 = arith.addi %add3A_418, %add3A_420 : vector<16xi32>
      %gather3A_422 = tpu.vector_load_idx %arg6[%add3A_421] : memref<1536xf32, #tpu.memory_space<vmem>>[vector<16xi32>], vector<16xf32>,
      %swap3A_423 = arith.constant 496 : index
      %swap3A_424 = tpu.vector_load %arg7[%swap3A_423] {strides = array<i32>} : memref<512xf32, #tpu.memory_space<vmem>>, vector<16xf32>,
      tpu.vector_store %arg7[%swap3A_423], %gather3A_422 {strides = array<i32>} : memref<512xf32, #tpu.memory_space<vmem>>, vector<16xf32>,
      "tpu.region"() ({
        %run_scoped3A = tpu.sem_alloc : memref<!tpu.dma_semaphore, #tpu.memory_space<semaphore_mem>>
        %dma_start3A = arith.constant 512 : i32
        %dma_start3A_425 = tpu.memref_slice %arg5[%dma_start3A] : memref<4608xf32, #tpu.memory_space<hbm>> -> memref<512xf32, #tpu.memory_space<hbm>>
        %dma_start3A_426 = arith.constant 512 : i32
        %dma_start3A_427 = tpu.memref_slice %arg5[%dma_start3A_426] : memref<4608xf32, #tpu.memory_space<hbm>> -> memref<512xf32, #tpu.memory_space<hbm>>
        tpu.enqueue_dma source(%arg7 : memref<512xf32, #tpu.memory_space<vmem>>) target(%dma_start3A_427 : memref<512xf32, #tpu.memory_space<hbm>>) target_semaphore(%run_scoped3A : memref<!tpu.dma_semaphore, #tpu.memory_space<semaphore_mem>>)
        %dma_wait3A = arith.constant 512 : i32
        %dma_wait3A_428 = tpu.memref_slice %arg5[%dma_wait3A] : memref<4608xf32, #tpu.memory_space<hbm>> -> memref<512xf32, #tpu.memory_space<hbm>>
        %dma_wait3A_429 = arith.constant 512 : i32
        %dma_wait3A_430 = tpu.memref_slice %arg5[%dma_wait3A_429] : memref<4608xf32, #tpu.memory_space<hbm>> -> memref<512xf32, #tpu.memory_space<hbm>>
        tpu.wait_dma2 semaphore(%run_scoped3A : memref<!tpu.dma_semaphore, #tpu.memory_space<semaphore_mem>>) src(%arg7 : memref<512xf32, #tpu.memory_space<vmem>>) dst(%dma_wait3A_430 : memref<512xf32, #tpu.memory_space<hbm>>)
        tpu.yield
      }) : () -> ()
    } else {
    }
    %eq3A_8 = arith.constant 2 : i32
    %eq3A_9 = arith.cmpi eq, %add3A, %eq3A_8 : i32
    %convert_element_type3A_10 = arith.extui %eq3A_9 : i1 to i32
    %cond3A_11 = arith.constant 0 : i32
    %cond3A_12 = arith.cmpi ne, %convert_element_type3A_10, %cond3A_11 : i32
    scf.if %cond3A_12 {
      "tpu.region"() ({
        %run_scoped3A = tpu.sem_alloc : memref<!tpu.dma_semaphore, #tpu.memory_space<semaphore_mem>>
        tpu.enqueue_dma source(%arg2 : memref<1536xf32, #tpu.memory_space<hbm>>) target(%arg6 : memref<1536xf32, #tpu.memory_space<vmem>>) target_semaphore(%run_scoped3A : memref<!tpu.dma_semaphore, #tpu.memory_space<semaphore_mem>>)
        tpu.wait_dma2 semaphore(%run_scoped3A : memref<!tpu.dma_semaphore, #tpu.memory_space<semaphore_mem>>) src(%arg2 : memref<1536xf32, #tpu.memory_space<hbm>>) dst(%arg6 : memref<1536xf32, #tpu.memory_space<vmem>>)
        tpu.yield
      }) : () -> ()
      %mul3A_43 = arith.constant 3 : i32
      %mul3A_44 = vector.broadcast %mul3A_43 : i32 to vector<16xi32>
      %mul3A_45 = arith.muli %mul3A_44, %iota3A : vector<16xi32>
      %add3A_46 = arith.constant 0 : i32
      %add3A_47 = vector.broadcast %add3A_46 : i32 to vector<16xi32>
      %add3A_48 = arith.addi %add3A_47, %mul3A_45 : vector<16xi32>
      %add3A_49 = arith.constant 2 : i32
      %add3A_50 = vector.broadcast %add3A_49 : i32 to vector<16xi32>
      %add3A_51 = arith.addi %add3A_48, %add3A_50 : vector<16xi32>
      %gather3A = tpu.vector_load_idx %arg6[%add3A_51] : memref<1536xf32, #tpu.memory_space<vmem>>[vector<16xi32>], vector<16xf32>,
      %swap3A = arith.constant 0 : index
      %swap3A_52 = tpu.vector_load %arg7[%swap3A] {strides = array<i32>} : memref<512xf32, #tpu.memory_space<vmem>>, vector<16xf32>,
      tpu.vector_store %arg7[%swap3A], %gather3A {strides = array<i32>} : memref<512xf32, #tpu.memory_space<vmem>>, vector<16xf32>,
      %mul3A_53 = arith.constant 3 : i32
      %mul3A_54 = vector.broadcast %mul3A_53 : i32 to vector<16xi32>
      %mul3A_55 = arith.muli %mul3A_54, %iota3A : vector<16xi32>
      %add3A_56 = arith.constant 48 : i32
      %add3A_57 = vector.broadcast %add3A_56 : i32 to vector<16xi32>
      %add3A_58 = arith.addi %add3A_57, %mul3A_55 : vector<16xi32>
      %add3A_59 = arith.constant 2 : i32
      %add3A_60 = vector.broadcast %add3A_59 : i32 to vector<16xi32>
      %add3A_61 = arith.addi %add3A_58, %add3A_60 : vector<16xi32>
      %gather3A_62 = tpu.vector_load_idx %arg6[%add3A_61] : memref<1536xf32, #tpu.memory_space<vmem>>[vector<16xi32>], vector<16xf32>,
      %swap3A_63 = arith.constant 16 : index
      %swap3A_64 = tpu.vector_load %arg7[%swap3A_63] {strides = array<i32>} : memref<512xf32, #tpu.memory_space<vmem>>, vector<16xf32>,
      tpu.vector_store %arg7[%swap3A_63], %gather3A_62 {strides = array<i32>} : memref<512xf32, #tpu.memory_space<vmem>>, vector<16xf32>,
      %mul3A_65 = arith.constant 3 : i32
      %mul3A_66 = vector.broadcast %mul3A_65 : i32 to vector<16xi32>
      %mul3A_67 = arith.muli %mul3A_66, %iota3A : vector<16xi32>
      %add3A_68 = arith.constant 96 : i32
      %add3A_69 = vector.broadcast %add3A_68 : i32 to vector<16xi32>
      %add3A_70 = arith.addi %add3A_69, %mul3A_67 : vector<16xi32>
      %add3A_71 = arith.constant 2 : i32
      %add3A_72 = vector.broadcast %add3A_71 : i32 to vector<16xi32>
      %add3A_73 = arith.addi %add3A_70, %add3A_72 : vector<16xi32>
      %gather3A_74 = tpu.vector_load_idx %arg6[%add3A_73] : memref<1536xf32, #tpu.memory_space<vmem>>[vector<16xi32>], vector<16xf32>,
      %swap3A_75 = arith.constant 32 : index
      %swap3A_76 = tpu.vector_load %arg7[%swap3A_75] {strides = array<i32>} : memref<512xf32, #tpu.memory_space<vmem>>, vector<16xf32>,
      tpu.vector_store %arg7[%swap3A_75], %gather3A_74 {strides = array<i32>} : memref<512xf32, #tpu.memory_space<vmem>>, vector<16xf32>,
      %mul3A_77 = arith.constant 3 : i32
      %mul3A_78 = vector.broadcast %mul3A_77 : i32 to vector<16xi32>
      %mul3A_79 = arith.muli %mul3A_78, %iota3A : vector<16xi32>
      %add3A_80 = arith.constant 144 : i32
      %add3A_81 = vector.broadcast %add3A_80 : i32 to vector<16xi32>
      %add3A_82 = arith.addi %add3A_81, %mul3A_79 : vector<16xi32>
      %add3A_83 = arith.constant 2 : i32
      %add3A_84 = vector.broadcast %add3A_83 : i32 to vector<16xi32>
      %add3A_85 = arith.addi %add3A_82, %add3A_84 : vector<16xi32>
      %gather3A_86 = tpu.vector_load_idx %arg6[%add3A_85] : memref<1536xf32, #tpu.memory_space<vmem>>[vector<16xi32>], vector<16xf32>,
      %swap3A_87 = arith.constant 48 : index
      %swap3A_88 = tpu.vector_load %arg7[%swap3A_87] {strides = array<i32>} : memref<512xf32, #tpu.memory_space<vmem>>, vector<16xf32>,
      tpu.vector_store %arg7[%swap3A_87], %gather3A_86 {strides = array<i32>} : memref<512xf32, #tpu.memory_space<vmem>>, vector<16xf32>,
      %mul3A_89 = arith.constant 3 : i32
      %mul3A_90 = vector.broadcast %mul3A_89 : i32 to vector<16xi32>
      %mul3A_91 = arith.muli %mul3A_90, %iota3A : vector<16xi32>
      %add3A_92 = arith.constant 192 : i32
      %add3A_93 = vector.broadcast %add3A_92 : i32 to vector<16xi32>
      %add3A_94 = arith.addi %add3A_93, %mul3A_91 : vector<16xi32>
      %add3A_95 = arith.constant 2 : i32
      %add3A_96 = vector.broadcast %add3A_95 : i32 to vector<16xi32>
      %add3A_97 = arith.addi %add3A_94, %add3A_96 : vector<16xi32>
      %gather3A_98 = tpu.vector_load_idx %arg6[%add3A_97] : memref<1536xf32, #tpu.memory_space<vmem>>[vector<16xi32>], vector<16xf32>,
      %swap3A_99 = arith.constant 64 : index
      %swap3A_100 = tpu.vector_load %arg7[%swap3A_99] {strides = array<i32>} : memref<512xf32, #tpu.memory_space<vmem>>, vector<16xf32>,
      tpu.vector_store %arg7[%swap3A_99], %gather3A_98 {strides = array<i32>} : memref<512xf32, #tpu.memory_space<vmem>>, vector<16xf32>,
      %mul3A_101 = arith.constant 3 : i32
      %mul3A_102 = vector.broadcast %mul3A_101 : i32 to vector<16xi32>
      %mul3A_103 = arith.muli %mul3A_102, %iota3A : vector<16xi32>
      %add3A_104 = arith.constant 240 : i32
      %add3A_105 = vector.broadcast %add3A_104 : i32 to vector<16xi32>
      %add3A_106 = arith.addi %add3A_105, %mul3A_103 : vector<16xi32>
      %add3A_107 = arith.constant 2 : i32
      %add3A_108 = vector.broadcast %add3A_107 : i32 to vector<16xi32>
      %add3A_109 = arith.addi %add3A_106, %add3A_108 : vector<16xi32>
      %gather3A_110 = tpu.vector_load_idx %arg6[%add3A_109] : memref<1536xf32, #tpu.memory_space<vmem>>[vector<16xi32>], vector<16xf32>,
      %swap3A_111 = arith.constant 80 : index
      %swap3A_112 = tpu.vector_load %arg7[%swap3A_111] {strides = array<i32>} : memref<512xf32, #tpu.memory_space<vmem>>, vector<16xf32>,
      tpu.vector_store %arg7[%swap3A_111], %gather3A_110 {strides = array<i32>} : memref<512xf32, #tpu.memory_space<vmem>>, vector<16xf32>,
      %mul3A_113 = arith.constant 3 : i32
      %mul3A_114 = vector.broadcast %mul3A_113 : i32 to vector<16xi32>
      %mul3A_115 = arith.muli %mul3A_114, %iota3A : vector<16xi32>
      %add3A_116 = arith.constant 288 : i32
      %add3A_117 = vector.broadcast %add3A_116 : i32 to vector<16xi32>
      %add3A_118 = arith.addi %add3A_117, %mul3A_115 : vector<16xi32>
      %add3A_119 = arith.constant 2 : i32
      %add3A_120 = vector.broadcast %add3A_119 : i32 to vector<16xi32>
      %add3A_121 = arith.addi %add3A_118, %add3A_120 : vector<16xi32>
      %gather3A_122 = tpu.vector_load_idx %arg6[%add3A_121] : memref<1536xf32, #tpu.memory_space<vmem>>[vector<16xi32>], vector<16xf32>,
      %swap3A_123 = arith.constant 96 : index
      %swap3A_124 = tpu.vector_load %arg7[%swap3A_123] {strides = array<i32>} : memref<512xf32, #tpu.memory_space<vmem>>, vector<16xf32>,
      tpu.vector_store %arg7[%swap3A_123], %gather3A_122 {strides = array<i32>} : memref<512xf32, #tpu.memory_space<vmem>>, vector<16xf32>,
      %mul3A_125 = arith.constant 3 : i32
      %mul3A_126 = vector.broadcast %mul3A_125 : i32 to vector<16xi32>
      %mul3A_127 = arith.muli %mul3A_126, %iota3A : vector<16xi32>
      %add3A_128 = arith.constant 336 : i32
      %add3A_129 = vector.broadcast %add3A_128 : i32 to vector<16xi32>
      %add3A_130 = arith.addi %add3A_129, %mul3A_127 : vector<16xi32>
      %add3A_131 = arith.constant 2 : i32
      %add3A_132 = vector.broadcast %add3A_131 : i32 to vector<16xi32>
      %add3A_133 = arith.addi %add3A_130, %add3A_132 : vector<16xi32>
      %gather3A_134 = tpu.vector_load_idx %arg6[%add3A_133] : memref<1536xf32, #tpu.memory_space<vmem>>[vector<16xi32>], vector<16xf32>,
      %swap3A_135 = arith.constant 112 : index
      %swap3A_136 = tpu.vector_load %arg7[%swap3A_135] {strides = array<i32>} : memref<512xf32, #tpu.memory_space<vmem>>, vector<16xf32>,
      tpu.vector_store %arg7[%swap3A_135], %gather3A_134 {strides = array<i32>} : memref<512xf32, #tpu.memory_space<vmem>>, vector<16xf32>,
      %mul3A_137 = arith.constant 3 : i32
      %mul3A_138 = vector.broadcast %mul3A_137 : i32 to vector<16xi32>
      %mul3A_139 = arith.muli %mul3A_138, %iota3A : vector<16xi32>
      %add3A_140 = arith.constant 384 : i32
      %add3A_141 = vector.broadcast %add3A_140 : i32 to vector<16xi32>
      %add3A_142 = arith.addi %add3A_141, %mul3A_139 : vector<16xi32>
      %add3A_143 = arith.constant 2 : i32
      %add3A_144 = vector.broadcast %add3A_143 : i32 to vector<16xi32>
      %add3A_145 = arith.addi %add3A_142, %add3A_144 : vector<16xi32>
      %gather3A_146 = tpu.vector_load_idx %arg6[%add3A_145] : memref<1536xf32, #tpu.memory_space<vmem>>[vector<16xi32>], vector<16xf32>,
      %swap3A_147 = arith.constant 128 : index
      %swap3A_148 = tpu.vector_load %arg7[%swap3A_147] {strides = array<i32>} : memref<512xf32, #tpu.memory_space<vmem>>, vector<16xf32>,
      tpu.vector_store %arg7[%swap3A_147], %gather3A_146 {strides = array<i32>} : memref<512xf32, #tpu.memory_space<vmem>>, vector<16xf32>,
      %mul3A_149 = arith.constant 3 : i32
      %mul3A_150 = vector.broadcast %mul3A_149 : i32 to vector<16xi32>
      %mul3A_151 = arith.muli %mul3A_150, %iota3A : vector<16xi32>
      %add3A_152 = arith.constant 432 : i32
      %add3A_153 = vector.broadcast %add3A_152 : i32 to vector<16xi32>
      %add3A_154 = arith.addi %add3A_153, %mul3A_151 : vector<16xi32>
      %add3A_155 = arith.constant 2 : i32
      %add3A_156 = vector.broadcast %add3A_155 : i32 to vector<16xi32>
      %add3A_157 = arith.addi %add3A_154, %add3A_156 : vector<16xi32>
      %gather3A_158 = tpu.vector_load_idx %arg6[%add3A_157] : memref<1536xf32, #tpu.memory_space<vmem>>[vector<16xi32>], vector<16xf32>,
      %swap3A_159 = arith.constant 144 : index
      %swap3A_160 = tpu.vector_load %arg7[%swap3A_159] {strides = array<i32>} : memref<512xf32, #tpu.memory_space<vmem>>, vector<16xf32>,
      tpu.vector_store %arg7[%swap3A_159], %gather3A_158 {strides = array<i32>} : memref<512xf32, #tpu.memory_space<vmem>>, vector<16xf32>,
      %mul3A_161 = arith.constant 3 : i32
      %mul3A_162 = vector.broadcast %mul3A_161 : i32 to vector<16xi32>
      %mul3A_163 = arith.muli %mul3A_162, %iota3A : vector<16xi32>
      %add3A_164 = arith.constant 480 : i32
      %add3A_165 = vector.broadcast %add3A_164 : i32 to vector<16xi32>
      %add3A_166 = arith.addi %add3A_165, %mul3A_163 : vector<16xi32>
      %add3A_167 = arith.constant 2 : i32
      %add3A_168 = vector.broadcast %add3A_167 : i32 to vector<16xi32>
      %add3A_169 = arith.addi %add3A_166, %add3A_168 : vector<16xi32>
      %gather3A_170 = tpu.vector_load_idx %arg6[%add3A_169] : memref<1536xf32, #tpu.memory_space<vmem>>[vector<16xi32>], vector<16xf32>,
      %swap3A_171 = arith.constant 160 : index
      %swap3A_172 = tpu.vector_load %arg7[%swap3A_171] {strides = array<i32>} : memref<512xf32, #tpu.memory_space<vmem>>, vector<16xf32>,
      tpu.vector_store %arg7[%swap3A_171], %gather3A_170 {strides = array<i32>} : memref<512xf32, #tpu.memory_space<vmem>>, vector<16xf32>,
      %mul3A_173 = arith.constant 3 : i32
      %mul3A_174 = vector.broadcast %mul3A_173 : i32 to vector<16xi32>
      %mul3A_175 = arith.muli %mul3A_174, %iota3A : vector<16xi32>
      %add3A_176 = arith.constant 528 : i32
      %add3A_177 = vector.broadcast %add3A_176 : i32 to vector<16xi32>
      %add3A_178 = arith.addi %add3A_177, %mul3A_175 : vector<16xi32>
      %add3A_179 = arith.constant 2 : i32
      %add3A_180 = vector.broadcast %add3A_179 : i32 to vector<16xi32>
      %add3A_181 = arith.addi %add3A_178, %add3A_180 : vector<16xi32>
      %gather3A_182 = tpu.vector_load_idx %arg6[%add3A_181] : memref<1536xf32, #tpu.memory_space<vmem>>[vector<16xi32>], vector<16xf32>,
      %swap3A_183 = arith.constant 176 : index
      %swap3A_184 = tpu.vector_load %arg7[%swap3A_183] {strides = array<i32>} : memref<512xf32, #tpu.memory_space<vmem>>, vector<16xf32>,
      tpu.vector_store %arg7[%swap3A_183], %gather3A_182 {strides = array<i32>} : memref<512xf32, #tpu.memory_space<vmem>>, vector<16xf32>,
      %mul3A_185 = arith.constant 3 : i32
      %mul3A_186 = vector.broadcast %mul3A_185 : i32 to vector<16xi32>
      %mul3A_187 = arith.muli %mul3A_186, %iota3A : vector<16xi32>
      %add3A_188 = arith.constant 576 : i32
      %add3A_189 = vector.broadcast %add3A_188 : i32 to vector<16xi32>
      %add3A_190 = arith.addi %add3A_189, %mul3A_187 : vector<16xi32>
      %add3A_191 = arith.constant 2 : i32
      %add3A_192 = vector.broadcast %add3A_191 : i32 to vector<16xi32>
      %add3A_193 = arith.addi %add3A_190, %add3A_192 : vector<16xi32>
      %gather3A_194 = tpu.vector_load_idx %arg6[%add3A_193] : memref<1536xf32, #tpu.memory_space<vmem>>[vector<16xi32>], vector<16xf32>,
      %swap3A_195 = arith.constant 192 : index
      %swap3A_196 = tpu.vector_load %arg7[%swap3A_195] {strides = array<i32>} : memref<512xf32, #tpu.memory_space<vmem>>, vector<16xf32>,
      tpu.vector_store %arg7[%swap3A_195], %gather3A_194 {strides = array<i32>} : memref<512xf32, #tpu.memory_space<vmem>>, vector<16xf32>,
      %mul3A_197 = arith.constant 3 : i32
      %mul3A_198 = vector.broadcast %mul3A_197 : i32 to vector<16xi32>
      %mul3A_199 = arith.muli %mul3A_198, %iota3A : vector<16xi32>
      %add3A_200 = arith.constant 624 : i32
      %add3A_201 = vector.broadcast %add3A_200 : i32 to vector<16xi32>
      %add3A_202 = arith.addi %add3A_201, %mul3A_199 : vector<16xi32>
      %add3A_203 = arith.constant 2 : i32
      %add3A_204 = vector.broadcast %add3A_203 : i32 to vector<16xi32>
      %add3A_205 = arith.addi %add3A_202, %add3A_204 : vector<16xi32>
      %gather3A_206 = tpu.vector_load_idx %arg6[%add3A_205] : memref<1536xf32, #tpu.memory_space<vmem>>[vector<16xi32>], vector<16xf32>,
      %swap3A_207 = arith.constant 208 : index
      %swap3A_208 = tpu.vector_load %arg7[%swap3A_207] {strides = array<i32>} : memref<512xf32, #tpu.memory_space<vmem>>, vector<16xf32>,
      tpu.vector_store %arg7[%swap3A_207], %gather3A_206 {strides = array<i32>} : memref<512xf32, #tpu.memory_space<vmem>>, vector<16xf32>,
      %mul3A_209 = arith.constant 3 : i32
      %mul3A_210 = vector.broadcast %mul3A_209 : i32 to vector<16xi32>
      %mul3A_211 = arith.muli %mul3A_210, %iota3A : vector<16xi32>
      %add3A_212 = arith.constant 672 : i32
      %add3A_213 = vector.broadcast %add3A_212 : i32 to vector<16xi32>
      %add3A_214 = arith.addi %add3A_213, %mul3A_211 : vector<16xi32>
      %add3A_215 = arith.constant 2 : i32
      %add3A_216 = vector.broadcast %add3A_215 : i32 to vector<16xi32>
      %add3A_217 = arith.addi %add3A_214, %add3A_216 : vector<16xi32>
      %gather3A_218 = tpu.vector_load_idx %arg6[%add3A_217] : memref<1536xf32, #tpu.memory_space<vmem>>[vector<16xi32>], vector<16xf32>,
      %swap3A_219 = arith.constant 224 : index
      %swap3A_220 = tpu.vector_load %arg7[%swap3A_219] {strides = array<i32>} : memref<512xf32, #tpu.memory_space<vmem>>, vector<16xf32>,
      tpu.vector_store %arg7[%swap3A_219], %gather3A_218 {strides = array<i32>} : memref<512xf32, #tpu.memory_space<vmem>>, vector<16xf32>,
      %mul3A_221 = arith.constant 3 : i32
      %mul3A_222 = vector.broadcast %mul3A_221 : i32 to vector<16xi32>
      %mul3A_223 = arith.muli %mul3A_222, %iota3A : vector<16xi32>
      %add3A_224 = arith.constant 720 : i32
      %add3A_225 = vector.broadcast %add3A_224 : i32 to vector<16xi32>
      %add3A_226 = arith.addi %add3A_225, %mul3A_223 : vector<16xi32>
      %add3A_227 = arith.constant 2 : i32
      %add3A_228 = vector.broadcast %add3A_227 : i32 to vector<16xi32>
      %add3A_229 = arith.addi %add3A_226, %add3A_228 : vector<16xi32>
      %gather3A_230 = tpu.vector_load_idx %arg6[%add3A_229] : memref<1536xf32, #tpu.memory_space<vmem>>[vector<16xi32>], vector<16xf32>,
      %swap3A_231 = arith.constant 240 : index
      %swap3A_232 = tpu.vector_load %arg7[%swap3A_231] {strides = array<i32>} : memref<512xf32, #tpu.memory_space<vmem>>, vector<16xf32>,
      tpu.vector_store %arg7[%swap3A_231], %gather3A_230 {strides = array<i32>} : memref<512xf32, #tpu.memory_space<vmem>>, vector<16xf32>,
      %mul3A_233 = arith.constant 3 : i32
      %mul3A_234 = vector.broadcast %mul3A_233 : i32 to vector<16xi32>
      %mul3A_235 = arith.muli %mul3A_234, %iota3A : vector<16xi32>
      %add3A_236 = arith.constant 768 : i32
      %add3A_237 = vector.broadcast %add3A_236 : i32 to vector<16xi32>
      %add3A_238 = arith.addi %add3A_237, %mul3A_235 : vector<16xi32>
      %add3A_239 = arith.constant 2 : i32
      %add3A_240 = vector.broadcast %add3A_239 : i32 to vector<16xi32>
      %add3A_241 = arith.addi %add3A_238, %add3A_240 : vector<16xi32>
      %gather3A_242 = tpu.vector_load_idx %arg6[%add3A_241] : memref<1536xf32, #tpu.memory_space<vmem>>[vector<16xi32>], vector<16xf32>,
      %swap3A_243 = arith.constant 256 : index
      %swap3A_244 = tpu.vector_load %arg7[%swap3A_243] {strides = array<i32>} : memref<512xf32, #tpu.memory_space<vmem>>, vector<16xf32>,
      tpu.vector_store %arg7[%swap3A_243], %gather3A_242 {strides = array<i32>} : memref<512xf32, #tpu.memory_space<vmem>>, vector<16xf32>,
      %mul3A_245 = arith.constant 3 : i32
      %mul3A_246 = vector.broadcast %mul3A_245 : i32 to vector<16xi32>
      %mul3A_247 = arith.muli %mul3A_246, %iota3A : vector<16xi32>
      %add3A_248 = arith.constant 816 : i32
      %add3A_249 = vector.broadcast %add3A_248 : i32 to vector<16xi32>
      %add3A_250 = arith.addi %add3A_249, %mul3A_247 : vector<16xi32>
      %add3A_251 = arith.constant 2 : i32
      %add3A_252 = vector.broadcast %add3A_251 : i32 to vector<16xi32>
      %add3A_253 = arith.addi %add3A_250, %add3A_252 : vector<16xi32>
      %gather3A_254 = tpu.vector_load_idx %arg6[%add3A_253] : memref<1536xf32, #tpu.memory_space<vmem>>[vector<16xi32>], vector<16xf32>,
      %swap3A_255 = arith.constant 272 : index
      %swap3A_256 = tpu.vector_load %arg7[%swap3A_255] {strides = array<i32>} : memref<512xf32, #tpu.memory_space<vmem>>, vector<16xf32>,
      tpu.vector_store %arg7[%swap3A_255], %gather3A_254 {strides = array<i32>} : memref<512xf32, #tpu.memory_space<vmem>>, vector<16xf32>,
      %mul3A_257 = arith.constant 3 : i32
      %mul3A_258 = vector.broadcast %mul3A_257 : i32 to vector<16xi32>
      %mul3A_259 = arith.muli %mul3A_258, %iota3A : vector<16xi32>
      %add3A_260 = arith.constant 864 : i32
      %add3A_261 = vector.broadcast %add3A_260 : i32 to vector<16xi32>
      %add3A_262 = arith.addi %add3A_261, %mul3A_259 : vector<16xi32>
      %add3A_263 = arith.constant 2 : i32
      %add3A_264 = vector.broadcast %add3A_263 : i32 to vector<16xi32>
      %add3A_265 = arith.addi %add3A_262, %add3A_264 : vector<16xi32>
      %gather3A_266 = tpu.vector_load_idx %arg6[%add3A_265] : memref<1536xf32, #tpu.memory_space<vmem>>[vector<16xi32>], vector<16xf32>,
      %swap3A_267 = arith.constant 288 : index
      %swap3A_268 = tpu.vector_load %arg7[%swap3A_267] {strides = array<i32>} : memref<512xf32, #tpu.memory_space<vmem>>, vector<16xf32>,
      tpu.vector_store %arg7[%swap3A_267], %gather3A_266 {strides = array<i32>} : memref<512xf32, #tpu.memory_space<vmem>>, vector<16xf32>,
      %mul3A_269 = arith.constant 3 : i32
      %mul3A_270 = vector.broadcast %mul3A_269 : i32 to vector<16xi32>
      %mul3A_271 = arith.muli %mul3A_270, %iota3A : vector<16xi32>
      %add3A_272 = arith.constant 912 : i32
      %add3A_273 = vector.broadcast %add3A_272 : i32 to vector<16xi32>
      %add3A_274 = arith.addi %add3A_273, %mul3A_271 : vector<16xi32>
      %add3A_275 = arith.constant 2 : i32
      %add3A_276 = vector.broadcast %add3A_275 : i32 to vector<16xi32>
      %add3A_277 = arith.addi %add3A_274, %add3A_276 : vector<16xi32>
      %gather3A_278 = tpu.vector_load_idx %arg6[%add3A_277] : memref<1536xf32, #tpu.memory_space<vmem>>[vector<16xi32>], vector<16xf32>,
      %swap3A_279 = arith.constant 304 : index
      %swap3A_280 = tpu.vector_load %arg7[%swap3A_279] {strides = array<i32>} : memref<512xf32, #tpu.memory_space<vmem>>, vector<16xf32>,
      tpu.vector_store %arg7[%swap3A_279], %gather3A_278 {strides = array<i32>} : memref<512xf32, #tpu.memory_space<vmem>>, vector<16xf32>,
      %mul3A_281 = arith.constant 3 : i32
      %mul3A_282 = vector.broadcast %mul3A_281 : i32 to vector<16xi32>
      %mul3A_283 = arith.muli %mul3A_282, %iota3A : vector<16xi32>
      %add3A_284 = arith.constant 960 : i32
      %add3A_285 = vector.broadcast %add3A_284 : i32 to vector<16xi32>
      %add3A_286 = arith.addi %add3A_285, %mul3A_283 : vector<16xi32>
      %add3A_287 = arith.constant 2 : i32
      %add3A_288 = vector.broadcast %add3A_287 : i32 to vector<16xi32>
      %add3A_289 = arith.addi %add3A_286, %add3A_288 : vector<16xi32>
      %gather3A_290 = tpu.vector_load_idx %arg6[%add3A_289] : memref<1536xf32, #tpu.memory_space<vmem>>[vector<16xi32>], vector<16xf32>,
      %swap3A_291 = arith.constant 320 : index
      %swap3A_292 = tpu.vector_load %arg7[%swap3A_291] {strides = array<i32>} : memref<512xf32, #tpu.memory_space<vmem>>, vector<16xf32>,
      tpu.vector_store %arg7[%swap3A_291], %gather3A_290 {strides = array<i32>} : memref<512xf32, #tpu.memory_space<vmem>>, vector<16xf32>,
      %mul3A_293 = arith.constant 3 : i32
      %mul3A_294 = vector.broadcast %mul3A_293 : i32 to vector<16xi32>
      %mul3A_295 = arith.muli %mul3A_294, %iota3A : vector<16xi32>
      %add3A_296 = arith.constant 1008 : i32
      %add3A_297 = vector.broadcast %add3A_296 : i32 to vector<16xi32>
      %add3A_298 = arith.addi %add3A_297, %mul3A_295 : vector<16xi32>
      %add3A_299 = arith.constant 2 : i32
      %add3A_300 = vector.broadcast %add3A_299 : i32 to vector<16xi32>
      %add3A_301 = arith.addi %add3A_298, %add3A_300 : vector<16xi32>
      %gather3A_302 = tpu.vector_load_idx %arg6[%add3A_301] : memref<1536xf32, #tpu.memory_space<vmem>>[vector<16xi32>], vector<16xf32>,
      %swap3A_303 = arith.constant 336 : index
      %swap3A_304 = tpu.vector_load %arg7[%swap3A_303] {strides = array<i32>} : memref<512xf32, #tpu.memory_space<vmem>>, vector<16xf32>,
      tpu.vector_store %arg7[%swap3A_303], %gather3A_302 {strides = array<i32>} : memref<512xf32, #tpu.memory_space<vmem>>, vector<16xf32>,
      %mul3A_305 = arith.constant 3 : i32
      %mul3A_306 = vector.broadcast %mul3A_305 : i32 to vector<16xi32>
      %mul3A_307 = arith.muli %mul3A_306, %iota3A : vector<16xi32>
      %add3A_308 = arith.constant 1056 : i32
      %add3A_309 = vector.broadcast %add3A_308 : i32 to vector<16xi32>
      %add3A_310 = arith.addi %add3A_309, %mul3A_307 : vector<16xi32>
      %add3A_311 = arith.constant 2 : i32
      %add3A_312 = vector.broadcast %add3A_311 : i32 to vector<16xi32>
      %add3A_313 = arith.addi %add3A_310, %add3A_312 : vector<16xi32>
      %gather3A_314 = tpu.vector_load_idx %arg6[%add3A_313] : memref<1536xf32, #tpu.memory_space<vmem>>[vector<16xi32>], vector<16xf32>,
      %swap3A_315 = arith.constant 352 : index
      %swap3A_316 = tpu.vector_load %arg7[%swap3A_315] {strides = array<i32>} : memref<512xf32, #tpu.memory_space<vmem>>, vector<16xf32>,
      tpu.vector_store %arg7[%swap3A_315], %gather3A_314 {strides = array<i32>} : memref<512xf32, #tpu.memory_space<vmem>>, vector<16xf32>,
      %mul3A_317 = arith.constant 3 : i32
      %mul3A_318 = vector.broadcast %mul3A_317 : i32 to vector<16xi32>
      %mul3A_319 = arith.muli %mul3A_318, %iota3A : vector<16xi32>
      %add3A_320 = arith.constant 1104 : i32
      %add3A_321 = vector.broadcast %add3A_320 : i32 to vector<16xi32>
      %add3A_322 = arith.addi %add3A_321, %mul3A_319 : vector<16xi32>
      %add3A_323 = arith.constant 2 : i32
      %add3A_324 = vector.broadcast %add3A_323 : i32 to vector<16xi32>
      %add3A_325 = arith.addi %add3A_322, %add3A_324 : vector<16xi32>
      %gather3A_326 = tpu.vector_load_idx %arg6[%add3A_325] : memref<1536xf32, #tpu.memory_space<vmem>>[vector<16xi32>], vector<16xf32>,
      %swap3A_327 = arith.constant 368 : index
      %swap3A_328 = tpu.vector_load %arg7[%swap3A_327] {strides = array<i32>} : memref<512xf32, #tpu.memory_space<vmem>>, vector<16xf32>,
      tpu.vector_store %arg7[%swap3A_327], %gather3A_326 {strides = array<i32>} : memref<512xf32, #tpu.memory_space<vmem>>, vector<16xf32>,
      %mul3A_329 = arith.constant 3 : i32
      %mul3A_330 = vector.broadcast %mul3A_329 : i32 to vector<16xi32>
      %mul3A_331 = arith.muli %mul3A_330, %iota3A : vector<16xi32>
      %add3A_332 = arith.constant 1152 : i32
      %add3A_333 = vector.broadcast %add3A_332 : i32 to vector<16xi32>
      %add3A_334 = arith.addi %add3A_333, %mul3A_331 : vector<16xi32>
      %add3A_335 = arith.constant 2 : i32
      %add3A_336 = vector.broadcast %add3A_335 : i32 to vector<16xi32>
      %add3A_337 = arith.addi %add3A_334, %add3A_336 : vector<16xi32>
      %gather3A_338 = tpu.vector_load_idx %arg6[%add3A_337] : memref<1536xf32, #tpu.memory_space<vmem>>[vector<16xi32>], vector<16xf32>,
      %swap3A_339 = arith.constant 384 : index
      %swap3A_340 = tpu.vector_load %arg7[%swap3A_339] {strides = array<i32>} : memref<512xf32, #tpu.memory_space<vmem>>, vector<16xf32>,
      tpu.vector_store %arg7[%swap3A_339], %gather3A_338 {strides = array<i32>} : memref<512xf32, #tpu.memory_space<vmem>>, vector<16xf32>,
      %mul3A_341 = arith.constant 3 : i32
      %mul3A_342 = vector.broadcast %mul3A_341 : i32 to vector<16xi32>
      %mul3A_343 = arith.muli %mul3A_342, %iota3A : vector<16xi32>
      %add3A_344 = arith.constant 1200 : i32
      %add3A_345 = vector.broadcast %add3A_344 : i32 to vector<16xi32>
      %add3A_346 = arith.addi %add3A_345, %mul3A_343 : vector<16xi32>
      %add3A_347 = arith.constant 2 : i32
      %add3A_348 = vector.broadcast %add3A_347 : i32 to vector<16xi32>
      %add3A_349 = arith.addi %add3A_346, %add3A_348 : vector<16xi32>
      %gather3A_350 = tpu.vector_load_idx %arg6[%add3A_349] : memref<1536xf32, #tpu.memory_space<vmem>>[vector<16xi32>], vector<16xf32>,
      %swap3A_351 = arith.constant 400 : index
      %swap3A_352 = tpu.vector_load %arg7[%swap3A_351] {strides = array<i32>} : memref<512xf32, #tpu.memory_space<vmem>>, vector<16xf32>,
      tpu.vector_store %arg7[%swap3A_351], %gather3A_350 {strides = array<i32>} : memref<512xf32, #tpu.memory_space<vmem>>, vector<16xf32>,
      %mul3A_353 = arith.constant 3 : i32
      %mul3A_354 = vector.broadcast %mul3A_353 : i32 to vector<16xi32>
      %mul3A_355 = arith.muli %mul3A_354, %iota3A : vector<16xi32>
      %add3A_356 = arith.constant 1248 : i32
      %add3A_357 = vector.broadcast %add3A_356 : i32 to vector<16xi32>
      %add3A_358 = arith.addi %add3A_357, %mul3A_355 : vector<16xi32>
      %add3A_359 = arith.constant 2 : i32
      %add3A_360 = vector.broadcast %add3A_359 : i32 to vector<16xi32>
      %add3A_361 = arith.addi %add3A_358, %add3A_360 : vector<16xi32>
      %gather3A_362 = tpu.vector_load_idx %arg6[%add3A_361] : memref<1536xf32, #tpu.memory_space<vmem>>[vector<16xi32>], vector<16xf32>,
      %swap3A_363 = arith.constant 416 : index
      %swap3A_364 = tpu.vector_load %arg7[%swap3A_363] {strides = array<i32>} : memref<512xf32, #tpu.memory_space<vmem>>, vector<16xf32>,
      tpu.vector_store %arg7[%swap3A_363], %gather3A_362 {strides = array<i32>} : memref<512xf32, #tpu.memory_space<vmem>>, vector<16xf32>,
      %mul3A_365 = arith.constant 3 : i32
      %mul3A_366 = vector.broadcast %mul3A_365 : i32 to vector<16xi32>
      %mul3A_367 = arith.muli %mul3A_366, %iota3A : vector<16xi32>
      %add3A_368 = arith.constant 1296 : i32
      %add3A_369 = vector.broadcast %add3A_368 : i32 to vector<16xi32>
      %add3A_370 = arith.addi %add3A_369, %mul3A_367 : vector<16xi32>
      %add3A_371 = arith.constant 2 : i32
      %add3A_372 = vector.broadcast %add3A_371 : i32 to vector<16xi32>
      %add3A_373 = arith.addi %add3A_370, %add3A_372 : vector<16xi32>
      %gather3A_374 = tpu.vector_load_idx %arg6[%add3A_373] : memref<1536xf32, #tpu.memory_space<vmem>>[vector<16xi32>], vector<16xf32>,
      %swap3A_375 = arith.constant 432 : index
      %swap3A_376 = tpu.vector_load %arg7[%swap3A_375] {strides = array<i32>} : memref<512xf32, #tpu.memory_space<vmem>>, vector<16xf32>,
      tpu.vector_store %arg7[%swap3A_375], %gather3A_374 {strides = array<i32>} : memref<512xf32, #tpu.memory_space<vmem>>, vector<16xf32>,
      %mul3A_377 = arith.constant 3 : i32
      %mul3A_378 = vector.broadcast %mul3A_377 : i32 to vector<16xi32>
      %mul3A_379 = arith.muli %mul3A_378, %iota3A : vector<16xi32>
      %add3A_380 = arith.constant 1344 : i32
      %add3A_381 = vector.broadcast %add3A_380 : i32 to vector<16xi32>
      %add3A_382 = arith.addi %add3A_381, %mul3A_379 : vector<16xi32>
      %add3A_383 = arith.constant 2 : i32
      %add3A_384 = vector.broadcast %add3A_383 : i32 to vector<16xi32>
      %add3A_385 = arith.addi %add3A_382, %add3A_384 : vector<16xi32>
      %gather3A_386 = tpu.vector_load_idx %arg6[%add3A_385] : memref<1536xf32, #tpu.memory_space<vmem>>[vector<16xi32>], vector<16xf32>,
      %swap3A_387 = arith.constant 448 : index
      %swap3A_388 = tpu.vector_load %arg7[%swap3A_387] {strides = array<i32>} : memref<512xf32, #tpu.memory_space<vmem>>, vector<16xf32>,
      tpu.vector_store %arg7[%swap3A_387], %gather3A_386 {strides = array<i32>} : memref<512xf32, #tpu.memory_space<vmem>>, vector<16xf32>,
      %mul3A_389 = arith.constant 3 : i32
      %mul3A_390 = vector.broadcast %mul3A_389 : i32 to vector<16xi32>
      %mul3A_391 = arith.muli %mul3A_390, %iota3A : vector<16xi32>
      %add3A_392 = arith.constant 1392 : i32
      %add3A_393 = vector.broadcast %add3A_392 : i32 to vector<16xi32>
      %add3A_394 = arith.addi %add3A_393, %mul3A_391 : vector<16xi32>
      %add3A_395 = arith.constant 2 : i32
      %add3A_396 = vector.broadcast %add3A_395 : i32 to vector<16xi32>
      %add3A_397 = arith.addi %add3A_394, %add3A_396 : vector<16xi32>
      %gather3A_398 = tpu.vector_load_idx %arg6[%add3A_397] : memref<1536xf32, #tpu.memory_space<vmem>>[vector<16xi32>], vector<16xf32>,
      %swap3A_399 = arith.constant 464 : index
      %swap3A_400 = tpu.vector_load %arg7[%swap3A_399] {strides = array<i32>} : memref<512xf32, #tpu.memory_space<vmem>>, vector<16xf32>,
      tpu.vector_store %arg7[%swap3A_399], %gather3A_398 {strides = array<i32>} : memref<512xf32, #tpu.memory_space<vmem>>, vector<16xf32>,
      %mul3A_401 = arith.constant 3 : i32
      %mul3A_402 = vector.broadcast %mul3A_401 : i32 to vector<16xi32>
      %mul3A_403 = arith.muli %mul3A_402, %iota3A : vector<16xi32>
      %add3A_404 = arith.constant 1440 : i32
      %add3A_405 = vector.broadcast %add3A_404 : i32 to vector<16xi32>
      %add3A_406 = arith.addi %add3A_405, %mul3A_403 : vector<16xi32>
      %add3A_407 = arith.constant 2 : i32
      %add3A_408 = vector.broadcast %add3A_407 : i32 to vector<16xi32>
      %add3A_409 = arith.addi %add3A_406, %add3A_408 : vector<16xi32>
      %gather3A_410 = tpu.vector_load_idx %arg6[%add3A_409] : memref<1536xf32, #tpu.memory_space<vmem>>[vector<16xi32>], vector<16xf32>,
      %swap3A_411 = arith.constant 480 : index
      %swap3A_412 = tpu.vector_load %arg7[%swap3A_411] {strides = array<i32>} : memref<512xf32, #tpu.memory_space<vmem>>, vector<16xf32>,
      tpu.vector_store %arg7[%swap3A_411], %gather3A_410 {strides = array<i32>} : memref<512xf32, #tpu.memory_space<vmem>>, vector<16xf32>,
      %mul3A_413 = arith.constant 3 : i32
      %mul3A_414 = vector.broadcast %mul3A_413 : i32 to vector<16xi32>
      %mul3A_415 = arith.muli %mul3A_414, %iota3A : vector<16xi32>
      %add3A_416 = arith.constant 1488 : i32
      %add3A_417 = vector.broadcast %add3A_416 : i32 to vector<16xi32>
      %add3A_418 = arith.addi %add3A_417, %mul3A_415 : vector<16xi32>
      %add3A_419 = arith.constant 2 : i32
      %add3A_420 = vector.broadcast %add3A_419 : i32 to vector<16xi32>
      %add3A_421 = arith.addi %add3A_418, %add3A_420 : vector<16xi32>
      %gather3A_422 = tpu.vector_load_idx %arg6[%add3A_421] : memref<1536xf32, #tpu.memory_space<vmem>>[vector<16xi32>], vector<16xf32>,
      %swap3A_423 = arith.constant 496 : index
      %swap3A_424 = tpu.vector_load %arg7[%swap3A_423] {strides = array<i32>} : memref<512xf32, #tpu.memory_space<vmem>>, vector<16xf32>,
      tpu.vector_store %arg7[%swap3A_423], %gather3A_422 {strides = array<i32>} : memref<512xf32, #tpu.memory_space<vmem>>, vector<16xf32>,
      "tpu.region"() ({
        %run_scoped3A = tpu.sem_alloc : memref<!tpu.dma_semaphore, #tpu.memory_space<semaphore_mem>>
        %dma_start3A = arith.constant 1024 : i32
        %dma_start3A_425 = tpu.memref_slice %arg5[%dma_start3A] : memref<4608xf32, #tpu.memory_space<hbm>> -> memref<512xf32, #tpu.memory_space<hbm>>
        %dma_start3A_426 = arith.constant 1024 : i32
        %dma_start3A_427 = tpu.memref_slice %arg5[%dma_start3A_426] : memref<4608xf32, #tpu.memory_space<hbm>> -> memref<512xf32, #tpu.memory_space<hbm>>
        tpu.enqueue_dma source(%arg7 : memref<512xf32, #tpu.memory_space<vmem>>) target(%dma_start3A_427 : memref<512xf32, #tpu.memory_space<hbm>>) target_semaphore(%run_scoped3A : memref<!tpu.dma_semaphore, #tpu.memory_space<semaphore_mem>>)
        %dma_wait3A = arith.constant 1024 : i32
        %dma_wait3A_428 = tpu.memref_slice %arg5[%dma_wait3A] : memref<4608xf32, #tpu.memory_space<hbm>> -> memref<512xf32, #tpu.memory_space<hbm>>
        %dma_wait3A_429 = arith.constant 1024 : i32
        %dma_wait3A_430 = tpu.memref_slice %arg5[%dma_wait3A_429] : memref<4608xf32, #tpu.memory_space<hbm>> -> memref<512xf32, #tpu.memory_space<hbm>>
        tpu.wait_dma2 semaphore(%run_scoped3A : memref<!tpu.dma_semaphore, #tpu.memory_space<semaphore_mem>>) src(%arg7 : memref<512xf32, #tpu.memory_space<vmem>>) dst(%dma_wait3A_430 : memref<512xf32, #tpu.memory_space<hbm>>)
        tpu.yield
      }) : () -> ()
    } else {
    }
    %eq3A_13 = arith.constant 3 : i32
    %eq3A_14 = arith.cmpi eq, %add3A, %eq3A_13 : i32
    %convert_element_type3A_15 = arith.extui %eq3A_14 : i1 to i32
    %cond3A_16 = arith.constant 0 : i32
    %cond3A_17 = arith.cmpi ne, %convert_element_type3A_15, %cond3A_16 : i32
    scf.if %cond3A_17 {
      "tpu.region"() ({
        %run_scoped3A = tpu.sem_alloc : memref<!tpu.dma_semaphore, #tpu.memory_space<semaphore_mem>>
        tpu.enqueue_dma source(%arg3 : memref<1536xf32, #tpu.memory_space<hbm>>) target(%arg6 : memref<1536xf32, #tpu.memory_space<vmem>>) target_semaphore(%run_scoped3A : memref<!tpu.dma_semaphore, #tpu.memory_space<semaphore_mem>>)
        tpu.wait_dma2 semaphore(%run_scoped3A : memref<!tpu.dma_semaphore, #tpu.memory_space<semaphore_mem>>) src(%arg3 : memref<1536xf32, #tpu.memory_space<hbm>>) dst(%arg6 : memref<1536xf32, #tpu.memory_space<vmem>>)
        tpu.yield
      }) : () -> ()
      %mul3A_43 = arith.constant 3 : i32
      %mul3A_44 = vector.broadcast %mul3A_43 : i32 to vector<16xi32>
      %mul3A_45 = arith.muli %mul3A_44, %iota3A : vector<16xi32>
      %add3A_46 = arith.constant 0 : i32
      %add3A_47 = vector.broadcast %add3A_46 : i32 to vector<16xi32>
      %add3A_48 = arith.addi %add3A_47, %mul3A_45 : vector<16xi32>
      %add3A_49 = arith.constant 0 : i32
      %add3A_50 = vector.broadcast %add3A_49 : i32 to vector<16xi32>
      %add3A_51 = arith.addi %add3A_48, %add3A_50 : vector<16xi32>
      %gather3A = tpu.vector_load_idx %arg6[%add3A_51] : memref<1536xf32, #tpu.memory_space<vmem>>[vector<16xi32>], vector<16xf32>,
      %swap3A = arith.constant 0 : index
      %swap3A_52 = tpu.vector_load %arg7[%swap3A] {strides = array<i32>} : memref<512xf32, #tpu.memory_space<vmem>>, vector<16xf32>,
      tpu.vector_store %arg7[%swap3A], %gather3A {strides = array<i32>} : memref<512xf32, #tpu.memory_space<vmem>>, vector<16xf32>,
      %mul3A_53 = arith.constant 3 : i32
      %mul3A_54 = vector.broadcast %mul3A_53 : i32 to vector<16xi32>
      %mul3A_55 = arith.muli %mul3A_54, %iota3A : vector<16xi32>
      %add3A_56 = arith.constant 48 : i32
      %add3A_57 = vector.broadcast %add3A_56 : i32 to vector<16xi32>
      %add3A_58 = arith.addi %add3A_57, %mul3A_55 : vector<16xi32>
      %add3A_59 = arith.constant 0 : i32
      %add3A_60 = vector.broadcast %add3A_59 : i32 to vector<16xi32>
      %add3A_61 = arith.addi %add3A_58, %add3A_60 : vector<16xi32>
      %gather3A_62 = tpu.vector_load_idx %arg6[%add3A_61] : memref<1536xf32, #tpu.memory_space<vmem>>[vector<16xi32>], vector<16xf32>,
      %swap3A_63 = arith.constant 16 : index
      %swap3A_64 = tpu.vector_load %arg7[%swap3A_63] {strides = array<i32>} : memref<512xf32, #tpu.memory_space<vmem>>, vector<16xf32>,
      tpu.vector_store %arg7[%swap3A_63], %gather3A_62 {strides = array<i32>} : memref<512xf32, #tpu.memory_space<vmem>>, vector<16xf32>,
      %mul3A_65 = arith.constant 3 : i32
      %mul3A_66 = vector.broadcast %mul3A_65 : i32 to vector<16xi32>
      %mul3A_67 = arith.muli %mul3A_66, %iota3A : vector<16xi32>
      %add3A_68 = arith.constant 96 : i32
      %add3A_69 = vector.broadcast %add3A_68 : i32 to vector<16xi32>
      %add3A_70 = arith.addi %add3A_69, %mul3A_67 : vector<16xi32>
      %add3A_71 = arith.constant 0 : i32
      %add3A_72 = vector.broadcast %add3A_71 : i32 to vector<16xi32>
      %add3A_73 = arith.addi %add3A_70, %add3A_72 : vector<16xi32>
      %gather3A_74 = tpu.vector_load_idx %arg6[%add3A_73] : memref<1536xf32, #tpu.memory_space<vmem>>[vector<16xi32>], vector<16xf32>,
      %swap3A_75 = arith.constant 32 : index
      %swap3A_76 = tpu.vector_load %arg7[%swap3A_75] {strides = array<i32>} : memref<512xf32, #tpu.memory_space<vmem>>, vector<16xf32>,
      tpu.vector_store %arg7[%swap3A_75], %gather3A_74 {strides = array<i32>} : memref<512xf32, #tpu.memory_space<vmem>>, vector<16xf32>,
      %mul3A_77 = arith.constant 3 : i32
      %mul3A_78 = vector.broadcast %mul3A_77 : i32 to vector<16xi32>
      %mul3A_79 = arith.muli %mul3A_78, %iota3A : vector<16xi32>
      %add3A_80 = arith.constant 144 : i32
      %add3A_81 = vector.broadcast %add3A_80 : i32 to vector<16xi32>
      %add3A_82 = arith.addi %add3A_81, %mul3A_79 : vector<16xi32>
      %add3A_83 = arith.constant 0 : i32
      %add3A_84 = vector.broadcast %add3A_83 : i32 to vector<16xi32>
      %add3A_85 = arith.addi %add3A_82, %add3A_84 : vector<16xi32>
      %gather3A_86 = tpu.vector_load_idx %arg6[%add3A_85] : memref<1536xf32, #tpu.memory_space<vmem>>[vector<16xi32>], vector<16xf32>,
      %swap3A_87 = arith.constant 48 : index
      %swap3A_88 = tpu.vector_load %arg7[%swap3A_87] {strides = array<i32>} : memref<512xf32, #tpu.memory_space<vmem>>, vector<16xf32>,
      tpu.vector_store %arg7[%swap3A_87], %gather3A_86 {strides = array<i32>} : memref<512xf32, #tpu.memory_space<vmem>>, vector<16xf32>,
      %mul3A_89 = arith.constant 3 : i32
      %mul3A_90 = vector.broadcast %mul3A_89 : i32 to vector<16xi32>
      %mul3A_91 = arith.muli %mul3A_90, %iota3A : vector<16xi32>
      %add3A_92 = arith.constant 192 : i32
      %add3A_93 = vector.broadcast %add3A_92 : i32 to vector<16xi32>
      %add3A_94 = arith.addi %add3A_93, %mul3A_91 : vector<16xi32>
      %add3A_95 = arith.constant 0 : i32
      %add3A_96 = vector.broadcast %add3A_95 : i32 to vector<16xi32>
      %add3A_97 = arith.addi %add3A_94, %add3A_96 : vector<16xi32>
      %gather3A_98 = tpu.vector_load_idx %arg6[%add3A_97] : memref<1536xf32, #tpu.memory_space<vmem>>[vector<16xi32>], vector<16xf32>,
      %swap3A_99 = arith.constant 64 : index
      %swap3A_100 = tpu.vector_load %arg7[%swap3A_99] {strides = array<i32>} : memref<512xf32, #tpu.memory_space<vmem>>, vector<16xf32>,
      tpu.vector_store %arg7[%swap3A_99], %gather3A_98 {strides = array<i32>} : memref<512xf32, #tpu.memory_space<vmem>>, vector<16xf32>,
      %mul3A_101 = arith.constant 3 : i32
      %mul3A_102 = vector.broadcast %mul3A_101 : i32 to vector<16xi32>
      %mul3A_103 = arith.muli %mul3A_102, %iota3A : vector<16xi32>
      %add3A_104 = arith.constant 240 : i32
      %add3A_105 = vector.broadcast %add3A_104 : i32 to vector<16xi32>
      %add3A_106 = arith.addi %add3A_105, %mul3A_103 : vector<16xi32>
      %add3A_107 = arith.constant 0 : i32
      %add3A_108 = vector.broadcast %add3A_107 : i32 to vector<16xi32>
      %add3A_109 = arith.addi %add3A_106, %add3A_108 : vector<16xi32>
      %gather3A_110 = tpu.vector_load_idx %arg6[%add3A_109] : memref<1536xf32, #tpu.memory_space<vmem>>[vector<16xi32>], vector<16xf32>,
      %swap3A_111 = arith.constant 80 : index
      %swap3A_112 = tpu.vector_load %arg7[%swap3A_111] {strides = array<i32>} : memref<512xf32, #tpu.memory_space<vmem>>, vector<16xf32>,
      tpu.vector_store %arg7[%swap3A_111], %gather3A_110 {strides = array<i32>} : memref<512xf32, #tpu.memory_space<vmem>>, vector<16xf32>,
      %mul3A_113 = arith.constant 3 : i32
      %mul3A_114 = vector.broadcast %mul3A_113 : i32 to vector<16xi32>
      %mul3A_115 = arith.muli %mul3A_114, %iota3A : vector<16xi32>
      %add3A_116 = arith.constant 288 : i32
      %add3A_117 = vector.broadcast %add3A_116 : i32 to vector<16xi32>
      %add3A_118 = arith.addi %add3A_117, %mul3A_115 : vector<16xi32>
      %add3A_119 = arith.constant 0 : i32
      %add3A_120 = vector.broadcast %add3A_119 : i32 to vector<16xi32>
      %add3A_121 = arith.addi %add3A_118, %add3A_120 : vector<16xi32>
      %gather3A_122 = tpu.vector_load_idx %arg6[%add3A_121] : memref<1536xf32, #tpu.memory_space<vmem>>[vector<16xi32>], vector<16xf32>,
      %swap3A_123 = arith.constant 96 : index
      %swap3A_124 = tpu.vector_load %arg7[%swap3A_123] {strides = array<i32>} : memref<512xf32, #tpu.memory_space<vmem>>, vector<16xf32>,
      tpu.vector_store %arg7[%swap3A_123], %gather3A_122 {strides = array<i32>} : memref<512xf32, #tpu.memory_space<vmem>>, vector<16xf32>,
      %mul3A_125 = arith.constant 3 : i32
      %mul3A_126 = vector.broadcast %mul3A_125 : i32 to vector<16xi32>
      %mul3A_127 = arith.muli %mul3A_126, %iota3A : vector<16xi32>
      %add3A_128 = arith.constant 336 : i32
      %add3A_129 = vector.broadcast %add3A_128 : i32 to vector<16xi32>
      %add3A_130 = arith.addi %add3A_129, %mul3A_127 : vector<16xi32>
      %add3A_131 = arith.constant 0 : i32
      %add3A_132 = vector.broadcast %add3A_131 : i32 to vector<16xi32>
      %add3A_133 = arith.addi %add3A_130, %add3A_132 : vector<16xi32>
      %gather3A_134 = tpu.vector_load_idx %arg6[%add3A_133] : memref<1536xf32, #tpu.memory_space<vmem>>[vector<16xi32>], vector<16xf32>,
      %swap3A_135 = arith.constant 112 : index
      %swap3A_136 = tpu.vector_load %arg7[%swap3A_135] {strides = array<i32>} : memref<512xf32, #tpu.memory_space<vmem>>, vector<16xf32>,
      tpu.vector_store %arg7[%swap3A_135], %gather3A_134 {strides = array<i32>} : memref<512xf32, #tpu.memory_space<vmem>>, vector<16xf32>,
      %mul3A_137 = arith.constant 3 : i32
      %mul3A_138 = vector.broadcast %mul3A_137 : i32 to vector<16xi32>
      %mul3A_139 = arith.muli %mul3A_138, %iota3A : vector<16xi32>
      %add3A_140 = arith.constant 384 : i32
      %add3A_141 = vector.broadcast %add3A_140 : i32 to vector<16xi32>
      %add3A_142 = arith.addi %add3A_141, %mul3A_139 : vector<16xi32>
      %add3A_143 = arith.constant 0 : i32
      %add3A_144 = vector.broadcast %add3A_143 : i32 to vector<16xi32>
      %add3A_145 = arith.addi %add3A_142, %add3A_144 : vector<16xi32>
      %gather3A_146 = tpu.vector_load_idx %arg6[%add3A_145] : memref<1536xf32, #tpu.memory_space<vmem>>[vector<16xi32>], vector<16xf32>,
      %swap3A_147 = arith.constant 128 : index
      %swap3A_148 = tpu.vector_load %arg7[%swap3A_147] {strides = array<i32>} : memref<512xf32, #tpu.memory_space<vmem>>, vector<16xf32>,
      tpu.vector_store %arg7[%swap3A_147], %gather3A_146 {strides = array<i32>} : memref<512xf32, #tpu.memory_space<vmem>>, vector<16xf32>,
      %mul3A_149 = arith.constant 3 : i32
      %mul3A_150 = vector.broadcast %mul3A_149 : i32 to vector<16xi32>
      %mul3A_151 = arith.muli %mul3A_150, %iota3A : vector<16xi32>
      %add3A_152 = arith.constant 432 : i32
      %add3A_153 = vector.broadcast %add3A_152 : i32 to vector<16xi32>
      %add3A_154 = arith.addi %add3A_153, %mul3A_151 : vector<16xi32>
      %add3A_155 = arith.constant 0 : i32
      %add3A_156 = vector.broadcast %add3A_155 : i32 to vector<16xi32>
      %add3A_157 = arith.addi %add3A_154, %add3A_156 : vector<16xi32>
      %gather3A_158 = tpu.vector_load_idx %arg6[%add3A_157] : memref<1536xf32, #tpu.memory_space<vmem>>[vector<16xi32>], vector<16xf32>,
      %swap3A_159 = arith.constant 144 : index
      %swap3A_160 = tpu.vector_load %arg7[%swap3A_159] {strides = array<i32>} : memref<512xf32, #tpu.memory_space<vmem>>, vector<16xf32>,
      tpu.vector_store %arg7[%swap3A_159], %gather3A_158 {strides = array<i32>} : memref<512xf32, #tpu.memory_space<vmem>>, vector<16xf32>,
      %mul3A_161 = arith.constant 3 : i32
      %mul3A_162 = vector.broadcast %mul3A_161 : i32 to vector<16xi32>
      %mul3A_163 = arith.muli %mul3A_162, %iota3A : vector<16xi32>
      %add3A_164 = arith.constant 480 : i32
      %add3A_165 = vector.broadcast %add3A_164 : i32 to vector<16xi32>
      %add3A_166 = arith.addi %add3A_165, %mul3A_163 : vector<16xi32>
      %add3A_167 = arith.constant 0 : i32
      %add3A_168 = vector.broadcast %add3A_167 : i32 to vector<16xi32>
      %add3A_169 = arith.addi %add3A_166, %add3A_168 : vector<16xi32>
      %gather3A_170 = tpu.vector_load_idx %arg6[%add3A_169] : memref<1536xf32, #tpu.memory_space<vmem>>[vector<16xi32>], vector<16xf32>,
      %swap3A_171 = arith.constant 160 : index
      %swap3A_172 = tpu.vector_load %arg7[%swap3A_171] {strides = array<i32>} : memref<512xf32, #tpu.memory_space<vmem>>, vector<16xf32>,
      tpu.vector_store %arg7[%swap3A_171], %gather3A_170 {strides = array<i32>} : memref<512xf32, #tpu.memory_space<vmem>>, vector<16xf32>,
      %mul3A_173 = arith.constant 3 : i32
      %mul3A_174 = vector.broadcast %mul3A_173 : i32 to vector<16xi32>
      %mul3A_175 = arith.muli %mul3A_174, %iota3A : vector<16xi32>
      %add3A_176 = arith.constant 528 : i32
      %add3A_177 = vector.broadcast %add3A_176 : i32 to vector<16xi32>
      %add3A_178 = arith.addi %add3A_177, %mul3A_175 : vector<16xi32>
      %add3A_179 = arith.constant 0 : i32
      %add3A_180 = vector.broadcast %add3A_179 : i32 to vector<16xi32>
      %add3A_181 = arith.addi %add3A_178, %add3A_180 : vector<16xi32>
      %gather3A_182 = tpu.vector_load_idx %arg6[%add3A_181] : memref<1536xf32, #tpu.memory_space<vmem>>[vector<16xi32>], vector<16xf32>,
      %swap3A_183 = arith.constant 176 : index
      %swap3A_184 = tpu.vector_load %arg7[%swap3A_183] {strides = array<i32>} : memref<512xf32, #tpu.memory_space<vmem>>, vector<16xf32>,
      tpu.vector_store %arg7[%swap3A_183], %gather3A_182 {strides = array<i32>} : memref<512xf32, #tpu.memory_space<vmem>>, vector<16xf32>,
      %mul3A_185 = arith.constant 3 : i32
      %mul3A_186 = vector.broadcast %mul3A_185 : i32 to vector<16xi32>
      %mul3A_187 = arith.muli %mul3A_186, %iota3A : vector<16xi32>
      %add3A_188 = arith.constant 576 : i32
      %add3A_189 = vector.broadcast %add3A_188 : i32 to vector<16xi32>
      %add3A_190 = arith.addi %add3A_189, %mul3A_187 : vector<16xi32>
      %add3A_191 = arith.constant 0 : i32
      %add3A_192 = vector.broadcast %add3A_191 : i32 to vector<16xi32>
      %add3A_193 = arith.addi %add3A_190, %add3A_192 : vector<16xi32>
      %gather3A_194 = tpu.vector_load_idx %arg6[%add3A_193] : memref<1536xf32, #tpu.memory_space<vmem>>[vector<16xi32>], vector<16xf32>,
      %swap3A_195 = arith.constant 192 : index
      %swap3A_196 = tpu.vector_load %arg7[%swap3A_195] {strides = array<i32>} : memref<512xf32, #tpu.memory_space<vmem>>, vector<16xf32>,
      tpu.vector_store %arg7[%swap3A_195], %gather3A_194 {strides = array<i32>} : memref<512xf32, #tpu.memory_space<vmem>>, vector<16xf32>,
      %mul3A_197 = arith.constant 3 : i32
      %mul3A_198 = vector.broadcast %mul3A_197 : i32 to vector<16xi32>
      %mul3A_199 = arith.muli %mul3A_198, %iota3A : vector<16xi32>
      %add3A_200 = arith.constant 624 : i32
      %add3A_201 = vector.broadcast %add3A_200 : i32 to vector<16xi32>
      %add3A_202 = arith.addi %add3A_201, %mul3A_199 : vector<16xi32>
      %add3A_203 = arith.constant 0 : i32
      %add3A_204 = vector.broadcast %add3A_203 : i32 to vector<16xi32>
      %add3A_205 = arith.addi %add3A_202, %add3A_204 : vector<16xi32>
      %gather3A_206 = tpu.vector_load_idx %arg6[%add3A_205] : memref<1536xf32, #tpu.memory_space<vmem>>[vector<16xi32>], vector<16xf32>,
      %swap3A_207 = arith.constant 208 : index
      %swap3A_208 = tpu.vector_load %arg7[%swap3A_207] {strides = array<i32>} : memref<512xf32, #tpu.memory_space<vmem>>, vector<16xf32>,
      tpu.vector_store %arg7[%swap3A_207], %gather3A_206 {strides = array<i32>} : memref<512xf32, #tpu.memory_space<vmem>>, vector<16xf32>,
      %mul3A_209 = arith.constant 3 : i32
      %mul3A_210 = vector.broadcast %mul3A_209 : i32 to vector<16xi32>
      %mul3A_211 = arith.muli %mul3A_210, %iota3A : vector<16xi32>
      %add3A_212 = arith.constant 672 : i32
      %add3A_213 = vector.broadcast %add3A_212 : i32 to vector<16xi32>
      %add3A_214 = arith.addi %add3A_213, %mul3A_211 : vector<16xi32>
      %add3A_215 = arith.constant 0 : i32
      %add3A_216 = vector.broadcast %add3A_215 : i32 to vector<16xi32>
      %add3A_217 = arith.addi %add3A_214, %add3A_216 : vector<16xi32>
      %gather3A_218 = tpu.vector_load_idx %arg6[%add3A_217] : memref<1536xf32, #tpu.memory_space<vmem>>[vector<16xi32>], vector<16xf32>,
      %swap3A_219 = arith.constant 224 : index
      %swap3A_220 = tpu.vector_load %arg7[%swap3A_219] {strides = array<i32>} : memref<512xf32, #tpu.memory_space<vmem>>, vector<16xf32>,
      tpu.vector_store %arg7[%swap3A_219], %gather3A_218 {strides = array<i32>} : memref<512xf32, #tpu.memory_space<vmem>>, vector<16xf32>,
      %mul3A_221 = arith.constant 3 : i32
      %mul3A_222 = vector.broadcast %mul3A_221 : i32 to vector<16xi32>
      %mul3A_223 = arith.muli %mul3A_222, %iota3A : vector<16xi32>
      %add3A_224 = arith.constant 720 : i32
      %add3A_225 = vector.broadcast %add3A_224 : i32 to vector<16xi32>
      %add3A_226 = arith.addi %add3A_225, %mul3A_223 : vector<16xi32>
      %add3A_227 = arith.constant 0 : i32
      %add3A_228 = vector.broadcast %add3A_227 : i32 to vector<16xi32>
      %add3A_229 = arith.addi %add3A_226, %add3A_228 : vector<16xi32>
      %gather3A_230 = tpu.vector_load_idx %arg6[%add3A_229] : memref<1536xf32, #tpu.memory_space<vmem>>[vector<16xi32>], vector<16xf32>,
      %swap3A_231 = arith.constant 240 : index
      %swap3A_232 = tpu.vector_load %arg7[%swap3A_231] {strides = array<i32>} : memref<512xf32, #tpu.memory_space<vmem>>, vector<16xf32>,
      tpu.vector_store %arg7[%swap3A_231], %gather3A_230 {strides = array<i32>} : memref<512xf32, #tpu.memory_space<vmem>>, vector<16xf32>,
      %mul3A_233 = arith.constant 3 : i32
      %mul3A_234 = vector.broadcast %mul3A_233 : i32 to vector<16xi32>
      %mul3A_235 = arith.muli %mul3A_234, %iota3A : vector<16xi32>
      %add3A_236 = arith.constant 768 : i32
      %add3A_237 = vector.broadcast %add3A_236 : i32 to vector<16xi32>
      %add3A_238 = arith.addi %add3A_237, %mul3A_235 : vector<16xi32>
      %add3A_239 = arith.constant 0 : i32
      %add3A_240 = vector.broadcast %add3A_239 : i32 to vector<16xi32>
      %add3A_241 = arith.addi %add3A_238, %add3A_240 : vector<16xi32>
      %gather3A_242 = tpu.vector_load_idx %arg6[%add3A_241] : memref<1536xf32, #tpu.memory_space<vmem>>[vector<16xi32>], vector<16xf32>,
      %swap3A_243 = arith.constant 256 : index
      %swap3A_244 = tpu.vector_load %arg7[%swap3A_243] {strides = array<i32>} : memref<512xf32, #tpu.memory_space<vmem>>, vector<16xf32>,
      tpu.vector_store %arg7[%swap3A_243], %gather3A_242 {strides = array<i32>} : memref<512xf32, #tpu.memory_space<vmem>>, vector<16xf32>,
      %mul3A_245 = arith.constant 3 : i32
      %mul3A_246 = vector.broadcast %mul3A_245 : i32 to vector<16xi32>
      %mul3A_247 = arith.muli %mul3A_246, %iota3A : vector<16xi32>
      %add3A_248 = arith.constant 816 : i32
      %add3A_249 = vector.broadcast %add3A_248 : i32 to vector<16xi32>
      %add3A_250 = arith.addi %add3A_249, %mul3A_247 : vector<16xi32>
      %add3A_251 = arith.constant 0 : i32
      %add3A_252 = vector.broadcast %add3A_251 : i32 to vector<16xi32>
      %add3A_253 = arith.addi %add3A_250, %add3A_252 : vector<16xi32>
      %gather3A_254 = tpu.vector_load_idx %arg6[%add3A_253] : memref<1536xf32, #tpu.memory_space<vmem>>[vector<16xi32>], vector<16xf32>,
      %swap3A_255 = arith.constant 272 : index
      %swap3A_256 = tpu.vector_load %arg7[%swap3A_255] {strides = array<i32>} : memref<512xf32, #tpu.memory_space<vmem>>, vector<16xf32>,
      tpu.vector_store %arg7[%swap3A_255], %gather3A_254 {strides = array<i32>} : memref<512xf32, #tpu.memory_space<vmem>>, vector<16xf32>,
      %mul3A_257 = arith.constant 3 : i32
      %mul3A_258 = vector.broadcast %mul3A_257 : i32 to vector<16xi32>
      %mul3A_259 = arith.muli %mul3A_258, %iota3A : vector<16xi32>
      %add3A_260 = arith.constant 864 : i32
      %add3A_261 = vector.broadcast %add3A_260 : i32 to vector<16xi32>
      %add3A_262 = arith.addi %add3A_261, %mul3A_259 : vector<16xi32>
      %add3A_263 = arith.constant 0 : i32
      %add3A_264 = vector.broadcast %add3A_263 : i32 to vector<16xi32>
      %add3A_265 = arith.addi %add3A_262, %add3A_264 : vector<16xi32>
      %gather3A_266 = tpu.vector_load_idx %arg6[%add3A_265] : memref<1536xf32, #tpu.memory_space<vmem>>[vector<16xi32>], vector<16xf32>,
      %swap3A_267 = arith.constant 288 : index
      %swap3A_268 = tpu.vector_load %arg7[%swap3A_267] {strides = array<i32>} : memref<512xf32, #tpu.memory_space<vmem>>, vector<16xf32>,
      tpu.vector_store %arg7[%swap3A_267], %gather3A_266 {strides = array<i32>} : memref<512xf32, #tpu.memory_space<vmem>>, vector<16xf32>,
      %mul3A_269 = arith.constant 3 : i32
      %mul3A_270 = vector.broadcast %mul3A_269 : i32 to vector<16xi32>
      %mul3A_271 = arith.muli %mul3A_270, %iota3A : vector<16xi32>
      %add3A_272 = arith.constant 912 : i32
      %add3A_273 = vector.broadcast %add3A_272 : i32 to vector<16xi32>
      %add3A_274 = arith.addi %add3A_273, %mul3A_271 : vector<16xi32>
      %add3A_275 = arith.constant 0 : i32
      %add3A_276 = vector.broadcast %add3A_275 : i32 to vector<16xi32>
      %add3A_277 = arith.addi %add3A_274, %add3A_276 : vector<16xi32>
      %gather3A_278 = tpu.vector_load_idx %arg6[%add3A_277] : memref<1536xf32, #tpu.memory_space<vmem>>[vector<16xi32>], vector<16xf32>,
      %swap3A_279 = arith.constant 304 : index
      %swap3A_280 = tpu.vector_load %arg7[%swap3A_279] {strides = array<i32>} : memref<512xf32, #tpu.memory_space<vmem>>, vector<16xf32>,
      tpu.vector_store %arg7[%swap3A_279], %gather3A_278 {strides = array<i32>} : memref<512xf32, #tpu.memory_space<vmem>>, vector<16xf32>,
      %mul3A_281 = arith.constant 3 : i32
      %mul3A_282 = vector.broadcast %mul3A_281 : i32 to vector<16xi32>
      %mul3A_283 = arith.muli %mul3A_282, %iota3A : vector<16xi32>
      %add3A_284 = arith.constant 960 : i32
      %add3A_285 = vector.broadcast %add3A_284 : i32 to vector<16xi32>
      %add3A_286 = arith.addi %add3A_285, %mul3A_283 : vector<16xi32>
      %add3A_287 = arith.constant 0 : i32
      %add3A_288 = vector.broadcast %add3A_287 : i32 to vector<16xi32>
      %add3A_289 = arith.addi %add3A_286, %add3A_288 : vector<16xi32>
      %gather3A_290 = tpu.vector_load_idx %arg6[%add3A_289] : memref<1536xf32, #tpu.memory_space<vmem>>[vector<16xi32>], vector<16xf32>,
      %swap3A_291 = arith.constant 320 : index
      %swap3A_292 = tpu.vector_load %arg7[%swap3A_291] {strides = array<i32>} : memref<512xf32, #tpu.memory_space<vmem>>, vector<16xf32>,
      tpu.vector_store %arg7[%swap3A_291], %gather3A_290 {strides = array<i32>} : memref<512xf32, #tpu.memory_space<vmem>>, vector<16xf32>,
      %mul3A_293 = arith.constant 3 : i32
      %mul3A_294 = vector.broadcast %mul3A_293 : i32 to vector<16xi32>
      %mul3A_295 = arith.muli %mul3A_294, %iota3A : vector<16xi32>
      %add3A_296 = arith.constant 1008 : i32
      %add3A_297 = vector.broadcast %add3A_296 : i32 to vector<16xi32>
      %add3A_298 = arith.addi %add3A_297, %mul3A_295 : vector<16xi32>
      %add3A_299 = arith.constant 0 : i32
      %add3A_300 = vector.broadcast %add3A_299 : i32 to vector<16xi32>
      %add3A_301 = arith.addi %add3A_298, %add3A_300 : vector<16xi32>
      %gather3A_302 = tpu.vector_load_idx %arg6[%add3A_301] : memref<1536xf32, #tpu.memory_space<vmem>>[vector<16xi32>], vector<16xf32>,
      %swap3A_303 = arith.constant 336 : index
      %swap3A_304 = tpu.vector_load %arg7[%swap3A_303] {strides = array<i32>} : memref<512xf32, #tpu.memory_space<vmem>>, vector<16xf32>,
      tpu.vector_store %arg7[%swap3A_303], %gather3A_302 {strides = array<i32>} : memref<512xf32, #tpu.memory_space<vmem>>, vector<16xf32>,
      %mul3A_305 = arith.constant 3 : i32
      %mul3A_306 = vector.broadcast %mul3A_305 : i32 to vector<16xi32>
      %mul3A_307 = arith.muli %mul3A_306, %iota3A : vector<16xi32>
      %add3A_308 = arith.constant 1056 : i32
      %add3A_309 = vector.broadcast %add3A_308 : i32 to vector<16xi32>
      %add3A_310 = arith.addi %add3A_309, %mul3A_307 : vector<16xi32>
      %add3A_311 = arith.constant 0 : i32
      %add3A_312 = vector.broadcast %add3A_311 : i32 to vector<16xi32>
      %add3A_313 = arith.addi %add3A_310, %add3A_312 : vector<16xi32>
      %gather3A_314 = tpu.vector_load_idx %arg6[%add3A_313] : memref<1536xf32, #tpu.memory_space<vmem>>[vector<16xi32>], vector<16xf32>,
      %swap3A_315 = arith.constant 352 : index
      %swap3A_316 = tpu.vector_load %arg7[%swap3A_315] {strides = array<i32>} : memref<512xf32, #tpu.memory_space<vmem>>, vector<16xf32>,
      tpu.vector_store %arg7[%swap3A_315], %gather3A_314 {strides = array<i32>} : memref<512xf32, #tpu.memory_space<vmem>>, vector<16xf32>,
      %mul3A_317 = arith.constant 3 : i32
      %mul3A_318 = vector.broadcast %mul3A_317 : i32 to vector<16xi32>
      %mul3A_319 = arith.muli %mul3A_318, %iota3A : vector<16xi32>
      %add3A_320 = arith.constant 1104 : i32
      %add3A_321 = vector.broadcast %add3A_320 : i32 to vector<16xi32>
      %add3A_322 = arith.addi %add3A_321, %mul3A_319 : vector<16xi32>
      %add3A_323 = arith.constant 0 : i32
      %add3A_324 = vector.broadcast %add3A_323 : i32 to vector<16xi32>
      %add3A_325 = arith.addi %add3A_322, %add3A_324 : vector<16xi32>
      %gather3A_326 = tpu.vector_load_idx %arg6[%add3A_325] : memref<1536xf32, #tpu.memory_space<vmem>>[vector<16xi32>], vector<16xf32>,
      %swap3A_327 = arith.constant 368 : index
      %swap3A_328 = tpu.vector_load %arg7[%swap3A_327] {strides = array<i32>} : memref<512xf32, #tpu.memory_space<vmem>>, vector<16xf32>,
      tpu.vector_store %arg7[%swap3A_327], %gather3A_326 {strides = array<i32>} : memref<512xf32, #tpu.memory_space<vmem>>, vector<16xf32>,
      %mul3A_329 = arith.constant 3 : i32
      %mul3A_330 = vector.broadcast %mul3A_329 : i32 to vector<16xi32>
      %mul3A_331 = arith.muli %mul3A_330, %iota3A : vector<16xi32>
      %add3A_332 = arith.constant 1152 : i32
      %add3A_333 = vector.broadcast %add3A_332 : i32 to vector<16xi32>
      %add3A_334 = arith.addi %add3A_333, %mul3A_331 : vector<16xi32>
      %add3A_335 = arith.constant 0 : i32
      %add3A_336 = vector.broadcast %add3A_335 : i32 to vector<16xi32>
      %add3A_337 = arith.addi %add3A_334, %add3A_336 : vector<16xi32>
      %gather3A_338 = tpu.vector_load_idx %arg6[%add3A_337] : memref<1536xf32, #tpu.memory_space<vmem>>[vector<16xi32>], vector<16xf32>,
      %swap3A_339 = arith.constant 384 : index
      %swap3A_340 = tpu.vector_load %arg7[%swap3A_339] {strides = array<i32>} : memref<512xf32, #tpu.memory_space<vmem>>, vector<16xf32>,
      tpu.vector_store %arg7[%swap3A_339], %gather3A_338 {strides = array<i32>} : memref<512xf32, #tpu.memory_space<vmem>>, vector<16xf32>,
      %mul3A_341 = arith.constant 3 : i32
      %mul3A_342 = vector.broadcast %mul3A_341 : i32 to vector<16xi32>
      %mul3A_343 = arith.muli %mul3A_342, %iota3A : vector<16xi32>
      %add3A_344 = arith.constant 1200 : i32
      %add3A_345 = vector.broadcast %add3A_344 : i32 to vector<16xi32>
      %add3A_346 = arith.addi %add3A_345, %mul3A_343 : vector<16xi32>
      %add3A_347 = arith.constant 0 : i32
      %add3A_348 = vector.broadcast %add3A_347 : i32 to vector<16xi32>
      %add3A_349 = arith.addi %add3A_346, %add3A_348 : vector<16xi32>
      %gather3A_350 = tpu.vector_load_idx %arg6[%add3A_349] : memref<1536xf32, #tpu.memory_space<vmem>>[vector<16xi32>], vector<16xf32>,
      %swap3A_351 = arith.constant 400 : index
      %swap3A_352 = tpu.vector_load %arg7[%swap3A_351] {strides = array<i32>} : memref<512xf32, #tpu.memory_space<vmem>>, vector<16xf32>,
      tpu.vector_store %arg7[%swap3A_351], %gather3A_350 {strides = array<i32>} : memref<512xf32, #tpu.memory_space<vmem>>, vector<16xf32>,
      %mul3A_353 = arith.constant 3 : i32
      %mul3A_354 = vector.broadcast %mul3A_353 : i32 to vector<16xi32>
      %mul3A_355 = arith.muli %mul3A_354, %iota3A : vector<16xi32>
      %add3A_356 = arith.constant 1248 : i32
      %add3A_357 = vector.broadcast %add3A_356 : i32 to vector<16xi32>
      %add3A_358 = arith.addi %add3A_357, %mul3A_355 : vector<16xi32>
      %add3A_359 = arith.constant 0 : i32
      %add3A_360 = vector.broadcast %add3A_359 : i32 to vector<16xi32>
      %add3A_361 = arith.addi %add3A_358, %add3A_360 : vector<16xi32>
      %gather3A_362 = tpu.vector_load_idx %arg6[%add3A_361] : memref<1536xf32, #tpu.memory_space<vmem>>[vector<16xi32>], vector<16xf32>,
      %swap3A_363 = arith.constant 416 : index
      %swap3A_364 = tpu.vector_load %arg7[%swap3A_363] {strides = array<i32>} : memref<512xf32, #tpu.memory_space<vmem>>, vector<16xf32>,
      tpu.vector_store %arg7[%swap3A_363], %gather3A_362 {strides = array<i32>} : memref<512xf32, #tpu.memory_space<vmem>>, vector<16xf32>,
      %mul3A_365 = arith.constant 3 : i32
      %mul3A_366 = vector.broadcast %mul3A_365 : i32 to vector<16xi32>
      %mul3A_367 = arith.muli %mul3A_366, %iota3A : vector<16xi32>
      %add3A_368 = arith.constant 1296 : i32
      %add3A_369 = vector.broadcast %add3A_368 : i32 to vector<16xi32>
      %add3A_370 = arith.addi %add3A_369, %mul3A_367 : vector<16xi32>
      %add3A_371 = arith.constant 0 : i32
      %add3A_372 = vector.broadcast %add3A_371 : i32 to vector<16xi32>
      %add3A_373 = arith.addi %add3A_370, %add3A_372 : vector<16xi32>
      %gather3A_374 = tpu.vector_load_idx %arg6[%add3A_373] : memref<1536xf32, #tpu.memory_space<vmem>>[vector<16xi32>], vector<16xf32>,
      %swap3A_375 = arith.constant 432 : index
      %swap3A_376 = tpu.vector_load %arg7[%swap3A_375] {strides = array<i32>} : memref<512xf32, #tpu.memory_space<vmem>>, vector<16xf32>,
      tpu.vector_store %arg7[%swap3A_375], %gather3A_374 {strides = array<i32>} : memref<512xf32, #tpu.memory_space<vmem>>, vector<16xf32>,
      %mul3A_377 = arith.constant 3 : i32
      %mul3A_378 = vector.broadcast %mul3A_377 : i32 to vector<16xi32>
      %mul3A_379 = arith.muli %mul3A_378, %iota3A : vector<16xi32>
      %add3A_380 = arith.constant 1344 : i32
      %add3A_381 = vector.broadcast %add3A_380 : i32 to vector<16xi32>
      %add3A_382 = arith.addi %add3A_381, %mul3A_379 : vector<16xi32>
      %add3A_383 = arith.constant 0 : i32
      %add3A_384 = vector.broadcast %add3A_383 : i32 to vector<16xi32>
      %add3A_385 = arith.addi %add3A_382, %add3A_384 : vector<16xi32>
      %gather3A_386 = tpu.vector_load_idx %arg6[%add3A_385] : memref<1536xf32, #tpu.memory_space<vmem>>[vector<16xi32>], vector<16xf32>,
      %swap3A_387 = arith.constant 448 : index
      %swap3A_388 = tpu.vector_load %arg7[%swap3A_387] {strides = array<i32>} : memref<512xf32, #tpu.memory_space<vmem>>, vector<16xf32>,
      tpu.vector_store %arg7[%swap3A_387], %gather3A_386 {strides = array<i32>} : memref<512xf32, #tpu.memory_space<vmem>>, vector<16xf32>,
      %mul3A_389 = arith.constant 3 : i32
      %mul3A_390 = vector.broadcast %mul3A_389 : i32 to vector<16xi32>
      %mul3A_391 = arith.muli %mul3A_390, %iota3A : vector<16xi32>
      %add3A_392 = arith.constant 1392 : i32
      %add3A_393 = vector.broadcast %add3A_392 : i32 to vector<16xi32>
      %add3A_394 = arith.addi %add3A_393, %mul3A_391 : vector<16xi32>
      %add3A_395 = arith.constant 0 : i32
      %add3A_396 = vector.broadcast %add3A_395 : i32 to vector<16xi32>
      %add3A_397 = arith.addi %add3A_394, %add3A_396 : vector<16xi32>
      %gather3A_398 = tpu.vector_load_idx %arg6[%add3A_397] : memref<1536xf32, #tpu.memory_space<vmem>>[vector<16xi32>], vector<16xf32>,
      %swap3A_399 = arith.constant 464 : index
      %swap3A_400 = tpu.vector_load %arg7[%swap3A_399] {strides = array<i32>} : memref<512xf32, #tpu.memory_space<vmem>>, vector<16xf32>,
      tpu.vector_store %arg7[%swap3A_399], %gather3A_398 {strides = array<i32>} : memref<512xf32, #tpu.memory_space<vmem>>, vector<16xf32>,
      %mul3A_401 = arith.constant 3 : i32
      %mul3A_402 = vector.broadcast %mul3A_401 : i32 to vector<16xi32>
      %mul3A_403 = arith.muli %mul3A_402, %iota3A : vector<16xi32>
      %add3A_404 = arith.constant 1440 : i32
      %add3A_405 = vector.broadcast %add3A_404 : i32 to vector<16xi32>
      %add3A_406 = arith.addi %add3A_405, %mul3A_403 : vector<16xi32>
      %add3A_407 = arith.constant 0 : i32
      %add3A_408 = vector.broadcast %add3A_407 : i32 to vector<16xi32>
      %add3A_409 = arith.addi %add3A_406, %add3A_408 : vector<16xi32>
      %gather3A_410 = tpu.vector_load_idx %arg6[%add3A_409] : memref<1536xf32, #tpu.memory_space<vmem>>[vector<16xi32>], vector<16xf32>,
      %swap3A_411 = arith.constant 480 : index
      %swap3A_412 = tpu.vector_load %arg7[%swap3A_411] {strides = array<i32>} : memref<512xf32, #tpu.memory_space<vmem>>, vector<16xf32>,
      tpu.vector_store %arg7[%swap3A_411], %gather3A_410 {strides = array<i32>} : memref<512xf32, #tpu.memory_space<vmem>>, vector<16xf32>,
      %mul3A_413 = arith.constant 3 : i32
      %mul3A_414 = vector.broadcast %mul3A_413 : i32 to vector<16xi32>
      %mul3A_415 = arith.muli %mul3A_414, %iota3A : vector<16xi32>
      %add3A_416 = arith.constant 1488 : i32
      %add3A_417 = vector.broadcast %add3A_416 : i32 to vector<16xi32>
      %add3A_418 = arith.addi %add3A_417, %mul3A_415 : vector<16xi32>
      %add3A_419 = arith.constant 0 : i32
      %add3A_420 = vector.broadcast %add3A_419 : i32 to vector<16xi32>
      %add3A_421 = arith.addi %add3A_418, %add3A_420 : vector<16xi32>
      %gather3A_422 = tpu.vector_load_idx %arg6[%add3A_421] : memref<1536xf32, #tpu.memory_space<vmem>>[vector<16xi32>], vector<16xf32>,
      %swap3A_423 = arith.constant 496 : index
      %swap3A_424 = tpu.vector_load %arg7[%swap3A_423] {strides = array<i32>} : memref<512xf32, #tpu.memory_space<vmem>>, vector<16xf32>,
      tpu.vector_store %arg7[%swap3A_423], %gather3A_422 {strides = array<i32>} : memref<512xf32, #tpu.memory_space<vmem>>, vector<16xf32>,
      "tpu.region"() ({
        %run_scoped3A = tpu.sem_alloc : memref<!tpu.dma_semaphore, #tpu.memory_space<semaphore_mem>>
        %dma_start3A = arith.constant 1536 : i32
        %dma_start3A_425 = tpu.memref_slice %arg5[%dma_start3A] : memref<4608xf32, #tpu.memory_space<hbm>> -> memref<512xf32, #tpu.memory_space<hbm>>
        %dma_start3A_426 = arith.constant 1536 : i32
        %dma_start3A_427 = tpu.memref_slice %arg5[%dma_start3A_426] : memref<4608xf32, #tpu.memory_space<hbm>> -> memref<512xf32, #tpu.memory_space<hbm>>
        tpu.enqueue_dma source(%arg7 : memref<512xf32, #tpu.memory_space<vmem>>) target(%dma_start3A_427 : memref<512xf32, #tpu.memory_space<hbm>>) target_semaphore(%run_scoped3A : memref<!tpu.dma_semaphore, #tpu.memory_space<semaphore_mem>>)
        %dma_wait3A = arith.constant 1536 : i32
        %dma_wait3A_428 = tpu.memref_slice %arg5[%dma_wait3A] : memref<4608xf32, #tpu.memory_space<hbm>> -> memref<512xf32, #tpu.memory_space<hbm>>
        %dma_wait3A_429 = arith.constant 1536 : i32
        %dma_wait3A_430 = tpu.memref_slice %arg5[%dma_wait3A_429] : memref<4608xf32, #tpu.memory_space<hbm>> -> memref<512xf32, #tpu.memory_space<hbm>>
        tpu.wait_dma2 semaphore(%run_scoped3A : memref<!tpu.dma_semaphore, #tpu.memory_space<semaphore_mem>>) src(%arg7 : memref<512xf32, #tpu.memory_space<vmem>>) dst(%dma_wait3A_430 : memref<512xf32, #tpu.memory_space<hbm>>)
        tpu.yield
      }) : () -> ()
    } else {
    }
    %eq3A_18 = arith.constant 4 : i32
    %eq3A_19 = arith.cmpi eq, %add3A, %eq3A_18 : i32
    %convert_element_type3A_20 = arith.extui %eq3A_19 : i1 to i32
    %cond3A_21 = arith.constant 0 : i32
    %cond3A_22 = arith.cmpi ne, %convert_element_type3A_20, %cond3A_21 : i32
    scf.if %cond3A_22 {
      "tpu.region"() ({
        %run_scoped3A = tpu.sem_alloc : memref<!tpu.dma_semaphore, #tpu.memory_space<semaphore_mem>>
        tpu.enqueue_dma source(%arg3 : memref<1536xf32, #tpu.memory_space<hbm>>) target(%arg6 : memref<1536xf32, #tpu.memory_space<vmem>>) target_semaphore(%run_scoped3A : memref<!tpu.dma_semaphore, #tpu.memory_space<semaphore_mem>>)
        tpu.wait_dma2 semaphore(%run_scoped3A : memref<!tpu.dma_semaphore, #tpu.memory_space<semaphore_mem>>) src(%arg3 : memref<1536xf32, #tpu.memory_space<hbm>>) dst(%arg6 : memref<1536xf32, #tpu.memory_space<vmem>>)
        tpu.yield
      }) : () -> ()
      %mul3A_43 = arith.constant 3 : i32
      %mul3A_44 = vector.broadcast %mul3A_43 : i32 to vector<16xi32>
      %mul3A_45 = arith.muli %mul3A_44, %iota3A : vector<16xi32>
      %add3A_46 = arith.constant 0 : i32
      %add3A_47 = vector.broadcast %add3A_46 : i32 to vector<16xi32>
      %add3A_48 = arith.addi %add3A_47, %mul3A_45 : vector<16xi32>
      %add3A_49 = arith.constant 1 : i32
      %add3A_50 = vector.broadcast %add3A_49 : i32 to vector<16xi32>
      %add3A_51 = arith.addi %add3A_48, %add3A_50 : vector<16xi32>
      %gather3A = tpu.vector_load_idx %arg6[%add3A_51] : memref<1536xf32, #tpu.memory_space<vmem>>[vector<16xi32>], vector<16xf32>,
      %swap3A = arith.constant 0 : index
      %swap3A_52 = tpu.vector_load %arg7[%swap3A] {strides = array<i32>} : memref<512xf32, #tpu.memory_space<vmem>>, vector<16xf32>,
      tpu.vector_store %arg7[%swap3A], %gather3A {strides = array<i32>} : memref<512xf32, #tpu.memory_space<vmem>>, vector<16xf32>,
      %mul3A_53 = arith.constant 3 : i32
      %mul3A_54 = vector.broadcast %mul3A_53 : i32 to vector<16xi32>
      %mul3A_55 = arith.muli %mul3A_54, %iota3A : vector<16xi32>
      %add3A_56 = arith.constant 48 : i32
      %add3A_57 = vector.broadcast %add3A_56 : i32 to vector<16xi32>
      %add3A_58 = arith.addi %add3A_57, %mul3A_55 : vector<16xi32>
      %add3A_59 = arith.constant 1 : i32
      %add3A_60 = vector.broadcast %add3A_59 : i32 to vector<16xi32>
      %add3A_61 = arith.addi %add3A_58, %add3A_60 : vector<16xi32>
      %gather3A_62 = tpu.vector_load_idx %arg6[%add3A_61] : memref<1536xf32, #tpu.memory_space<vmem>>[vector<16xi32>], vector<16xf32>,
      %swap3A_63 = arith.constant 16 : index
      %swap3A_64 = tpu.vector_load %arg7[%swap3A_63] {strides = array<i32>} : memref<512xf32, #tpu.memory_space<vmem>>, vector<16xf32>,
      tpu.vector_store %arg7[%swap3A_63], %gather3A_62 {strides = array<i32>} : memref<512xf32, #tpu.memory_space<vmem>>, vector<16xf32>,
      %mul3A_65 = arith.constant 3 : i32
      %mul3A_66 = vector.broadcast %mul3A_65 : i32 to vector<16xi32>
      %mul3A_67 = arith.muli %mul3A_66, %iota3A : vector<16xi32>
      %add3A_68 = arith.constant 96 : i32
      %add3A_69 = vector.broadcast %add3A_68 : i32 to vector<16xi32>
      %add3A_70 = arith.addi %add3A_69, %mul3A_67 : vector<16xi32>
      %add3A_71 = arith.constant 1 : i32
      %add3A_72 = vector.broadcast %add3A_71 : i32 to vector<16xi32>
      %add3A_73 = arith.addi %add3A_70, %add3A_72 : vector<16xi32>
      %gather3A_74 = tpu.vector_load_idx %arg6[%add3A_73] : memref<1536xf32, #tpu.memory_space<vmem>>[vector<16xi32>], vector<16xf32>,
      %swap3A_75 = arith.constant 32 : index
      %swap3A_76 = tpu.vector_load %arg7[%swap3A_75] {strides = array<i32>} : memref<512xf32, #tpu.memory_space<vmem>>, vector<16xf32>,
      tpu.vector_store %arg7[%swap3A_75], %gather3A_74 {strides = array<i32>} : memref<512xf32, #tpu.memory_space<vmem>>, vector<16xf32>,
      %mul3A_77 = arith.constant 3 : i32
      %mul3A_78 = vector.broadcast %mul3A_77 : i32 to vector<16xi32>
      %mul3A_79 = arith.muli %mul3A_78, %iota3A : vector<16xi32>
      %add3A_80 = arith.constant 144 : i32
      %add3A_81 = vector.broadcast %add3A_80 : i32 to vector<16xi32>
      %add3A_82 = arith.addi %add3A_81, %mul3A_79 : vector<16xi32>
      %add3A_83 = arith.constant 1 : i32
      %add3A_84 = vector.broadcast %add3A_83 : i32 to vector<16xi32>
      %add3A_85 = arith.addi %add3A_82, %add3A_84 : vector<16xi32>
      %gather3A_86 = tpu.vector_load_idx %arg6[%add3A_85] : memref<1536xf32, #tpu.memory_space<vmem>>[vector<16xi32>], vector<16xf32>,
      %swap3A_87 = arith.constant 48 : index
      %swap3A_88 = tpu.vector_load %arg7[%swap3A_87] {strides = array<i32>} : memref<512xf32, #tpu.memory_space<vmem>>, vector<16xf32>,
      tpu.vector_store %arg7[%swap3A_87], %gather3A_86 {strides = array<i32>} : memref<512xf32, #tpu.memory_space<vmem>>, vector<16xf32>,
      %mul3A_89 = arith.constant 3 : i32
      %mul3A_90 = vector.broadcast %mul3A_89 : i32 to vector<16xi32>
      %mul3A_91 = arith.muli %mul3A_90, %iota3A : vector<16xi32>
      %add3A_92 = arith.constant 192 : i32
      %add3A_93 = vector.broadcast %add3A_92 : i32 to vector<16xi32>
      %add3A_94 = arith.addi %add3A_93, %mul3A_91 : vector<16xi32>
      %add3A_95 = arith.constant 1 : i32
      %add3A_96 = vector.broadcast %add3A_95 : i32 to vector<16xi32>
      %add3A_97 = arith.addi %add3A_94, %add3A_96 : vector<16xi32>
      %gather3A_98 = tpu.vector_load_idx %arg6[%add3A_97] : memref<1536xf32, #tpu.memory_space<vmem>>[vector<16xi32>], vector<16xf32>,
      %swap3A_99 = arith.constant 64 : index
      %swap3A_100 = tpu.vector_load %arg7[%swap3A_99] {strides = array<i32>} : memref<512xf32, #tpu.memory_space<vmem>>, vector<16xf32>,
      tpu.vector_store %arg7[%swap3A_99], %gather3A_98 {strides = array<i32>} : memref<512xf32, #tpu.memory_space<vmem>>, vector<16xf32>,
      %mul3A_101 = arith.constant 3 : i32
      %mul3A_102 = vector.broadcast %mul3A_101 : i32 to vector<16xi32>
      %mul3A_103 = arith.muli %mul3A_102, %iota3A : vector<16xi32>
      %add3A_104 = arith.constant 240 : i32
      %add3A_105 = vector.broadcast %add3A_104 : i32 to vector<16xi32>
      %add3A_106 = arith.addi %add3A_105, %mul3A_103 : vector<16xi32>
      %add3A_107 = arith.constant 1 : i32
      %add3A_108 = vector.broadcast %add3A_107 : i32 to vector<16xi32>
      %add3A_109 = arith.addi %add3A_106, %add3A_108 : vector<16xi32>
      %gather3A_110 = tpu.vector_load_idx %arg6[%add3A_109] : memref<1536xf32, #tpu.memory_space<vmem>>[vector<16xi32>], vector<16xf32>,
      %swap3A_111 = arith.constant 80 : index
      %swap3A_112 = tpu.vector_load %arg7[%swap3A_111] {strides = array<i32>} : memref<512xf32, #tpu.memory_space<vmem>>, vector<16xf32>,
      tpu.vector_store %arg7[%swap3A_111], %gather3A_110 {strides = array<i32>} : memref<512xf32, #tpu.memory_space<vmem>>, vector<16xf32>,
      %mul3A_113 = arith.constant 3 : i32
      %mul3A_114 = vector.broadcast %mul3A_113 : i32 to vector<16xi32>
      %mul3A_115 = arith.muli %mul3A_114, %iota3A : vector<16xi32>
      %add3A_116 = arith.constant 288 : i32
      %add3A_117 = vector.broadcast %add3A_116 : i32 to vector<16xi32>
      %add3A_118 = arith.addi %add3A_117, %mul3A_115 : vector<16xi32>
      %add3A_119 = arith.constant 1 : i32
      %add3A_120 = vector.broadcast %add3A_119 : i32 to vector<16xi32>
      %add3A_121 = arith.addi %add3A_118, %add3A_120 : vector<16xi32>
      %gather3A_122 = tpu.vector_load_idx %arg6[%add3A_121] : memref<1536xf32, #tpu.memory_space<vmem>>[vector<16xi32>], vector<16xf32>,
      %swap3A_123 = arith.constant 96 : index
      %swap3A_124 = tpu.vector_load %arg7[%swap3A_123] {strides = array<i32>} : memref<512xf32, #tpu.memory_space<vmem>>, vector<16xf32>,
      tpu.vector_store %arg7[%swap3A_123], %gather3A_122 {strides = array<i32>} : memref<512xf32, #tpu.memory_space<vmem>>, vector<16xf32>,
      %mul3A_125 = arith.constant 3 : i32
      %mul3A_126 = vector.broadcast %mul3A_125 : i32 to vector<16xi32>
      %mul3A_127 = arith.muli %mul3A_126, %iota3A : vector<16xi32>
      %add3A_128 = arith.constant 336 : i32
      %add3A_129 = vector.broadcast %add3A_128 : i32 to vector<16xi32>
      %add3A_130 = arith.addi %add3A_129, %mul3A_127 : vector<16xi32>
      %add3A_131 = arith.constant 1 : i32
      %add3A_132 = vector.broadcast %add3A_131 : i32 to vector<16xi32>
      %add3A_133 = arith.addi %add3A_130, %add3A_132 : vector<16xi32>
      %gather3A_134 = tpu.vector_load_idx %arg6[%add3A_133] : memref<1536xf32, #tpu.memory_space<vmem>>[vector<16xi32>], vector<16xf32>,
      %swap3A_135 = arith.constant 112 : index
      %swap3A_136 = tpu.vector_load %arg7[%swap3A_135] {strides = array<i32>} : memref<512xf32, #tpu.memory_space<vmem>>, vector<16xf32>,
      tpu.vector_store %arg7[%swap3A_135], %gather3A_134 {strides = array<i32>} : memref<512xf32, #tpu.memory_space<vmem>>, vector<16xf32>,
      %mul3A_137 = arith.constant 3 : i32
      %mul3A_138 = vector.broadcast %mul3A_137 : i32 to vector<16xi32>
      %mul3A_139 = arith.muli %mul3A_138, %iota3A : vector<16xi32>
      %add3A_140 = arith.constant 384 : i32
      %add3A_141 = vector.broadcast %add3A_140 : i32 to vector<16xi32>
      %add3A_142 = arith.addi %add3A_141, %mul3A_139 : vector<16xi32>
      %add3A_143 = arith.constant 1 : i32
      %add3A_144 = vector.broadcast %add3A_143 : i32 to vector<16xi32>
      %add3A_145 = arith.addi %add3A_142, %add3A_144 : vector<16xi32>
      %gather3A_146 = tpu.vector_load_idx %arg6[%add3A_145] : memref<1536xf32, #tpu.memory_space<vmem>>[vector<16xi32>], vector<16xf32>,
      %swap3A_147 = arith.constant 128 : index
      %swap3A_148 = tpu.vector_load %arg7[%swap3A_147] {strides = array<i32>} : memref<512xf32, #tpu.memory_space<vmem>>, vector<16xf32>,
      tpu.vector_store %arg7[%swap3A_147], %gather3A_146 {strides = array<i32>} : memref<512xf32, #tpu.memory_space<vmem>>, vector<16xf32>,
      %mul3A_149 = arith.constant 3 : i32
      %mul3A_150 = vector.broadcast %mul3A_149 : i32 to vector<16xi32>
      %mul3A_151 = arith.muli %mul3A_150, %iota3A : vector<16xi32>
      %add3A_152 = arith.constant 432 : i32
      %add3A_153 = vector.broadcast %add3A_152 : i32 to vector<16xi32>
      %add3A_154 = arith.addi %add3A_153, %mul3A_151 : vector<16xi32>
      %add3A_155 = arith.constant 1 : i32
      %add3A_156 = vector.broadcast %add3A_155 : i32 to vector<16xi32>
      %add3A_157 = arith.addi %add3A_154, %add3A_156 : vector<16xi32>
      %gather3A_158 = tpu.vector_load_idx %arg6[%add3A_157] : memref<1536xf32, #tpu.memory_space<vmem>>[vector<16xi32>], vector<16xf32>,
      %swap3A_159 = arith.constant 144 : index
      %swap3A_160 = tpu.vector_load %arg7[%swap3A_159] {strides = array<i32>} : memref<512xf32, #tpu.memory_space<vmem>>, vector<16xf32>,
      tpu.vector_store %arg7[%swap3A_159], %gather3A_158 {strides = array<i32>} : memref<512xf32, #tpu.memory_space<vmem>>, vector<16xf32>,
      %mul3A_161 = arith.constant 3 : i32
      %mul3A_162 = vector.broadcast %mul3A_161 : i32 to vector<16xi32>
      %mul3A_163 = arith.muli %mul3A_162, %iota3A : vector<16xi32>
      %add3A_164 = arith.constant 480 : i32
      %add3A_165 = vector.broadcast %add3A_164 : i32 to vector<16xi32>
      %add3A_166 = arith.addi %add3A_165, %mul3A_163 : vector<16xi32>
      %add3A_167 = arith.constant 1 : i32
      %add3A_168 = vector.broadcast %add3A_167 : i32 to vector<16xi32>
      %add3A_169 = arith.addi %add3A_166, %add3A_168 : vector<16xi32>
      %gather3A_170 = tpu.vector_load_idx %arg6[%add3A_169] : memref<1536xf32, #tpu.memory_space<vmem>>[vector<16xi32>], vector<16xf32>,
      %swap3A_171 = arith.constant 160 : index
      %swap3A_172 = tpu.vector_load %arg7[%swap3A_171] {strides = array<i32>} : memref<512xf32, #tpu.memory_space<vmem>>, vector<16xf32>,
      tpu.vector_store %arg7[%swap3A_171], %gather3A_170 {strides = array<i32>} : memref<512xf32, #tpu.memory_space<vmem>>, vector<16xf32>,
      %mul3A_173 = arith.constant 3 : i32
      %mul3A_174 = vector.broadcast %mul3A_173 : i32 to vector<16xi32>
      %mul3A_175 = arith.muli %mul3A_174, %iota3A : vector<16xi32>
      %add3A_176 = arith.constant 528 : i32
      %add3A_177 = vector.broadcast %add3A_176 : i32 to vector<16xi32>
      %add3A_178 = arith.addi %add3A_177, %mul3A_175 : vector<16xi32>
      %add3A_179 = arith.constant 1 : i32
      %add3A_180 = vector.broadcast %add3A_179 : i32 to vector<16xi32>
      %add3A_181 = arith.addi %add3A_178, %add3A_180 : vector<16xi32>
      %gather3A_182 = tpu.vector_load_idx %arg6[%add3A_181] : memref<1536xf32, #tpu.memory_space<vmem>>[vector<16xi32>], vector<16xf32>,
      %swap3A_183 = arith.constant 176 : index
      %swap3A_184 = tpu.vector_load %arg7[%swap3A_183] {strides = array<i32>} : memref<512xf32, #tpu.memory_space<vmem>>, vector<16xf32>,
      tpu.vector_store %arg7[%swap3A_183], %gather3A_182 {strides = array<i32>} : memref<512xf32, #tpu.memory_space<vmem>>, vector<16xf32>,
      %mul3A_185 = arith.constant 3 : i32
      %mul3A_186 = vector.broadcast %mul3A_185 : i32 to vector<16xi32>
      %mul3A_187 = arith.muli %mul3A_186, %iota3A : vector<16xi32>
      %add3A_188 = arith.constant 576 : i32
      %add3A_189 = vector.broadcast %add3A_188 : i32 to vector<16xi32>
      %add3A_190 = arith.addi %add3A_189, %mul3A_187 : vector<16xi32>
      %add3A_191 = arith.constant 1 : i32
      %add3A_192 = vector.broadcast %add3A_191 : i32 to vector<16xi32>
      %add3A_193 = arith.addi %add3A_190, %add3A_192 : vector<16xi32>
      %gather3A_194 = tpu.vector_load_idx %arg6[%add3A_193] : memref<1536xf32, #tpu.memory_space<vmem>>[vector<16xi32>], vector<16xf32>,
      %swap3A_195 = arith.constant 192 : index
      %swap3A_196 = tpu.vector_load %arg7[%swap3A_195] {strides = array<i32>} : memref<512xf32, #tpu.memory_space<vmem>>, vector<16xf32>,
      tpu.vector_store %arg7[%swap3A_195], %gather3A_194 {strides = array<i32>} : memref<512xf32, #tpu.memory_space<vmem>>, vector<16xf32>,
      %mul3A_197 = arith.constant 3 : i32
      %mul3A_198 = vector.broadcast %mul3A_197 : i32 to vector<16xi32>
      %mul3A_199 = arith.muli %mul3A_198, %iota3A : vector<16xi32>
      %add3A_200 = arith.constant 624 : i32
      %add3A_201 = vector.broadcast %add3A_200 : i32 to vector<16xi32>
      %add3A_202 = arith.addi %add3A_201, %mul3A_199 : vector<16xi32>
      %add3A_203 = arith.constant 1 : i32
      %add3A_204 = vector.broadcast %add3A_203 : i32 to vector<16xi32>
      %add3A_205 = arith.addi %add3A_202, %add3A_204 : vector<16xi32>
      %gather3A_206 = tpu.vector_load_idx %arg6[%add3A_205] : memref<1536xf32, #tpu.memory_space<vmem>>[vector<16xi32>], vector<16xf32>,
      %swap3A_207 = arith.constant 208 : index
      %swap3A_208 = tpu.vector_load %arg7[%swap3A_207] {strides = array<i32>} : memref<512xf32, #tpu.memory_space<vmem>>, vector<16xf32>,
      tpu.vector_store %arg7[%swap3A_207], %gather3A_206 {strides = array<i32>} : memref<512xf32, #tpu.memory_space<vmem>>, vector<16xf32>,
      %mul3A_209 = arith.constant 3 : i32
      %mul3A_210 = vector.broadcast %mul3A_209 : i32 to vector<16xi32>
      %mul3A_211 = arith.muli %mul3A_210, %iota3A : vector<16xi32>
      %add3A_212 = arith.constant 672 : i32
      %add3A_213 = vector.broadcast %add3A_212 : i32 to vector<16xi32>
      %add3A_214 = arith.addi %add3A_213, %mul3A_211 : vector<16xi32>
      %add3A_215 = arith.constant 1 : i32
      %add3A_216 = vector.broadcast %add3A_215 : i32 to vector<16xi32>
      %add3A_217 = arith.addi %add3A_214, %add3A_216 : vector<16xi32>
      %gather3A_218 = tpu.vector_load_idx %arg6[%add3A_217] : memref<1536xf32, #tpu.memory_space<vmem>>[vector<16xi32>], vector<16xf32>,
      %swap3A_219 = arith.constant 224 : index
      %swap3A_220 = tpu.vector_load %arg7[%swap3A_219] {strides = array<i32>} : memref<512xf32, #tpu.memory_space<vmem>>, vector<16xf32>,
      tpu.vector_store %arg7[%swap3A_219], %gather3A_218 {strides = array<i32>} : memref<512xf32, #tpu.memory_space<vmem>>, vector<16xf32>,
      %mul3A_221 = arith.constant 3 : i32
      %mul3A_222 = vector.broadcast %mul3A_221 : i32 to vector<16xi32>
      %mul3A_223 = arith.muli %mul3A_222, %iota3A : vector<16xi32>
      %add3A_224 = arith.constant 720 : i32
      %add3A_225 = vector.broadcast %add3A_224 : i32 to vector<16xi32>
      %add3A_226 = arith.addi %add3A_225, %mul3A_223 : vector<16xi32>
      %add3A_227 = arith.constant 1 : i32
      %add3A_228 = vector.broadcast %add3A_227 : i32 to vector<16xi32>
      %add3A_229 = arith.addi %add3A_226, %add3A_228 : vector<16xi32>
      %gather3A_230 = tpu.vector_load_idx %arg6[%add3A_229] : memref<1536xf32, #tpu.memory_space<vmem>>[vector<16xi32>], vector<16xf32>,
      %swap3A_231 = arith.constant 240 : index
      %swap3A_232 = tpu.vector_load %arg7[%swap3A_231] {strides = array<i32>} : memref<512xf32, #tpu.memory_space<vmem>>, vector<16xf32>,
      tpu.vector_store %arg7[%swap3A_231], %gather3A_230 {strides = array<i32>} : memref<512xf32, #tpu.memory_space<vmem>>, vector<16xf32>,
      %mul3A_233 = arith.constant 3 : i32
      %mul3A_234 = vector.broadcast %mul3A_233 : i32 to vector<16xi32>
      %mul3A_235 = arith.muli %mul3A_234, %iota3A : vector<16xi32>
      %add3A_236 = arith.constant 768 : i32
      %add3A_237 = vector.broadcast %add3A_236 : i32 to vector<16xi32>
      %add3A_238 = arith.addi %add3A_237, %mul3A_235 : vector<16xi32>
      %add3A_239 = arith.constant 1 : i32
      %add3A_240 = vector.broadcast %add3A_239 : i32 to vector<16xi32>
      %add3A_241 = arith.addi %add3A_238, %add3A_240 : vector<16xi32>
      %gather3A_242 = tpu.vector_load_idx %arg6[%add3A_241] : memref<1536xf32, #tpu.memory_space<vmem>>[vector<16xi32>], vector<16xf32>,
      %swap3A_243 = arith.constant 256 : index
      %swap3A_244 = tpu.vector_load %arg7[%swap3A_243] {strides = array<i32>} : memref<512xf32, #tpu.memory_space<vmem>>, vector<16xf32>,
      tpu.vector_store %arg7[%swap3A_243], %gather3A_242 {strides = array<i32>} : memref<512xf32, #tpu.memory_space<vmem>>, vector<16xf32>,
      %mul3A_245 = arith.constant 3 : i32
      %mul3A_246 = vector.broadcast %mul3A_245 : i32 to vector<16xi32>
      %mul3A_247 = arith.muli %mul3A_246, %iota3A : vector<16xi32>
      %add3A_248 = arith.constant 816 : i32
      %add3A_249 = vector.broadcast %add3A_248 : i32 to vector<16xi32>
      %add3A_250 = arith.addi %add3A_249, %mul3A_247 : vector<16xi32>
      %add3A_251 = arith.constant 1 : i32
      %add3A_252 = vector.broadcast %add3A_251 : i32 to vector<16xi32>
      %add3A_253 = arith.addi %add3A_250, %add3A_252 : vector<16xi32>
      %gather3A_254 = tpu.vector_load_idx %arg6[%add3A_253] : memref<1536xf32, #tpu.memory_space<vmem>>[vector<16xi32>], vector<16xf32>,
      %swap3A_255 = arith.constant 272 : index
      %swap3A_256 = tpu.vector_load %arg7[%swap3A_255] {strides = array<i32>} : memref<512xf32, #tpu.memory_space<vmem>>, vector<16xf32>,
      tpu.vector_store %arg7[%swap3A_255], %gather3A_254 {strides = array<i32>} : memref<512xf32, #tpu.memory_space<vmem>>, vector<16xf32>,
      %mul3A_257 = arith.constant 3 : i32
      %mul3A_258 = vector.broadcast %mul3A_257 : i32 to vector<16xi32>
      %mul3A_259 = arith.muli %mul3A_258, %iota3A : vector<16xi32>
      %add3A_260 = arith.constant 864 : i32
      %add3A_261 = vector.broadcast %add3A_260 : i32 to vector<16xi32>
      %add3A_262 = arith.addi %add3A_261, %mul3A_259 : vector<16xi32>
      %add3A_263 = arith.constant 1 : i32
      %add3A_264 = vector.broadcast %add3A_263 : i32 to vector<16xi32>
      %add3A_265 = arith.addi %add3A_262, %add3A_264 : vector<16xi32>
      %gather3A_266 = tpu.vector_load_idx %arg6[%add3A_265] : memref<1536xf32, #tpu.memory_space<vmem>>[vector<16xi32>], vector<16xf32>,
      %swap3A_267 = arith.constant 288 : index
      %swap3A_268 = tpu.vector_load %arg7[%swap3A_267] {strides = array<i32>} : memref<512xf32, #tpu.memory_space<vmem>>, vector<16xf32>,
      tpu.vector_store %arg7[%swap3A_267], %gather3A_266 {strides = array<i32>} : memref<512xf32, #tpu.memory_space<vmem>>, vector<16xf32>,
      %mul3A_269 = arith.constant 3 : i32
      %mul3A_270 = vector.broadcast %mul3A_269 : i32 to vector<16xi32>
      %mul3A_271 = arith.muli %mul3A_270, %iota3A : vector<16xi32>
      %add3A_272 = arith.constant 912 : i32
      %add3A_273 = vector.broadcast %add3A_272 : i32 to vector<16xi32>
      %add3A_274 = arith.addi %add3A_273, %mul3A_271 : vector<16xi32>
      %add3A_275 = arith.constant 1 : i32
      %add3A_276 = vector.broadcast %add3A_275 : i32 to vector<16xi32>
      %add3A_277 = arith.addi %add3A_274, %add3A_276 : vector<16xi32>
      %gather3A_278 = tpu.vector_load_idx %arg6[%add3A_277] : memref<1536xf32, #tpu.memory_space<vmem>>[vector<16xi32>], vector<16xf32>,
      %swap3A_279 = arith.constant 304 : index
      %swap3A_280 = tpu.vector_load %arg7[%swap3A_279] {strides = array<i32>} : memref<512xf32, #tpu.memory_space<vmem>>, vector<16xf32>,
      tpu.vector_store %arg7[%swap3A_279], %gather3A_278 {strides = array<i32>} : memref<512xf32, #tpu.memory_space<vmem>>, vector<16xf32>,
      %mul3A_281 = arith.constant 3 : i32
      %mul3A_282 = vector.broadcast %mul3A_281 : i32 to vector<16xi32>
      %mul3A_283 = arith.muli %mul3A_282, %iota3A : vector<16xi32>
      %add3A_284 = arith.constant 960 : i32
      %add3A_285 = vector.broadcast %add3A_284 : i32 to vector<16xi32>
      %add3A_286 = arith.addi %add3A_285, %mul3A_283 : vector<16xi32>
      %add3A_287 = arith.constant 1 : i32
      %add3A_288 = vector.broadcast %add3A_287 : i32 to vector<16xi32>
      %add3A_289 = arith.addi %add3A_286, %add3A_288 : vector<16xi32>
      %gather3A_290 = tpu.vector_load_idx %arg6[%add3A_289] : memref<1536xf32, #tpu.memory_space<vmem>>[vector<16xi32>], vector<16xf32>,
      %swap3A_291 = arith.constant 320 : index
      %swap3A_292 = tpu.vector_load %arg7[%swap3A_291] {strides = array<i32>} : memref<512xf32, #tpu.memory_space<vmem>>, vector<16xf32>,
      tpu.vector_store %arg7[%swap3A_291], %gather3A_290 {strides = array<i32>} : memref<512xf32, #tpu.memory_space<vmem>>, vector<16xf32>,
      %mul3A_293 = arith.constant 3 : i32
      %mul3A_294 = vector.broadcast %mul3A_293 : i32 to vector<16xi32>
      %mul3A_295 = arith.muli %mul3A_294, %iota3A : vector<16xi32>
      %add3A_296 = arith.constant 1008 : i32
      %add3A_297 = vector.broadcast %add3A_296 : i32 to vector<16xi32>
      %add3A_298 = arith.addi %add3A_297, %mul3A_295 : vector<16xi32>
      %add3A_299 = arith.constant 1 : i32
      %add3A_300 = vector.broadcast %add3A_299 : i32 to vector<16xi32>
      %add3A_301 = arith.addi %add3A_298, %add3A_300 : vector<16xi32>
      %gather3A_302 = tpu.vector_load_idx %arg6[%add3A_301] : memref<1536xf32, #tpu.memory_space<vmem>>[vector<16xi32>], vector<16xf32>,
      %swap3A_303 = arith.constant 336 : index
      %swap3A_304 = tpu.vector_load %arg7[%swap3A_303] {strides = array<i32>} : memref<512xf32, #tpu.memory_space<vmem>>, vector<16xf32>,
      tpu.vector_store %arg7[%swap3A_303], %gather3A_302 {strides = array<i32>} : memref<512xf32, #tpu.memory_space<vmem>>, vector<16xf32>,
      %mul3A_305 = arith.constant 3 : i32
      %mul3A_306 = vector.broadcast %mul3A_305 : i32 to vector<16xi32>
      %mul3A_307 = arith.muli %mul3A_306, %iota3A : vector<16xi32>
      %add3A_308 = arith.constant 1056 : i32
      %add3A_309 = vector.broadcast %add3A_308 : i32 to vector<16xi32>
      %add3A_310 = arith.addi %add3A_309, %mul3A_307 : vector<16xi32>
      %add3A_311 = arith.constant 1 : i32
      %add3A_312 = vector.broadcast %add3A_311 : i32 to vector<16xi32>
      %add3A_313 = arith.addi %add3A_310, %add3A_312 : vector<16xi32>
      %gather3A_314 = tpu.vector_load_idx %arg6[%add3A_313] : memref<1536xf32, #tpu.memory_space<vmem>>[vector<16xi32>], vector<16xf32>,
      %swap3A_315 = arith.constant 352 : index
      %swap3A_316 = tpu.vector_load %arg7[%swap3A_315] {strides = array<i32>} : memref<512xf32, #tpu.memory_space<vmem>>, vector<16xf32>,
      tpu.vector_store %arg7[%swap3A_315], %gather3A_314 {strides = array<i32>} : memref<512xf32, #tpu.memory_space<vmem>>, vector<16xf32>,
      %mul3A_317 = arith.constant 3 : i32
      %mul3A_318 = vector.broadcast %mul3A_317 : i32 to vector<16xi32>
      %mul3A_319 = arith.muli %mul3A_318, %iota3A : vector<16xi32>
      %add3A_320 = arith.constant 1104 : i32
      %add3A_321 = vector.broadcast %add3A_320 : i32 to vector<16xi32>
      %add3A_322 = arith.addi %add3A_321, %mul3A_319 : vector<16xi32>
      %add3A_323 = arith.constant 1 : i32
      %add3A_324 = vector.broadcast %add3A_323 : i32 to vector<16xi32>
      %add3A_325 = arith.addi %add3A_322, %add3A_324 : vector<16xi32>
      %gather3A_326 = tpu.vector_load_idx %arg6[%add3A_325] : memref<1536xf32, #tpu.memory_space<vmem>>[vector<16xi32>], vector<16xf32>,
      %swap3A_327 = arith.constant 368 : index
      %swap3A_328 = tpu.vector_load %arg7[%swap3A_327] {strides = array<i32>} : memref<512xf32, #tpu.memory_space<vmem>>, vector<16xf32>,
      tpu.vector_store %arg7[%swap3A_327], %gather3A_326 {strides = array<i32>} : memref<512xf32, #tpu.memory_space<vmem>>, vector<16xf32>,
      %mul3A_329 = arith.constant 3 : i32
      %mul3A_330 = vector.broadcast %mul3A_329 : i32 to vector<16xi32>
      %mul3A_331 = arith.muli %mul3A_330, %iota3A : vector<16xi32>
      %add3A_332 = arith.constant 1152 : i32
      %add3A_333 = vector.broadcast %add3A_332 : i32 to vector<16xi32>
      %add3A_334 = arith.addi %add3A_333, %mul3A_331 : vector<16xi32>
      %add3A_335 = arith.constant 1 : i32
      %add3A_336 = vector.broadcast %add3A_335 : i32 to vector<16xi32>
      %add3A_337 = arith.addi %add3A_334, %add3A_336 : vector<16xi32>
      %gather3A_338 = tpu.vector_load_idx %arg6[%add3A_337] : memref<1536xf32, #tpu.memory_space<vmem>>[vector<16xi32>], vector<16xf32>,
      %swap3A_339 = arith.constant 384 : index
      %swap3A_340 = tpu.vector_load %arg7[%swap3A_339] {strides = array<i32>} : memref<512xf32, #tpu.memory_space<vmem>>, vector<16xf32>,
      tpu.vector_store %arg7[%swap3A_339], %gather3A_338 {strides = array<i32>} : memref<512xf32, #tpu.memory_space<vmem>>, vector<16xf32>,
      %mul3A_341 = arith.constant 3 : i32
      %mul3A_342 = vector.broadcast %mul3A_341 : i32 to vector<16xi32>
      %mul3A_343 = arith.muli %mul3A_342, %iota3A : vector<16xi32>
      %add3A_344 = arith.constant 1200 : i32
      %add3A_345 = vector.broadcast %add3A_344 : i32 to vector<16xi32>
      %add3A_346 = arith.addi %add3A_345, %mul3A_343 : vector<16xi32>
      %add3A_347 = arith.constant 1 : i32
      %add3A_348 = vector.broadcast %add3A_347 : i32 to vector<16xi32>
      %add3A_349 = arith.addi %add3A_346, %add3A_348 : vector<16xi32>
      %gather3A_350 = tpu.vector_load_idx %arg6[%add3A_349] : memref<1536xf32, #tpu.memory_space<vmem>>[vector<16xi32>], vector<16xf32>,
      %swap3A_351 = arith.constant 400 : index
      %swap3A_352 = tpu.vector_load %arg7[%swap3A_351] {strides = array<i32>} : memref<512xf32, #tpu.memory_space<vmem>>, vector<16xf32>,
      tpu.vector_store %arg7[%swap3A_351], %gather3A_350 {strides = array<i32>} : memref<512xf32, #tpu.memory_space<vmem>>, vector<16xf32>,
      %mul3A_353 = arith.constant 3 : i32
      %mul3A_354 = vector.broadcast %mul3A_353 : i32 to vector<16xi32>
      %mul3A_355 = arith.muli %mul3A_354, %iota3A : vector<16xi32>
      %add3A_356 = arith.constant 1248 : i32
      %add3A_357 = vector.broadcast %add3A_356 : i32 to vector<16xi32>
      %add3A_358 = arith.addi %add3A_357, %mul3A_355 : vector<16xi32>
      %add3A_359 = arith.constant 1 : i32
      %add3A_360 = vector.broadcast %add3A_359 : i32 to vector<16xi32>
      %add3A_361 = arith.addi %add3A_358, %add3A_360 : vector<16xi32>
      %gather3A_362 = tpu.vector_load_idx %arg6[%add3A_361] : memref<1536xf32, #tpu.memory_space<vmem>>[vector<16xi32>], vector<16xf32>,
      %swap3A_363 = arith.constant 416 : index
      %swap3A_364 = tpu.vector_load %arg7[%swap3A_363] {strides = array<i32>} : memref<512xf32, #tpu.memory_space<vmem>>, vector<16xf32>,
      tpu.vector_store %arg7[%swap3A_363], %gather3A_362 {strides = array<i32>} : memref<512xf32, #tpu.memory_space<vmem>>, vector<16xf32>,
      %mul3A_365 = arith.constant 3 : i32
      %mul3A_366 = vector.broadcast %mul3A_365 : i32 to vector<16xi32>
      %mul3A_367 = arith.muli %mul3A_366, %iota3A : vector<16xi32>
      %add3A_368 = arith.constant 1296 : i32
      %add3A_369 = vector.broadcast %add3A_368 : i32 to vector<16xi32>
      %add3A_370 = arith.addi %add3A_369, %mul3A_367 : vector<16xi32>
      %add3A_371 = arith.constant 1 : i32
      %add3A_372 = vector.broadcast %add3A_371 : i32 to vector<16xi32>
      %add3A_373 = arith.addi %add3A_370, %add3A_372 : vector<16xi32>
      %gather3A_374 = tpu.vector_load_idx %arg6[%add3A_373] : memref<1536xf32, #tpu.memory_space<vmem>>[vector<16xi32>], vector<16xf32>,
      %swap3A_375 = arith.constant 432 : index
      %swap3A_376 = tpu.vector_load %arg7[%swap3A_375] {strides = array<i32>} : memref<512xf32, #tpu.memory_space<vmem>>, vector<16xf32>,
      tpu.vector_store %arg7[%swap3A_375], %gather3A_374 {strides = array<i32>} : memref<512xf32, #tpu.memory_space<vmem>>, vector<16xf32>,
      %mul3A_377 = arith.constant 3 : i32
      %mul3A_378 = vector.broadcast %mul3A_377 : i32 to vector<16xi32>
      %mul3A_379 = arith.muli %mul3A_378, %iota3A : vector<16xi32>
      %add3A_380 = arith.constant 1344 : i32
      %add3A_381 = vector.broadcast %add3A_380 : i32 to vector<16xi32>
      %add3A_382 = arith.addi %add3A_381, %mul3A_379 : vector<16xi32>
      %add3A_383 = arith.constant 1 : i32
      %add3A_384 = vector.broadcast %add3A_383 : i32 to vector<16xi32>
      %add3A_385 = arith.addi %add3A_382, %add3A_384 : vector<16xi32>
      %gather3A_386 = tpu.vector_load_idx %arg6[%add3A_385] : memref<1536xf32, #tpu.memory_space<vmem>>[vector<16xi32>], vector<16xf32>,
      %swap3A_387 = arith.constant 448 : index
      %swap3A_388 = tpu.vector_load %arg7[%swap3A_387] {strides = array<i32>} : memref<512xf32, #tpu.memory_space<vmem>>, vector<16xf32>,
      tpu.vector_store %arg7[%swap3A_387], %gather3A_386 {strides = array<i32>} : memref<512xf32, #tpu.memory_space<vmem>>, vector<16xf32>,
      %mul3A_389 = arith.constant 3 : i32
      %mul3A_390 = vector.broadcast %mul3A_389 : i32 to vector<16xi32>
      %mul3A_391 = arith.muli %mul3A_390, %iota3A : vector<16xi32>
      %add3A_392 = arith.constant 1392 : i32
      %add3A_393 = vector.broadcast %add3A_392 : i32 to vector<16xi32>
      %add3A_394 = arith.addi %add3A_393, %mul3A_391 : vector<16xi32>
      %add3A_395 = arith.constant 1 : i32
      %add3A_396 = vector.broadcast %add3A_395 : i32 to vector<16xi32>
      %add3A_397 = arith.addi %add3A_394, %add3A_396 : vector<16xi32>
      %gather3A_398 = tpu.vector_load_idx %arg6[%add3A_397] : memref<1536xf32, #tpu.memory_space<vmem>>[vector<16xi32>], vector<16xf32>,
      %swap3A_399 = arith.constant 464 : index
      %swap3A_400 = tpu.vector_load %arg7[%swap3A_399] {strides = array<i32>} : memref<512xf32, #tpu.memory_space<vmem>>, vector<16xf32>,
      tpu.vector_store %arg7[%swap3A_399], %gather3A_398 {strides = array<i32>} : memref<512xf32, #tpu.memory_space<vmem>>, vector<16xf32>,
      %mul3A_401 = arith.constant 3 : i32
      %mul3A_402 = vector.broadcast %mul3A_401 : i32 to vector<16xi32>
      %mul3A_403 = arith.muli %mul3A_402, %iota3A : vector<16xi32>
      %add3A_404 = arith.constant 1440 : i32
      %add3A_405 = vector.broadcast %add3A_404 : i32 to vector<16xi32>
      %add3A_406 = arith.addi %add3A_405, %mul3A_403 : vector<16xi32>
      %add3A_407 = arith.constant 1 : i32
      %add3A_408 = vector.broadcast %add3A_407 : i32 to vector<16xi32>
      %add3A_409 = arith.addi %add3A_406, %add3A_408 : vector<16xi32>
      %gather3A_410 = tpu.vector_load_idx %arg6[%add3A_409] : memref<1536xf32, #tpu.memory_space<vmem>>[vector<16xi32>], vector<16xf32>,
      %swap3A_411 = arith.constant 480 : index
      %swap3A_412 = tpu.vector_load %arg7[%swap3A_411] {strides = array<i32>} : memref<512xf32, #tpu.memory_space<vmem>>, vector<16xf32>,
      tpu.vector_store %arg7[%swap3A_411], %gather3A_410 {strides = array<i32>} : memref<512xf32, #tpu.memory_space<vmem>>, vector<16xf32>,
      %mul3A_413 = arith.constant 3 : i32
      %mul3A_414 = vector.broadcast %mul3A_413 : i32 to vector<16xi32>
      %mul3A_415 = arith.muli %mul3A_414, %iota3A : vector<16xi32>
      %add3A_416 = arith.constant 1488 : i32
      %add3A_417 = vector.broadcast %add3A_416 : i32 to vector<16xi32>
      %add3A_418 = arith.addi %add3A_417, %mul3A_415 : vector<16xi32>
      %add3A_419 = arith.constant 1 : i32
      %add3A_420 = vector.broadcast %add3A_419 : i32 to vector<16xi32>
      %add3A_421 = arith.addi %add3A_418, %add3A_420 : vector<16xi32>
      %gather3A_422 = tpu.vector_load_idx %arg6[%add3A_421] : memref<1536xf32, #tpu.memory_space<vmem>>[vector<16xi32>], vector<16xf32>,
      %swap3A_423 = arith.constant 496 : index
      %swap3A_424 = tpu.vector_load %arg7[%swap3A_423] {strides = array<i32>} : memref<512xf32, #tpu.memory_space<vmem>>, vector<16xf32>,
      tpu.vector_store %arg7[%swap3A_423], %gather3A_422 {strides = array<i32>} : memref<512xf32, #tpu.memory_space<vmem>>, vector<16xf32>,
      "tpu.region"() ({
        %run_scoped3A = tpu.sem_alloc : memref<!tpu.dma_semaphore, #tpu.memory_space<semaphore_mem>>
        %dma_start3A = arith.constant 2048 : i32
        %dma_start3A_425 = tpu.memref_slice %arg5[%dma_start3A] : memref<4608xf32, #tpu.memory_space<hbm>> -> memref<512xf32, #tpu.memory_space<hbm>>
        %dma_start3A_426 = arith.constant 2048 : i32
        %dma_start3A_427 = tpu.memref_slice %arg5[%dma_start3A_426] : memref<4608xf32, #tpu.memory_space<hbm>> -> memref<512xf32, #tpu.memory_space<hbm>>
        tpu.enqueue_dma source(%arg7 : memref<512xf32, #tpu.memory_space<vmem>>) target(%dma_start3A_427 : memref<512xf32, #tpu.memory_space<hbm>>) target_semaphore(%run_scoped3A : memref<!tpu.dma_semaphore, #tpu.memory_space<semaphore_mem>>)
        %dma_wait3A = arith.constant 2048 : i32
        %dma_wait3A_428 = tpu.memref_slice %arg5[%dma_wait3A] : memref<4608xf32, #tpu.memory_space<hbm>> -> memref<512xf32, #tpu.memory_space<hbm>>
        %dma_wait3A_429 = arith.constant 2048 : i32
        %dma_wait3A_430 = tpu.memref_slice %arg5[%dma_wait3A_429] : memref<4608xf32, #tpu.memory_space<hbm>> -> memref<512xf32, #tpu.memory_space<hbm>>
        tpu.wait_dma2 semaphore(%run_scoped3A : memref<!tpu.dma_semaphore, #tpu.memory_space<semaphore_mem>>) src(%arg7 : memref<512xf32, #tpu.memory_space<vmem>>) dst(%dma_wait3A_430 : memref<512xf32, #tpu.memory_space<hbm>>)
        tpu.yield
      }) : () -> ()
    } else {
    }
    %eq3A_23 = arith.constant 5 : i32
    %eq3A_24 = arith.cmpi eq, %add3A, %eq3A_23 : i32
    %convert_element_type3A_25 = arith.extui %eq3A_24 : i1 to i32
    %cond3A_26 = arith.constant 0 : i32
    %cond3A_27 = arith.cmpi ne, %convert_element_type3A_25, %cond3A_26 : i32
    scf.if %cond3A_27 {
      "tpu.region"() ({
        %run_scoped3A = tpu.sem_alloc : memref<!tpu.dma_semaphore, #tpu.memory_space<semaphore_mem>>
        tpu.enqueue_dma source(%arg3 : memref<1536xf32, #tpu.memory_space<hbm>>) target(%arg6 : memref<1536xf32, #tpu.memory_space<vmem>>) target_semaphore(%run_scoped3A : memref<!tpu.dma_semaphore, #tpu.memory_space<semaphore_mem>>)
        tpu.wait_dma2 semaphore(%run_scoped3A : memref<!tpu.dma_semaphore, #tpu.memory_space<semaphore_mem>>) src(%arg3 : memref<1536xf32, #tpu.memory_space<hbm>>) dst(%arg6 : memref<1536xf32, #tpu.memory_space<vmem>>)
        tpu.yield
      }) : () -> ()
      %mul3A_43 = arith.constant 3 : i32
      %mul3A_44 = vector.broadcast %mul3A_43 : i32 to vector<16xi32>
      %mul3A_45 = arith.muli %mul3A_44, %iota3A : vector<16xi32>
      %add3A_46 = arith.constant 0 : i32
      %add3A_47 = vector.broadcast %add3A_46 : i32 to vector<16xi32>
      %add3A_48 = arith.addi %add3A_47, %mul3A_45 : vector<16xi32>
      %add3A_49 = arith.constant 2 : i32
      %add3A_50 = vector.broadcast %add3A_49 : i32 to vector<16xi32>
      %add3A_51 = arith.addi %add3A_48, %add3A_50 : vector<16xi32>
      %gather3A = tpu.vector_load_idx %arg6[%add3A_51] : memref<1536xf32, #tpu.memory_space<vmem>>[vector<16xi32>], vector<16xf32>,
      %swap3A = arith.constant 0 : index
      %swap3A_52 = tpu.vector_load %arg7[%swap3A] {strides = array<i32>} : memref<512xf32, #tpu.memory_space<vmem>>, vector<16xf32>,
      tpu.vector_store %arg7[%swap3A], %gather3A {strides = array<i32>} : memref<512xf32, #tpu.memory_space<vmem>>, vector<16xf32>,
      %mul3A_53 = arith.constant 3 : i32
      %mul3A_54 = vector.broadcast %mul3A_53 : i32 to vector<16xi32>
      %mul3A_55 = arith.muli %mul3A_54, %iota3A : vector<16xi32>
      %add3A_56 = arith.constant 48 : i32
      %add3A_57 = vector.broadcast %add3A_56 : i32 to vector<16xi32>
      %add3A_58 = arith.addi %add3A_57, %mul3A_55 : vector<16xi32>
      %add3A_59 = arith.constant 2 : i32
      %add3A_60 = vector.broadcast %add3A_59 : i32 to vector<16xi32>
      %add3A_61 = arith.addi %add3A_58, %add3A_60 : vector<16xi32>
      %gather3A_62 = tpu.vector_load_idx %arg6[%add3A_61] : memref<1536xf32, #tpu.memory_space<vmem>>[vector<16xi32>], vector<16xf32>,
      %swap3A_63 = arith.constant 16 : index
      %swap3A_64 = tpu.vector_load %arg7[%swap3A_63] {strides = array<i32>} : memref<512xf32, #tpu.memory_space<vmem>>, vector<16xf32>,
      tpu.vector_store %arg7[%swap3A_63], %gather3A_62 {strides = array<i32>} : memref<512xf32, #tpu.memory_space<vmem>>, vector<16xf32>,
      %mul3A_65 = arith.constant 3 : i32
      %mul3A_66 = vector.broadcast %mul3A_65 : i32 to vector<16xi32>
      %mul3A_67 = arith.muli %mul3A_66, %iota3A : vector<16xi32>
      %add3A_68 = arith.constant 96 : i32
      %add3A_69 = vector.broadcast %add3A_68 : i32 to vector<16xi32>
      %add3A_70 = arith.addi %add3A_69, %mul3A_67 : vector<16xi32>
      %add3A_71 = arith.constant 2 : i32
      %add3A_72 = vector.broadcast %add3A_71 : i32 to vector<16xi32>
      %add3A_73 = arith.addi %add3A_70, %add3A_72 : vector<16xi32>
      %gather3A_74 = tpu.vector_load_idx %arg6[%add3A_73] : memref<1536xf32, #tpu.memory_space<vmem>>[vector<16xi32>], vector<16xf32>,
      %swap3A_75 = arith.constant 32 : index
      %swap3A_76 = tpu.vector_load %arg7[%swap3A_75] {strides = array<i32>} : memref<512xf32, #tpu.memory_space<vmem>>, vector<16xf32>,
      tpu.vector_store %arg7[%swap3A_75], %gather3A_74 {strides = array<i32>} : memref<512xf32, #tpu.memory_space<vmem>>, vector<16xf32>,
      %mul3A_77 = arith.constant 3 : i32
      %mul3A_78 = vector.broadcast %mul3A_77 : i32 to vector<16xi32>
      %mul3A_79 = arith.muli %mul3A_78, %iota3A : vector<16xi32>
      %add3A_80 = arith.constant 144 : i32
      %add3A_81 = vector.broadcast %add3A_80 : i32 to vector<16xi32>
      %add3A_82 = arith.addi %add3A_81, %mul3A_79 : vector<16xi32>
      %add3A_83 = arith.constant 2 : i32
      %add3A_84 = vector.broadcast %add3A_83 : i32 to vector<16xi32>
      %add3A_85 = arith.addi %add3A_82, %add3A_84 : vector<16xi32>
      %gather3A_86 = tpu.vector_load_idx %arg6[%add3A_85] : memref<1536xf32, #tpu.memory_space<vmem>>[vector<16xi32>], vector<16xf32>,
      %swap3A_87 = arith.constant 48 : index
      %swap3A_88 = tpu.vector_load %arg7[%swap3A_87] {strides = array<i32>} : memref<512xf32, #tpu.memory_space<vmem>>, vector<16xf32>,
      tpu.vector_store %arg7[%swap3A_87], %gather3A_86 {strides = array<i32>} : memref<512xf32, #tpu.memory_space<vmem>>, vector<16xf32>,
      %mul3A_89 = arith.constant 3 : i32
      %mul3A_90 = vector.broadcast %mul3A_89 : i32 to vector<16xi32>
      %mul3A_91 = arith.muli %mul3A_90, %iota3A : vector<16xi32>
      %add3A_92 = arith.constant 192 : i32
      %add3A_93 = vector.broadcast %add3A_92 : i32 to vector<16xi32>
      %add3A_94 = arith.addi %add3A_93, %mul3A_91 : vector<16xi32>
      %add3A_95 = arith.constant 2 : i32
      %add3A_96 = vector.broadcast %add3A_95 : i32 to vector<16xi32>
      %add3A_97 = arith.addi %add3A_94, %add3A_96 : vector<16xi32>
      %gather3A_98 = tpu.vector_load_idx %arg6[%add3A_97] : memref<1536xf32, #tpu.memory_space<vmem>>[vector<16xi32>], vector<16xf32>,
      %swap3A_99 = arith.constant 64 : index
      %swap3A_100 = tpu.vector_load %arg7[%swap3A_99] {strides = array<i32>} : memref<512xf32, #tpu.memory_space<vmem>>, vector<16xf32>,
      tpu.vector_store %arg7[%swap3A_99], %gather3A_98 {strides = array<i32>} : memref<512xf32, #tpu.memory_space<vmem>>, vector<16xf32>,
      %mul3A_101 = arith.constant 3 : i32
      %mul3A_102 = vector.broadcast %mul3A_101 : i32 to vector<16xi32>
      %mul3A_103 = arith.muli %mul3A_102, %iota3A : vector<16xi32>
      %add3A_104 = arith.constant 240 : i32
      %add3A_105 = vector.broadcast %add3A_104 : i32 to vector<16xi32>
      %add3A_106 = arith.addi %add3A_105, %mul3A_103 : vector<16xi32>
      %add3A_107 = arith.constant 2 : i32
      %add3A_108 = vector.broadcast %add3A_107 : i32 to vector<16xi32>
      %add3A_109 = arith.addi %add3A_106, %add3A_108 : vector<16xi32>
      %gather3A_110 = tpu.vector_load_idx %arg6[%add3A_109] : memref<1536xf32, #tpu.memory_space<vmem>>[vector<16xi32>], vector<16xf32>,
      %swap3A_111 = arith.constant 80 : index
      %swap3A_112 = tpu.vector_load %arg7[%swap3A_111] {strides = array<i32>} : memref<512xf32, #tpu.memory_space<vmem>>, vector<16xf32>,
      tpu.vector_store %arg7[%swap3A_111], %gather3A_110 {strides = array<i32>} : memref<512xf32, #tpu.memory_space<vmem>>, vector<16xf32>,
      %mul3A_113 = arith.constant 3 : i32
      %mul3A_114 = vector.broadcast %mul3A_113 : i32 to vector<16xi32>
      %mul3A_115 = arith.muli %mul3A_114, %iota3A : vector<16xi32>
      %add3A_116 = arith.constant 288 : i32
      %add3A_117 = vector.broadcast %add3A_116 : i32 to vector<16xi32>
      %add3A_118 = arith.addi %add3A_117, %mul3A_115 : vector<16xi32>
      %add3A_119 = arith.constant 2 : i32
      %add3A_120 = vector.broadcast %add3A_119 : i32 to vector<16xi32>
      %add3A_121 = arith.addi %add3A_118, %add3A_120 : vector<16xi32>
      %gather3A_122 = tpu.vector_load_idx %arg6[%add3A_121] : memref<1536xf32, #tpu.memory_space<vmem>>[vector<16xi32>], vector<16xf32>,
      %swap3A_123 = arith.constant 96 : index
      %swap3A_124 = tpu.vector_load %arg7[%swap3A_123] {strides = array<i32>} : memref<512xf32, #tpu.memory_space<vmem>>, vector<16xf32>,
      tpu.vector_store %arg7[%swap3A_123], %gather3A_122 {strides = array<i32>} : memref<512xf32, #tpu.memory_space<vmem>>, vector<16xf32>,
      %mul3A_125 = arith.constant 3 : i32
      %mul3A_126 = vector.broadcast %mul3A_125 : i32 to vector<16xi32>
      %mul3A_127 = arith.muli %mul3A_126, %iota3A : vector<16xi32>
      %add3A_128 = arith.constant 336 : i32
      %add3A_129 = vector.broadcast %add3A_128 : i32 to vector<16xi32>
      %add3A_130 = arith.addi %add3A_129, %mul3A_127 : vector<16xi32>
      %add3A_131 = arith.constant 2 : i32
      %add3A_132 = vector.broadcast %add3A_131 : i32 to vector<16xi32>
      %add3A_133 = arith.addi %add3A_130, %add3A_132 : vector<16xi32>
      %gather3A_134 = tpu.vector_load_idx %arg6[%add3A_133] : memref<1536xf32, #tpu.memory_space<vmem>>[vector<16xi32>], vector<16xf32>,
      %swap3A_135 = arith.constant 112 : index
      %swap3A_136 = tpu.vector_load %arg7[%swap3A_135] {strides = array<i32>} : memref<512xf32, #tpu.memory_space<vmem>>, vector<16xf32>,
      tpu.vector_store %arg7[%swap3A_135], %gather3A_134 {strides = array<i32>} : memref<512xf32, #tpu.memory_space<vmem>>, vector<16xf32>,
      %mul3A_137 = arith.constant 3 : i32
      %mul3A_138 = vector.broadcast %mul3A_137 : i32 to vector<16xi32>
      %mul3A_139 = arith.muli %mul3A_138, %iota3A : vector<16xi32>
      %add3A_140 = arith.constant 384 : i32
      %add3A_141 = vector.broadcast %add3A_140 : i32 to vector<16xi32>
      %add3A_142 = arith.addi %add3A_141, %mul3A_139 : vector<16xi32>
      %add3A_143 = arith.constant 2 : i32
      %add3A_144 = vector.broadcast %add3A_143 : i32 to vector<16xi32>
      %add3A_145 = arith.addi %add3A_142, %add3A_144 : vector<16xi32>
      %gather3A_146 = tpu.vector_load_idx %arg6[%add3A_145] : memref<1536xf32, #tpu.memory_space<vmem>>[vector<16xi32>], vector<16xf32>,
      %swap3A_147 = arith.constant 128 : index
      %swap3A_148 = tpu.vector_load %arg7[%swap3A_147] {strides = array<i32>} : memref<512xf32, #tpu.memory_space<vmem>>, vector<16xf32>,
      tpu.vector_store %arg7[%swap3A_147], %gather3A_146 {strides = array<i32>} : memref<512xf32, #tpu.memory_space<vmem>>, vector<16xf32>,
      %mul3A_149 = arith.constant 3 : i32
      %mul3A_150 = vector.broadcast %mul3A_149 : i32 to vector<16xi32>
      %mul3A_151 = arith.muli %mul3A_150, %iota3A : vector<16xi32>
      %add3A_152 = arith.constant 432 : i32
      %add3A_153 = vector.broadcast %add3A_152 : i32 to vector<16xi32>
      %add3A_154 = arith.addi %add3A_153, %mul3A_151 : vector<16xi32>
      %add3A_155 = arith.constant 2 : i32
      %add3A_156 = vector.broadcast %add3A_155 : i32 to vector<16xi32>
      %add3A_157 = arith.addi %add3A_154, %add3A_156 : vector<16xi32>
      %gather3A_158 = tpu.vector_load_idx %arg6[%add3A_157] : memref<1536xf32, #tpu.memory_space<vmem>>[vector<16xi32>], vector<16xf32>,
      %swap3A_159 = arith.constant 144 : index
      %swap3A_160 = tpu.vector_load %arg7[%swap3A_159] {strides = array<i32>} : memref<512xf32, #tpu.memory_space<vmem>>, vector<16xf32>,
      tpu.vector_store %arg7[%swap3A_159], %gather3A_158 {strides = array<i32>} : memref<512xf32, #tpu.memory_space<vmem>>, vector<16xf32>,
      %mul3A_161 = arith.constant 3 : i32
      %mul3A_162 = vector.broadcast %mul3A_161 : i32 to vector<16xi32>
      %mul3A_163 = arith.muli %mul3A_162, %iota3A : vector<16xi32>
      %add3A_164 = arith.constant 480 : i32
      %add3A_165 = vector.broadcast %add3A_164 : i32 to vector<16xi32>
      %add3A_166 = arith.addi %add3A_165, %mul3A_163 : vector<16xi32>
      %add3A_167 = arith.constant 2 : i32
      %add3A_168 = vector.broadcast %add3A_167 : i32 to vector<16xi32>
      %add3A_169 = arith.addi %add3A_166, %add3A_168 : vector<16xi32>
      %gather3A_170 = tpu.vector_load_idx %arg6[%add3A_169] : memref<1536xf32, #tpu.memory_space<vmem>>[vector<16xi32>], vector<16xf32>,
      %swap3A_171 = arith.constant 160 : index
      %swap3A_172 = tpu.vector_load %arg7[%swap3A_171] {strides = array<i32>} : memref<512xf32, #tpu.memory_space<vmem>>, vector<16xf32>,
      tpu.vector_store %arg7[%swap3A_171], %gather3A_170 {strides = array<i32>} : memref<512xf32, #tpu.memory_space<vmem>>, vector<16xf32>,
      %mul3A_173 = arith.constant 3 : i32
      %mul3A_174 = vector.broadcast %mul3A_173 : i32 to vector<16xi32>
      %mul3A_175 = arith.muli %mul3A_174, %iota3A : vector<16xi32>
      %add3A_176 = arith.constant 528 : i32
      %add3A_177 = vector.broadcast %add3A_176 : i32 to vector<16xi32>
      %add3A_178 = arith.addi %add3A_177, %mul3A_175 : vector<16xi32>
      %add3A_179 = arith.constant 2 : i32
      %add3A_180 = vector.broadcast %add3A_179 : i32 to vector<16xi32>
      %add3A_181 = arith.addi %add3A_178, %add3A_180 : vector<16xi32>
      %gather3A_182 = tpu.vector_load_idx %arg6[%add3A_181] : memref<1536xf32, #tpu.memory_space<vmem>>[vector<16xi32>], vector<16xf32>,
      %swap3A_183 = arith.constant 176 : index
      %swap3A_184 = tpu.vector_load %arg7[%swap3A_183] {strides = array<i32>} : memref<512xf32, #tpu.memory_space<vmem>>, vector<16xf32>,
      tpu.vector_store %arg7[%swap3A_183], %gather3A_182 {strides = array<i32>} : memref<512xf32, #tpu.memory_space<vmem>>, vector<16xf32>,
      %mul3A_185 = arith.constant 3 : i32
      %mul3A_186 = vector.broadcast %mul3A_185 : i32 to vector<16xi32>
      %mul3A_187 = arith.muli %mul3A_186, %iota3A : vector<16xi32>
      %add3A_188 = arith.constant 576 : i32
      %add3A_189 = vector.broadcast %add3A_188 : i32 to vector<16xi32>
      %add3A_190 = arith.addi %add3A_189, %mul3A_187 : vector<16xi32>
      %add3A_191 = arith.constant 2 : i32
      %add3A_192 = vector.broadcast %add3A_191 : i32 to vector<16xi32>
      %add3A_193 = arith.addi %add3A_190, %add3A_192 : vector<16xi32>
      %gather3A_194 = tpu.vector_load_idx %arg6[%add3A_193] : memref<1536xf32, #tpu.memory_space<vmem>>[vector<16xi32>], vector<16xf32>,
      %swap3A_195 = arith.constant 192 : index
      %swap3A_196 = tpu.vector_load %arg7[%swap3A_195] {strides = array<i32>} : memref<512xf32, #tpu.memory_space<vmem>>, vector<16xf32>,
      tpu.vector_store %arg7[%swap3A_195], %gather3A_194 {strides = array<i32>} : memref<512xf32, #tpu.memory_space<vmem>>, vector<16xf32>,
      %mul3A_197 = arith.constant 3 : i32
      %mul3A_198 = vector.broadcast %mul3A_197 : i32 to vector<16xi32>
      %mul3A_199 = arith.muli %mul3A_198, %iota3A : vector<16xi32>
      %add3A_200 = arith.constant 624 : i32
      %add3A_201 = vector.broadcast %add3A_200 : i32 to vector<16xi32>
      %add3A_202 = arith.addi %add3A_201, %mul3A_199 : vector<16xi32>
      %add3A_203 = arith.constant 2 : i32
      %add3A_204 = vector.broadcast %add3A_203 : i32 to vector<16xi32>
      %add3A_205 = arith.addi %add3A_202, %add3A_204 : vector<16xi32>
      %gather3A_206 = tpu.vector_load_idx %arg6[%add3A_205] : memref<1536xf32, #tpu.memory_space<vmem>>[vector<16xi32>], vector<16xf32>,
      %swap3A_207 = arith.constant 208 : index
      %swap3A_208 = tpu.vector_load %arg7[%swap3A_207] {strides = array<i32>} : memref<512xf32, #tpu.memory_space<vmem>>, vector<16xf32>,
      tpu.vector_store %arg7[%swap3A_207], %gather3A_206 {strides = array<i32>} : memref<512xf32, #tpu.memory_space<vmem>>, vector<16xf32>,
      %mul3A_209 = arith.constant 3 : i32
      %mul3A_210 = vector.broadcast %mul3A_209 : i32 to vector<16xi32>
      %mul3A_211 = arith.muli %mul3A_210, %iota3A : vector<16xi32>
      %add3A_212 = arith.constant 672 : i32
      %add3A_213 = vector.broadcast %add3A_212 : i32 to vector<16xi32>
      %add3A_214 = arith.addi %add3A_213, %mul3A_211 : vector<16xi32>
      %add3A_215 = arith.constant 2 : i32
      %add3A_216 = vector.broadcast %add3A_215 : i32 to vector<16xi32>
      %add3A_217 = arith.addi %add3A_214, %add3A_216 : vector<16xi32>
      %gather3A_218 = tpu.vector_load_idx %arg6[%add3A_217] : memref<1536xf32, #tpu.memory_space<vmem>>[vector<16xi32>], vector<16xf32>,
      %swap3A_219 = arith.constant 224 : index
      %swap3A_220 = tpu.vector_load %arg7[%swap3A_219] {strides = array<i32>} : memref<512xf32, #tpu.memory_space<vmem>>, vector<16xf32>,
      tpu.vector_store %arg7[%swap3A_219], %gather3A_218 {strides = array<i32>} : memref<512xf32, #tpu.memory_space<vmem>>, vector<16xf32>,
      %mul3A_221 = arith.constant 3 : i32
      %mul3A_222 = vector.broadcast %mul3A_221 : i32 to vector<16xi32>
      %mul3A_223 = arith.muli %mul3A_222, %iota3A : vector<16xi32>
      %add3A_224 = arith.constant 720 : i32
      %add3A_225 = vector.broadcast %add3A_224 : i32 to vector<16xi32>
      %add3A_226 = arith.addi %add3A_225, %mul3A_223 : vector<16xi32>
      %add3A_227 = arith.constant 2 : i32
      %add3A_228 = vector.broadcast %add3A_227 : i32 to vector<16xi32>
      %add3A_229 = arith.addi %add3A_226, %add3A_228 : vector<16xi32>
      %gather3A_230 = tpu.vector_load_idx %arg6[%add3A_229] : memref<1536xf32, #tpu.memory_space<vmem>>[vector<16xi32>], vector<16xf32>,
      %swap3A_231 = arith.constant 240 : index
      %swap3A_232 = tpu.vector_load %arg7[%swap3A_231] {strides = array<i32>} : memref<512xf32, #tpu.memory_space<vmem>>, vector<16xf32>,
      tpu.vector_store %arg7[%swap3A_231], %gather3A_230 {strides = array<i32>} : memref<512xf32, #tpu.memory_space<vmem>>, vector<16xf32>,
      %mul3A_233 = arith.constant 3 : i32
      %mul3A_234 = vector.broadcast %mul3A_233 : i32 to vector<16xi32>
      %mul3A_235 = arith.muli %mul3A_234, %iota3A : vector<16xi32>
      %add3A_236 = arith.constant 768 : i32
      %add3A_237 = vector.broadcast %add3A_236 : i32 to vector<16xi32>
      %add3A_238 = arith.addi %add3A_237, %mul3A_235 : vector<16xi32>
      %add3A_239 = arith.constant 2 : i32
      %add3A_240 = vector.broadcast %add3A_239 : i32 to vector<16xi32>
      %add3A_241 = arith.addi %add3A_238, %add3A_240 : vector<16xi32>
      %gather3A_242 = tpu.vector_load_idx %arg6[%add3A_241] : memref<1536xf32, #tpu.memory_space<vmem>>[vector<16xi32>], vector<16xf32>,
      %swap3A_243 = arith.constant 256 : index
      %swap3A_244 = tpu.vector_load %arg7[%swap3A_243] {strides = array<i32>} : memref<512xf32, #tpu.memory_space<vmem>>, vector<16xf32>,
      tpu.vector_store %arg7[%swap3A_243], %gather3A_242 {strides = array<i32>} : memref<512xf32, #tpu.memory_space<vmem>>, vector<16xf32>,
      %mul3A_245 = arith.constant 3 : i32
      %mul3A_246 = vector.broadcast %mul3A_245 : i32 to vector<16xi32>
      %mul3A_247 = arith.muli %mul3A_246, %iota3A : vector<16xi32>
      %add3A_248 = arith.constant 816 : i32
      %add3A_249 = vector.broadcast %add3A_248 : i32 to vector<16xi32>
      %add3A_250 = arith.addi %add3A_249, %mul3A_247 : vector<16xi32>
      %add3A_251 = arith.constant 2 : i32
      %add3A_252 = vector.broadcast %add3A_251 : i32 to vector<16xi32>
      %add3A_253 = arith.addi %add3A_250, %add3A_252 : vector<16xi32>
      %gather3A_254 = tpu.vector_load_idx %arg6[%add3A_253] : memref<1536xf32, #tpu.memory_space<vmem>>[vector<16xi32>], vector<16xf32>,
      %swap3A_255 = arith.constant 272 : index
      %swap3A_256 = tpu.vector_load %arg7[%swap3A_255] {strides = array<i32>} : memref<512xf32, #tpu.memory_space<vmem>>, vector<16xf32>,
      tpu.vector_store %arg7[%swap3A_255], %gather3A_254 {strides = array<i32>} : memref<512xf32, #tpu.memory_space<vmem>>, vector<16xf32>,
      %mul3A_257 = arith.constant 3 : i32
      %mul3A_258 = vector.broadcast %mul3A_257 : i32 to vector<16xi32>
      %mul3A_259 = arith.muli %mul3A_258, %iota3A : vector<16xi32>
      %add3A_260 = arith.constant 864 : i32
      %add3A_261 = vector.broadcast %add3A_260 : i32 to vector<16xi32>
      %add3A_262 = arith.addi %add3A_261, %mul3A_259 : vector<16xi32>
      %add3A_263 = arith.constant 2 : i32
      %add3A_264 = vector.broadcast %add3A_263 : i32 to vector<16xi32>
      %add3A_265 = arith.addi %add3A_262, %add3A_264 : vector<16xi32>
      %gather3A_266 = tpu.vector_load_idx %arg6[%add3A_265] : memref<1536xf32, #tpu.memory_space<vmem>>[vector<16xi32>], vector<16xf32>,
      %swap3A_267 = arith.constant 288 : index
      %swap3A_268 = tpu.vector_load %arg7[%swap3A_267] {strides = array<i32>} : memref<512xf32, #tpu.memory_space<vmem>>, vector<16xf32>,
      tpu.vector_store %arg7[%swap3A_267], %gather3A_266 {strides = array<i32>} : memref<512xf32, #tpu.memory_space<vmem>>, vector<16xf32>,
      %mul3A_269 = arith.constant 3 : i32
      %mul3A_270 = vector.broadcast %mul3A_269 : i32 to vector<16xi32>
      %mul3A_271 = arith.muli %mul3A_270, %iota3A : vector<16xi32>
      %add3A_272 = arith.constant 912 : i32
      %add3A_273 = vector.broadcast %add3A_272 : i32 to vector<16xi32>
      %add3A_274 = arith.addi %add3A_273, %mul3A_271 : vector<16xi32>
      %add3A_275 = arith.constant 2 : i32
      %add3A_276 = vector.broadcast %add3A_275 : i32 to vector<16xi32>
      %add3A_277 = arith.addi %add3A_274, %add3A_276 : vector<16xi32>
      %gather3A_278 = tpu.vector_load_idx %arg6[%add3A_277] : memref<1536xf32, #tpu.memory_space<vmem>>[vector<16xi32>], vector<16xf32>,
      %swap3A_279 = arith.constant 304 : index
      %swap3A_280 = tpu.vector_load %arg7[%swap3A_279] {strides = array<i32>} : memref<512xf32, #tpu.memory_space<vmem>>, vector<16xf32>,
      tpu.vector_store %arg7[%swap3A_279], %gather3A_278 {strides = array<i32>} : memref<512xf32, #tpu.memory_space<vmem>>, vector<16xf32>,
      %mul3A_281 = arith.constant 3 : i32
      %mul3A_282 = vector.broadcast %mul3A_281 : i32 to vector<16xi32>
      %mul3A_283 = arith.muli %mul3A_282, %iota3A : vector<16xi32>
      %add3A_284 = arith.constant 960 : i32
      %add3A_285 = vector.broadcast %add3A_284 : i32 to vector<16xi32>
      %add3A_286 = arith.addi %add3A_285, %mul3A_283 : vector<16xi32>
      %add3A_287 = arith.constant 2 : i32
      %add3A_288 = vector.broadcast %add3A_287 : i32 to vector<16xi32>
      %add3A_289 = arith.addi %add3A_286, %add3A_288 : vector<16xi32>
      %gather3A_290 = tpu.vector_load_idx %arg6[%add3A_289] : memref<1536xf32, #tpu.memory_space<vmem>>[vector<16xi32>], vector<16xf32>,
      %swap3A_291 = arith.constant 320 : index
      %swap3A_292 = tpu.vector_load %arg7[%swap3A_291] {strides = array<i32>} : memref<512xf32, #tpu.memory_space<vmem>>, vector<16xf32>,
      tpu.vector_store %arg7[%swap3A_291], %gather3A_290 {strides = array<i32>} : memref<512xf32, #tpu.memory_space<vmem>>, vector<16xf32>,
      %mul3A_293 = arith.constant 3 : i32
      %mul3A_294 = vector.broadcast %mul3A_293 : i32 to vector<16xi32>
      %mul3A_295 = arith.muli %mul3A_294, %iota3A : vector<16xi32>
      %add3A_296 = arith.constant 1008 : i32
      %add3A_297 = vector.broadcast %add3A_296 : i32 to vector<16xi32>
      %add3A_298 = arith.addi %add3A_297, %mul3A_295 : vector<16xi32>
      %add3A_299 = arith.constant 2 : i32
      %add3A_300 = vector.broadcast %add3A_299 : i32 to vector<16xi32>
      %add3A_301 = arith.addi %add3A_298, %add3A_300 : vector<16xi32>
      %gather3A_302 = tpu.vector_load_idx %arg6[%add3A_301] : memref<1536xf32, #tpu.memory_space<vmem>>[vector<16xi32>], vector<16xf32>,
      %swap3A_303 = arith.constant 336 : index
      %swap3A_304 = tpu.vector_load %arg7[%swap3A_303] {strides = array<i32>} : memref<512xf32, #tpu.memory_space<vmem>>, vector<16xf32>,
      tpu.vector_store %arg7[%swap3A_303], %gather3A_302 {strides = array<i32>} : memref<512xf32, #tpu.memory_space<vmem>>, vector<16xf32>,
      %mul3A_305 = arith.constant 3 : i32
      %mul3A_306 = vector.broadcast %mul3A_305 : i32 to vector<16xi32>
      %mul3A_307 = arith.muli %mul3A_306, %iota3A : vector<16xi32>
      %add3A_308 = arith.constant 1056 : i32
      %add3A_309 = vector.broadcast %add3A_308 : i32 to vector<16xi32>
      %add3A_310 = arith.addi %add3A_309, %mul3A_307 : vector<16xi32>
      %add3A_311 = arith.constant 2 : i32
      %add3A_312 = vector.broadcast %add3A_311 : i32 to vector<16xi32>
      %add3A_313 = arith.addi %add3A_310, %add3A_312 : vector<16xi32>
      %gather3A_314 = tpu.vector_load_idx %arg6[%add3A_313] : memref<1536xf32, #tpu.memory_space<vmem>>[vector<16xi32>], vector<16xf32>,
      %swap3A_315 = arith.constant 352 : index
      %swap3A_316 = tpu.vector_load %arg7[%swap3A_315] {strides = array<i32>} : memref<512xf32, #tpu.memory_space<vmem>>, vector<16xf32>,
      tpu.vector_store %arg7[%swap3A_315], %gather3A_314 {strides = array<i32>} : memref<512xf32, #tpu.memory_space<vmem>>, vector<16xf32>,
      %mul3A_317 = arith.constant 3 : i32
      %mul3A_318 = vector.broadcast %mul3A_317 : i32 to vector<16xi32>
      %mul3A_319 = arith.muli %mul3A_318, %iota3A : vector<16xi32>
      %add3A_320 = arith.constant 1104 : i32
      %add3A_321 = vector.broadcast %add3A_320 : i32 to vector<16xi32>
      %add3A_322 = arith.addi %add3A_321, %mul3A_319 : vector<16xi32>
      %add3A_323 = arith.constant 2 : i32
      %add3A_324 = vector.broadcast %add3A_323 : i32 to vector<16xi32>
      %add3A_325 = arith.addi %add3A_322, %add3A_324 : vector<16xi32>
      %gather3A_326 = tpu.vector_load_idx %arg6[%add3A_325] : memref<1536xf32, #tpu.memory_space<vmem>>[vector<16xi32>], vector<16xf32>,
      %swap3A_327 = arith.constant 368 : index
      %swap3A_328 = tpu.vector_load %arg7[%swap3A_327] {strides = array<i32>} : memref<512xf32, #tpu.memory_space<vmem>>, vector<16xf32>,
      tpu.vector_store %arg7[%swap3A_327], %gather3A_326 {strides = array<i32>} : memref<512xf32, #tpu.memory_space<vmem>>, vector<16xf32>,
      %mul3A_329 = arith.constant 3 : i32
      %mul3A_330 = vector.broadcast %mul3A_329 : i32 to vector<16xi32>
      %mul3A_331 = arith.muli %mul3A_330, %iota3A : vector<16xi32>
      %add3A_332 = arith.constant 1152 : i32
      %add3A_333 = vector.broadcast %add3A_332 : i32 to vector<16xi32>
      %add3A_334 = arith.addi %add3A_333, %mul3A_331 : vector<16xi32>
      %add3A_335 = arith.constant 2 : i32
      %add3A_336 = vector.broadcast %add3A_335 : i32 to vector<16xi32>
      %add3A_337 = arith.addi %add3A_334, %add3A_336 : vector<16xi32>
      %gather3A_338 = tpu.vector_load_idx %arg6[%add3A_337] : memref<1536xf32, #tpu.memory_space<vmem>>[vector<16xi32>], vector<16xf32>,
      %swap3A_339 = arith.constant 384 : index
      %swap3A_340 = tpu.vector_load %arg7[%swap3A_339] {strides = array<i32>} : memref<512xf32, #tpu.memory_space<vmem>>, vector<16xf32>,
      tpu.vector_store %arg7[%swap3A_339], %gather3A_338 {strides = array<i32>} : memref<512xf32, #tpu.memory_space<vmem>>, vector<16xf32>,
      %mul3A_341 = arith.constant 3 : i32
      %mul3A_342 = vector.broadcast %mul3A_341 : i32 to vector<16xi32>
      %mul3A_343 = arith.muli %mul3A_342, %iota3A : vector<16xi32>
      %add3A_344 = arith.constant 1200 : i32
      %add3A_345 = vector.broadcast %add3A_344 : i32 to vector<16xi32>
      %add3A_346 = arith.addi %add3A_345, %mul3A_343 : vector<16xi32>
      %add3A_347 = arith.constant 2 : i32
      %add3A_348 = vector.broadcast %add3A_347 : i32 to vector<16xi32>
      %add3A_349 = arith.addi %add3A_346, %add3A_348 : vector<16xi32>
      %gather3A_350 = tpu.vector_load_idx %arg6[%add3A_349] : memref<1536xf32, #tpu.memory_space<vmem>>[vector<16xi32>], vector<16xf32>,
      %swap3A_351 = arith.constant 400 : index
      %swap3A_352 = tpu.vector_load %arg7[%swap3A_351] {strides = array<i32>} : memref<512xf32, #tpu.memory_space<vmem>>, vector<16xf32>,
      tpu.vector_store %arg7[%swap3A_351], %gather3A_350 {strides = array<i32>} : memref<512xf32, #tpu.memory_space<vmem>>, vector<16xf32>,
      %mul3A_353 = arith.constant 3 : i32
      %mul3A_354 = vector.broadcast %mul3A_353 : i32 to vector<16xi32>
      %mul3A_355 = arith.muli %mul3A_354, %iota3A : vector<16xi32>
      %add3A_356 = arith.constant 1248 : i32
      %add3A_357 = vector.broadcast %add3A_356 : i32 to vector<16xi32>
      %add3A_358 = arith.addi %add3A_357, %mul3A_355 : vector<16xi32>
      %add3A_359 = arith.constant 2 : i32
      %add3A_360 = vector.broadcast %add3A_359 : i32 to vector<16xi32>
      %add3A_361 = arith.addi %add3A_358, %add3A_360 : vector<16xi32>
      %gather3A_362 = tpu.vector_load_idx %arg6[%add3A_361] : memref<1536xf32, #tpu.memory_space<vmem>>[vector<16xi32>], vector<16xf32>,
      %swap3A_363 = arith.constant 416 : index
      %swap3A_364 = tpu.vector_load %arg7[%swap3A_363] {strides = array<i32>} : memref<512xf32, #tpu.memory_space<vmem>>, vector<16xf32>,
      tpu.vector_store %arg7[%swap3A_363], %gather3A_362 {strides = array<i32>} : memref<512xf32, #tpu.memory_space<vmem>>, vector<16xf32>,
      %mul3A_365 = arith.constant 3 : i32
      %mul3A_366 = vector.broadcast %mul3A_365 : i32 to vector<16xi32>
      %mul3A_367 = arith.muli %mul3A_366, %iota3A : vector<16xi32>
      %add3A_368 = arith.constant 1296 : i32
      %add3A_369 = vector.broadcast %add3A_368 : i32 to vector<16xi32>
      %add3A_370 = arith.addi %add3A_369, %mul3A_367 : vector<16xi32>
      %add3A_371 = arith.constant 2 : i32
      %add3A_372 = vector.broadcast %add3A_371 : i32 to vector<16xi32>
      %add3A_373 = arith.addi %add3A_370, %add3A_372 : vector<16xi32>
      %gather3A_374 = tpu.vector_load_idx %arg6[%add3A_373] : memref<1536xf32, #tpu.memory_space<vmem>>[vector<16xi32>], vector<16xf32>,
      %swap3A_375 = arith.constant 432 : index
      %swap3A_376 = tpu.vector_load %arg7[%swap3A_375] {strides = array<i32>} : memref<512xf32, #tpu.memory_space<vmem>>, vector<16xf32>,
      tpu.vector_store %arg7[%swap3A_375], %gather3A_374 {strides = array<i32>} : memref<512xf32, #tpu.memory_space<vmem>>, vector<16xf32>,
      %mul3A_377 = arith.constant 3 : i32
      %mul3A_378 = vector.broadcast %mul3A_377 : i32 to vector<16xi32>
      %mul3A_379 = arith.muli %mul3A_378, %iota3A : vector<16xi32>
      %add3A_380 = arith.constant 1344 : i32
      %add3A_381 = vector.broadcast %add3A_380 : i32 to vector<16xi32>
      %add3A_382 = arith.addi %add3A_381, %mul3A_379 : vector<16xi32>
      %add3A_383 = arith.constant 2 : i32
      %add3A_384 = vector.broadcast %add3A_383 : i32 to vector<16xi32>
      %add3A_385 = arith.addi %add3A_382, %add3A_384 : vector<16xi32>
      %gather3A_386 = tpu.vector_load_idx %arg6[%add3A_385] : memref<1536xf32, #tpu.memory_space<vmem>>[vector<16xi32>], vector<16xf32>,
      %swap3A_387 = arith.constant 448 : index
      %swap3A_388 = tpu.vector_load %arg7[%swap3A_387] {strides = array<i32>} : memref<512xf32, #tpu.memory_space<vmem>>, vector<16xf32>,
      tpu.vector_store %arg7[%swap3A_387], %gather3A_386 {strides = array<i32>} : memref<512xf32, #tpu.memory_space<vmem>>, vector<16xf32>,
      %mul3A_389 = arith.constant 3 : i32
      %mul3A_390 = vector.broadcast %mul3A_389 : i32 to vector<16xi32>
      %mul3A_391 = arith.muli %mul3A_390, %iota3A : vector<16xi32>
      %add3A_392 = arith.constant 1392 : i32
      %add3A_393 = vector.broadcast %add3A_392 : i32 to vector<16xi32>
      %add3A_394 = arith.addi %add3A_393, %mul3A_391 : vector<16xi32>
      %add3A_395 = arith.constant 2 : i32
      %add3A_396 = vector.broadcast %add3A_395 : i32 to vector<16xi32>
      %add3A_397 = arith.addi %add3A_394, %add3A_396 : vector<16xi32>
      %gather3A_398 = tpu.vector_load_idx %arg6[%add3A_397] : memref<1536xf32, #tpu.memory_space<vmem>>[vector<16xi32>], vector<16xf32>,
      %swap3A_399 = arith.constant 464 : index
      %swap3A_400 = tpu.vector_load %arg7[%swap3A_399] {strides = array<i32>} : memref<512xf32, #tpu.memory_space<vmem>>, vector<16xf32>,
      tpu.vector_store %arg7[%swap3A_399], %gather3A_398 {strides = array<i32>} : memref<512xf32, #tpu.memory_space<vmem>>, vector<16xf32>,
      %mul3A_401 = arith.constant 3 : i32
      %mul3A_402 = vector.broadcast %mul3A_401 : i32 to vector<16xi32>
      %mul3A_403 = arith.muli %mul3A_402, %iota3A : vector<16xi32>
      %add3A_404 = arith.constant 1440 : i32
      %add3A_405 = vector.broadcast %add3A_404 : i32 to vector<16xi32>
      %add3A_406 = arith.addi %add3A_405, %mul3A_403 : vector<16xi32>
      %add3A_407 = arith.constant 2 : i32
      %add3A_408 = vector.broadcast %add3A_407 : i32 to vector<16xi32>
      %add3A_409 = arith.addi %add3A_406, %add3A_408 : vector<16xi32>
      %gather3A_410 = tpu.vector_load_idx %arg6[%add3A_409] : memref<1536xf32, #tpu.memory_space<vmem>>[vector<16xi32>], vector<16xf32>,
      %swap3A_411 = arith.constant 480 : index
      %swap3A_412 = tpu.vector_load %arg7[%swap3A_411] {strides = array<i32>} : memref<512xf32, #tpu.memory_space<vmem>>, vector<16xf32>,
      tpu.vector_store %arg7[%swap3A_411], %gather3A_410 {strides = array<i32>} : memref<512xf32, #tpu.memory_space<vmem>>, vector<16xf32>,
      %mul3A_413 = arith.constant 3 : i32
      %mul3A_414 = vector.broadcast %mul3A_413 : i32 to vector<16xi32>
      %mul3A_415 = arith.muli %mul3A_414, %iota3A : vector<16xi32>
      %add3A_416 = arith.constant 1488 : i32
      %add3A_417 = vector.broadcast %add3A_416 : i32 to vector<16xi32>
      %add3A_418 = arith.addi %add3A_417, %mul3A_415 : vector<16xi32>
      %add3A_419 = arith.constant 2 : i32
      %add3A_420 = vector.broadcast %add3A_419 : i32 to vector<16xi32>
      %add3A_421 = arith.addi %add3A_418, %add3A_420 : vector<16xi32>
      %gather3A_422 = tpu.vector_load_idx %arg6[%add3A_421] : memref<1536xf32, #tpu.memory_space<vmem>>[vector<16xi32>], vector<16xf32>,
      %swap3A_423 = arith.constant 496 : index
      %swap3A_424 = tpu.vector_load %arg7[%swap3A_423] {strides = array<i32>} : memref<512xf32, #tpu.memory_space<vmem>>, vector<16xf32>,
      tpu.vector_store %arg7[%swap3A_423], %gather3A_422 {strides = array<i32>} : memref<512xf32, #tpu.memory_space<vmem>>, vector<16xf32>,
      "tpu.region"() ({
        %run_scoped3A = tpu.sem_alloc : memref<!tpu.dma_semaphore, #tpu.memory_space<semaphore_mem>>
        %dma_start3A = arith.constant 2560 : i32
        %dma_start3A_425 = tpu.memref_slice %arg5[%dma_start3A] : memref<4608xf32, #tpu.memory_space<hbm>> -> memref<512xf32, #tpu.memory_space<hbm>>
        %dma_start3A_426 = arith.constant 2560 : i32
        %dma_start3A_427 = tpu.memref_slice %arg5[%dma_start3A_426] : memref<4608xf32, #tpu.memory_space<hbm>> -> memref<512xf32, #tpu.memory_space<hbm>>
        tpu.enqueue_dma source(%arg7 : memref<512xf32, #tpu.memory_space<vmem>>) target(%dma_start3A_427 : memref<512xf32, #tpu.memory_space<hbm>>) target_semaphore(%run_scoped3A : memref<!tpu.dma_semaphore, #tpu.memory_space<semaphore_mem>>)
        %dma_wait3A = arith.constant 2560 : i32
        %dma_wait3A_428 = tpu.memref_slice %arg5[%dma_wait3A] : memref<4608xf32, #tpu.memory_space<hbm>> -> memref<512xf32, #tpu.memory_space<hbm>>
        %dma_wait3A_429 = arith.constant 2560 : i32
        %dma_wait3A_430 = tpu.memref_slice %arg5[%dma_wait3A_429] : memref<4608xf32, #tpu.memory_space<hbm>> -> memref<512xf32, #tpu.memory_space<hbm>>
        tpu.wait_dma2 semaphore(%run_scoped3A : memref<!tpu.dma_semaphore, #tpu.memory_space<semaphore_mem>>) src(%arg7 : memref<512xf32, #tpu.memory_space<vmem>>) dst(%dma_wait3A_430 : memref<512xf32, #tpu.memory_space<hbm>>)
        tpu.yield
      }) : () -> ()
    } else {
    }
    %eq3A_28 = arith.constant 6 : i32
    %eq3A_29 = arith.cmpi eq, %add3A, %eq3A_28 : i32
    %convert_element_type3A_30 = arith.extui %eq3A_29 : i1 to i32
    %cond3A_31 = arith.constant 0 : i32
    %cond3A_32 = arith.cmpi ne, %convert_element_type3A_30, %cond3A_31 : i32
    scf.if %cond3A_32 {
      "tpu.region"() ({
        %run_scoped3A = tpu.sem_alloc : memref<!tpu.dma_semaphore, #tpu.memory_space<semaphore_mem>>
        tpu.enqueue_dma source(%arg4 : memref<1536xf32, #tpu.memory_space<hbm>>) target(%arg6 : memref<1536xf32, #tpu.memory_space<vmem>>) target_semaphore(%run_scoped3A : memref<!tpu.dma_semaphore, #tpu.memory_space<semaphore_mem>>)
        tpu.wait_dma2 semaphore(%run_scoped3A : memref<!tpu.dma_semaphore, #tpu.memory_space<semaphore_mem>>) src(%arg4 : memref<1536xf32, #tpu.memory_space<hbm>>) dst(%arg6 : memref<1536xf32, #tpu.memory_space<vmem>>)
        tpu.yield
      }) : () -> ()
      %mul3A_43 = arith.constant 3 : i32
      %mul3A_44 = vector.broadcast %mul3A_43 : i32 to vector<16xi32>
      %mul3A_45 = arith.muli %mul3A_44, %iota3A : vector<16xi32>
      %add3A_46 = arith.constant 0 : i32
      %add3A_47 = vector.broadcast %add3A_46 : i32 to vector<16xi32>
      %add3A_48 = arith.addi %add3A_47, %mul3A_45 : vector<16xi32>
      %add3A_49 = arith.constant 0 : i32
      %add3A_50 = vector.broadcast %add3A_49 : i32 to vector<16xi32>
      %add3A_51 = arith.addi %add3A_48, %add3A_50 : vector<16xi32>
      %gather3A = tpu.vector_load_idx %arg6[%add3A_51] : memref<1536xf32, #tpu.memory_space<vmem>>[vector<16xi32>], vector<16xf32>,
      %swap3A = arith.constant 0 : index
      %swap3A_52 = tpu.vector_load %arg7[%swap3A] {strides = array<i32>} : memref<512xf32, #tpu.memory_space<vmem>>, vector<16xf32>,
      tpu.vector_store %arg7[%swap3A], %gather3A {strides = array<i32>} : memref<512xf32, #tpu.memory_space<vmem>>, vector<16xf32>,
      %mul3A_53 = arith.constant 3 : i32
      %mul3A_54 = vector.broadcast %mul3A_53 : i32 to vector<16xi32>
      %mul3A_55 = arith.muli %mul3A_54, %iota3A : vector<16xi32>
      %add3A_56 = arith.constant 48 : i32
      %add3A_57 = vector.broadcast %add3A_56 : i32 to vector<16xi32>
      %add3A_58 = arith.addi %add3A_57, %mul3A_55 : vector<16xi32>
      %add3A_59 = arith.constant 0 : i32
      %add3A_60 = vector.broadcast %add3A_59 : i32 to vector<16xi32>
      %add3A_61 = arith.addi %add3A_58, %add3A_60 : vector<16xi32>
      %gather3A_62 = tpu.vector_load_idx %arg6[%add3A_61] : memref<1536xf32, #tpu.memory_space<vmem>>[vector<16xi32>], vector<16xf32>,
      %swap3A_63 = arith.constant 16 : index
      %swap3A_64 = tpu.vector_load %arg7[%swap3A_63] {strides = array<i32>} : memref<512xf32, #tpu.memory_space<vmem>>, vector<16xf32>,
      tpu.vector_store %arg7[%swap3A_63], %gather3A_62 {strides = array<i32>} : memref<512xf32, #tpu.memory_space<vmem>>, vector<16xf32>,
      %mul3A_65 = arith.constant 3 : i32
      %mul3A_66 = vector.broadcast %mul3A_65 : i32 to vector<16xi32>
      %mul3A_67 = arith.muli %mul3A_66, %iota3A : vector<16xi32>
      %add3A_68 = arith.constant 96 : i32
      %add3A_69 = vector.broadcast %add3A_68 : i32 to vector<16xi32>
      %add3A_70 = arith.addi %add3A_69, %mul3A_67 : vector<16xi32>
      %add3A_71 = arith.constant 0 : i32
      %add3A_72 = vector.broadcast %add3A_71 : i32 to vector<16xi32>
      %add3A_73 = arith.addi %add3A_70, %add3A_72 : vector<16xi32>
      %gather3A_74 = tpu.vector_load_idx %arg6[%add3A_73] : memref<1536xf32, #tpu.memory_space<vmem>>[vector<16xi32>], vector<16xf32>,
      %swap3A_75 = arith.constant 32 : index
      %swap3A_76 = tpu.vector_load %arg7[%swap3A_75] {strides = array<i32>} : memref<512xf32, #tpu.memory_space<vmem>>, vector<16xf32>,
      tpu.vector_store %arg7[%swap3A_75], %gather3A_74 {strides = array<i32>} : memref<512xf32, #tpu.memory_space<vmem>>, vector<16xf32>,
      %mul3A_77 = arith.constant 3 : i32
      %mul3A_78 = vector.broadcast %mul3A_77 : i32 to vector<16xi32>
      %mul3A_79 = arith.muli %mul3A_78, %iota3A : vector<16xi32>
      %add3A_80 = arith.constant 144 : i32
      %add3A_81 = vector.broadcast %add3A_80 : i32 to vector<16xi32>
      %add3A_82 = arith.addi %add3A_81, %mul3A_79 : vector<16xi32>
      %add3A_83 = arith.constant 0 : i32
      %add3A_84 = vector.broadcast %add3A_83 : i32 to vector<16xi32>
      %add3A_85 = arith.addi %add3A_82, %add3A_84 : vector<16xi32>
      %gather3A_86 = tpu.vector_load_idx %arg6[%add3A_85] : memref<1536xf32, #tpu.memory_space<vmem>>[vector<16xi32>], vector<16xf32>,
      %swap3A_87 = arith.constant 48 : index
      %swap3A_88 = tpu.vector_load %arg7[%swap3A_87] {strides = array<i32>} : memref<512xf32, #tpu.memory_space<vmem>>, vector<16xf32>,
      tpu.vector_store %arg7[%swap3A_87], %gather3A_86 {strides = array<i32>} : memref<512xf32, #tpu.memory_space<vmem>>, vector<16xf32>,
      %mul3A_89 = arith.constant 3 : i32
      %mul3A_90 = vector.broadcast %mul3A_89 : i32 to vector<16xi32>
      %mul3A_91 = arith.muli %mul3A_90, %iota3A : vector<16xi32>
      %add3A_92 = arith.constant 192 : i32
      %add3A_93 = vector.broadcast %add3A_92 : i32 to vector<16xi32>
      %add3A_94 = arith.addi %add3A_93, %mul3A_91 : vector<16xi32>
      %add3A_95 = arith.constant 0 : i32
      %add3A_96 = vector.broadcast %add3A_95 : i32 to vector<16xi32>
      %add3A_97 = arith.addi %add3A_94, %add3A_96 : vector<16xi32>
      %gather3A_98 = tpu.vector_load_idx %arg6[%add3A_97] : memref<1536xf32, #tpu.memory_space<vmem>>[vector<16xi32>], vector<16xf32>,
      %swap3A_99 = arith.constant 64 : index
      %swap3A_100 = tpu.vector_load %arg7[%swap3A_99] {strides = array<i32>} : memref<512xf32, #tpu.memory_space<vmem>>, vector<16xf32>,
      tpu.vector_store %arg7[%swap3A_99], %gather3A_98 {strides = array<i32>} : memref<512xf32, #tpu.memory_space<vmem>>, vector<16xf32>,
      %mul3A_101 = arith.constant 3 : i32
      %mul3A_102 = vector.broadcast %mul3A_101 : i32 to vector<16xi32>
      %mul3A_103 = arith.muli %mul3A_102, %iota3A : vector<16xi32>
      %add3A_104 = arith.constant 240 : i32
      %add3A_105 = vector.broadcast %add3A_104 : i32 to vector<16xi32>
      %add3A_106 = arith.addi %add3A_105, %mul3A_103 : vector<16xi32>
      %add3A_107 = arith.constant 0 : i32
      %add3A_108 = vector.broadcast %add3A_107 : i32 to vector<16xi32>
      %add3A_109 = arith.addi %add3A_106, %add3A_108 : vector<16xi32>
      %gather3A_110 = tpu.vector_load_idx %arg6[%add3A_109] : memref<1536xf32, #tpu.memory_space<vmem>>[vector<16xi32>], vector<16xf32>,
      %swap3A_111 = arith.constant 80 : index
      %swap3A_112 = tpu.vector_load %arg7[%swap3A_111] {strides = array<i32>} : memref<512xf32, #tpu.memory_space<vmem>>, vector<16xf32>,
      tpu.vector_store %arg7[%swap3A_111], %gather3A_110 {strides = array<i32>} : memref<512xf32, #tpu.memory_space<vmem>>, vector<16xf32>,
      %mul3A_113 = arith.constant 3 : i32
      %mul3A_114 = vector.broadcast %mul3A_113 : i32 to vector<16xi32>
      %mul3A_115 = arith.muli %mul3A_114, %iota3A : vector<16xi32>
      %add3A_116 = arith.constant 288 : i32
      %add3A_117 = vector.broadcast %add3A_116 : i32 to vector<16xi32>
      %add3A_118 = arith.addi %add3A_117, %mul3A_115 : vector<16xi32>
      %add3A_119 = arith.constant 0 : i32
      %add3A_120 = vector.broadcast %add3A_119 : i32 to vector<16xi32>
      %add3A_121 = arith.addi %add3A_118, %add3A_120 : vector<16xi32>
      %gather3A_122 = tpu.vector_load_idx %arg6[%add3A_121] : memref<1536xf32, #tpu.memory_space<vmem>>[vector<16xi32>], vector<16xf32>,
      %swap3A_123 = arith.constant 96 : index
      %swap3A_124 = tpu.vector_load %arg7[%swap3A_123] {strides = array<i32>} : memref<512xf32, #tpu.memory_space<vmem>>, vector<16xf32>,
      tpu.vector_store %arg7[%swap3A_123], %gather3A_122 {strides = array<i32>} : memref<512xf32, #tpu.memory_space<vmem>>, vector<16xf32>,
      %mul3A_125 = arith.constant 3 : i32
      %mul3A_126 = vector.broadcast %mul3A_125 : i32 to vector<16xi32>
      %mul3A_127 = arith.muli %mul3A_126, %iota3A : vector<16xi32>
      %add3A_128 = arith.constant 336 : i32
      %add3A_129 = vector.broadcast %add3A_128 : i32 to vector<16xi32>
      %add3A_130 = arith.addi %add3A_129, %mul3A_127 : vector<16xi32>
      %add3A_131 = arith.constant 0 : i32
      %add3A_132 = vector.broadcast %add3A_131 : i32 to vector<16xi32>
      %add3A_133 = arith.addi %add3A_130, %add3A_132 : vector<16xi32>
      %gather3A_134 = tpu.vector_load_idx %arg6[%add3A_133] : memref<1536xf32, #tpu.memory_space<vmem>>[vector<16xi32>], vector<16xf32>,
      %swap3A_135 = arith.constant 112 : index
      %swap3A_136 = tpu.vector_load %arg7[%swap3A_135] {strides = array<i32>} : memref<512xf32, #tpu.memory_space<vmem>>, vector<16xf32>,
      tpu.vector_store %arg7[%swap3A_135], %gather3A_134 {strides = array<i32>} : memref<512xf32, #tpu.memory_space<vmem>>, vector<16xf32>,
      %mul3A_137 = arith.constant 3 : i32
      %mul3A_138 = vector.broadcast %mul3A_137 : i32 to vector<16xi32>
      %mul3A_139 = arith.muli %mul3A_138, %iota3A : vector<16xi32>
      %add3A_140 = arith.constant 384 : i32
      %add3A_141 = vector.broadcast %add3A_140 : i32 to vector<16xi32>
      %add3A_142 = arith.addi %add3A_141, %mul3A_139 : vector<16xi32>
      %add3A_143 = arith.constant 0 : i32
      %add3A_144 = vector.broadcast %add3A_143 : i32 to vector<16xi32>
      %add3A_145 = arith.addi %add3A_142, %add3A_144 : vector<16xi32>
      %gather3A_146 = tpu.vector_load_idx %arg6[%add3A_145] : memref<1536xf32, #tpu.memory_space<vmem>>[vector<16xi32>], vector<16xf32>,
      %swap3A_147 = arith.constant 128 : index
      %swap3A_148 = tpu.vector_load %arg7[%swap3A_147] {strides = array<i32>} : memref<512xf32, #tpu.memory_space<vmem>>, vector<16xf32>,
      tpu.vector_store %arg7[%swap3A_147], %gather3A_146 {strides = array<i32>} : memref<512xf32, #tpu.memory_space<vmem>>, vector<16xf32>,
      %mul3A_149 = arith.constant 3 : i32
      %mul3A_150 = vector.broadcast %mul3A_149 : i32 to vector<16xi32>
      %mul3A_151 = arith.muli %mul3A_150, %iota3A : vector<16xi32>
      %add3A_152 = arith.constant 432 : i32
      %add3A_153 = vector.broadcast %add3A_152 : i32 to vector<16xi32>
      %add3A_154 = arith.addi %add3A_153, %mul3A_151 : vector<16xi32>
      %add3A_155 = arith.constant 0 : i32
      %add3A_156 = vector.broadcast %add3A_155 : i32 to vector<16xi32>
      %add3A_157 = arith.addi %add3A_154, %add3A_156 : vector<16xi32>
      %gather3A_158 = tpu.vector_load_idx %arg6[%add3A_157] : memref<1536xf32, #tpu.memory_space<vmem>>[vector<16xi32>], vector<16xf32>,
      %swap3A_159 = arith.constant 144 : index
      %swap3A_160 = tpu.vector_load %arg7[%swap3A_159] {strides = array<i32>} : memref<512xf32, #tpu.memory_space<vmem>>, vector<16xf32>,
      tpu.vector_store %arg7[%swap3A_159], %gather3A_158 {strides = array<i32>} : memref<512xf32, #tpu.memory_space<vmem>>, vector<16xf32>,
      %mul3A_161 = arith.constant 3 : i32
      %mul3A_162 = vector.broadcast %mul3A_161 : i32 to vector<16xi32>
      %mul3A_163 = arith.muli %mul3A_162, %iota3A : vector<16xi32>
      %add3A_164 = arith.constant 480 : i32
      %add3A_165 = vector.broadcast %add3A_164 : i32 to vector<16xi32>
      %add3A_166 = arith.addi %add3A_165, %mul3A_163 : vector<16xi32>
      %add3A_167 = arith.constant 0 : i32
      %add3A_168 = vector.broadcast %add3A_167 : i32 to vector<16xi32>
      %add3A_169 = arith.addi %add3A_166, %add3A_168 : vector<16xi32>
      %gather3A_170 = tpu.vector_load_idx %arg6[%add3A_169] : memref<1536xf32, #tpu.memory_space<vmem>>[vector<16xi32>], vector<16xf32>,
      %swap3A_171 = arith.constant 160 : index
      %swap3A_172 = tpu.vector_load %arg7[%swap3A_171] {strides = array<i32>} : memref<512xf32, #tpu.memory_space<vmem>>, vector<16xf32>,
      tpu.vector_store %arg7[%swap3A_171], %gather3A_170 {strides = array<i32>} : memref<512xf32, #tpu.memory_space<vmem>>, vector<16xf32>,
      %mul3A_173 = arith.constant 3 : i32
      %mul3A_174 = vector.broadcast %mul3A_173 : i32 to vector<16xi32>
      %mul3A_175 = arith.muli %mul3A_174, %iota3A : vector<16xi32>
      %add3A_176 = arith.constant 528 : i32
      %add3A_177 = vector.broadcast %add3A_176 : i32 to vector<16xi32>
      %add3A_178 = arith.addi %add3A_177, %mul3A_175 : vector<16xi32>
      %add3A_179 = arith.constant 0 : i32
      %add3A_180 = vector.broadcast %add3A_179 : i32 to vector<16xi32>
      %add3A_181 = arith.addi %add3A_178, %add3A_180 : vector<16xi32>
      %gather3A_182 = tpu.vector_load_idx %arg6[%add3A_181] : memref<1536xf32, #tpu.memory_space<vmem>>[vector<16xi32>], vector<16xf32>,
      %swap3A_183 = arith.constant 176 : index
      %swap3A_184 = tpu.vector_load %arg7[%swap3A_183] {strides = array<i32>} : memref<512xf32, #tpu.memory_space<vmem>>, vector<16xf32>,
      tpu.vector_store %arg7[%swap3A_183], %gather3A_182 {strides = array<i32>} : memref<512xf32, #tpu.memory_space<vmem>>, vector<16xf32>,
      %mul3A_185 = arith.constant 3 : i32
      %mul3A_186 = vector.broadcast %mul3A_185 : i32 to vector<16xi32>
      %mul3A_187 = arith.muli %mul3A_186, %iota3A : vector<16xi32>
      %add3A_188 = arith.constant 576 : i32
      %add3A_189 = vector.broadcast %add3A_188 : i32 to vector<16xi32>
      %add3A_190 = arith.addi %add3A_189, %mul3A_187 : vector<16xi32>
      %add3A_191 = arith.constant 0 : i32
      %add3A_192 = vector.broadcast %add3A_191 : i32 to vector<16xi32>
      %add3A_193 = arith.addi %add3A_190, %add3A_192 : vector<16xi32>
      %gather3A_194 = tpu.vector_load_idx %arg6[%add3A_193] : memref<1536xf32, #tpu.memory_space<vmem>>[vector<16xi32>], vector<16xf32>,
      %swap3A_195 = arith.constant 192 : index
      %swap3A_196 = tpu.vector_load %arg7[%swap3A_195] {strides = array<i32>} : memref<512xf32, #tpu.memory_space<vmem>>, vector<16xf32>,
      tpu.vector_store %arg7[%swap3A_195], %gather3A_194 {strides = array<i32>} : memref<512xf32, #tpu.memory_space<vmem>>, vector<16xf32>,
      %mul3A_197 = arith.constant 3 : i32
      %mul3A_198 = vector.broadcast %mul3A_197 : i32 to vector<16xi32>
      %mul3A_199 = arith.muli %mul3A_198, %iota3A : vector<16xi32>
      %add3A_200 = arith.constant 624 : i32
      %add3A_201 = vector.broadcast %add3A_200 : i32 to vector<16xi32>
      %add3A_202 = arith.addi %add3A_201, %mul3A_199 : vector<16xi32>
      %add3A_203 = arith.constant 0 : i32
      %add3A_204 = vector.broadcast %add3A_203 : i32 to vector<16xi32>
      %add3A_205 = arith.addi %add3A_202, %add3A_204 : vector<16xi32>
      %gather3A_206 = tpu.vector_load_idx %arg6[%add3A_205] : memref<1536xf32, #tpu.memory_space<vmem>>[vector<16xi32>], vector<16xf32>,
      %swap3A_207 = arith.constant 208 : index
      %swap3A_208 = tpu.vector_load %arg7[%swap3A_207] {strides = array<i32>} : memref<512xf32, #tpu.memory_space<vmem>>, vector<16xf32>,
      tpu.vector_store %arg7[%swap3A_207], %gather3A_206 {strides = array<i32>} : memref<512xf32, #tpu.memory_space<vmem>>, vector<16xf32>,
      %mul3A_209 = arith.constant 3 : i32
      %mul3A_210 = vector.broadcast %mul3A_209 : i32 to vector<16xi32>
      %mul3A_211 = arith.muli %mul3A_210, %iota3A : vector<16xi32>
      %add3A_212 = arith.constant 672 : i32
      %add3A_213 = vector.broadcast %add3A_212 : i32 to vector<16xi32>
      %add3A_214 = arith.addi %add3A_213, %mul3A_211 : vector<16xi32>
      %add3A_215 = arith.constant 0 : i32
      %add3A_216 = vector.broadcast %add3A_215 : i32 to vector<16xi32>
      %add3A_217 = arith.addi %add3A_214, %add3A_216 : vector<16xi32>
      %gather3A_218 = tpu.vector_load_idx %arg6[%add3A_217] : memref<1536xf32, #tpu.memory_space<vmem>>[vector<16xi32>], vector<16xf32>,
      %swap3A_219 = arith.constant 224 : index
      %swap3A_220 = tpu.vector_load %arg7[%swap3A_219] {strides = array<i32>} : memref<512xf32, #tpu.memory_space<vmem>>, vector<16xf32>,
      tpu.vector_store %arg7[%swap3A_219], %gather3A_218 {strides = array<i32>} : memref<512xf32, #tpu.memory_space<vmem>>, vector<16xf32>,
      %mul3A_221 = arith.constant 3 : i32
      %mul3A_222 = vector.broadcast %mul3A_221 : i32 to vector<16xi32>
      %mul3A_223 = arith.muli %mul3A_222, %iota3A : vector<16xi32>
      %add3A_224 = arith.constant 720 : i32
      %add3A_225 = vector.broadcast %add3A_224 : i32 to vector<16xi32>
      %add3A_226 = arith.addi %add3A_225, %mul3A_223 : vector<16xi32>
      %add3A_227 = arith.constant 0 : i32
      %add3A_228 = vector.broadcast %add3A_227 : i32 to vector<16xi32>
      %add3A_229 = arith.addi %add3A_226, %add3A_228 : vector<16xi32>
      %gather3A_230 = tpu.vector_load_idx %arg6[%add3A_229] : memref<1536xf32, #tpu.memory_space<vmem>>[vector<16xi32>], vector<16xf32>,
      %swap3A_231 = arith.constant 240 : index
      %swap3A_232 = tpu.vector_load %arg7[%swap3A_231] {strides = array<i32>} : memref<512xf32, #tpu.memory_space<vmem>>, vector<16xf32>,
      tpu.vector_store %arg7[%swap3A_231], %gather3A_230 {strides = array<i32>} : memref<512xf32, #tpu.memory_space<vmem>>, vector<16xf32>,
      %mul3A_233 = arith.constant 3 : i32
      %mul3A_234 = vector.broadcast %mul3A_233 : i32 to vector<16xi32>
      %mul3A_235 = arith.muli %mul3A_234, %iota3A : vector<16xi32>
      %add3A_236 = arith.constant 768 : i32
      %add3A_237 = vector.broadcast %add3A_236 : i32 to vector<16xi32>
      %add3A_238 = arith.addi %add3A_237, %mul3A_235 : vector<16xi32>
      %add3A_239 = arith.constant 0 : i32
      %add3A_240 = vector.broadcast %add3A_239 : i32 to vector<16xi32>
      %add3A_241 = arith.addi %add3A_238, %add3A_240 : vector<16xi32>
      %gather3A_242 = tpu.vector_load_idx %arg6[%add3A_241] : memref<1536xf32, #tpu.memory_space<vmem>>[vector<16xi32>], vector<16xf32>,
      %swap3A_243 = arith.constant 256 : index
      %swap3A_244 = tpu.vector_load %arg7[%swap3A_243] {strides = array<i32>} : memref<512xf32, #tpu.memory_space<vmem>>, vector<16xf32>,
      tpu.vector_store %arg7[%swap3A_243], %gather3A_242 {strides = array<i32>} : memref<512xf32, #tpu.memory_space<vmem>>, vector<16xf32>,
      %mul3A_245 = arith.constant 3 : i32
      %mul3A_246 = vector.broadcast %mul3A_245 : i32 to vector<16xi32>
      %mul3A_247 = arith.muli %mul3A_246, %iota3A : vector<16xi32>
      %add3A_248 = arith.constant 816 : i32
      %add3A_249 = vector.broadcast %add3A_248 : i32 to vector<16xi32>
      %add3A_250 = arith.addi %add3A_249, %mul3A_247 : vector<16xi32>
      %add3A_251 = arith.constant 0 : i32
      %add3A_252 = vector.broadcast %add3A_251 : i32 to vector<16xi32>
      %add3A_253 = arith.addi %add3A_250, %add3A_252 : vector<16xi32>
      %gather3A_254 = tpu.vector_load_idx %arg6[%add3A_253] : memref<1536xf32, #tpu.memory_space<vmem>>[vector<16xi32>], vector<16xf32>,
      %swap3A_255 = arith.constant 272 : index
      %swap3A_256 = tpu.vector_load %arg7[%swap3A_255] {strides = array<i32>} : memref<512xf32, #tpu.memory_space<vmem>>, vector<16xf32>,
      tpu.vector_store %arg7[%swap3A_255], %gather3A_254 {strides = array<i32>} : memref<512xf32, #tpu.memory_space<vmem>>, vector<16xf32>,
      %mul3A_257 = arith.constant 3 : i32
      %mul3A_258 = vector.broadcast %mul3A_257 : i32 to vector<16xi32>
      %mul3A_259 = arith.muli %mul3A_258, %iota3A : vector<16xi32>
      %add3A_260 = arith.constant 864 : i32
      %add3A_261 = vector.broadcast %add3A_260 : i32 to vector<16xi32>
      %add3A_262 = arith.addi %add3A_261, %mul3A_259 : vector<16xi32>
      %add3A_263 = arith.constant 0 : i32
      %add3A_264 = vector.broadcast %add3A_263 : i32 to vector<16xi32>
      %add3A_265 = arith.addi %add3A_262, %add3A_264 : vector<16xi32>
      %gather3A_266 = tpu.vector_load_idx %arg6[%add3A_265] : memref<1536xf32, #tpu.memory_space<vmem>>[vector<16xi32>], vector<16xf32>,
      %swap3A_267 = arith.constant 288 : index
      %swap3A_268 = tpu.vector_load %arg7[%swap3A_267] {strides = array<i32>} : memref<512xf32, #tpu.memory_space<vmem>>, vector<16xf32>,
      tpu.vector_store %arg7[%swap3A_267], %gather3A_266 {strides = array<i32>} : memref<512xf32, #tpu.memory_space<vmem>>, vector<16xf32>,
      %mul3A_269 = arith.constant 3 : i32
      %mul3A_270 = vector.broadcast %mul3A_269 : i32 to vector<16xi32>
      %mul3A_271 = arith.muli %mul3A_270, %iota3A : vector<16xi32>
      %add3A_272 = arith.constant 912 : i32
      %add3A_273 = vector.broadcast %add3A_272 : i32 to vector<16xi32>
      %add3A_274 = arith.addi %add3A_273, %mul3A_271 : vector<16xi32>
      %add3A_275 = arith.constant 0 : i32
      %add3A_276 = vector.broadcast %add3A_275 : i32 to vector<16xi32>
      %add3A_277 = arith.addi %add3A_274, %add3A_276 : vector<16xi32>
      %gather3A_278 = tpu.vector_load_idx %arg6[%add3A_277] : memref<1536xf32, #tpu.memory_space<vmem>>[vector<16xi32>], vector<16xf32>,
      %swap3A_279 = arith.constant 304 : index
      %swap3A_280 = tpu.vector_load %arg7[%swap3A_279] {strides = array<i32>} : memref<512xf32, #tpu.memory_space<vmem>>, vector<16xf32>,
      tpu.vector_store %arg7[%swap3A_279], %gather3A_278 {strides = array<i32>} : memref<512xf32, #tpu.memory_space<vmem>>, vector<16xf32>,
      %mul3A_281 = arith.constant 3 : i32
      %mul3A_282 = vector.broadcast %mul3A_281 : i32 to vector<16xi32>
      %mul3A_283 = arith.muli %mul3A_282, %iota3A : vector<16xi32>
      %add3A_284 = arith.constant 960 : i32
      %add3A_285 = vector.broadcast %add3A_284 : i32 to vector<16xi32>
      %add3A_286 = arith.addi %add3A_285, %mul3A_283 : vector<16xi32>
      %add3A_287 = arith.constant 0 : i32
      %add3A_288 = vector.broadcast %add3A_287 : i32 to vector<16xi32>
      %add3A_289 = arith.addi %add3A_286, %add3A_288 : vector<16xi32>
      %gather3A_290 = tpu.vector_load_idx %arg6[%add3A_289] : memref<1536xf32, #tpu.memory_space<vmem>>[vector<16xi32>], vector<16xf32>,
      %swap3A_291 = arith.constant 320 : index
      %swap3A_292 = tpu.vector_load %arg7[%swap3A_291] {strides = array<i32>} : memref<512xf32, #tpu.memory_space<vmem>>, vector<16xf32>,
      tpu.vector_store %arg7[%swap3A_291], %gather3A_290 {strides = array<i32>} : memref<512xf32, #tpu.memory_space<vmem>>, vector<16xf32>,
      %mul3A_293 = arith.constant 3 : i32
      %mul3A_294 = vector.broadcast %mul3A_293 : i32 to vector<16xi32>
      %mul3A_295 = arith.muli %mul3A_294, %iota3A : vector<16xi32>
      %add3A_296 = arith.constant 1008 : i32
      %add3A_297 = vector.broadcast %add3A_296 : i32 to vector<16xi32>
      %add3A_298 = arith.addi %add3A_297, %mul3A_295 : vector<16xi32>
      %add3A_299 = arith.constant 0 : i32
      %add3A_300 = vector.broadcast %add3A_299 : i32 to vector<16xi32>
      %add3A_301 = arith.addi %add3A_298, %add3A_300 : vector<16xi32>
      %gather3A_302 = tpu.vector_load_idx %arg6[%add3A_301] : memref<1536xf32, #tpu.memory_space<vmem>>[vector<16xi32>], vector<16xf32>,
      %swap3A_303 = arith.constant 336 : index
      %swap3A_304 = tpu.vector_load %arg7[%swap3A_303] {strides = array<i32>} : memref<512xf32, #tpu.memory_space<vmem>>, vector<16xf32>,
      tpu.vector_store %arg7[%swap3A_303], %gather3A_302 {strides = array<i32>} : memref<512xf32, #tpu.memory_space<vmem>>, vector<16xf32>,
      %mul3A_305 = arith.constant 3 : i32
      %mul3A_306 = vector.broadcast %mul3A_305 : i32 to vector<16xi32>
      %mul3A_307 = arith.muli %mul3A_306, %iota3A : vector<16xi32>
      %add3A_308 = arith.constant 1056 : i32
      %add3A_309 = vector.broadcast %add3A_308 : i32 to vector<16xi32>
      %add3A_310 = arith.addi %add3A_309, %mul3A_307 : vector<16xi32>
      %add3A_311 = arith.constant 0 : i32
      %add3A_312 = vector.broadcast %add3A_311 : i32 to vector<16xi32>
      %add3A_313 = arith.addi %add3A_310, %add3A_312 : vector<16xi32>
      %gather3A_314 = tpu.vector_load_idx %arg6[%add3A_313] : memref<1536xf32, #tpu.memory_space<vmem>>[vector<16xi32>], vector<16xf32>,
      %swap3A_315 = arith.constant 352 : index
      %swap3A_316 = tpu.vector_load %arg7[%swap3A_315] {strides = array<i32>} : memref<512xf32, #tpu.memory_space<vmem>>, vector<16xf32>,
      tpu.vector_store %arg7[%swap3A_315], %gather3A_314 {strides = array<i32>} : memref<512xf32, #tpu.memory_space<vmem>>, vector<16xf32>,
      %mul3A_317 = arith.constant 3 : i32
      %mul3A_318 = vector.broadcast %mul3A_317 : i32 to vector<16xi32>
      %mul3A_319 = arith.muli %mul3A_318, %iota3A : vector<16xi32>
      %add3A_320 = arith.constant 1104 : i32
      %add3A_321 = vector.broadcast %add3A_320 : i32 to vector<16xi32>
      %add3A_322 = arith.addi %add3A_321, %mul3A_319 : vector<16xi32>
      %add3A_323 = arith.constant 0 : i32
      %add3A_324 = vector.broadcast %add3A_323 : i32 to vector<16xi32>
      %add3A_325 = arith.addi %add3A_322, %add3A_324 : vector<16xi32>
      %gather3A_326 = tpu.vector_load_idx %arg6[%add3A_325] : memref<1536xf32, #tpu.memory_space<vmem>>[vector<16xi32>], vector<16xf32>,
      %swap3A_327 = arith.constant 368 : index
      %swap3A_328 = tpu.vector_load %arg7[%swap3A_327] {strides = array<i32>} : memref<512xf32, #tpu.memory_space<vmem>>, vector<16xf32>,
      tpu.vector_store %arg7[%swap3A_327], %gather3A_326 {strides = array<i32>} : memref<512xf32, #tpu.memory_space<vmem>>, vector<16xf32>,
      %mul3A_329 = arith.constant 3 : i32
      %mul3A_330 = vector.broadcast %mul3A_329 : i32 to vector<16xi32>
      %mul3A_331 = arith.muli %mul3A_330, %iota3A : vector<16xi32>
      %add3A_332 = arith.constant 1152 : i32
      %add3A_333 = vector.broadcast %add3A_332 : i32 to vector<16xi32>
      %add3A_334 = arith.addi %add3A_333, %mul3A_331 : vector<16xi32>
      %add3A_335 = arith.constant 0 : i32
      %add3A_336 = vector.broadcast %add3A_335 : i32 to vector<16xi32>
      %add3A_337 = arith.addi %add3A_334, %add3A_336 : vector<16xi32>
      %gather3A_338 = tpu.vector_load_idx %arg6[%add3A_337] : memref<1536xf32, #tpu.memory_space<vmem>>[vector<16xi32>], vector<16xf32>,
      %swap3A_339 = arith.constant 384 : index
      %swap3A_340 = tpu.vector_load %arg7[%swap3A_339] {strides = array<i32>} : memref<512xf32, #tpu.memory_space<vmem>>, vector<16xf32>,
      tpu.vector_store %arg7[%swap3A_339], %gather3A_338 {strides = array<i32>} : memref<512xf32, #tpu.memory_space<vmem>>, vector<16xf32>,
      %mul3A_341 = arith.constant 3 : i32
      %mul3A_342 = vector.broadcast %mul3A_341 : i32 to vector<16xi32>
      %mul3A_343 = arith.muli %mul3A_342, %iota3A : vector<16xi32>
      %add3A_344 = arith.constant 1200 : i32
      %add3A_345 = vector.broadcast %add3A_344 : i32 to vector<16xi32>
      %add3A_346 = arith.addi %add3A_345, %mul3A_343 : vector<16xi32>
      %add3A_347 = arith.constant 0 : i32
      %add3A_348 = vector.broadcast %add3A_347 : i32 to vector<16xi32>
      %add3A_349 = arith.addi %add3A_346, %add3A_348 : vector<16xi32>
      %gather3A_350 = tpu.vector_load_idx %arg6[%add3A_349] : memref<1536xf32, #tpu.memory_space<vmem>>[vector<16xi32>], vector<16xf32>,
      %swap3A_351 = arith.constant 400 : index
      %swap3A_352 = tpu.vector_load %arg7[%swap3A_351] {strides = array<i32>} : memref<512xf32, #tpu.memory_space<vmem>>, vector<16xf32>,
      tpu.vector_store %arg7[%swap3A_351], %gather3A_350 {strides = array<i32>} : memref<512xf32, #tpu.memory_space<vmem>>, vector<16xf32>,
      %mul3A_353 = arith.constant 3 : i32
      %mul3A_354 = vector.broadcast %mul3A_353 : i32 to vector<16xi32>
      %mul3A_355 = arith.muli %mul3A_354, %iota3A : vector<16xi32>
      %add3A_356 = arith.constant 1248 : i32
      %add3A_357 = vector.broadcast %add3A_356 : i32 to vector<16xi32>
      %add3A_358 = arith.addi %add3A_357, %mul3A_355 : vector<16xi32>
      %add3A_359 = arith.constant 0 : i32
      %add3A_360 = vector.broadcast %add3A_359 : i32 to vector<16xi32>
      %add3A_361 = arith.addi %add3A_358, %add3A_360 : vector<16xi32>
      %gather3A_362 = tpu.vector_load_idx %arg6[%add3A_361] : memref<1536xf32, #tpu.memory_space<vmem>>[vector<16xi32>], vector<16xf32>,
      %swap3A_363 = arith.constant 416 : index
      %swap3A_364 = tpu.vector_load %arg7[%swap3A_363] {strides = array<i32>} : memref<512xf32, #tpu.memory_space<vmem>>, vector<16xf32>,
      tpu.vector_store %arg7[%swap3A_363], %gather3A_362 {strides = array<i32>} : memref<512xf32, #tpu.memory_space<vmem>>, vector<16xf32>,
      %mul3A_365 = arith.constant 3 : i32
      %mul3A_366 = vector.broadcast %mul3A_365 : i32 to vector<16xi32>
      %mul3A_367 = arith.muli %mul3A_366, %iota3A : vector<16xi32>
      %add3A_368 = arith.constant 1296 : i32
      %add3A_369 = vector.broadcast %add3A_368 : i32 to vector<16xi32>
      %add3A_370 = arith.addi %add3A_369, %mul3A_367 : vector<16xi32>
      %add3A_371 = arith.constant 0 : i32
      %add3A_372 = vector.broadcast %add3A_371 : i32 to vector<16xi32>
      %add3A_373 = arith.addi %add3A_370, %add3A_372 : vector<16xi32>
      %gather3A_374 = tpu.vector_load_idx %arg6[%add3A_373] : memref<1536xf32, #tpu.memory_space<vmem>>[vector<16xi32>], vector<16xf32>,
      %swap3A_375 = arith.constant 432 : index
      %swap3A_376 = tpu.vector_load %arg7[%swap3A_375] {strides = array<i32>} : memref<512xf32, #tpu.memory_space<vmem>>, vector<16xf32>,
      tpu.vector_store %arg7[%swap3A_375], %gather3A_374 {strides = array<i32>} : memref<512xf32, #tpu.memory_space<vmem>>, vector<16xf32>,
      %mul3A_377 = arith.constant 3 : i32
      %mul3A_378 = vector.broadcast %mul3A_377 : i32 to vector<16xi32>
      %mul3A_379 = arith.muli %mul3A_378, %iota3A : vector<16xi32>
      %add3A_380 = arith.constant 1344 : i32
      %add3A_381 = vector.broadcast %add3A_380 : i32 to vector<16xi32>
      %add3A_382 = arith.addi %add3A_381, %mul3A_379 : vector<16xi32>
      %add3A_383 = arith.constant 0 : i32
      %add3A_384 = vector.broadcast %add3A_383 : i32 to vector<16xi32>
      %add3A_385 = arith.addi %add3A_382, %add3A_384 : vector<16xi32>
      %gather3A_386 = tpu.vector_load_idx %arg6[%add3A_385] : memref<1536xf32, #tpu.memory_space<vmem>>[vector<16xi32>], vector<16xf32>,
      %swap3A_387 = arith.constant 448 : index
      %swap3A_388 = tpu.vector_load %arg7[%swap3A_387] {strides = array<i32>} : memref<512xf32, #tpu.memory_space<vmem>>, vector<16xf32>,
      tpu.vector_store %arg7[%swap3A_387], %gather3A_386 {strides = array<i32>} : memref<512xf32, #tpu.memory_space<vmem>>, vector<16xf32>,
      %mul3A_389 = arith.constant 3 : i32
      %mul3A_390 = vector.broadcast %mul3A_389 : i32 to vector<16xi32>
      %mul3A_391 = arith.muli %mul3A_390, %iota3A : vector<16xi32>
      %add3A_392 = arith.constant 1392 : i32
      %add3A_393 = vector.broadcast %add3A_392 : i32 to vector<16xi32>
      %add3A_394 = arith.addi %add3A_393, %mul3A_391 : vector<16xi32>
      %add3A_395 = arith.constant 0 : i32
      %add3A_396 = vector.broadcast %add3A_395 : i32 to vector<16xi32>
      %add3A_397 = arith.addi %add3A_394, %add3A_396 : vector<16xi32>
      %gather3A_398 = tpu.vector_load_idx %arg6[%add3A_397] : memref<1536xf32, #tpu.memory_space<vmem>>[vector<16xi32>], vector<16xf32>,
      %swap3A_399 = arith.constant 464 : index
      %swap3A_400 = tpu.vector_load %arg7[%swap3A_399] {strides = array<i32>} : memref<512xf32, #tpu.memory_space<vmem>>, vector<16xf32>,
      tpu.vector_store %arg7[%swap3A_399], %gather3A_398 {strides = array<i32>} : memref<512xf32, #tpu.memory_space<vmem>>, vector<16xf32>,
      %mul3A_401 = arith.constant 3 : i32
      %mul3A_402 = vector.broadcast %mul3A_401 : i32 to vector<16xi32>
      %mul3A_403 = arith.muli %mul3A_402, %iota3A : vector<16xi32>
      %add3A_404 = arith.constant 1440 : i32
      %add3A_405 = vector.broadcast %add3A_404 : i32 to vector<16xi32>
      %add3A_406 = arith.addi %add3A_405, %mul3A_403 : vector<16xi32>
      %add3A_407 = arith.constant 0 : i32
      %add3A_408 = vector.broadcast %add3A_407 : i32 to vector<16xi32>
      %add3A_409 = arith.addi %add3A_406, %add3A_408 : vector<16xi32>
      %gather3A_410 = tpu.vector_load_idx %arg6[%add3A_409] : memref<1536xf32, #tpu.memory_space<vmem>>[vector<16xi32>], vector<16xf32>,
      %swap3A_411 = arith.constant 480 : index
      %swap3A_412 = tpu.vector_load %arg7[%swap3A_411] {strides = array<i32>} : memref<512xf32, #tpu.memory_space<vmem>>, vector<16xf32>,
      tpu.vector_store %arg7[%swap3A_411], %gather3A_410 {strides = array<i32>} : memref<512xf32, #tpu.memory_space<vmem>>, vector<16xf32>,
      %mul3A_413 = arith.constant 3 : i32
      %mul3A_414 = vector.broadcast %mul3A_413 : i32 to vector<16xi32>
      %mul3A_415 = arith.muli %mul3A_414, %iota3A : vector<16xi32>
      %add3A_416 = arith.constant 1488 : i32
      %add3A_417 = vector.broadcast %add3A_416 : i32 to vector<16xi32>
      %add3A_418 = arith.addi %add3A_417, %mul3A_415 : vector<16xi32>
      %add3A_419 = arith.constant 0 : i32
      %add3A_420 = vector.broadcast %add3A_419 : i32 to vector<16xi32>
      %add3A_421 = arith.addi %add3A_418, %add3A_420 : vector<16xi32>
      %gather3A_422 = tpu.vector_load_idx %arg6[%add3A_421] : memref<1536xf32, #tpu.memory_space<vmem>>[vector<16xi32>], vector<16xf32>,
      %swap3A_423 = arith.constant 496 : index
      %swap3A_424 = tpu.vector_load %arg7[%swap3A_423] {strides = array<i32>} : memref<512xf32, #tpu.memory_space<vmem>>, vector<16xf32>,
      tpu.vector_store %arg7[%swap3A_423], %gather3A_422 {strides = array<i32>} : memref<512xf32, #tpu.memory_space<vmem>>, vector<16xf32>,
      "tpu.region"() ({
        %run_scoped3A = tpu.sem_alloc : memref<!tpu.dma_semaphore, #tpu.memory_space<semaphore_mem>>
        %dma_start3A = arith.constant 3072 : i32
        %dma_start3A_425 = tpu.memref_slice %arg5[%dma_start3A] : memref<4608xf32, #tpu.memory_space<hbm>> -> memref<512xf32, #tpu.memory_space<hbm>>
        %dma_start3A_426 = arith.constant 3072 : i32
        %dma_start3A_427 = tpu.memref_slice %arg5[%dma_start3A_426] : memref<4608xf32, #tpu.memory_space<hbm>> -> memref<512xf32, #tpu.memory_space<hbm>>
        tpu.enqueue_dma source(%arg7 : memref<512xf32, #tpu.memory_space<vmem>>) target(%dma_start3A_427 : memref<512xf32, #tpu.memory_space<hbm>>) target_semaphore(%run_scoped3A : memref<!tpu.dma_semaphore, #tpu.memory_space<semaphore_mem>>)
        %dma_wait3A = arith.constant 3072 : i32
        %dma_wait3A_428 = tpu.memref_slice %arg5[%dma_wait3A] : memref<4608xf32, #tpu.memory_space<hbm>> -> memref<512xf32, #tpu.memory_space<hbm>>
        %dma_wait3A_429 = arith.constant 3072 : i32
        %dma_wait3A_430 = tpu.memref_slice %arg5[%dma_wait3A_429] : memref<4608xf32, #tpu.memory_space<hbm>> -> memref<512xf32, #tpu.memory_space<hbm>>
        tpu.wait_dma2 semaphore(%run_scoped3A : memref<!tpu.dma_semaphore, #tpu.memory_space<semaphore_mem>>) src(%arg7 : memref<512xf32, #tpu.memory_space<vmem>>) dst(%dma_wait3A_430 : memref<512xf32, #tpu.memory_space<hbm>>)
        tpu.yield
      }) : () -> ()
    } else {
    }
    %eq3A_33 = arith.constant 7 : i32
    %eq3A_34 = arith.cmpi eq, %add3A, %eq3A_33 : i32
    %convert_element_type3A_35 = arith.extui %eq3A_34 : i1 to i32
    %cond3A_36 = arith.constant 0 : i32
    %cond3A_37 = arith.cmpi ne, %convert_element_type3A_35, %cond3A_36 : i32
    scf.if %cond3A_37 {
      "tpu.region"() ({
        %run_scoped3A = tpu.sem_alloc : memref<!tpu.dma_semaphore, #tpu.memory_space<semaphore_mem>>
        tpu.enqueue_dma source(%arg4 : memref<1536xf32, #tpu.memory_space<hbm>>) target(%arg6 : memref<1536xf32, #tpu.memory_space<vmem>>) target_semaphore(%run_scoped3A : memref<!tpu.dma_semaphore, #tpu.memory_space<semaphore_mem>>)
        tpu.wait_dma2 semaphore(%run_scoped3A : memref<!tpu.dma_semaphore, #tpu.memory_space<semaphore_mem>>) src(%arg4 : memref<1536xf32, #tpu.memory_space<hbm>>) dst(%arg6 : memref<1536xf32, #tpu.memory_space<vmem>>)
        tpu.yield
      }) : () -> ()
      %mul3A_43 = arith.constant 3 : i32
      %mul3A_44 = vector.broadcast %mul3A_43 : i32 to vector<16xi32>
      %mul3A_45 = arith.muli %mul3A_44, %iota3A : vector<16xi32>
      %add3A_46 = arith.constant 0 : i32
      %add3A_47 = vector.broadcast %add3A_46 : i32 to vector<16xi32>
      %add3A_48 = arith.addi %add3A_47, %mul3A_45 : vector<16xi32>
      %add3A_49 = arith.constant 1 : i32
      %add3A_50 = vector.broadcast %add3A_49 : i32 to vector<16xi32>
      %add3A_51 = arith.addi %add3A_48, %add3A_50 : vector<16xi32>
      %gather3A = tpu.vector_load_idx %arg6[%add3A_51] : memref<1536xf32, #tpu.memory_space<vmem>>[vector<16xi32>], vector<16xf32>,
      %swap3A = arith.constant 0 : index
      %swap3A_52 = tpu.vector_load %arg7[%swap3A] {strides = array<i32>} : memref<512xf32, #tpu.memory_space<vmem>>, vector<16xf32>,
      tpu.vector_store %arg7[%swap3A], %gather3A {strides = array<i32>} : memref<512xf32, #tpu.memory_space<vmem>>, vector<16xf32>,
      %mul3A_53 = arith.constant 3 : i32
      %mul3A_54 = vector.broadcast %mul3A_53 : i32 to vector<16xi32>
      %mul3A_55 = arith.muli %mul3A_54, %iota3A : vector<16xi32>
      %add3A_56 = arith.constant 48 : i32
      %add3A_57 = vector.broadcast %add3A_56 : i32 to vector<16xi32>
      %add3A_58 = arith.addi %add3A_57, %mul3A_55 : vector<16xi32>
      %add3A_59 = arith.constant 1 : i32
      %add3A_60 = vector.broadcast %add3A_59 : i32 to vector<16xi32>
      %add3A_61 = arith.addi %add3A_58, %add3A_60 : vector<16xi32>
      %gather3A_62 = tpu.vector_load_idx %arg6[%add3A_61] : memref<1536xf32, #tpu.memory_space<vmem>>[vector<16xi32>], vector<16xf32>,
      %swap3A_63 = arith.constant 16 : index
      %swap3A_64 = tpu.vector_load %arg7[%swap3A_63] {strides = array<i32>} : memref<512xf32, #tpu.memory_space<vmem>>, vector<16xf32>,
      tpu.vector_store %arg7[%swap3A_63], %gather3A_62 {strides = array<i32>} : memref<512xf32, #tpu.memory_space<vmem>>, vector<16xf32>,
      %mul3A_65 = arith.constant 3 : i32
      %mul3A_66 = vector.broadcast %mul3A_65 : i32 to vector<16xi32>
      %mul3A_67 = arith.muli %mul3A_66, %iota3A : vector<16xi32>
      %add3A_68 = arith.constant 96 : i32
      %add3A_69 = vector.broadcast %add3A_68 : i32 to vector<16xi32>
      %add3A_70 = arith.addi %add3A_69, %mul3A_67 : vector<16xi32>
      %add3A_71 = arith.constant 1 : i32
      %add3A_72 = vector.broadcast %add3A_71 : i32 to vector<16xi32>
      %add3A_73 = arith.addi %add3A_70, %add3A_72 : vector<16xi32>
      %gather3A_74 = tpu.vector_load_idx %arg6[%add3A_73] : memref<1536xf32, #tpu.memory_space<vmem>>[vector<16xi32>], vector<16xf32>,
      %swap3A_75 = arith.constant 32 : index
      %swap3A_76 = tpu.vector_load %arg7[%swap3A_75] {strides = array<i32>} : memref<512xf32, #tpu.memory_space<vmem>>, vector<16xf32>,
      tpu.vector_store %arg7[%swap3A_75], %gather3A_74 {strides = array<i32>} : memref<512xf32, #tpu.memory_space<vmem>>, vector<16xf32>,
      %mul3A_77 = arith.constant 3 : i32
      %mul3A_78 = vector.broadcast %mul3A_77 : i32 to vector<16xi32>
      %mul3A_79 = arith.muli %mul3A_78, %iota3A : vector<16xi32>
      %add3A_80 = arith.constant 144 : i32
      %add3A_81 = vector.broadcast %add3A_80 : i32 to vector<16xi32>
      %add3A_82 = arith.addi %add3A_81, %mul3A_79 : vector<16xi32>
      %add3A_83 = arith.constant 1 : i32
      %add3A_84 = vector.broadcast %add3A_83 : i32 to vector<16xi32>
      %add3A_85 = arith.addi %add3A_82, %add3A_84 : vector<16xi32>
      %gather3A_86 = tpu.vector_load_idx %arg6[%add3A_85] : memref<1536xf32, #tpu.memory_space<vmem>>[vector<16xi32>], vector<16xf32>,
      %swap3A_87 = arith.constant 48 : index
      %swap3A_88 = tpu.vector_load %arg7[%swap3A_87] {strides = array<i32>} : memref<512xf32, #tpu.memory_space<vmem>>, vector<16xf32>,
      tpu.vector_store %arg7[%swap3A_87], %gather3A_86 {strides = array<i32>} : memref<512xf32, #tpu.memory_space<vmem>>, vector<16xf32>,
      %mul3A_89 = arith.constant 3 : i32
      %mul3A_90 = vector.broadcast %mul3A_89 : i32 to vector<16xi32>
      %mul3A_91 = arith.muli %mul3A_90, %iota3A : vector<16xi32>
      %add3A_92 = arith.constant 192 : i32
      %add3A_93 = vector.broadcast %add3A_92 : i32 to vector<16xi32>
      %add3A_94 = arith.addi %add3A_93, %mul3A_91 : vector<16xi32>
      %add3A_95 = arith.constant 1 : i32
      %add3A_96 = vector.broadcast %add3A_95 : i32 to vector<16xi32>
      %add3A_97 = arith.addi %add3A_94, %add3A_96 : vector<16xi32>
      %gather3A_98 = tpu.vector_load_idx %arg6[%add3A_97] : memref<1536xf32, #tpu.memory_space<vmem>>[vector<16xi32>], vector<16xf32>,
      %swap3A_99 = arith.constant 64 : index
      %swap3A_100 = tpu.vector_load %arg7[%swap3A_99] {strides = array<i32>} : memref<512xf32, #tpu.memory_space<vmem>>, vector<16xf32>,
      tpu.vector_store %arg7[%swap3A_99], %gather3A_98 {strides = array<i32>} : memref<512xf32, #tpu.memory_space<vmem>>, vector<16xf32>,
      %mul3A_101 = arith.constant 3 : i32
      %mul3A_102 = vector.broadcast %mul3A_101 : i32 to vector<16xi32>
      %mul3A_103 = arith.muli %mul3A_102, %iota3A : vector<16xi32>
      %add3A_104 = arith.constant 240 : i32
      %add3A_105 = vector.broadcast %add3A_104 : i32 to vector<16xi32>
      %add3A_106 = arith.addi %add3A_105, %mul3A_103 : vector<16xi32>
      %add3A_107 = arith.constant 1 : i32
      %add3A_108 = vector.broadcast %add3A_107 : i32 to vector<16xi32>
      %add3A_109 = arith.addi %add3A_106, %add3A_108 : vector<16xi32>
      %gather3A_110 = tpu.vector_load_idx %arg6[%add3A_109] : memref<1536xf32, #tpu.memory_space<vmem>>[vector<16xi32>], vector<16xf32>,
      %swap3A_111 = arith.constant 80 : index
      %swap3A_112 = tpu.vector_load %arg7[%swap3A_111] {strides = array<i32>} : memref<512xf32, #tpu.memory_space<vmem>>, vector<16xf32>,
      tpu.vector_store %arg7[%swap3A_111], %gather3A_110 {strides = array<i32>} : memref<512xf32, #tpu.memory_space<vmem>>, vector<16xf32>,
      %mul3A_113 = arith.constant 3 : i32
      %mul3A_114 = vector.broadcast %mul3A_113 : i32 to vector<16xi32>
      %mul3A_115 = arith.muli %mul3A_114, %iota3A : vector<16xi32>
      %add3A_116 = arith.constant 288 : i32
      %add3A_117 = vector.broadcast %add3A_116 : i32 to vector<16xi32>
      %add3A_118 = arith.addi %add3A_117, %mul3A_115 : vector<16xi32>
      %add3A_119 = arith.constant 1 : i32
      %add3A_120 = vector.broadcast %add3A_119 : i32 to vector<16xi32>
      %add3A_121 = arith.addi %add3A_118, %add3A_120 : vector<16xi32>
      %gather3A_122 = tpu.vector_load_idx %arg6[%add3A_121] : memref<1536xf32, #tpu.memory_space<vmem>>[vector<16xi32>], vector<16xf32>,
      %swap3A_123 = arith.constant 96 : index
      %swap3A_124 = tpu.vector_load %arg7[%swap3A_123] {strides = array<i32>} : memref<512xf32, #tpu.memory_space<vmem>>, vector<16xf32>,
      tpu.vector_store %arg7[%swap3A_123], %gather3A_122 {strides = array<i32>} : memref<512xf32, #tpu.memory_space<vmem>>, vector<16xf32>,
      %mul3A_125 = arith.constant 3 : i32
      %mul3A_126 = vector.broadcast %mul3A_125 : i32 to vector<16xi32>
      %mul3A_127 = arith.muli %mul3A_126, %iota3A : vector<16xi32>
      %add3A_128 = arith.constant 336 : i32
      %add3A_129 = vector.broadcast %add3A_128 : i32 to vector<16xi32>
      %add3A_130 = arith.addi %add3A_129, %mul3A_127 : vector<16xi32>
      %add3A_131 = arith.constant 1 : i32
      %add3A_132 = vector.broadcast %add3A_131 : i32 to vector<16xi32>
      %add3A_133 = arith.addi %add3A_130, %add3A_132 : vector<16xi32>
      %gather3A_134 = tpu.vector_load_idx %arg6[%add3A_133] : memref<1536xf32, #tpu.memory_space<vmem>>[vector<16xi32>], vector<16xf32>,
      %swap3A_135 = arith.constant 112 : index
      %swap3A_136 = tpu.vector_load %arg7[%swap3A_135] {strides = array<i32>} : memref<512xf32, #tpu.memory_space<vmem>>, vector<16xf32>,
      tpu.vector_store %arg7[%swap3A_135], %gather3A_134 {strides = array<i32>} : memref<512xf32, #tpu.memory_space<vmem>>, vector<16xf32>,
      %mul3A_137 = arith.constant 3 : i32
      %mul3A_138 = vector.broadcast %mul3A_137 : i32 to vector<16xi32>
      %mul3A_139 = arith.muli %mul3A_138, %iota3A : vector<16xi32>
      %add3A_140 = arith.constant 384 : i32
      %add3A_141 = vector.broadcast %add3A_140 : i32 to vector<16xi32>
      %add3A_142 = arith.addi %add3A_141, %mul3A_139 : vector<16xi32>
      %add3A_143 = arith.constant 1 : i32
      %add3A_144 = vector.broadcast %add3A_143 : i32 to vector<16xi32>
      %add3A_145 = arith.addi %add3A_142, %add3A_144 : vector<16xi32>
      %gather3A_146 = tpu.vector_load_idx %arg6[%add3A_145] : memref<1536xf32, #tpu.memory_space<vmem>>[vector<16xi32>], vector<16xf32>,
      %swap3A_147 = arith.constant 128 : index
      %swap3A_148 = tpu.vector_load %arg7[%swap3A_147] {strides = array<i32>} : memref<512xf32, #tpu.memory_space<vmem>>, vector<16xf32>,
      tpu.vector_store %arg7[%swap3A_147], %gather3A_146 {strides = array<i32>} : memref<512xf32, #tpu.memory_space<vmem>>, vector<16xf32>,
      %mul3A_149 = arith.constant 3 : i32
      %mul3A_150 = vector.broadcast %mul3A_149 : i32 to vector<16xi32>
      %mul3A_151 = arith.muli %mul3A_150, %iota3A : vector<16xi32>
      %add3A_152 = arith.constant 432 : i32
      %add3A_153 = vector.broadcast %add3A_152 : i32 to vector<16xi32>
      %add3A_154 = arith.addi %add3A_153, %mul3A_151 : vector<16xi32>
      %add3A_155 = arith.constant 1 : i32
      %add3A_156 = vector.broadcast %add3A_155 : i32 to vector<16xi32>
      %add3A_157 = arith.addi %add3A_154, %add3A_156 : vector<16xi32>
      %gather3A_158 = tpu.vector_load_idx %arg6[%add3A_157] : memref<1536xf32, #tpu.memory_space<vmem>>[vector<16xi32>], vector<16xf32>,
      %swap3A_159 = arith.constant 144 : index
      %swap3A_160 = tpu.vector_load %arg7[%swap3A_159] {strides = array<i32>} : memref<512xf32, #tpu.memory_space<vmem>>, vector<16xf32>,
      tpu.vector_store %arg7[%swap3A_159], %gather3A_158 {strides = array<i32>} : memref<512xf32, #tpu.memory_space<vmem>>, vector<16xf32>,
      %mul3A_161 = arith.constant 3 : i32
      %mul3A_162 = vector.broadcast %mul3A_161 : i32 to vector<16xi32>
      %mul3A_163 = arith.muli %mul3A_162, %iota3A : vector<16xi32>
      %add3A_164 = arith.constant 480 : i32
      %add3A_165 = vector.broadcast %add3A_164 : i32 to vector<16xi32>
      %add3A_166 = arith.addi %add3A_165, %mul3A_163 : vector<16xi32>
      %add3A_167 = arith.constant 1 : i32
      %add3A_168 = vector.broadcast %add3A_167 : i32 to vector<16xi32>
      %add3A_169 = arith.addi %add3A_166, %add3A_168 : vector<16xi32>
      %gather3A_170 = tpu.vector_load_idx %arg6[%add3A_169] : memref<1536xf32, #tpu.memory_space<vmem>>[vector<16xi32>], vector<16xf32>,
      %swap3A_171 = arith.constant 160 : index
      %swap3A_172 = tpu.vector_load %arg7[%swap3A_171] {strides = array<i32>} : memref<512xf32, #tpu.memory_space<vmem>>, vector<16xf32>,
      tpu.vector_store %arg7[%swap3A_171], %gather3A_170 {strides = array<i32>} : memref<512xf32, #tpu.memory_space<vmem>>, vector<16xf32>,
      %mul3A_173 = arith.constant 3 : i32
      %mul3A_174 = vector.broadcast %mul3A_173 : i32 to vector<16xi32>
      %mul3A_175 = arith.muli %mul3A_174, %iota3A : vector<16xi32>
      %add3A_176 = arith.constant 528 : i32
      %add3A_177 = vector.broadcast %add3A_176 : i32 to vector<16xi32>
      %add3A_178 = arith.addi %add3A_177, %mul3A_175 : vector<16xi32>
      %add3A_179 = arith.constant 1 : i32
      %add3A_180 = vector.broadcast %add3A_179 : i32 to vector<16xi32>
      %add3A_181 = arith.addi %add3A_178, %add3A_180 : vector<16xi32>
      %gather3A_182 = tpu.vector_load_idx %arg6[%add3A_181] : memref<1536xf32, #tpu.memory_space<vmem>>[vector<16xi32>], vector<16xf32>,
      %swap3A_183 = arith.constant 176 : index
      %swap3A_184 = tpu.vector_load %arg7[%swap3A_183] {strides = array<i32>} : memref<512xf32, #tpu.memory_space<vmem>>, vector<16xf32>,
      tpu.vector_store %arg7[%swap3A_183], %gather3A_182 {strides = array<i32>} : memref<512xf32, #tpu.memory_space<vmem>>, vector<16xf32>,
      %mul3A_185 = arith.constant 3 : i32
      %mul3A_186 = vector.broadcast %mul3A_185 : i32 to vector<16xi32>
      %mul3A_187 = arith.muli %mul3A_186, %iota3A : vector<16xi32>
      %add3A_188 = arith.constant 576 : i32
      %add3A_189 = vector.broadcast %add3A_188 : i32 to vector<16xi32>
      %add3A_190 = arith.addi %add3A_189, %mul3A_187 : vector<16xi32>
      %add3A_191 = arith.constant 1 : i32
      %add3A_192 = vector.broadcast %add3A_191 : i32 to vector<16xi32>
      %add3A_193 = arith.addi %add3A_190, %add3A_192 : vector<16xi32>
      %gather3A_194 = tpu.vector_load_idx %arg6[%add3A_193] : memref<1536xf32, #tpu.memory_space<vmem>>[vector<16xi32>], vector<16xf32>,
      %swap3A_195 = arith.constant 192 : index
      %swap3A_196 = tpu.vector_load %arg7[%swap3A_195] {strides = array<i32>} : memref<512xf32, #tpu.memory_space<vmem>>, vector<16xf32>,
      tpu.vector_store %arg7[%swap3A_195], %gather3A_194 {strides = array<i32>} : memref<512xf32, #tpu.memory_space<vmem>>, vector<16xf32>,
      %mul3A_197 = arith.constant 3 : i32
      %mul3A_198 = vector.broadcast %mul3A_197 : i32 to vector<16xi32>
      %mul3A_199 = arith.muli %mul3A_198, %iota3A : vector<16xi32>
      %add3A_200 = arith.constant 624 : i32
      %add3A_201 = vector.broadcast %add3A_200 : i32 to vector<16xi32>
      %add3A_202 = arith.addi %add3A_201, %mul3A_199 : vector<16xi32>
      %add3A_203 = arith.constant 1 : i32
      %add3A_204 = vector.broadcast %add3A_203 : i32 to vector<16xi32>
      %add3A_205 = arith.addi %add3A_202, %add3A_204 : vector<16xi32>
      %gather3A_206 = tpu.vector_load_idx %arg6[%add3A_205] : memref<1536xf32, #tpu.memory_space<vmem>>[vector<16xi32>], vector<16xf32>,
      %swap3A_207 = arith.constant 208 : index
      %swap3A_208 = tpu.vector_load %arg7[%swap3A_207] {strides = array<i32>} : memref<512xf32, #tpu.memory_space<vmem>>, vector<16xf32>,
      tpu.vector_store %arg7[%swap3A_207], %gather3A_206 {strides = array<i32>} : memref<512xf32, #tpu.memory_space<vmem>>, vector<16xf32>,
      %mul3A_209 = arith.constant 3 : i32
      %mul3A_210 = vector.broadcast %mul3A_209 : i32 to vector<16xi32>
      %mul3A_211 = arith.muli %mul3A_210, %iota3A : vector<16xi32>
      %add3A_212 = arith.constant 672 : i32
      %add3A_213 = vector.broadcast %add3A_212 : i32 to vector<16xi32>
      %add3A_214 = arith.addi %add3A_213, %mul3A_211 : vector<16xi32>
      %add3A_215 = arith.constant 1 : i32
      %add3A_216 = vector.broadcast %add3A_215 : i32 to vector<16xi32>
      %add3A_217 = arith.addi %add3A_214, %add3A_216 : vector<16xi32>
      %gather3A_218 = tpu.vector_load_idx %arg6[%add3A_217] : memref<1536xf32, #tpu.memory_space<vmem>>[vector<16xi32>], vector<16xf32>,
      %swap3A_219 = arith.constant 224 : index
      %swap3A_220 = tpu.vector_load %arg7[%swap3A_219] {strides = array<i32>} : memref<512xf32, #tpu.memory_space<vmem>>, vector<16xf32>,
      tpu.vector_store %arg7[%swap3A_219], %gather3A_218 {strides = array<i32>} : memref<512xf32, #tpu.memory_space<vmem>>, vector<16xf32>,
      %mul3A_221 = arith.constant 3 : i32
      %mul3A_222 = vector.broadcast %mul3A_221 : i32 to vector<16xi32>
      %mul3A_223 = arith.muli %mul3A_222, %iota3A : vector<16xi32>
      %add3A_224 = arith.constant 720 : i32
      %add3A_225 = vector.broadcast %add3A_224 : i32 to vector<16xi32>
      %add3A_226 = arith.addi %add3A_225, %mul3A_223 : vector<16xi32>
      %add3A_227 = arith.constant 1 : i32
      %add3A_228 = vector.broadcast %add3A_227 : i32 to vector<16xi32>
      %add3A_229 = arith.addi %add3A_226, %add3A_228 : vector<16xi32>
      %gather3A_230 = tpu.vector_load_idx %arg6[%add3A_229] : memref<1536xf32, #tpu.memory_space<vmem>>[vector<16xi32>], vector<16xf32>,
      %swap3A_231 = arith.constant 240 : index
      %swap3A_232 = tpu.vector_load %arg7[%swap3A_231] {strides = array<i32>} : memref<512xf32, #tpu.memory_space<vmem>>, vector<16xf32>,
      tpu.vector_store %arg7[%swap3A_231], %gather3A_230 {strides = array<i32>} : memref<512xf32, #tpu.memory_space<vmem>>, vector<16xf32>,
      %mul3A_233 = arith.constant 3 : i32
      %mul3A_234 = vector.broadcast %mul3A_233 : i32 to vector<16xi32>
      %mul3A_235 = arith.muli %mul3A_234, %iota3A : vector<16xi32>
      %add3A_236 = arith.constant 768 : i32
      %add3A_237 = vector.broadcast %add3A_236 : i32 to vector<16xi32>
      %add3A_238 = arith.addi %add3A_237, %mul3A_235 : vector<16xi32>
      %add3A_239 = arith.constant 1 : i32
      %add3A_240 = vector.broadcast %add3A_239 : i32 to vector<16xi32>
      %add3A_241 = arith.addi %add3A_238, %add3A_240 : vector<16xi32>
      %gather3A_242 = tpu.vector_load_idx %arg6[%add3A_241] : memref<1536xf32, #tpu.memory_space<vmem>>[vector<16xi32>], vector<16xf32>,
      %swap3A_243 = arith.constant 256 : index
      %swap3A_244 = tpu.vector_load %arg7[%swap3A_243] {strides = array<i32>} : memref<512xf32, #tpu.memory_space<vmem>>, vector<16xf32>,
      tpu.vector_store %arg7[%swap3A_243], %gather3A_242 {strides = array<i32>} : memref<512xf32, #tpu.memory_space<vmem>>, vector<16xf32>,
      %mul3A_245 = arith.constant 3 : i32
      %mul3A_246 = vector.broadcast %mul3A_245 : i32 to vector<16xi32>
      %mul3A_247 = arith.muli %mul3A_246, %iota3A : vector<16xi32>
      %add3A_248 = arith.constant 816 : i32
      %add3A_249 = vector.broadcast %add3A_248 : i32 to vector<16xi32>
      %add3A_250 = arith.addi %add3A_249, %mul3A_247 : vector<16xi32>
      %add3A_251 = arith.constant 1 : i32
      %add3A_252 = vector.broadcast %add3A_251 : i32 to vector<16xi32>
      %add3A_253 = arith.addi %add3A_250, %add3A_252 : vector<16xi32>
      %gather3A_254 = tpu.vector_load_idx %arg6[%add3A_253] : memref<1536xf32, #tpu.memory_space<vmem>>[vector<16xi32>], vector<16xf32>,
      %swap3A_255 = arith.constant 272 : index
      %swap3A_256 = tpu.vector_load %arg7[%swap3A_255] {strides = array<i32>} : memref<512xf32, #tpu.memory_space<vmem>>, vector<16xf32>,
      tpu.vector_store %arg7[%swap3A_255], %gather3A_254 {strides = array<i32>} : memref<512xf32, #tpu.memory_space<vmem>>, vector<16xf32>,
      %mul3A_257 = arith.constant 3 : i32
      %mul3A_258 = vector.broadcast %mul3A_257 : i32 to vector<16xi32>
      %mul3A_259 = arith.muli %mul3A_258, %iota3A : vector<16xi32>
      %add3A_260 = arith.constant 864 : i32
      %add3A_261 = vector.broadcast %add3A_260 : i32 to vector<16xi32>
      %add3A_262 = arith.addi %add3A_261, %mul3A_259 : vector<16xi32>
      %add3A_263 = arith.constant 1 : i32
      %add3A_264 = vector.broadcast %add3A_263 : i32 to vector<16xi32>
      %add3A_265 = arith.addi %add3A_262, %add3A_264 : vector<16xi32>
      %gather3A_266 = tpu.vector_load_idx %arg6[%add3A_265] : memref<1536xf32, #tpu.memory_space<vmem>>[vector<16xi32>], vector<16xf32>,
      %swap3A_267 = arith.constant 288 : index
      %swap3A_268 = tpu.vector_load %arg7[%swap3A_267] {strides = array<i32>} : memref<512xf32, #tpu.memory_space<vmem>>, vector<16xf32>,
      tpu.vector_store %arg7[%swap3A_267], %gather3A_266 {strides = array<i32>} : memref<512xf32, #tpu.memory_space<vmem>>, vector<16xf32>,
      %mul3A_269 = arith.constant 3 : i32
      %mul3A_270 = vector.broadcast %mul3A_269 : i32 to vector<16xi32>
      %mul3A_271 = arith.muli %mul3A_270, %iota3A : vector<16xi32>
      %add3A_272 = arith.constant 912 : i32
      %add3A_273 = vector.broadcast %add3A_272 : i32 to vector<16xi32>
      %add3A_274 = arith.addi %add3A_273, %mul3A_271 : vector<16xi32>
      %add3A_275 = arith.constant 1 : i32
      %add3A_276 = vector.broadcast %add3A_275 : i32 to vector<16xi32>
      %add3A_277 = arith.addi %add3A_274, %add3A_276 : vector<16xi32>
      %gather3A_278 = tpu.vector_load_idx %arg6[%add3A_277] : memref<1536xf32, #tpu.memory_space<vmem>>[vector<16xi32>], vector<16xf32>,
      %swap3A_279 = arith.constant 304 : index
      %swap3A_280 = tpu.vector_load %arg7[%swap3A_279] {strides = array<i32>} : memref<512xf32, #tpu.memory_space<vmem>>, vector<16xf32>,
      tpu.vector_store %arg7[%swap3A_279], %gather3A_278 {strides = array<i32>} : memref<512xf32, #tpu.memory_space<vmem>>, vector<16xf32>,
      %mul3A_281 = arith.constant 3 : i32
      %mul3A_282 = vector.broadcast %mul3A_281 : i32 to vector<16xi32>
      %mul3A_283 = arith.muli %mul3A_282, %iota3A : vector<16xi32>
      %add3A_284 = arith.constant 960 : i32
      %add3A_285 = vector.broadcast %add3A_284 : i32 to vector<16xi32>
      %add3A_286 = arith.addi %add3A_285, %mul3A_283 : vector<16xi32>
      %add3A_287 = arith.constant 1 : i32
      %add3A_288 = vector.broadcast %add3A_287 : i32 to vector<16xi32>
      %add3A_289 = arith.addi %add3A_286, %add3A_288 : vector<16xi32>
      %gather3A_290 = tpu.vector_load_idx %arg6[%add3A_289] : memref<1536xf32, #tpu.memory_space<vmem>>[vector<16xi32>], vector<16xf32>,
      %swap3A_291 = arith.constant 320 : index
      %swap3A_292 = tpu.vector_load %arg7[%swap3A_291] {strides = array<i32>} : memref<512xf32, #tpu.memory_space<vmem>>, vector<16xf32>,
      tpu.vector_store %arg7[%swap3A_291], %gather3A_290 {strides = array<i32>} : memref<512xf32, #tpu.memory_space<vmem>>, vector<16xf32>,
      %mul3A_293 = arith.constant 3 : i32
      %mul3A_294 = vector.broadcast %mul3A_293 : i32 to vector<16xi32>
      %mul3A_295 = arith.muli %mul3A_294, %iota3A : vector<16xi32>
      %add3A_296 = arith.constant 1008 : i32
      %add3A_297 = vector.broadcast %add3A_296 : i32 to vector<16xi32>
      %add3A_298 = arith.addi %add3A_297, %mul3A_295 : vector<16xi32>
      %add3A_299 = arith.constant 1 : i32
      %add3A_300 = vector.broadcast %add3A_299 : i32 to vector<16xi32>
      %add3A_301 = arith.addi %add3A_298, %add3A_300 : vector<16xi32>
      %gather3A_302 = tpu.vector_load_idx %arg6[%add3A_301] : memref<1536xf32, #tpu.memory_space<vmem>>[vector<16xi32>], vector<16xf32>,
      %swap3A_303 = arith.constant 336 : index
      %swap3A_304 = tpu.vector_load %arg7[%swap3A_303] {strides = array<i32>} : memref<512xf32, #tpu.memory_space<vmem>>, vector<16xf32>,
      tpu.vector_store %arg7[%swap3A_303], %gather3A_302 {strides = array<i32>} : memref<512xf32, #tpu.memory_space<vmem>>, vector<16xf32>,
      %mul3A_305 = arith.constant 3 : i32
      %mul3A_306 = vector.broadcast %mul3A_305 : i32 to vector<16xi32>
      %mul3A_307 = arith.muli %mul3A_306, %iota3A : vector<16xi32>
      %add3A_308 = arith.constant 1056 : i32
      %add3A_309 = vector.broadcast %add3A_308 : i32 to vector<16xi32>
      %add3A_310 = arith.addi %add3A_309, %mul3A_307 : vector<16xi32>
      %add3A_311 = arith.constant 1 : i32
      %add3A_312 = vector.broadcast %add3A_311 : i32 to vector<16xi32>
      %add3A_313 = arith.addi %add3A_310, %add3A_312 : vector<16xi32>
      %gather3A_314 = tpu.vector_load_idx %arg6[%add3A_313] : memref<1536xf32, #tpu.memory_space<vmem>>[vector<16xi32>], vector<16xf32>,
      %swap3A_315 = arith.constant 352 : index
      %swap3A_316 = tpu.vector_load %arg7[%swap3A_315] {strides = array<i32>} : memref<512xf32, #tpu.memory_space<vmem>>, vector<16xf32>,
      tpu.vector_store %arg7[%swap3A_315], %gather3A_314 {strides = array<i32>} : memref<512xf32, #tpu.memory_space<vmem>>, vector<16xf32>,
      %mul3A_317 = arith.constant 3 : i32
      %mul3A_318 = vector.broadcast %mul3A_317 : i32 to vector<16xi32>
      %mul3A_319 = arith.muli %mul3A_318, %iota3A : vector<16xi32>
      %add3A_320 = arith.constant 1104 : i32
      %add3A_321 = vector.broadcast %add3A_320 : i32 to vector<16xi32>
      %add3A_322 = arith.addi %add3A_321, %mul3A_319 : vector<16xi32>
      %add3A_323 = arith.constant 1 : i32
      %add3A_324 = vector.broadcast %add3A_323 : i32 to vector<16xi32>
      %add3A_325 = arith.addi %add3A_322, %add3A_324 : vector<16xi32>
      %gather3A_326 = tpu.vector_load_idx %arg6[%add3A_325] : memref<1536xf32, #tpu.memory_space<vmem>>[vector<16xi32>], vector<16xf32>,
      %swap3A_327 = arith.constant 368 : index
      %swap3A_328 = tpu.vector_load %arg7[%swap3A_327] {strides = array<i32>} : memref<512xf32, #tpu.memory_space<vmem>>, vector<16xf32>,
      tpu.vector_store %arg7[%swap3A_327], %gather3A_326 {strides = array<i32>} : memref<512xf32, #tpu.memory_space<vmem>>, vector<16xf32>,
      %mul3A_329 = arith.constant 3 : i32
      %mul3A_330 = vector.broadcast %mul3A_329 : i32 to vector<16xi32>
      %mul3A_331 = arith.muli %mul3A_330, %iota3A : vector<16xi32>
      %add3A_332 = arith.constant 1152 : i32
      %add3A_333 = vector.broadcast %add3A_332 : i32 to vector<16xi32>
      %add3A_334 = arith.addi %add3A_333, %mul3A_331 : vector<16xi32>
      %add3A_335 = arith.constant 1 : i32
      %add3A_336 = vector.broadcast %add3A_335 : i32 to vector<16xi32>
      %add3A_337 = arith.addi %add3A_334, %add3A_336 : vector<16xi32>
      %gather3A_338 = tpu.vector_load_idx %arg6[%add3A_337] : memref<1536xf32, #tpu.memory_space<vmem>>[vector<16xi32>], vector<16xf32>,
      %swap3A_339 = arith.constant 384 : index
      %swap3A_340 = tpu.vector_load %arg7[%swap3A_339] {strides = array<i32>} : memref<512xf32, #tpu.memory_space<vmem>>, vector<16xf32>,
      tpu.vector_store %arg7[%swap3A_339], %gather3A_338 {strides = array<i32>} : memref<512xf32, #tpu.memory_space<vmem>>, vector<16xf32>,
      %mul3A_341 = arith.constant 3 : i32
      %mul3A_342 = vector.broadcast %mul3A_341 : i32 to vector<16xi32>
      %mul3A_343 = arith.muli %mul3A_342, %iota3A : vector<16xi32>
      %add3A_344 = arith.constant 1200 : i32
      %add3A_345 = vector.broadcast %add3A_344 : i32 to vector<16xi32>
      %add3A_346 = arith.addi %add3A_345, %mul3A_343 : vector<16xi32>
      %add3A_347 = arith.constant 1 : i32
      %add3A_348 = vector.broadcast %add3A_347 : i32 to vector<16xi32>
      %add3A_349 = arith.addi %add3A_346, %add3A_348 : vector<16xi32>
      %gather3A_350 = tpu.vector_load_idx %arg6[%add3A_349] : memref<1536xf32, #tpu.memory_space<vmem>>[vector<16xi32>], vector<16xf32>,
      %swap3A_351 = arith.constant 400 : index
      %swap3A_352 = tpu.vector_load %arg7[%swap3A_351] {strides = array<i32>} : memref<512xf32, #tpu.memory_space<vmem>>, vector<16xf32>,
      tpu.vector_store %arg7[%swap3A_351], %gather3A_350 {strides = array<i32>} : memref<512xf32, #tpu.memory_space<vmem>>, vector<16xf32>,
      %mul3A_353 = arith.constant 3 : i32
      %mul3A_354 = vector.broadcast %mul3A_353 : i32 to vector<16xi32>
      %mul3A_355 = arith.muli %mul3A_354, %iota3A : vector<16xi32>
      %add3A_356 = arith.constant 1248 : i32
      %add3A_357 = vector.broadcast %add3A_356 : i32 to vector<16xi32>
      %add3A_358 = arith.addi %add3A_357, %mul3A_355 : vector<16xi32>
      %add3A_359 = arith.constant 1 : i32
      %add3A_360 = vector.broadcast %add3A_359 : i32 to vector<16xi32>
      %add3A_361 = arith.addi %add3A_358, %add3A_360 : vector<16xi32>
      %gather3A_362 = tpu.vector_load_idx %arg6[%add3A_361] : memref<1536xf32, #tpu.memory_space<vmem>>[vector<16xi32>], vector<16xf32>,
      %swap3A_363 = arith.constant 416 : index
      %swap3A_364 = tpu.vector_load %arg7[%swap3A_363] {strides = array<i32>} : memref<512xf32, #tpu.memory_space<vmem>>, vector<16xf32>,
      tpu.vector_store %arg7[%swap3A_363], %gather3A_362 {strides = array<i32>} : memref<512xf32, #tpu.memory_space<vmem>>, vector<16xf32>,
      %mul3A_365 = arith.constant 3 : i32
      %mul3A_366 = vector.broadcast %mul3A_365 : i32 to vector<16xi32>
      %mul3A_367 = arith.muli %mul3A_366, %iota3A : vector<16xi32>
      %add3A_368 = arith.constant 1296 : i32
      %add3A_369 = vector.broadcast %add3A_368 : i32 to vector<16xi32>
      %add3A_370 = arith.addi %add3A_369, %mul3A_367 : vector<16xi32>
      %add3A_371 = arith.constant 1 : i32
      %add3A_372 = vector.broadcast %add3A_371 : i32 to vector<16xi32>
      %add3A_373 = arith.addi %add3A_370, %add3A_372 : vector<16xi32>
      %gather3A_374 = tpu.vector_load_idx %arg6[%add3A_373] : memref<1536xf32, #tpu.memory_space<vmem>>[vector<16xi32>], vector<16xf32>,
      %swap3A_375 = arith.constant 432 : index
      %swap3A_376 = tpu.vector_load %arg7[%swap3A_375] {strides = array<i32>} : memref<512xf32, #tpu.memory_space<vmem>>, vector<16xf32>,
      tpu.vector_store %arg7[%swap3A_375], %gather3A_374 {strides = array<i32>} : memref<512xf32, #tpu.memory_space<vmem>>, vector<16xf32>,
      %mul3A_377 = arith.constant 3 : i32
      %mul3A_378 = vector.broadcast %mul3A_377 : i32 to vector<16xi32>
      %mul3A_379 = arith.muli %mul3A_378, %iota3A : vector<16xi32>
      %add3A_380 = arith.constant 1344 : i32
      %add3A_381 = vector.broadcast %add3A_380 : i32 to vector<16xi32>
      %add3A_382 = arith.addi %add3A_381, %mul3A_379 : vector<16xi32>
      %add3A_383 = arith.constant 1 : i32
      %add3A_384 = vector.broadcast %add3A_383 : i32 to vector<16xi32>
      %add3A_385 = arith.addi %add3A_382, %add3A_384 : vector<16xi32>
      %gather3A_386 = tpu.vector_load_idx %arg6[%add3A_385] : memref<1536xf32, #tpu.memory_space<vmem>>[vector<16xi32>], vector<16xf32>,
      %swap3A_387 = arith.constant 448 : index
      %swap3A_388 = tpu.vector_load %arg7[%swap3A_387] {strides = array<i32>} : memref<512xf32, #tpu.memory_space<vmem>>, vector<16xf32>,
      tpu.vector_store %arg7[%swap3A_387], %gather3A_386 {strides = array<i32>} : memref<512xf32, #tpu.memory_space<vmem>>, vector<16xf32>,
      %mul3A_389 = arith.constant 3 : i32
      %mul3A_390 = vector.broadcast %mul3A_389 : i32 to vector<16xi32>
      %mul3A_391 = arith.muli %mul3A_390, %iota3A : vector<16xi32>
      %add3A_392 = arith.constant 1392 : i32
      %add3A_393 = vector.broadcast %add3A_392 : i32 to vector<16xi32>
      %add3A_394 = arith.addi %add3A_393, %mul3A_391 : vector<16xi32>
      %add3A_395 = arith.constant 1 : i32
      %add3A_396 = vector.broadcast %add3A_395 : i32 to vector<16xi32>
      %add3A_397 = arith.addi %add3A_394, %add3A_396 : vector<16xi32>
      %gather3A_398 = tpu.vector_load_idx %arg6[%add3A_397] : memref<1536xf32, #tpu.memory_space<vmem>>[vector<16xi32>], vector<16xf32>,
      %swap3A_399 = arith.constant 464 : index
      %swap3A_400 = tpu.vector_load %arg7[%swap3A_399] {strides = array<i32>} : memref<512xf32, #tpu.memory_space<vmem>>, vector<16xf32>,
      tpu.vector_store %arg7[%swap3A_399], %gather3A_398 {strides = array<i32>} : memref<512xf32, #tpu.memory_space<vmem>>, vector<16xf32>,
      %mul3A_401 = arith.constant 3 : i32
      %mul3A_402 = vector.broadcast %mul3A_401 : i32 to vector<16xi32>
      %mul3A_403 = arith.muli %mul3A_402, %iota3A : vector<16xi32>
      %add3A_404 = arith.constant 1440 : i32
      %add3A_405 = vector.broadcast %add3A_404 : i32 to vector<16xi32>
      %add3A_406 = arith.addi %add3A_405, %mul3A_403 : vector<16xi32>
      %add3A_407 = arith.constant 1 : i32
      %add3A_408 = vector.broadcast %add3A_407 : i32 to vector<16xi32>
      %add3A_409 = arith.addi %add3A_406, %add3A_408 : vector<16xi32>
      %gather3A_410 = tpu.vector_load_idx %arg6[%add3A_409] : memref<1536xf32, #tpu.memory_space<vmem>>[vector<16xi32>], vector<16xf32>,
      %swap3A_411 = arith.constant 480 : index
      %swap3A_412 = tpu.vector_load %arg7[%swap3A_411] {strides = array<i32>} : memref<512xf32, #tpu.memory_space<vmem>>, vector<16xf32>,
      tpu.vector_store %arg7[%swap3A_411], %gather3A_410 {strides = array<i32>} : memref<512xf32, #tpu.memory_space<vmem>>, vector<16xf32>,
      %mul3A_413 = arith.constant 3 : i32
      %mul3A_414 = vector.broadcast %mul3A_413 : i32 to vector<16xi32>
      %mul3A_415 = arith.muli %mul3A_414, %iota3A : vector<16xi32>
      %add3A_416 = arith.constant 1488 : i32
      %add3A_417 = vector.broadcast %add3A_416 : i32 to vector<16xi32>
      %add3A_418 = arith.addi %add3A_417, %mul3A_415 : vector<16xi32>
      %add3A_419 = arith.constant 1 : i32
      %add3A_420 = vector.broadcast %add3A_419 : i32 to vector<16xi32>
      %add3A_421 = arith.addi %add3A_418, %add3A_420 : vector<16xi32>
      %gather3A_422 = tpu.vector_load_idx %arg6[%add3A_421] : memref<1536xf32, #tpu.memory_space<vmem>>[vector<16xi32>], vector<16xf32>,
      %swap3A_423 = arith.constant 496 : index
      %swap3A_424 = tpu.vector_load %arg7[%swap3A_423] {strides = array<i32>} : memref<512xf32, #tpu.memory_space<vmem>>, vector<16xf32>,
      tpu.vector_store %arg7[%swap3A_423], %gather3A_422 {strides = array<i32>} : memref<512xf32, #tpu.memory_space<vmem>>, vector<16xf32>,
      "tpu.region"() ({
        %run_scoped3A = tpu.sem_alloc : memref<!tpu.dma_semaphore, #tpu.memory_space<semaphore_mem>>
        %dma_start3A = arith.constant 3584 : i32
        %dma_start3A_425 = tpu.memref_slice %arg5[%dma_start3A] : memref<4608xf32, #tpu.memory_space<hbm>> -> memref<512xf32, #tpu.memory_space<hbm>>
        %dma_start3A_426 = arith.constant 3584 : i32
        %dma_start3A_427 = tpu.memref_slice %arg5[%dma_start3A_426] : memref<4608xf32, #tpu.memory_space<hbm>> -> memref<512xf32, #tpu.memory_space<hbm>>
        tpu.enqueue_dma source(%arg7 : memref<512xf32, #tpu.memory_space<vmem>>) target(%dma_start3A_427 : memref<512xf32, #tpu.memory_space<hbm>>) target_semaphore(%run_scoped3A : memref<!tpu.dma_semaphore, #tpu.memory_space<semaphore_mem>>)
        %dma_wait3A = arith.constant 3584 : i32
        %dma_wait3A_428 = tpu.memref_slice %arg5[%dma_wait3A] : memref<4608xf32, #tpu.memory_space<hbm>> -> memref<512xf32, #tpu.memory_space<hbm>>
        %dma_wait3A_429 = arith.constant 3584 : i32
        %dma_wait3A_430 = tpu.memref_slice %arg5[%dma_wait3A_429] : memref<4608xf32, #tpu.memory_space<hbm>> -> memref<512xf32, #tpu.memory_space<hbm>>
        tpu.wait_dma2 semaphore(%run_scoped3A : memref<!tpu.dma_semaphore, #tpu.memory_space<semaphore_mem>>) src(%arg7 : memref<512xf32, #tpu.memory_space<vmem>>) dst(%dma_wait3A_430 : memref<512xf32, #tpu.memory_space<hbm>>)
        tpu.yield
      }) : () -> ()
    } else {
    }
    %eq3A_38 = arith.constant 8 : i32
    %eq3A_39 = arith.cmpi eq, %add3A, %eq3A_38 : i32
    %convert_element_type3A_40 = arith.extui %eq3A_39 : i1 to i32
    %cond3A_41 = arith.constant 0 : i32
    %cond3A_42 = arith.cmpi ne, %convert_element_type3A_40, %cond3A_41 : i32
    scf.if %cond3A_42 {
      "tpu.region"() ({
        %run_scoped3A = tpu.sem_alloc : memref<!tpu.dma_semaphore, #tpu.memory_space<semaphore_mem>>
        tpu.enqueue_dma source(%arg4 : memref<1536xf32, #tpu.memory_space<hbm>>) target(%arg6 : memref<1536xf32, #tpu.memory_space<vmem>>) target_semaphore(%run_scoped3A : memref<!tpu.dma_semaphore, #tpu.memory_space<semaphore_mem>>)
        tpu.wait_dma2 semaphore(%run_scoped3A : memref<!tpu.dma_semaphore, #tpu.memory_space<semaphore_mem>>) src(%arg4 : memref<1536xf32, #tpu.memory_space<hbm>>) dst(%arg6 : memref<1536xf32, #tpu.memory_space<vmem>>)
        tpu.yield
      }) : () -> ()
      %mul3A_43 = arith.constant 3 : i32
      %mul3A_44 = vector.broadcast %mul3A_43 : i32 to vector<16xi32>
      %mul3A_45 = arith.muli %mul3A_44, %iota3A : vector<16xi32>
      %add3A_46 = arith.constant 0 : i32
      %add3A_47 = vector.broadcast %add3A_46 : i32 to vector<16xi32>
      %add3A_48 = arith.addi %add3A_47, %mul3A_45 : vector<16xi32>
      %add3A_49 = arith.constant 2 : i32
      %add3A_50 = vector.broadcast %add3A_49 : i32 to vector<16xi32>
      %add3A_51 = arith.addi %add3A_48, %add3A_50 : vector<16xi32>
      %gather3A = tpu.vector_load_idx %arg6[%add3A_51] : memref<1536xf32, #tpu.memory_space<vmem>>[vector<16xi32>], vector<16xf32>,
      %swap3A = arith.constant 0 : index
      %swap3A_52 = tpu.vector_load %arg7[%swap3A] {strides = array<i32>} : memref<512xf32, #tpu.memory_space<vmem>>, vector<16xf32>,
      tpu.vector_store %arg7[%swap3A], %gather3A {strides = array<i32>} : memref<512xf32, #tpu.memory_space<vmem>>, vector<16xf32>,
      %mul3A_53 = arith.constant 3 : i32
      %mul3A_54 = vector.broadcast %mul3A_53 : i32 to vector<16xi32>
      %mul3A_55 = arith.muli %mul3A_54, %iota3A : vector<16xi32>
      %add3A_56 = arith.constant 48 : i32
      %add3A_57 = vector.broadcast %add3A_56 : i32 to vector<16xi32>
      %add3A_58 = arith.addi %add3A_57, %mul3A_55 : vector<16xi32>
      %add3A_59 = arith.constant 2 : i32
      %add3A_60 = vector.broadcast %add3A_59 : i32 to vector<16xi32>
      %add3A_61 = arith.addi %add3A_58, %add3A_60 : vector<16xi32>
      %gather3A_62 = tpu.vector_load_idx %arg6[%add3A_61] : memref<1536xf32, #tpu.memory_space<vmem>>[vector<16xi32>], vector<16xf32>,
      %swap3A_63 = arith.constant 16 : index
      %swap3A_64 = tpu.vector_load %arg7[%swap3A_63] {strides = array<i32>} : memref<512xf32, #tpu.memory_space<vmem>>, vector<16xf32>,
      tpu.vector_store %arg7[%swap3A_63], %gather3A_62 {strides = array<i32>} : memref<512xf32, #tpu.memory_space<vmem>>, vector<16xf32>,
      %mul3A_65 = arith.constant 3 : i32
      %mul3A_66 = vector.broadcast %mul3A_65 : i32 to vector<16xi32>
      %mul3A_67 = arith.muli %mul3A_66, %iota3A : vector<16xi32>
      %add3A_68 = arith.constant 96 : i32
      %add3A_69 = vector.broadcast %add3A_68 : i32 to vector<16xi32>
      %add3A_70 = arith.addi %add3A_69, %mul3A_67 : vector<16xi32>
      %add3A_71 = arith.constant 2 : i32
      %add3A_72 = vector.broadcast %add3A_71 : i32 to vector<16xi32>
      %add3A_73 = arith.addi %add3A_70, %add3A_72 : vector<16xi32>
      %gather3A_74 = tpu.vector_load_idx %arg6[%add3A_73] : memref<1536xf32, #tpu.memory_space<vmem>>[vector<16xi32>], vector<16xf32>,
      %swap3A_75 = arith.constant 32 : index
      %swap3A_76 = tpu.vector_load %arg7[%swap3A_75] {strides = array<i32>} : memref<512xf32, #tpu.memory_space<vmem>>, vector<16xf32>,
      tpu.vector_store %arg7[%swap3A_75], %gather3A_74 {strides = array<i32>} : memref<512xf32, #tpu.memory_space<vmem>>, vector<16xf32>,
      %mul3A_77 = arith.constant 3 : i32
      %mul3A_78 = vector.broadcast %mul3A_77 : i32 to vector<16xi32>
      %mul3A_79 = arith.muli %mul3A_78, %iota3A : vector<16xi32>
      %add3A_80 = arith.constant 144 : i32
      %add3A_81 = vector.broadcast %add3A_80 : i32 to vector<16xi32>
      %add3A_82 = arith.addi %add3A_81, %mul3A_79 : vector<16xi32>
      %add3A_83 = arith.constant 2 : i32
      %add3A_84 = vector.broadcast %add3A_83 : i32 to vector<16xi32>
      %add3A_85 = arith.addi %add3A_82, %add3A_84 : vector<16xi32>
      %gather3A_86 = tpu.vector_load_idx %arg6[%add3A_85] : memref<1536xf32, #tpu.memory_space<vmem>>[vector<16xi32>], vector<16xf32>,
      %swap3A_87 = arith.constant 48 : index
      %swap3A_88 = tpu.vector_load %arg7[%swap3A_87] {strides = array<i32>} : memref<512xf32, #tpu.memory_space<vmem>>, vector<16xf32>,
      tpu.vector_store %arg7[%swap3A_87], %gather3A_86 {strides = array<i32>} : memref<512xf32, #tpu.memory_space<vmem>>, vector<16xf32>,
      %mul3A_89 = arith.constant 3 : i32
      %mul3A_90 = vector.broadcast %mul3A_89 : i32 to vector<16xi32>
      %mul3A_91 = arith.muli %mul3A_90, %iota3A : vector<16xi32>
      %add3A_92 = arith.constant 192 : i32
      %add3A_93 = vector.broadcast %add3A_92 : i32 to vector<16xi32>
      %add3A_94 = arith.addi %add3A_93, %mul3A_91 : vector<16xi32>
      %add3A_95 = arith.constant 2 : i32
      %add3A_96 = vector.broadcast %add3A_95 : i32 to vector<16xi32>
      %add3A_97 = arith.addi %add3A_94, %add3A_96 : vector<16xi32>
      %gather3A_98 = tpu.vector_load_idx %arg6[%add3A_97] : memref<1536xf32, #tpu.memory_space<vmem>>[vector<16xi32>], vector<16xf32>,
      %swap3A_99 = arith.constant 64 : index
      %swap3A_100 = tpu.vector_load %arg7[%swap3A_99] {strides = array<i32>} : memref<512xf32, #tpu.memory_space<vmem>>, vector<16xf32>,
      tpu.vector_store %arg7[%swap3A_99], %gather3A_98 {strides = array<i32>} : memref<512xf32, #tpu.memory_space<vmem>>, vector<16xf32>,
      %mul3A_101 = arith.constant 3 : i32
      %mul3A_102 = vector.broadcast %mul3A_101 : i32 to vector<16xi32>
      %mul3A_103 = arith.muli %mul3A_102, %iota3A : vector<16xi32>
      %add3A_104 = arith.constant 240 : i32
      %add3A_105 = vector.broadcast %add3A_104 : i32 to vector<16xi32>
      %add3A_106 = arith.addi %add3A_105, %mul3A_103 : vector<16xi32>
      %add3A_107 = arith.constant 2 : i32
      %add3A_108 = vector.broadcast %add3A_107 : i32 to vector<16xi32>
      %add3A_109 = arith.addi %add3A_106, %add3A_108 : vector<16xi32>
      %gather3A_110 = tpu.vector_load_idx %arg6[%add3A_109] : memref<1536xf32, #tpu.memory_space<vmem>>[vector<16xi32>], vector<16xf32>,
      %swap3A_111 = arith.constant 80 : index
      %swap3A_112 = tpu.vector_load %arg7[%swap3A_111] {strides = array<i32>} : memref<512xf32, #tpu.memory_space<vmem>>, vector<16xf32>,
      tpu.vector_store %arg7[%swap3A_111], %gather3A_110 {strides = array<i32>} : memref<512xf32, #tpu.memory_space<vmem>>, vector<16xf32>,
      %mul3A_113 = arith.constant 3 : i32
      %mul3A_114 = vector.broadcast %mul3A_113 : i32 to vector<16xi32>
      %mul3A_115 = arith.muli %mul3A_114, %iota3A : vector<16xi32>
      %add3A_116 = arith.constant 288 : i32
      %add3A_117 = vector.broadcast %add3A_116 : i32 to vector<16xi32>
      %add3A_118 = arith.addi %add3A_117, %mul3A_115 : vector<16xi32>
      %add3A_119 = arith.constant 2 : i32
      %add3A_120 = vector.broadcast %add3A_119 : i32 to vector<16xi32>
      %add3A_121 = arith.addi %add3A_118, %add3A_120 : vector<16xi32>
      %gather3A_122 = tpu.vector_load_idx %arg6[%add3A_121] : memref<1536xf32, #tpu.memory_space<vmem>>[vector<16xi32>], vector<16xf32>,
      %swap3A_123 = arith.constant 96 : index
      %swap3A_124 = tpu.vector_load %arg7[%swap3A_123] {strides = array<i32>} : memref<512xf32, #tpu.memory_space<vmem>>, vector<16xf32>,
      tpu.vector_store %arg7[%swap3A_123], %gather3A_122 {strides = array<i32>} : memref<512xf32, #tpu.memory_space<vmem>>, vector<16xf32>,
      %mul3A_125 = arith.constant 3 : i32
      %mul3A_126 = vector.broadcast %mul3A_125 : i32 to vector<16xi32>
      %mul3A_127 = arith.muli %mul3A_126, %iota3A : vector<16xi32>
      %add3A_128 = arith.constant 336 : i32
      %add3A_129 = vector.broadcast %add3A_128 : i32 to vector<16xi32>
      %add3A_130 = arith.addi %add3A_129, %mul3A_127 : vector<16xi32>
      %add3A_131 = arith.constant 2 : i32
      %add3A_132 = vector.broadcast %add3A_131 : i32 to vector<16xi32>
      %add3A_133 = arith.addi %add3A_130, %add3A_132 : vector<16xi32>
      %gather3A_134 = tpu.vector_load_idx %arg6[%add3A_133] : memref<1536xf32, #tpu.memory_space<vmem>>[vector<16xi32>], vector<16xf32>,
      %swap3A_135 = arith.constant 112 : index
      %swap3A_136 = tpu.vector_load %arg7[%swap3A_135] {strides = array<i32>} : memref<512xf32, #tpu.memory_space<vmem>>, vector<16xf32>,
      tpu.vector_store %arg7[%swap3A_135], %gather3A_134 {strides = array<i32>} : memref<512xf32, #tpu.memory_space<vmem>>, vector<16xf32>,
      %mul3A_137 = arith.constant 3 : i32
      %mul3A_138 = vector.broadcast %mul3A_137 : i32 to vector<16xi32>
      %mul3A_139 = arith.muli %mul3A_138, %iota3A : vector<16xi32>
      %add3A_140 = arith.constant 384 : i32
      %add3A_141 = vector.broadcast %add3A_140 : i32 to vector<16xi32>
      %add3A_142 = arith.addi %add3A_141, %mul3A_139 : vector<16xi32>
      %add3A_143 = arith.constant 2 : i32
      %add3A_144 = vector.broadcast %add3A_143 : i32 to vector<16xi32>
      %add3A_145 = arith.addi %add3A_142, %add3A_144 : vector<16xi32>
      %gather3A_146 = tpu.vector_load_idx %arg6[%add3A_145] : memref<1536xf32, #tpu.memory_space<vmem>>[vector<16xi32>], vector<16xf32>,
      %swap3A_147 = arith.constant 128 : index
      %swap3A_148 = tpu.vector_load %arg7[%swap3A_147] {strides = array<i32>} : memref<512xf32, #tpu.memory_space<vmem>>, vector<16xf32>,
      tpu.vector_store %arg7[%swap3A_147], %gather3A_146 {strides = array<i32>} : memref<512xf32, #tpu.memory_space<vmem>>, vector<16xf32>,
      %mul3A_149 = arith.constant 3 : i32
      %mul3A_150 = vector.broadcast %mul3A_149 : i32 to vector<16xi32>
      %mul3A_151 = arith.muli %mul3A_150, %iota3A : vector<16xi32>
      %add3A_152 = arith.constant 432 : i32
      %add3A_153 = vector.broadcast %add3A_152 : i32 to vector<16xi32>
      %add3A_154 = arith.addi %add3A_153, %mul3A_151 : vector<16xi32>
      %add3A_155 = arith.constant 2 : i32
      %add3A_156 = vector.broadcast %add3A_155 : i32 to vector<16xi32>
      %add3A_157 = arith.addi %add3A_154, %add3A_156 : vector<16xi32>
      %gather3A_158 = tpu.vector_load_idx %arg6[%add3A_157] : memref<1536xf32, #tpu.memory_space<vmem>>[vector<16xi32>], vector<16xf32>,
      %swap3A_159 = arith.constant 144 : index
      %swap3A_160 = tpu.vector_load %arg7[%swap3A_159] {strides = array<i32>} : memref<512xf32, #tpu.memory_space<vmem>>, vector<16xf32>,
      tpu.vector_store %arg7[%swap3A_159], %gather3A_158 {strides = array<i32>} : memref<512xf32, #tpu.memory_space<vmem>>, vector<16xf32>,
      %mul3A_161 = arith.constant 3 : i32
      %mul3A_162 = vector.broadcast %mul3A_161 : i32 to vector<16xi32>
      %mul3A_163 = arith.muli %mul3A_162, %iota3A : vector<16xi32>
      %add3A_164 = arith.constant 480 : i32
      %add3A_165 = vector.broadcast %add3A_164 : i32 to vector<16xi32>
      %add3A_166 = arith.addi %add3A_165, %mul3A_163 : vector<16xi32>
      %add3A_167 = arith.constant 2 : i32
      %add3A_168 = vector.broadcast %add3A_167 : i32 to vector<16xi32>
      %add3A_169 = arith.addi %add3A_166, %add3A_168 : vector<16xi32>
      %gather3A_170 = tpu.vector_load_idx %arg6[%add3A_169] : memref<1536xf32, #tpu.memory_space<vmem>>[vector<16xi32>], vector<16xf32>,
      %swap3A_171 = arith.constant 160 : index
      %swap3A_172 = tpu.vector_load %arg7[%swap3A_171] {strides = array<i32>} : memref<512xf32, #tpu.memory_space<vmem>>, vector<16xf32>,
      tpu.vector_store %arg7[%swap3A_171], %gather3A_170 {strides = array<i32>} : memref<512xf32, #tpu.memory_space<vmem>>, vector<16xf32>,
      %mul3A_173 = arith.constant 3 : i32
      %mul3A_174 = vector.broadcast %mul3A_173 : i32 to vector<16xi32>
      %mul3A_175 = arith.muli %mul3A_174, %iota3A : vector<16xi32>
      %add3A_176 = arith.constant 528 : i32
      %add3A_177 = vector.broadcast %add3A_176 : i32 to vector<16xi32>
      %add3A_178 = arith.addi %add3A_177, %mul3A_175 : vector<16xi32>
      %add3A_179 = arith.constant 2 : i32
      %add3A_180 = vector.broadcast %add3A_179 : i32 to vector<16xi32>
      %add3A_181 = arith.addi %add3A_178, %add3A_180 : vector<16xi32>
      %gather3A_182 = tpu.vector_load_idx %arg6[%add3A_181] : memref<1536xf32, #tpu.memory_space<vmem>>[vector<16xi32>], vector<16xf32>,
      %swap3A_183 = arith.constant 176 : index
      %swap3A_184 = tpu.vector_load %arg7[%swap3A_183] {strides = array<i32>} : memref<512xf32, #tpu.memory_space<vmem>>, vector<16xf32>,
      tpu.vector_store %arg7[%swap3A_183], %gather3A_182 {strides = array<i32>} : memref<512xf32, #tpu.memory_space<vmem>>, vector<16xf32>,
      %mul3A_185 = arith.constant 3 : i32
      %mul3A_186 = vector.broadcast %mul3A_185 : i32 to vector<16xi32>
      %mul3A_187 = arith.muli %mul3A_186, %iota3A : vector<16xi32>
      %add3A_188 = arith.constant 576 : i32
      %add3A_189 = vector.broadcast %add3A_188 : i32 to vector<16xi32>
      %add3A_190 = arith.addi %add3A_189, %mul3A_187 : vector<16xi32>
      %add3A_191 = arith.constant 2 : i32
      %add3A_192 = vector.broadcast %add3A_191 : i32 to vector<16xi32>
      %add3A_193 = arith.addi %add3A_190, %add3A_192 : vector<16xi32>
      %gather3A_194 = tpu.vector_load_idx %arg6[%add3A_193] : memref<1536xf32, #tpu.memory_space<vmem>>[vector<16xi32>], vector<16xf32>,
      %swap3A_195 = arith.constant 192 : index
      %swap3A_196 = tpu.vector_load %arg7[%swap3A_195] {strides = array<i32>} : memref<512xf32, #tpu.memory_space<vmem>>, vector<16xf32>,
      tpu.vector_store %arg7[%swap3A_195], %gather3A_194 {strides = array<i32>} : memref<512xf32, #tpu.memory_space<vmem>>, vector<16xf32>,
      %mul3A_197 = arith.constant 3 : i32
      %mul3A_198 = vector.broadcast %mul3A_197 : i32 to vector<16xi32>
      %mul3A_199 = arith.muli %mul3A_198, %iota3A : vector<16xi32>
      %add3A_200 = arith.constant 624 : i32
      %add3A_201 = vector.broadcast %add3A_200 : i32 to vector<16xi32>
      %add3A_202 = arith.addi %add3A_201, %mul3A_199 : vector<16xi32>
      %add3A_203 = arith.constant 2 : i32
      %add3A_204 = vector.broadcast %add3A_203 : i32 to vector<16xi32>
      %add3A_205 = arith.addi %add3A_202, %add3A_204 : vector<16xi32>
      %gather3A_206 = tpu.vector_load_idx %arg6[%add3A_205] : memref<1536xf32, #tpu.memory_space<vmem>>[vector<16xi32>], vector<16xf32>,
      %swap3A_207 = arith.constant 208 : index
      %swap3A_208 = tpu.vector_load %arg7[%swap3A_207] {strides = array<i32>} : memref<512xf32, #tpu.memory_space<vmem>>, vector<16xf32>,
      tpu.vector_store %arg7[%swap3A_207], %gather3A_206 {strides = array<i32>} : memref<512xf32, #tpu.memory_space<vmem>>, vector<16xf32>,
      %mul3A_209 = arith.constant 3 : i32
      %mul3A_210 = vector.broadcast %mul3A_209 : i32 to vector<16xi32>
      %mul3A_211 = arith.muli %mul3A_210, %iota3A : vector<16xi32>
      %add3A_212 = arith.constant 672 : i32
      %add3A_213 = vector.broadcast %add3A_212 : i32 to vector<16xi32>
      %add3A_214 = arith.addi %add3A_213, %mul3A_211 : vector<16xi32>
      %add3A_215 = arith.constant 2 : i32
      %add3A_216 = vector.broadcast %add3A_215 : i32 to vector<16xi32>
      %add3A_217 = arith.addi %add3A_214, %add3A_216 : vector<16xi32>
      %gather3A_218 = tpu.vector_load_idx %arg6[%add3A_217] : memref<1536xf32, #tpu.memory_space<vmem>>[vector<16xi32>], vector<16xf32>,
      %swap3A_219 = arith.constant 224 : index
      %swap3A_220 = tpu.vector_load %arg7[%swap3A_219] {strides = array<i32>} : memref<512xf32, #tpu.memory_space<vmem>>, vector<16xf32>,
      tpu.vector_store %arg7[%swap3A_219], %gather3A_218 {strides = array<i32>} : memref<512xf32, #tpu.memory_space<vmem>>, vector<16xf32>,
      %mul3A_221 = arith.constant 3 : i32
      %mul3A_222 = vector.broadcast %mul3A_221 : i32 to vector<16xi32>
      %mul3A_223 = arith.muli %mul3A_222, %iota3A : vector<16xi32>
      %add3A_224 = arith.constant 720 : i32
      %add3A_225 = vector.broadcast %add3A_224 : i32 to vector<16xi32>
      %add3A_226 = arith.addi %add3A_225, %mul3A_223 : vector<16xi32>
      %add3A_227 = arith.constant 2 : i32
      %add3A_228 = vector.broadcast %add3A_227 : i32 to vector<16xi32>
      %add3A_229 = arith.addi %add3A_226, %add3A_228 : vector<16xi32>
      %gather3A_230 = tpu.vector_load_idx %arg6[%add3A_229] : memref<1536xf32, #tpu.memory_space<vmem>>[vector<16xi32>], vector<16xf32>,
      %swap3A_231 = arith.constant 240 : index
      %swap3A_232 = tpu.vector_load %arg7[%swap3A_231] {strides = array<i32>} : memref<512xf32, #tpu.memory_space<vmem>>, vector<16xf32>,
      tpu.vector_store %arg7[%swap3A_231], %gather3A_230 {strides = array<i32>} : memref<512xf32, #tpu.memory_space<vmem>>, vector<16xf32>,
      %mul3A_233 = arith.constant 3 : i32
      %mul3A_234 = vector.broadcast %mul3A_233 : i32 to vector<16xi32>
      %mul3A_235 = arith.muli %mul3A_234, %iota3A : vector<16xi32>
      %add3A_236 = arith.constant 768 : i32
      %add3A_237 = vector.broadcast %add3A_236 : i32 to vector<16xi32>
      %add3A_238 = arith.addi %add3A_237, %mul3A_235 : vector<16xi32>
      %add3A_239 = arith.constant 2 : i32
      %add3A_240 = vector.broadcast %add3A_239 : i32 to vector<16xi32>
      %add3A_241 = arith.addi %add3A_238, %add3A_240 : vector<16xi32>
      %gather3A_242 = tpu.vector_load_idx %arg6[%add3A_241] : memref<1536xf32, #tpu.memory_space<vmem>>[vector<16xi32>], vector<16xf32>,
      %swap3A_243 = arith.constant 256 : index
      %swap3A_244 = tpu.vector_load %arg7[%swap3A_243] {strides = array<i32>} : memref<512xf32, #tpu.memory_space<vmem>>, vector<16xf32>,
      tpu.vector_store %arg7[%swap3A_243], %gather3A_242 {strides = array<i32>} : memref<512xf32, #tpu.memory_space<vmem>>, vector<16xf32>,
      %mul3A_245 = arith.constant 3 : i32
      %mul3A_246 = vector.broadcast %mul3A_245 : i32 to vector<16xi32>
      %mul3A_247 = arith.muli %mul3A_246, %iota3A : vector<16xi32>
      %add3A_248 = arith.constant 816 : i32
      %add3A_249 = vector.broadcast %add3A_248 : i32 to vector<16xi32>
      %add3A_250 = arith.addi %add3A_249, %mul3A_247 : vector<16xi32>
      %add3A_251 = arith.constant 2 : i32
      %add3A_252 = vector.broadcast %add3A_251 : i32 to vector<16xi32>
      %add3A_253 = arith.addi %add3A_250, %add3A_252 : vector<16xi32>
      %gather3A_254 = tpu.vector_load_idx %arg6[%add3A_253] : memref<1536xf32, #tpu.memory_space<vmem>>[vector<16xi32>], vector<16xf32>,
      %swap3A_255 = arith.constant 272 : index
      %swap3A_256 = tpu.vector_load %arg7[%swap3A_255] {strides = array<i32>} : memref<512xf32, #tpu.memory_space<vmem>>, vector<16xf32>,
      tpu.vector_store %arg7[%swap3A_255], %gather3A_254 {strides = array<i32>} : memref<512xf32, #tpu.memory_space<vmem>>, vector<16xf32>,
      %mul3A_257 = arith.constant 3 : i32
      %mul3A_258 = vector.broadcast %mul3A_257 : i32 to vector<16xi32>
      %mul3A_259 = arith.muli %mul3A_258, %iota3A : vector<16xi32>
      %add3A_260 = arith.constant 864 : i32
      %add3A_261 = vector.broadcast %add3A_260 : i32 to vector<16xi32>
      %add3A_262 = arith.addi %add3A_261, %mul3A_259 : vector<16xi32>
      %add3A_263 = arith.constant 2 : i32
      %add3A_264 = vector.broadcast %add3A_263 : i32 to vector<16xi32>
      %add3A_265 = arith.addi %add3A_262, %add3A_264 : vector<16xi32>
      %gather3A_266 = tpu.vector_load_idx %arg6[%add3A_265] : memref<1536xf32, #tpu.memory_space<vmem>>[vector<16xi32>], vector<16xf32>,
      %swap3A_267 = arith.constant 288 : index
      %swap3A_268 = tpu.vector_load %arg7[%swap3A_267] {strides = array<i32>} : memref<512xf32, #tpu.memory_space<vmem>>, vector<16xf32>,
      tpu.vector_store %arg7[%swap3A_267], %gather3A_266 {strides = array<i32>} : memref<512xf32, #tpu.memory_space<vmem>>, vector<16xf32>,
      %mul3A_269 = arith.constant 3 : i32
      %mul3A_270 = vector.broadcast %mul3A_269 : i32 to vector<16xi32>
      %mul3A_271 = arith.muli %mul3A_270, %iota3A : vector<16xi32>
      %add3A_272 = arith.constant 912 : i32
      %add3A_273 = vector.broadcast %add3A_272 : i32 to vector<16xi32>
      %add3A_274 = arith.addi %add3A_273, %mul3A_271 : vector<16xi32>
      %add3A_275 = arith.constant 2 : i32
      %add3A_276 = vector.broadcast %add3A_275 : i32 to vector<16xi32>
      %add3A_277 = arith.addi %add3A_274, %add3A_276 : vector<16xi32>
      %gather3A_278 = tpu.vector_load_idx %arg6[%add3A_277] : memref<1536xf32, #tpu.memory_space<vmem>>[vector<16xi32>], vector<16xf32>,
      %swap3A_279 = arith.constant 304 : index
      %swap3A_280 = tpu.vector_load %arg7[%swap3A_279] {strides = array<i32>} : memref<512xf32, #tpu.memory_space<vmem>>, vector<16xf32>,
      tpu.vector_store %arg7[%swap3A_279], %gather3A_278 {strides = array<i32>} : memref<512xf32, #tpu.memory_space<vmem>>, vector<16xf32>,
      %mul3A_281 = arith.constant 3 : i32
      %mul3A_282 = vector.broadcast %mul3A_281 : i32 to vector<16xi32>
      %mul3A_283 = arith.muli %mul3A_282, %iota3A : vector<16xi32>
      %add3A_284 = arith.constant 960 : i32
      %add3A_285 = vector.broadcast %add3A_284 : i32 to vector<16xi32>
      %add3A_286 = arith.addi %add3A_285, %mul3A_283 : vector<16xi32>
      %add3A_287 = arith.constant 2 : i32
      %add3A_288 = vector.broadcast %add3A_287 : i32 to vector<16xi32>
      %add3A_289 = arith.addi %add3A_286, %add3A_288 : vector<16xi32>
      %gather3A_290 = tpu.vector_load_idx %arg6[%add3A_289] : memref<1536xf32, #tpu.memory_space<vmem>>[vector<16xi32>], vector<16xf32>,
      %swap3A_291 = arith.constant 320 : index
      %swap3A_292 = tpu.vector_load %arg7[%swap3A_291] {strides = array<i32>} : memref<512xf32, #tpu.memory_space<vmem>>, vector<16xf32>,
      tpu.vector_store %arg7[%swap3A_291], %gather3A_290 {strides = array<i32>} : memref<512xf32, #tpu.memory_space<vmem>>, vector<16xf32>,
      %mul3A_293 = arith.constant 3 : i32
      %mul3A_294 = vector.broadcast %mul3A_293 : i32 to vector<16xi32>
      %mul3A_295 = arith.muli %mul3A_294, %iota3A : vector<16xi32>
      %add3A_296 = arith.constant 1008 : i32
      %add3A_297 = vector.broadcast %add3A_296 : i32 to vector<16xi32>
      %add3A_298 = arith.addi %add3A_297, %mul3A_295 : vector<16xi32>
      %add3A_299 = arith.constant 2 : i32
      %add3A_300 = vector.broadcast %add3A_299 : i32 to vector<16xi32>
      %add3A_301 = arith.addi %add3A_298, %add3A_300 : vector<16xi32>
      %gather3A_302 = tpu.vector_load_idx %arg6[%add3A_301] : memref<1536xf32, #tpu.memory_space<vmem>>[vector<16xi32>], vector<16xf32>,
      %swap3A_303 = arith.constant 336 : index
      %swap3A_304 = tpu.vector_load %arg7[%swap3A_303] {strides = array<i32>} : memref<512xf32, #tpu.memory_space<vmem>>, vector<16xf32>,
      tpu.vector_store %arg7[%swap3A_303], %gather3A_302 {strides = array<i32>} : memref<512xf32, #tpu.memory_space<vmem>>, vector<16xf32>,
      %mul3A_305 = arith.constant 3 : i32
      %mul3A_306 = vector.broadcast %mul3A_305 : i32 to vector<16xi32>
      %mul3A_307 = arith.muli %mul3A_306, %iota3A : vector<16xi32>
      %add3A_308 = arith.constant 1056 : i32
      %add3A_309 = vector.broadcast %add3A_308 : i32 to vector<16xi32>
      %add3A_310 = arith.addi %add3A_309, %mul3A_307 : vector<16xi32>
      %add3A_311 = arith.constant 2 : i32
      %add3A_312 = vector.broadcast %add3A_311 : i32 to vector<16xi32>
      %add3A_313 = arith.addi %add3A_310, %add3A_312 : vector<16xi32>
      %gather3A_314 = tpu.vector_load_idx %arg6[%add3A_313] : memref<1536xf32, #tpu.memory_space<vmem>>[vector<16xi32>], vector<16xf32>,
      %swap3A_315 = arith.constant 352 : index
      %swap3A_316 = tpu.vector_load %arg7[%swap3A_315] {strides = array<i32>} : memref<512xf32, #tpu.memory_space<vmem>>, vector<16xf32>,
      tpu.vector_store %arg7[%swap3A_315], %gather3A_314 {strides = array<i32>} : memref<512xf32, #tpu.memory_space<vmem>>, vector<16xf32>,
      %mul3A_317 = arith.constant 3 : i32
      %mul3A_318 = vector.broadcast %mul3A_317 : i32 to vector<16xi32>
      %mul3A_319 = arith.muli %mul3A_318, %iota3A : vector<16xi32>
      %add3A_320 = arith.constant 1104 : i32
      %add3A_321 = vector.broadcast %add3A_320 : i32 to vector<16xi32>
      %add3A_322 = arith.addi %add3A_321, %mul3A_319 : vector<16xi32>
      %add3A_323 = arith.constant 2 : i32
      %add3A_324 = vector.broadcast %add3A_323 : i32 to vector<16xi32>
      %add3A_325 = arith.addi %add3A_322, %add3A_324 : vector<16xi32>
      %gather3A_326 = tpu.vector_load_idx %arg6[%add3A_325] : memref<1536xf32, #tpu.memory_space<vmem>>[vector<16xi32>], vector<16xf32>,
      %swap3A_327 = arith.constant 368 : index
      %swap3A_328 = tpu.vector_load %arg7[%swap3A_327] {strides = array<i32>} : memref<512xf32, #tpu.memory_space<vmem>>, vector<16xf32>,
      tpu.vector_store %arg7[%swap3A_327], %gather3A_326 {strides = array<i32>} : memref<512xf32, #tpu.memory_space<vmem>>, vector<16xf32>,
      %mul3A_329 = arith.constant 3 : i32
      %mul3A_330 = vector.broadcast %mul3A_329 : i32 to vector<16xi32>
      %mul3A_331 = arith.muli %mul3A_330, %iota3A : vector<16xi32>
      %add3A_332 = arith.constant 1152 : i32
      %add3A_333 = vector.broadcast %add3A_332 : i32 to vector<16xi32>
      %add3A_334 = arith.addi %add3A_333, %mul3A_331 : vector<16xi32>
      %add3A_335 = arith.constant 2 : i32
      %add3A_336 = vector.broadcast %add3A_335 : i32 to vector<16xi32>
      %add3A_337 = arith.addi %add3A_334, %add3A_336 : vector<16xi32>
      %gather3A_338 = tpu.vector_load_idx %arg6[%add3A_337] : memref<1536xf32, #tpu.memory_space<vmem>>[vector<16xi32>], vector<16xf32>,
      %swap3A_339 = arith.constant 384 : index
      %swap3A_340 = tpu.vector_load %arg7[%swap3A_339] {strides = array<i32>} : memref<512xf32, #tpu.memory_space<vmem>>, vector<16xf32>,
      tpu.vector_store %arg7[%swap3A_339], %gather3A_338 {strides = array<i32>} : memref<512xf32, #tpu.memory_space<vmem>>, vector<16xf32>,
      %mul3A_341 = arith.constant 3 : i32
      %mul3A_342 = vector.broadcast %mul3A_341 : i32 to vector<16xi32>
      %mul3A_343 = arith.muli %mul3A_342, %iota3A : vector<16xi32>
      %add3A_344 = arith.constant 1200 : i32
      %add3A_345 = vector.broadcast %add3A_344 : i32 to vector<16xi32>
      %add3A_346 = arith.addi %add3A_345, %mul3A_343 : vector<16xi32>
      %add3A_347 = arith.constant 2 : i32
      %add3A_348 = vector.broadcast %add3A_347 : i32 to vector<16xi32>
      %add3A_349 = arith.addi %add3A_346, %add3A_348 : vector<16xi32>
      %gather3A_350 = tpu.vector_load_idx %arg6[%add3A_349] : memref<1536xf32, #tpu.memory_space<vmem>>[vector<16xi32>], vector<16xf32>,
      %swap3A_351 = arith.constant 400 : index
      %swap3A_352 = tpu.vector_load %arg7[%swap3A_351] {strides = array<i32>} : memref<512xf32, #tpu.memory_space<vmem>>, vector<16xf32>,
      tpu.vector_store %arg7[%swap3A_351], %gather3A_350 {strides = array<i32>} : memref<512xf32, #tpu.memory_space<vmem>>, vector<16xf32>,
      %mul3A_353 = arith.constant 3 : i32
      %mul3A_354 = vector.broadcast %mul3A_353 : i32 to vector<16xi32>
      %mul3A_355 = arith.muli %mul3A_354, %iota3A : vector<16xi32>
      %add3A_356 = arith.constant 1248 : i32
      %add3A_357 = vector.broadcast %add3A_356 : i32 to vector<16xi32>
      %add3A_358 = arith.addi %add3A_357, %mul3A_355 : vector<16xi32>
      %add3A_359 = arith.constant 2 : i32
      %add3A_360 = vector.broadcast %add3A_359 : i32 to vector<16xi32>
      %add3A_361 = arith.addi %add3A_358, %add3A_360 : vector<16xi32>
      %gather3A_362 = tpu.vector_load_idx %arg6[%add3A_361] : memref<1536xf32, #tpu.memory_space<vmem>>[vector<16xi32>], vector<16xf32>,
      %swap3A_363 = arith.constant 416 : index
      %swap3A_364 = tpu.vector_load %arg7[%swap3A_363] {strides = array<i32>} : memref<512xf32, #tpu.memory_space<vmem>>, vector<16xf32>,
      tpu.vector_store %arg7[%swap3A_363], %gather3A_362 {strides = array<i32>} : memref<512xf32, #tpu.memory_space<vmem>>, vector<16xf32>,
      %mul3A_365 = arith.constant 3 : i32
      %mul3A_366 = vector.broadcast %mul3A_365 : i32 to vector<16xi32>
      %mul3A_367 = arith.muli %mul3A_366, %iota3A : vector<16xi32>
      %add3A_368 = arith.constant 1296 : i32
      %add3A_369 = vector.broadcast %add3A_368 : i32 to vector<16xi32>
      %add3A_370 = arith.addi %add3A_369, %mul3A_367 : vector<16xi32>
      %add3A_371 = arith.constant 2 : i32
      %add3A_372 = vector.broadcast %add3A_371 : i32 to vector<16xi32>
      %add3A_373 = arith.addi %add3A_370, %add3A_372 : vector<16xi32>
      %gather3A_374 = tpu.vector_load_idx %arg6[%add3A_373] : memref<1536xf32, #tpu.memory_space<vmem>>[vector<16xi32>], vector<16xf32>,
      %swap3A_375 = arith.constant 432 : index
      %swap3A_376 = tpu.vector_load %arg7[%swap3A_375] {strides = array<i32>} : memref<512xf32, #tpu.memory_space<vmem>>, vector<16xf32>,
      tpu.vector_store %arg7[%swap3A_375], %gather3A_374 {strides = array<i32>} : memref<512xf32, #tpu.memory_space<vmem>>, vector<16xf32>,
      %mul3A_377 = arith.constant 3 : i32
      %mul3A_378 = vector.broadcast %mul3A_377 : i32 to vector<16xi32>
      %mul3A_379 = arith.muli %mul3A_378, %iota3A : vector<16xi32>
      %add3A_380 = arith.constant 1344 : i32
      %add3A_381 = vector.broadcast %add3A_380 : i32 to vector<16xi32>
      %add3A_382 = arith.addi %add3A_381, %mul3A_379 : vector<16xi32>
      %add3A_383 = arith.constant 2 : i32
      %add3A_384 = vector.broadcast %add3A_383 : i32 to vector<16xi32>
      %add3A_385 = arith.addi %add3A_382, %add3A_384 : vector<16xi32>
      %gather3A_386 = tpu.vector_load_idx %arg6[%add3A_385] : memref<1536xf32, #tpu.memory_space<vmem>>[vector<16xi32>], vector<16xf32>,
      %swap3A_387 = arith.constant 448 : index
      %swap3A_388 = tpu.vector_load %arg7[%swap3A_387] {strides = array<i32>} : memref<512xf32, #tpu.memory_space<vmem>>, vector<16xf32>,
      tpu.vector_store %arg7[%swap3A_387], %gather3A_386 {strides = array<i32>} : memref<512xf32, #tpu.memory_space<vmem>>, vector<16xf32>,
      %mul3A_389 = arith.constant 3 : i32
      %mul3A_390 = vector.broadcast %mul3A_389 : i32 to vector<16xi32>
      %mul3A_391 = arith.muli %mul3A_390, %iota3A : vector<16xi32>
      %add3A_392 = arith.constant 1392 : i32
      %add3A_393 = vector.broadcast %add3A_392 : i32 to vector<16xi32>
      %add3A_394 = arith.addi %add3A_393, %mul3A_391 : vector<16xi32>
      %add3A_395 = arith.constant 2 : i32
      %add3A_396 = vector.broadcast %add3A_395 : i32 to vector<16xi32>
      %add3A_397 = arith.addi %add3A_394, %add3A_396 : vector<16xi32>
      %gather3A_398 = tpu.vector_load_idx %arg6[%add3A_397] : memref<1536xf32, #tpu.memory_space<vmem>>[vector<16xi32>], vector<16xf32>,
      %swap3A_399 = arith.constant 464 : index
      %swap3A_400 = tpu.vector_load %arg7[%swap3A_399] {strides = array<i32>} : memref<512xf32, #tpu.memory_space<vmem>>, vector<16xf32>,
      tpu.vector_store %arg7[%swap3A_399], %gather3A_398 {strides = array<i32>} : memref<512xf32, #tpu.memory_space<vmem>>, vector<16xf32>,
      %mul3A_401 = arith.constant 3 : i32
      %mul3A_402 = vector.broadcast %mul3A_401 : i32 to vector<16xi32>
      %mul3A_403 = arith.muli %mul3A_402, %iota3A : vector<16xi32>
      %add3A_404 = arith.constant 1440 : i32
      %add3A_405 = vector.broadcast %add3A_404 : i32 to vector<16xi32>
      %add3A_406 = arith.addi %add3A_405, %mul3A_403 : vector<16xi32>
      %add3A_407 = arith.constant 2 : i32
      %add3A_408 = vector.broadcast %add3A_407 : i32 to vector<16xi32>
      %add3A_409 = arith.addi %add3A_406, %add3A_408 : vector<16xi32>
      %gather3A_410 = tpu.vector_load_idx %arg6[%add3A_409] : memref<1536xf32, #tpu.memory_space<vmem>>[vector<16xi32>], vector<16xf32>,
      %swap3A_411 = arith.constant 480 : index
      %swap3A_412 = tpu.vector_load %arg7[%swap3A_411] {strides = array<i32>} : memref<512xf32, #tpu.memory_space<vmem>>, vector<16xf32>,
      tpu.vector_store %arg7[%swap3A_411], %gather3A_410 {strides = array<i32>} : memref<512xf32, #tpu.memory_space<vmem>>, vector<16xf32>,
      %mul3A_413 = arith.constant 3 : i32
      %mul3A_414 = vector.broadcast %mul3A_413 : i32 to vector<16xi32>
      %mul3A_415 = arith.muli %mul3A_414, %iota3A : vector<16xi32>
      %add3A_416 = arith.constant 1488 : i32
      %add3A_417 = vector.broadcast %add3A_416 : i32 to vector<16xi32>
      %add3A_418 = arith.addi %add3A_417, %mul3A_415 : vector<16xi32>
      %add3A_419 = arith.constant 2 : i32
      %add3A_420 = vector.broadcast %add3A_419 : i32 to vector<16xi32>
      %add3A_421 = arith.addi %add3A_418, %add3A_420 : vector<16xi32>
      %gather3A_422 = tpu.vector_load_idx %arg6[%add3A_421] : memref<1536xf32, #tpu.memory_space<vmem>>[vector<16xi32>], vector<16xf32>,
      %swap3A_423 = arith.constant 496 : index
      %swap3A_424 = tpu.vector_load %arg7[%swap3A_423] {strides = array<i32>} : memref<512xf32, #tpu.memory_space<vmem>>, vector<16xf32>,
      tpu.vector_store %arg7[%swap3A_423], %gather3A_422 {strides = array<i32>} : memref<512xf32, #tpu.memory_space<vmem>>, vector<16xf32>,
      "tpu.region"() ({
        %run_scoped3A = tpu.sem_alloc : memref<!tpu.dma_semaphore, #tpu.memory_space<semaphore_mem>>
        %dma_start3A = arith.constant 4096 : i32
        %dma_start3A_425 = tpu.memref_slice %arg5[%dma_start3A] : memref<4608xf32, #tpu.memory_space<hbm>> -> memref<512xf32, #tpu.memory_space<hbm>>
        %dma_start3A_426 = arith.constant 4096 : i32
        %dma_start3A_427 = tpu.memref_slice %arg5[%dma_start3A_426] : memref<4608xf32, #tpu.memory_space<hbm>> -> memref<512xf32, #tpu.memory_space<hbm>>
        tpu.enqueue_dma source(%arg7 : memref<512xf32, #tpu.memory_space<vmem>>) target(%dma_start3A_427 : memref<512xf32, #tpu.memory_space<hbm>>) target_semaphore(%run_scoped3A : memref<!tpu.dma_semaphore, #tpu.memory_space<semaphore_mem>>)
        %dma_wait3A = arith.constant 4096 : i32
        %dma_wait3A_428 = tpu.memref_slice %arg5[%dma_wait3A] : memref<4608xf32, #tpu.memory_space<hbm>> -> memref<512xf32, #tpu.memory_space<hbm>>
        %dma_wait3A_429 = arith.constant 4096 : i32
        %dma_wait3A_430 = tpu.memref_slice %arg5[%dma_wait3A_429] : memref<4608xf32, #tpu.memory_space<hbm>> -> memref<512xf32, #tpu.memory_space<hbm>>
        tpu.wait_dma2 semaphore(%run_scoped3A : memref<!tpu.dma_semaphore, #tpu.memory_space<semaphore_mem>>) src(%arg7 : memref<512xf32, #tpu.memory_space<vmem>>) dst(%dma_wait3A_430 : memref<512xf32, #tpu.memory_space<hbm>>)
        tpu.yield
      }) : () -> ()
    } else {
    }
    return
  }
}

module attributes {stable_mosaic.version = 14 : i64} {
  func.func @_fused_kernel(%arg0: memref<512x512xf32, #tpu.memory_space<vmem>>, %arg1: memref<512x512xf32, #tpu.memory_space<vmem>>, %arg2: memref<512x512xf32, #tpu.memory_space<vmem>>, %arg3: memref<9x512xf32, #tpu.memory_space<vmem>>, %arg4: memref<512x512xf32, #tpu.memory_space<vmem>>, %arg5: memref<3x512xf32, #tpu.memory_space<vmem>>, %arg6: memref<515x515xf32, #tpu.memory_space<vmem>>, %arg7: memref<515x512xf32, #tpu.memory_space<vmem>>) attributes {dimension_semantics = [], scalar_prefetch = 0 : i64, scratch_operands = 0 : i64, tpu.core_type = #tpu.core_type<tc>} {
    %broadcast_in_dim3A = arith.constant 0.000000e+00 : f32
    %broadcast_in_dim3A_0 = vector.broadcast %broadcast_in_dim3A : f32 to vector<512x512xf32>
    %broadcast_in_dim3A_1 = arith.constant 0.000000e+00 : f32
    %broadcast_in_dim3A_2 = vector.broadcast %broadcast_in_dim3A_1 : f32 to vector<3x512xf32>
    %get3A = arith.constant 0 : index
    %get3A_3 = arith.constant 0 : index
    %get3A_4 = vector.load %arg0[%get3A, %get3A_3] : memref<512x512xf32, #tpu.memory_space<vmem>>, vector<512x512xf32>
    %get3A_5 = arith.constant 0 : index
    %get3A_6 = arith.constant 0 : index
    %get3A_7 = vector.load %arg3[%get3A_5, %get3A_6] : memref<9x512xf32, #tpu.memory_space<vmem>>, vector<3x512xf32>
    %slice3A = vector.extract_strided_slice %get3A_7 {offsets = [0, 0], sizes = [1, 512], strides = [1, 1]} : vector<3x512xf32> to vector<1x512xf32>
    %squeeze3A = vector.shape_cast %slice3A : vector<1x512xf32> to vector<512xf32>
    %slice3A_8 = vector.extract_strided_slice %get3A_7 {offsets = [1, 0], sizes = [1, 512], strides = [1, 1]} : vector<3x512xf32> to vector<1x512xf32>
    %squeeze3A_9 = vector.shape_cast %slice3A_8 : vector<1x512xf32> to vector<512xf32>
    %slice3A_10 = vector.extract_strided_slice %get3A_7 {offsets = [2, 0], sizes = [1, 512], strides = [1, 1]} : vector<3x512xf32> to vector<1x512xf32>
    %squeeze3A_11 = vector.shape_cast %slice3A_10 : vector<1x512xf32> to vector<512xf32>
    %ge3A = arith.cmpf oge, %squeeze3A, %squeeze3A_9 : vector<512xf32>
    %ge3A_12 = arith.cmpf oge, %squeeze3A, %squeeze3A_11 : vector<512xf32>
    %and3A = arith.andi %ge3A, %ge3A_12 : vector<512xi1>
    %not3A = arith.constant dense<true> : vector<512xi1>
    %not3A_13 = arith.xori %and3A, %not3A : vector<512xi1>
    %ge3A_14 = arith.cmpf oge, %squeeze3A_9, %squeeze3A_11 : vector<512xf32>
    %and3A_15 = arith.andi %not3A_13, %ge3A_14 : vector<512xi1>
    %jit3A = arith.constant 1 : i32
    %jit3A_16 = arith.constant 2 : i32
    %broadcast_in_dim3A_17 = vector.broadcast %jit3A : i32 to vector<512xi32>
    %broadcast_in_dim3A_18 = vector.broadcast %jit3A_16 : i32 to vector<512xi32>
    %select_n3A = arith.select %and3A_15, %broadcast_in_dim3A_17, %broadcast_in_dim3A_18 : vector<512xi1>, vector<512xi32>
    %jit3A_19 = arith.constant 0 : i32
    %broadcast_in_dim3A_20 = vector.broadcast %jit3A_19 : i32 to vector<512xi32>
    %select_n3A_21 = arith.select %and3A, %broadcast_in_dim3A_20, %select_n3A : vector<512xi1>, vector<512xi32>
    %iota3A = tpu.iota {dimensions = array<i32: 0>} : vector<3x512xi32>
    %broadcast_in_dim3A_22 = vector.shape_cast %select_n3A_21 : vector<512xi32> to vector<1x512xi32>
    %eq3A = vector.broadcast %broadcast_in_dim3A_22 : vector<1x512xi32> to vector<3x512xi32>
    %eq3A_23 = arith.cmpi eq, %iota3A, %eq3A : vector<3x512xi32>
    %convert_element_type3A = arith.extui %eq3A_23 : vector<3x512xi1> to vector<3x512xi32>
    %convert_element_type3A_24 = arith.sitofp %convert_element_type3A : vector<3x512xi32> to vector<3x512xf32>
    %log3A = math.log %get3A_7 : vector<3x512xf32>
    %mul3A = arith.mulf %get3A_7, %log3A : vector<3x512xf32>
    %reduce_sum3A = arith.constant dense<0.000000e+00> : vector<512xf32>
    %reduce_sum3A_25 = vector.multi_reduction <add>, %mul3A, %reduce_sum3A [0] : vector<3x512xf32> to vector<512xf32>
    %broadcast_in_dim3A_26 = vector.shape_cast %reduce_sum3A_25 : vector<512xf32> to vector<1x512xf32>
    %broadcast_in_dim3A_27 = arith.constant 1.000000e+00 : f32
    %broadcast_in_dim3A_28 = vector.broadcast %broadcast_in_dim3A_27 : f32 to vector<1x512xf32>
    %concatenate3A = tpu.concatenate %get3A_7, %log3A, %broadcast_in_dim3A_26, %broadcast_in_dim3A_28 in 0 : vector<3x512xf32>, vector<3x512xf32>, vector<1x512xf32>, vector<1x512xf32> -> vector<8x512xf32>
    %mul3A_29 = arith.constant 0.111111112 : f32
    %mul3A_30 = vector.broadcast %mul3A_29 : f32 to vector<3x512xf32>
    %mul3A_31 = arith.mulf %mul3A_30, %log3A : vector<3x512xf32>
    %mul3A_32 = arith.constant 0.111111112 : f32
    %mul3A_33 = vector.broadcast %mul3A_32 : f32 to vector<3x512xf32>
    %mul3A_34 = arith.mulf %mul3A_33, %get3A_7 : vector<3x512xf32>
    %mul3A_35 = arith.constant -0.111111112 : f32
    %mul3A_36 = vector.broadcast %mul3A_35 : f32 to vector<1x512xf32>
    %mul3A_37 = arith.mulf %mul3A_36, %broadcast_in_dim3A_28 : vector<1x512xf32>
    %mul3A_38 = arith.constant 0.111111112 : f32
    %mul3A_39 = vector.broadcast %mul3A_38 : f32 to vector<1x512xf32>
    %mul3A_40 = arith.mulf %mul3A_39, %broadcast_in_dim3A_26 : vector<1x512xf32>
    %sub3A = arith.constant 0.333333343 : f32
    %sub3A_41 = vector.broadcast %sub3A : f32 to vector<1x512xf32>
    %sub3A_42 = arith.subf %sub3A_41, %mul3A_40 : vector<1x512xf32>
    %concatenate3A_43 = tpu.concatenate %mul3A_31, %mul3A_34, %mul3A_37, %sub3A_42 in 0 : vector<3x512xf32>, vector<3x512xf32>, vector<1x512xf32>, vector<1x512xf32> -> vector<8x512xf32>
    %dot_general3A = arith.constant dense<0.000000e+00> : vector<512x512xf32>
    %dot_general3A_44 = tpu.matmul %concatenate3A, %concatenate3A_43, %dot_general3A {dimension_numbers = #tpu.dot_dimension_numbers<[0], [0], [1], [1], [0, 1, 1, 1], [], []>, transpose_lhs_hint = false} : vector<8x512xf32>, vector<8x512xf32>, vector<512x512xf32> -> vector<512x512xf32>
    %reduce_sum3A_45 = arith.constant dense<0.000000e+00> : vector<3xf32>
    %reduce_sum3A_46 = vector.multi_reduction <add>, %convert_element_type3A_24, %reduce_sum3A_45 [1] : vector<3x512xf32> to vector<3xf32>
    %dot_general3A_47 = arith.constant dense<0.000000e+00> : vector<3x512xf32>
    %dot_general3A_48 = tpu.matmul %convert_element_type3A_24, %get3A_4, %dot_general3A_47 {dimension_numbers = #tpu.dot_dimension_numbers<[1], [0], [0], [1], [0, 0, 1, 1], [], []>, transpose_lhs_hint = false} : vector<3x512xf32>, vector<512x512xf32>, vector<3x512xf32> -> vector<3x512xf32>
    %max3A = arith.constant 1.000000e+00 : f32
    %max3A_49 = vector.broadcast %max3A : f32 to vector<3xf32>
    %max3A_50 = arith.maximumf %reduce_sum3A_46, %max3A_49 : vector<3xf32>
    %broadcast_in_dim3A_51 = vector.shape_cast %max3A_50 : vector<3xf32> to vector<3x1xf32>
    %div3A = vector.broadcast %broadcast_in_dim3A_51 : vector<3x1xf32> to vector<3x512xf32>
    %div3A_52 = arith.divf %dot_general3A_48, %div3A : vector<3x512xf32>
    %add3A = arith.addf %broadcast_in_dim3A_2, %div3A_52 : vector<3x512xf32>
    %mul3A_53 = arith.mulf %get3A_4, %get3A_4 : vector<512x512xf32>
    %reduce_sum3A_54 = arith.constant dense<0.000000e+00> : vector<512xf32>
    %reduce_sum3A_55 = vector.multi_reduction <add>, %mul3A_53, %reduce_sum3A_54 [1] : vector<512x512xf32> to vector<512xf32>
    %broadcast_in_dim3A_56 = vector.shape_cast %reduce_sum3A_55 : vector<512xf32> to vector<512x1xf32>
    %mul3A_57 = arith.mulf %div3A_52, %div3A_52 : vector<3x512xf32>
    %reduce_sum3A_58 = arith.constant dense<0.000000e+00> : vector<3xf32>
    %reduce_sum3A_59 = vector.multi_reduction <add>, %mul3A_57, %reduce_sum3A_58 [1] : vector<3x512xf32> to vector<3xf32>
    %broadcast_in_dim3A_60 = vector.shape_cast %reduce_sum3A_59 : vector<3xf32> to vector<3x1xf32>
    %broadcast_in_dim3A_61 = arith.constant 1.000000e+00 : f32
    %broadcast_in_dim3A_62 = vector.broadcast %broadcast_in_dim3A_61 : f32 to vector<3x1xf32>
    %broadcast_in_dim3A_63 = arith.constant 1.000000e+00 : f32
    %broadcast_in_dim3A_64 = vector.broadcast %broadcast_in_dim3A_63 : f32 to vector<512x1xf32>
    %mul3A_65 = arith.constant -5.000000e-01 : f32
    %mul3A_66 = vector.broadcast %mul3A_65 : f32 to vector<3x1xf32>
    %mul3A_67 = arith.mulf %mul3A_66, %broadcast_in_dim3A_60 : vector<3x1xf32>
    %concatenate3A_68 = tpu.concatenate %mul3A_67, %broadcast_in_dim3A_62 in 1 : vector<3x1xf32>, vector<3x1xf32> -> vector<3x2xf32>
    %mul3A_69 = arith.constant -5.000000e-01 : f32
    %mul3A_70 = vector.broadcast %mul3A_69 : f32 to vector<512x1xf32>
    %mul3A_71 = arith.mulf %mul3A_70, %broadcast_in_dim3A_56 : vector<512x1xf32>
    %concatenate3A_72 = tpu.concatenate %broadcast_in_dim3A_64, %mul3A_71 in 1 : vector<512x1xf32>, vector<512x1xf32> -> vector<512x2xf32>
    %dot_general3A_73 = arith.constant dense<0.000000e+00> : vector<3x512xf32>
    %dot_general3A_74 = tpu.matmul %div3A_52, %get3A_4, %dot_general3A_73 {dimension_numbers = #tpu.dot_dimension_numbers<[1], [1], [0], [0], [0, 0, 1, 0], [], []>, transpose_lhs_hint = false} : vector<3x512xf32>, vector<512x512xf32>, vector<3x512xf32> -> vector<3x512xf32>
    %dot_general3A_75 = arith.constant dense<0.000000e+00> : vector<3x512xf32>
    %dot_general3A_76 = tpu.matmul %concatenate3A_68, %concatenate3A_72, %dot_general3A_75 {dimension_numbers = #tpu.dot_dimension_numbers<[1], [1], [0], [0], [0, 0, 1, 0], [], []>, transpose_lhs_hint = false} : vector<3x2xf32>, vector<512x2xf32>, vector<3x512xf32> -> vector<3x512xf32>
    %add3A_77 = arith.addf %dot_general3A_74, %dot_general3A_76 : vector<3x512xf32>
    %exp3A = math.exp %add3A_77 : vector<3x512xf32>
    %dot_general3A_78 = arith.constant dense<0.000000e+00> : vector<512x512xf32>
    %dot_general3A_79 = tpu.matmul %exp3A, %convert_element_type3A_24, %dot_general3A_78 {dimension_numbers = #tpu.dot_dimension_numbers<[0], [0], [1], [1], [0, 1, 1, 1], [], []>, transpose_lhs_hint = false} : vector<3x512xf32>, vector<3x512xf32>, vector<512x512xf32> -> vector<512x512xf32>
    %dot_general3A_80 = arith.constant dense<0.000000e+00> : vector<512x512xf32>
    %dot_general3A_81 = tpu.matmul %convert_element_type3A_24, %exp3A, %dot_general3A_80 {dimension_numbers = #tpu.dot_dimension_numbers<[0], [0], [1], [1], [0, 1, 1, 1], [], []>, transpose_lhs_hint = false} : vector<3x512xf32>, vector<3x512xf32>, vector<512x512xf32> -> vector<512x512xf32>
    %max3A_82 = arith.constant 0.000000e+00 : f32
    %max3A_83 = vector.broadcast %max3A_82 : f32 to vector<512x512xf32>
    %max3A_84 = arith.maximumf %dot_general3A_44, %max3A_83 : vector<512x512xf32>
    %mul3A_85 = arith.mulf %max3A_84, %dot_general3A_79 : vector<512x512xf32>
    %mul3A_86 = arith.mulf %mul3A_85, %dot_general3A_81 : vector<512x512xf32>
    %add3A_87 = arith.addf %broadcast_in_dim3A_0, %mul3A_86 : vector<512x512xf32>
    %get3A_88 = arith.constant 0 : index
    %get3A_89 = arith.constant 0 : index
    %get3A_90 = vector.load %arg1[%get3A_88, %get3A_89] : memref<512x512xf32, #tpu.memory_space<vmem>>, vector<512x512xf32>
    %get3A_91 = arith.constant 3 : index
    %get3A_92 = arith.constant 0 : index
    %get3A_93 = vector.load %arg3[%get3A_91, %get3A_92] : memref<9x512xf32, #tpu.memory_space<vmem>>, vector<3x512xf32>
    %slice3A_94 = vector.extract_strided_slice %get3A_93 {offsets = [0, 0], sizes = [1, 512], strides = [1, 1]} : vector<3x512xf32> to vector<1x512xf32>
    %squeeze3A_95 = vector.shape_cast %slice3A_94 : vector<1x512xf32> to vector<512xf32>
    %slice3A_96 = vector.extract_strided_slice %get3A_93 {offsets = [1, 0], sizes = [1, 512], strides = [1, 1]} : vector<3x512xf32> to vector<1x512xf32>
    %squeeze3A_97 = vector.shape_cast %slice3A_96 : vector<1x512xf32> to vector<512xf32>
    %slice3A_98 = vector.extract_strided_slice %get3A_93 {offsets = [2, 0], sizes = [1, 512], strides = [1, 1]} : vector<3x512xf32> to vector<1x512xf32>
    %squeeze3A_99 = vector.shape_cast %slice3A_98 : vector<1x512xf32> to vector<512xf32>
    %ge3A_100 = arith.cmpf oge, %squeeze3A_95, %squeeze3A_97 : vector<512xf32>
    %ge3A_101 = arith.cmpf oge, %squeeze3A_95, %squeeze3A_99 : vector<512xf32>
    %and3A_102 = arith.andi %ge3A_100, %ge3A_101 : vector<512xi1>
    %not3A_103 = arith.constant dense<true> : vector<512xi1>
    %not3A_104 = arith.xori %and3A_102, %not3A_103 : vector<512xi1>
    %ge3A_105 = arith.cmpf oge, %squeeze3A_97, %squeeze3A_99 : vector<512xf32>
    %and3A_106 = arith.andi %not3A_104, %ge3A_105 : vector<512xi1>
    %jit3A_107 = arith.constant 1 : i32
    %jit3A_108 = arith.constant 2 : i32
    %broadcast_in_dim3A_109 = vector.broadcast %jit3A_107 : i32 to vector<512xi32>
    %broadcast_in_dim3A_110 = vector.broadcast %jit3A_108 : i32 to vector<512xi32>
    %select_n3A_111 = arith.select %and3A_106, %broadcast_in_dim3A_109, %broadcast_in_dim3A_110 : vector<512xi1>, vector<512xi32>
    %jit3A_112 = arith.constant 0 : i32
    %broadcast_in_dim3A_113 = vector.broadcast %jit3A_112 : i32 to vector<512xi32>
    %select_n3A_114 = arith.select %and3A_102, %broadcast_in_dim3A_113, %select_n3A_111 : vector<512xi1>, vector<512xi32>
    %iota3A_115 = tpu.iota {dimensions = array<i32: 0>} : vector<3x512xi32>
    %broadcast_in_dim3A_116 = vector.shape_cast %select_n3A_114 : vector<512xi32> to vector<1x512xi32>
    %eq3A_117 = vector.broadcast %broadcast_in_dim3A_116 : vector<1x512xi32> to vector<3x512xi32>
    %eq3A_118 = arith.cmpi eq, %iota3A_115, %eq3A_117 : vector<3x512xi32>
    %convert_element_type3A_119 = arith.extui %eq3A_118 : vector<3x512xi1> to vector<3x512xi32>
    %convert_element_type3A_120 = arith.sitofp %convert_element_type3A_119 : vector<3x512xi32> to vector<3x512xf32>
    %log3A_121 = math.log %get3A_93 : vector<3x512xf32>
    %mul3A_122 = arith.mulf %get3A_93, %log3A_121 : vector<3x512xf32>
    %reduce_sum3A_123 = arith.constant dense<0.000000e+00> : vector<512xf32>
    %reduce_sum3A_124 = vector.multi_reduction <add>, %mul3A_122, %reduce_sum3A_123 [0] : vector<3x512xf32> to vector<512xf32>
    %broadcast_in_dim3A_125 = vector.shape_cast %reduce_sum3A_124 : vector<512xf32> to vector<1x512xf32>
    %broadcast_in_dim3A_126 = arith.constant 1.000000e+00 : f32
    %broadcast_in_dim3A_127 = vector.broadcast %broadcast_in_dim3A_126 : f32 to vector<1x512xf32>
    %concatenate3A_128 = tpu.concatenate %get3A_93, %log3A_121, %broadcast_in_dim3A_125, %broadcast_in_dim3A_127 in 0 : vector<3x512xf32>, vector<3x512xf32>, vector<1x512xf32>, vector<1x512xf32> -> vector<8x512xf32>
    %mul3A_129 = arith.constant 0.111111112 : f32
    %mul3A_130 = vector.broadcast %mul3A_129 : f32 to vector<3x512xf32>
    %mul3A_131 = arith.mulf %mul3A_130, %log3A_121 : vector<3x512xf32>
    %mul3A_132 = arith.constant 0.111111112 : f32
    %mul3A_133 = vector.broadcast %mul3A_132 : f32 to vector<3x512xf32>
    %mul3A_134 = arith.mulf %mul3A_133, %get3A_93 : vector<3x512xf32>
    %mul3A_135 = arith.constant -0.111111112 : f32
    %mul3A_136 = vector.broadcast %mul3A_135 : f32 to vector<1x512xf32>
    %mul3A_137 = arith.mulf %mul3A_136, %broadcast_in_dim3A_127 : vector<1x512xf32>
    %mul3A_138 = arith.constant 0.111111112 : f32
    %mul3A_139 = vector.broadcast %mul3A_138 : f32 to vector<1x512xf32>
    %mul3A_140 = arith.mulf %mul3A_139, %broadcast_in_dim3A_125 : vector<1x512xf32>
    %sub3A_141 = arith.constant 0.333333343 : f32
    %sub3A_142 = vector.broadcast %sub3A_141 : f32 to vector<1x512xf32>
    %sub3A_143 = arith.subf %sub3A_142, %mul3A_140 : vector<1x512xf32>
    %concatenate3A_144 = tpu.concatenate %mul3A_131, %mul3A_134, %mul3A_137, %sub3A_143 in 0 : vector<3x512xf32>, vector<3x512xf32>, vector<1x512xf32>, vector<1x512xf32> -> vector<8x512xf32>
    %dot_general3A_145 = arith.constant dense<0.000000e+00> : vector<512x512xf32>
    %dot_general3A_146 = tpu.matmul %concatenate3A_128, %concatenate3A_144, %dot_general3A_145 {dimension_numbers = #tpu.dot_dimension_numbers<[0], [0], [1], [1], [0, 1, 1, 1], [], []>, transpose_lhs_hint = false} : vector<8x512xf32>, vector<8x512xf32>, vector<512x512xf32> -> vector<512x512xf32>
    %reduce_sum3A_147 = arith.constant dense<0.000000e+00> : vector<3xf32>
    %reduce_sum3A_148 = vector.multi_reduction <add>, %convert_element_type3A_120, %reduce_sum3A_147 [1] : vector<3x512xf32> to vector<3xf32>
    %dot_general3A_149 = arith.constant dense<0.000000e+00> : vector<3x512xf32>
    %dot_general3A_150 = tpu.matmul %convert_element_type3A_120, %get3A_90, %dot_general3A_149 {dimension_numbers = #tpu.dot_dimension_numbers<[1], [0], [0], [1], [0, 0, 1, 1], [], []>, transpose_lhs_hint = false} : vector<3x512xf32>, vector<512x512xf32>, vector<3x512xf32> -> vector<3x512xf32>
    %max3A_151 = arith.constant 1.000000e+00 : f32
    %max3A_152 = vector.broadcast %max3A_151 : f32 to vector<3xf32>
    %max3A_153 = arith.maximumf %reduce_sum3A_148, %max3A_152 : vector<3xf32>
    %broadcast_in_dim3A_154 = vector.shape_cast %max3A_153 : vector<3xf32> to vector<3x1xf32>
    %div3A_155 = vector.broadcast %broadcast_in_dim3A_154 : vector<3x1xf32> to vector<3x512xf32>
    %div3A_156 = arith.divf %dot_general3A_150, %div3A_155 : vector<3x512xf32>
    %add3A_157 = arith.addf %add3A, %div3A_156 : vector<3x512xf32>
    %mul3A_158 = arith.mulf %get3A_90, %get3A_90 : vector<512x512xf32>
    %reduce_sum3A_159 = arith.constant dense<0.000000e+00> : vector<512xf32>
    %reduce_sum3A_160 = vector.multi_reduction <add>, %mul3A_158, %reduce_sum3A_159 [1] : vector<512x512xf32> to vector<512xf32>
    %broadcast_in_dim3A_161 = vector.shape_cast %reduce_sum3A_160 : vector<512xf32> to vector<512x1xf32>
    %mul3A_162 = arith.mulf %div3A_156, %div3A_156 : vector<3x512xf32>
    %reduce_sum3A_163 = arith.constant dense<0.000000e+00> : vector<3xf32>
    %reduce_sum3A_164 = vector.multi_reduction <add>, %mul3A_162, %reduce_sum3A_163 [1] : vector<3x512xf32> to vector<3xf32>
    %broadcast_in_dim3A_165 = vector.shape_cast %reduce_sum3A_164 : vector<3xf32> to vector<3x1xf32>
    %broadcast_in_dim3A_166 = arith.constant 1.000000e+00 : f32
    %broadcast_in_dim3A_167 = vector.broadcast %broadcast_in_dim3A_166 : f32 to vector<3x1xf32>
    %broadcast_in_dim3A_168 = arith.constant 1.000000e+00 : f32
    %broadcast_in_dim3A_169 = vector.broadcast %broadcast_in_dim3A_168 : f32 to vector<512x1xf32>
    %mul3A_170 = arith.constant -5.000000e-01 : f32
    %mul3A_171 = vector.broadcast %mul3A_170 : f32 to vector<3x1xf32>
    %mul3A_172 = arith.mulf %mul3A_171, %broadcast_in_dim3A_165 : vector<3x1xf32>
    %concatenate3A_173 = tpu.concatenate %mul3A_172, %broadcast_in_dim3A_167 in 1 : vector<3x1xf32>, vector<3x1xf32> -> vector<3x2xf32>
    %mul3A_174 = arith.constant -5.000000e-01 : f32
    %mul3A_175 = vector.broadcast %mul3A_174 : f32 to vector<512x1xf32>
    %mul3A_176 = arith.mulf %mul3A_175, %broadcast_in_dim3A_161 : vector<512x1xf32>
    %concatenate3A_177 = tpu.concatenate %broadcast_in_dim3A_169, %mul3A_176 in 1 : vector<512x1xf32>, vector<512x1xf32> -> vector<512x2xf32>
    %dot_general3A_178 = arith.constant dense<0.000000e+00> : vector<3x512xf32>
    %dot_general3A_179 = tpu.matmul %div3A_156, %get3A_90, %dot_general3A_178 {dimension_numbers = #tpu.dot_dimension_numbers<[1], [1], [0], [0], [0, 0, 1, 0], [], []>, transpose_lhs_hint = false} : vector<3x512xf32>, vector<512x512xf32>, vector<3x512xf32> -> vector<3x512xf32>
    %dot_general3A_180 = arith.constant dense<0.000000e+00> : vector<3x512xf32>
    %dot_general3A_181 = tpu.matmul %concatenate3A_173, %concatenate3A_177, %dot_general3A_180 {dimension_numbers = #tpu.dot_dimension_numbers<[1], [1], [0], [0], [0, 0, 1, 0], [], []>, transpose_lhs_hint = false} : vector<3x2xf32>, vector<512x2xf32>, vector<3x512xf32> -> vector<3x512xf32>
    %add3A_182 = arith.addf %dot_general3A_179, %dot_general3A_181 : vector<3x512xf32>
    %exp3A_183 = math.exp %add3A_182 : vector<3x512xf32>
    %dot_general3A_184 = arith.constant dense<0.000000e+00> : vector<512x512xf32>
    %dot_general3A_185 = tpu.matmul %exp3A_183, %convert_element_type3A_120, %dot_general3A_184 {dimension_numbers = #tpu.dot_dimension_numbers<[0], [0], [1], [1], [0, 1, 1, 1], [], []>, transpose_lhs_hint = false} : vector<3x512xf32>, vector<3x512xf32>, vector<512x512xf32> -> vector<512x512xf32>
    %dot_general3A_186 = arith.constant dense<0.000000e+00> : vector<512x512xf32>
    %dot_general3A_187 = tpu.matmul %convert_element_type3A_120, %exp3A_183, %dot_general3A_186 {dimension_numbers = #tpu.dot_dimension_numbers<[0], [0], [1], [1], [0, 1, 1, 1], [], []>, transpose_lhs_hint = false} : vector<3x512xf32>, vector<3x512xf32>, vector<512x512xf32> -> vector<512x512xf32>
    %max3A_188 = arith.constant 0.000000e+00 : f32
    %max3A_189 = vector.broadcast %max3A_188 : f32 to vector<512x512xf32>
    %max3A_190 = arith.maximumf %dot_general3A_146, %max3A_189 : vector<512x512xf32>
    %mul3A_191 = arith.mulf %max3A_190, %dot_general3A_185 : vector<512x512xf32>
    %mul3A_192 = arith.mulf %mul3A_191, %dot_general3A_187 : vector<512x512xf32>
    %add3A_193 = arith.addf %add3A_87, %mul3A_192 : vector<512x512xf32>
    %get3A_194 = arith.constant 0 : index
    %get3A_195 = arith.constant 0 : index
    %get3A_196 = vector.load %arg2[%get3A_194, %get3A_195] : memref<512x512xf32, #tpu.memory_space<vmem>>, vector<512x512xf32>
    %get3A_197 = arith.constant 6 : index
    %get3A_198 = arith.constant 0 : index
    %get3A_199 = vector.load %arg3[%get3A_197, %get3A_198] : memref<9x512xf32, #tpu.memory_space<vmem>>, vector<3x512xf32>
    %slice3A_200 = vector.extract_strided_slice %get3A_199 {offsets = [0, 0], sizes = [1, 512], strides = [1, 1]} : vector<3x512xf32> to vector<1x512xf32>
    %squeeze3A_201 = vector.shape_cast %slice3A_200 : vector<1x512xf32> to vector<512xf32>
    %slice3A_202 = vector.extract_strided_slice %get3A_199 {offsets = [1, 0], sizes = [1, 512], strides = [1, 1]} : vector<3x512xf32> to vector<1x512xf32>
    %squeeze3A_203 = vector.shape_cast %slice3A_202 : vector<1x512xf32> to vector<512xf32>
    %slice3A_204 = vector.extract_strided_slice %get3A_199 {offsets = [2, 0], sizes = [1, 512], strides = [1, 1]} : vector<3x512xf32> to vector<1x512xf32>
    %squeeze3A_205 = vector.shape_cast %slice3A_204 : vector<1x512xf32> to vector<512xf32>
    %ge3A_206 = arith.cmpf oge, %squeeze3A_201, %squeeze3A_203 : vector<512xf32>
    %ge3A_207 = arith.cmpf oge, %squeeze3A_201, %squeeze3A_205 : vector<512xf32>
    %and3A_208 = arith.andi %ge3A_206, %ge3A_207 : vector<512xi1>
    %not3A_209 = arith.constant dense<true> : vector<512xi1>
    %not3A_210 = arith.xori %and3A_208, %not3A_209 : vector<512xi1>
    %ge3A_211 = arith.cmpf oge, %squeeze3A_203, %squeeze3A_205 : vector<512xf32>
    %and3A_212 = arith.andi %not3A_210, %ge3A_211 : vector<512xi1>
    %jit3A_213 = arith.constant 1 : i32
    %jit3A_214 = arith.constant 2 : i32
    %broadcast_in_dim3A_215 = vector.broadcast %jit3A_213 : i32 to vector<512xi32>
    %broadcast_in_dim3A_216 = vector.broadcast %jit3A_214 : i32 to vector<512xi32>
    %select_n3A_217 = arith.select %and3A_212, %broadcast_in_dim3A_215, %broadcast_in_dim3A_216 : vector<512xi1>, vector<512xi32>
    %jit3A_218 = arith.constant 0 : i32
    %broadcast_in_dim3A_219 = vector.broadcast %jit3A_218 : i32 to vector<512xi32>
    %select_n3A_220 = arith.select %and3A_208, %broadcast_in_dim3A_219, %select_n3A_217 : vector<512xi1>, vector<512xi32>
    %iota3A_221 = tpu.iota {dimensions = array<i32: 0>} : vector<3x512xi32>
    %broadcast_in_dim3A_222 = vector.shape_cast %select_n3A_220 : vector<512xi32> to vector<1x512xi32>
    %eq3A_223 = vector.broadcast %broadcast_in_dim3A_222 : vector<1x512xi32> to vector<3x512xi32>
    %eq3A_224 = arith.cmpi eq, %iota3A_221, %eq3A_223 : vector<3x512xi32>
    %convert_element_type3A_225 = arith.extui %eq3A_224 : vector<3x512xi1> to vector<3x512xi32>
    %convert_element_type3A_226 = arith.sitofp %convert_element_type3A_225 : vector<3x512xi32> to vector<3x512xf32>
    %log3A_227 = math.log %get3A_199 : vector<3x512xf32>
    %mul3A_228 = arith.mulf %get3A_199, %log3A_227 : vector<3x512xf32>
    %reduce_sum3A_229 = arith.constant dense<0.000000e+00> : vector<512xf32>
    %reduce_sum3A_230 = vector.multi_reduction <add>, %mul3A_228, %reduce_sum3A_229 [0] : vector<3x512xf32> to vector<512xf32>
    %broadcast_in_dim3A_231 = vector.shape_cast %reduce_sum3A_230 : vector<512xf32> to vector<1x512xf32>
    %broadcast_in_dim3A_232 = arith.constant 1.000000e+00 : f32
    %broadcast_in_dim3A_233 = vector.broadcast %broadcast_in_dim3A_232 : f32 to vector<1x512xf32>
    %concatenate3A_234 = tpu.concatenate %get3A_199, %log3A_227, %broadcast_in_dim3A_231, %broadcast_in_dim3A_233 in 0 : vector<3x512xf32>, vector<3x512xf32>, vector<1x512xf32>, vector<1x512xf32> -> vector<8x512xf32>
    %mul3A_235 = arith.constant 0.111111112 : f32
    %mul3A_236 = vector.broadcast %mul3A_235 : f32 to vector<3x512xf32>
    %mul3A_237 = arith.mulf %mul3A_236, %log3A_227 : vector<3x512xf32>
    %mul3A_238 = arith.constant 0.111111112 : f32
    %mul3A_239 = vector.broadcast %mul3A_238 : f32 to vector<3x512xf32>
    %mul3A_240 = arith.mulf %mul3A_239, %get3A_199 : vector<3x512xf32>
    %mul3A_241 = arith.constant -0.111111112 : f32
    %mul3A_242 = vector.broadcast %mul3A_241 : f32 to vector<1x512xf32>
    %mul3A_243 = arith.mulf %mul3A_242, %broadcast_in_dim3A_233 : vector<1x512xf32>
    %mul3A_244 = arith.constant 0.111111112 : f32
    %mul3A_245 = vector.broadcast %mul3A_244 : f32 to vector<1x512xf32>
    %mul3A_246 = arith.mulf %mul3A_245, %broadcast_in_dim3A_231 : vector<1x512xf32>
    %sub3A_247 = arith.constant 0.333333343 : f32
    %sub3A_248 = vector.broadcast %sub3A_247 : f32 to vector<1x512xf32>
    %sub3A_249 = arith.subf %sub3A_248, %mul3A_246 : vector<1x512xf32>
    %concatenate3A_250 = tpu.concatenate %mul3A_237, %mul3A_240, %mul3A_243, %sub3A_249 in 0 : vector<3x512xf32>, vector<3x512xf32>, vector<1x512xf32>, vector<1x512xf32> -> vector<8x512xf32>
    %dot_general3A_251 = arith.constant dense<0.000000e+00> : vector<512x512xf32>
    %dot_general3A_252 = tpu.matmul %concatenate3A_234, %concatenate3A_250, %dot_general3A_251 {dimension_numbers = #tpu.dot_dimension_numbers<[0], [0], [1], [1], [0, 1, 1, 1], [], []>, transpose_lhs_hint = false} : vector<8x512xf32>, vector<8x512xf32>, vector<512x512xf32> -> vector<512x512xf32>
    %reduce_sum3A_253 = arith.constant dense<0.000000e+00> : vector<3xf32>
    %reduce_sum3A_254 = vector.multi_reduction <add>, %convert_element_type3A_226, %reduce_sum3A_253 [1] : vector<3x512xf32> to vector<3xf32>
    %dot_general3A_255 = arith.constant dense<0.000000e+00> : vector<3x512xf32>
    %dot_general3A_256 = tpu.matmul %convert_element_type3A_226, %get3A_196, %dot_general3A_255 {dimension_numbers = #tpu.dot_dimension_numbers<[1], [0], [0], [1], [0, 0, 1, 1], [], []>, transpose_lhs_hint = false} : vector<3x512xf32>, vector<512x512xf32>, vector<3x512xf32> -> vector<3x512xf32>
    %max3A_257 = arith.constant 1.000000e+00 : f32
    %max3A_258 = vector.broadcast %max3A_257 : f32 to vector<3xf32>
    %max3A_259 = arith.maximumf %reduce_sum3A_254, %max3A_258 : vector<3xf32>
    %broadcast_in_dim3A_260 = vector.shape_cast %max3A_259 : vector<3xf32> to vector<3x1xf32>
    %div3A_261 = vector.broadcast %broadcast_in_dim3A_260 : vector<3x1xf32> to vector<3x512xf32>
    %div3A_262 = arith.divf %dot_general3A_256, %div3A_261 : vector<3x512xf32>
    %add3A_263 = arith.addf %add3A_157, %div3A_262 : vector<3x512xf32>
    %mul3A_264 = arith.mulf %get3A_196, %get3A_196 : vector<512x512xf32>
    %reduce_sum3A_265 = arith.constant dense<0.000000e+00> : vector<512xf32>
    %reduce_sum3A_266 = vector.multi_reduction <add>, %mul3A_264, %reduce_sum3A_265 [1] : vector<512x512xf32> to vector<512xf32>
    %broadcast_in_dim3A_267 = vector.shape_cast %reduce_sum3A_266 : vector<512xf32> to vector<512x1xf32>
    %mul3A_268 = arith.mulf %div3A_262, %div3A_262 : vector<3x512xf32>
    %reduce_sum3A_269 = arith.constant dense<0.000000e+00> : vector<3xf32>
    %reduce_sum3A_270 = vector.multi_reduction <add>, %mul3A_268, %reduce_sum3A_269 [1] : vector<3x512xf32> to vector<3xf32>
    %broadcast_in_dim3A_271 = vector.shape_cast %reduce_sum3A_270 : vector<3xf32> to vector<3x1xf32>
    %broadcast_in_dim3A_272 = arith.constant 1.000000e+00 : f32
    %broadcast_in_dim3A_273 = vector.broadcast %broadcast_in_dim3A_272 : f32 to vector<3x1xf32>
    %broadcast_in_dim3A_274 = arith.constant 1.000000e+00 : f32
    %broadcast_in_dim3A_275 = vector.broadcast %broadcast_in_dim3A_274 : f32 to vector<512x1xf32>
    %mul3A_276 = arith.constant -5.000000e-01 : f32
    %mul3A_277 = vector.broadcast %mul3A_276 : f32 to vector<3x1xf32>
    %mul3A_278 = arith.mulf %mul3A_277, %broadcast_in_dim3A_271 : vector<3x1xf32>
    %concatenate3A_279 = tpu.concatenate %mul3A_278, %broadcast_in_dim3A_273 in 1 : vector<3x1xf32>, vector<3x1xf32> -> vector<3x2xf32>
    %mul3A_280 = arith.constant -5.000000e-01 : f32
    %mul3A_281 = vector.broadcast %mul3A_280 : f32 to vector<512x1xf32>
    %mul3A_282 = arith.mulf %mul3A_281, %broadcast_in_dim3A_267 : vector<512x1xf32>
    %concatenate3A_283 = tpu.concatenate %broadcast_in_dim3A_275, %mul3A_282 in 1 : vector<512x1xf32>, vector<512x1xf32> -> vector<512x2xf32>
    %dot_general3A_284 = arith.constant dense<0.000000e+00> : vector<3x512xf32>
    %dot_general3A_285 = tpu.matmul %div3A_262, %get3A_196, %dot_general3A_284 {dimension_numbers = #tpu.dot_dimension_numbers<[1], [1], [0], [0], [0, 0, 1, 0], [], []>, transpose_lhs_hint = false} : vector<3x512xf32>, vector<512x512xf32>, vector<3x512xf32> -> vector<3x512xf32>
    %dot_general3A_286 = arith.constant dense<0.000000e+00> : vector<3x512xf32>
    %dot_general3A_287 = tpu.matmul %concatenate3A_279, %concatenate3A_283, %dot_general3A_286 {dimension_numbers = #tpu.dot_dimension_numbers<[1], [1], [0], [0], [0, 0, 1, 0], [], []>, transpose_lhs_hint = false} : vector<3x2xf32>, vector<512x2xf32>, vector<3x512xf32> -> vector<3x512xf32>
    %add3A_288 = arith.addf %dot_general3A_285, %dot_general3A_287 : vector<3x512xf32>
    %exp3A_289 = math.exp %add3A_288 : vector<3x512xf32>
    %dot_general3A_290 = arith.constant dense<0.000000e+00> : vector<512x512xf32>
    %dot_general3A_291 = tpu.matmul %exp3A_289, %convert_element_type3A_226, %dot_general3A_290 {dimension_numbers = #tpu.dot_dimension_numbers<[0], [0], [1], [1], [0, 1, 1, 1], [], []>, transpose_lhs_hint = false} : vector<3x512xf32>, vector<3x512xf32>, vector<512x512xf32> -> vector<512x512xf32>
    %dot_general3A_292 = arith.constant dense<0.000000e+00> : vector<512x512xf32>
    %dot_general3A_293 = tpu.matmul %convert_element_type3A_226, %exp3A_289, %dot_general3A_292 {dimension_numbers = #tpu.dot_dimension_numbers<[0], [0], [1], [1], [0, 1, 1, 1], [], []>, transpose_lhs_hint = false} : vector<3x512xf32>, vector<3x512xf32>, vector<512x512xf32> -> vector<512x512xf32>
    %max3A_294 = arith.constant 0.000000e+00 : f32
    %max3A_295 = vector.broadcast %max3A_294 : f32 to vector<512x512xf32>
    %max3A_296 = arith.maximumf %dot_general3A_252, %max3A_295 : vector<512x512xf32>
    %mul3A_297 = arith.mulf %max3A_296, %dot_general3A_291 : vector<512x512xf32>
    %mul3A_298 = arith.mulf %mul3A_297, %dot_general3A_293 : vector<512x512xf32>
    %add3A_299 = arith.addf %add3A_193, %mul3A_298 : vector<512x512xf32>
    %iota3A_300 = tpu.iota {dimensions = array<i32: 0>} : vector<512x512xi32>
    %iota3A_301 = tpu.iota {dimensions = array<i32: 1>} : vector<512x512xi32>
    %eq3A_302 = arith.cmpi eq, %iota3A_300, %iota3A_301 : vector<512x512xi32>
    %jit3A_303 = arith.constant 0.000000e+00 : f32
    %broadcast_in_dim3A_304 = vector.broadcast %jit3A_303 : f32 to vector<512x512xf32>
    %select_n3A_305 = arith.select %eq3A_302, %broadcast_in_dim3A_304, %add3A_299 : vector<512x512xi1>, vector<512x512xf32>
    %get3A_306 = arith.constant 0 : index
    %get3A_307 = arith.constant 0 : index
    %get3A_308 = vector.load %arg4[%get3A_306, %get3A_307] : memref<512x512xf32, #tpu.memory_space<vmem>>, vector<512x512xf32>
    %get3A_309 = arith.constant 0 : index
    %get3A_310 = arith.constant 0 : index
    %get3A_311 = vector.load %arg5[%get3A_309, %get3A_310] : memref<3x512xf32, #tpu.memory_space<vmem>>, vector<3x512xf32>
    %dot_general3A_312 = arith.constant dense<0.000000e+00> : vector<3x512xf32>
    %dot_general3A_313 = tpu.matmul %get3A_311, %get3A_308, %dot_general3A_312 {dimension_numbers = #tpu.dot_dimension_numbers<[1], [1], [0], [0], [0, 0, 1, 0], [], []>, transpose_lhs_hint = false} : vector<3x512xf32>, vector<512x512xf32>, vector<3x512xf32> -> vector<3x512xf32>
    %slice3A_314 = vector.extract_strided_slice %dot_general3A_313 {offsets = [0, 0], sizes = [1, 512], strides = [1, 1]} : vector<3x512xf32> to vector<1x512xf32>
    %squeeze3A_315 = vector.shape_cast %slice3A_314 : vector<1x512xf32> to vector<512xf32>
    %slice3A_316 = vector.extract_strided_slice %dot_general3A_313 {offsets = [1, 0], sizes = [1, 512], strides = [1, 1]} : vector<3x512xf32> to vector<1x512xf32>
    %squeeze3A_317 = vector.shape_cast %slice3A_316 : vector<1x512xf32> to vector<512xf32>
    %slice3A_318 = vector.extract_strided_slice %dot_general3A_313 {offsets = [2, 0], sizes = [1, 512], strides = [1, 1]} : vector<3x512xf32> to vector<1x512xf32>
    %squeeze3A_319 = vector.shape_cast %slice3A_318 : vector<1x512xf32> to vector<512xf32>
    %ge3A_320 = arith.cmpf oge, %squeeze3A_315, %squeeze3A_317 : vector<512xf32>
    %ge3A_321 = arith.cmpf oge, %squeeze3A_315, %squeeze3A_319 : vector<512xf32>
    %and3A_322 = arith.andi %ge3A_320, %ge3A_321 : vector<512xi1>
    %not3A_323 = arith.constant dense<true> : vector<512xi1>
    %not3A_324 = arith.xori %and3A_322, %not3A_323 : vector<512xi1>
    %ge3A_325 = arith.cmpf oge, %squeeze3A_317, %squeeze3A_319 : vector<512xf32>
    %and3A_326 = arith.andi %not3A_324, %ge3A_325 : vector<512xi1>
    %jit3A_327 = arith.constant 1 : i32
    %jit3A_328 = arith.constant 2 : i32
    %broadcast_in_dim3A_329 = vector.broadcast %jit3A_327 : i32 to vector<512xi32>
    %broadcast_in_dim3A_330 = vector.broadcast %jit3A_328 : i32 to vector<512xi32>
    %select_n3A_331 = arith.select %and3A_326, %broadcast_in_dim3A_329, %broadcast_in_dim3A_330 : vector<512xi1>, vector<512xi32>
    %jit3A_332 = arith.constant 0 : i32
    %broadcast_in_dim3A_333 = vector.broadcast %jit3A_332 : i32 to vector<512xi32>
    %select_n3A_334 = arith.select %and3A_322, %broadcast_in_dim3A_333, %select_n3A_331 : vector<512xi1>, vector<512xi32>
    %iota3A_335 = tpu.iota {dimensions = array<i32: 0>} : vector<3x512xi32>
    %broadcast_in_dim3A_336 = vector.shape_cast %select_n3A_334 : vector<512xi32> to vector<1x512xi32>
    %eq3A_337 = vector.broadcast %broadcast_in_dim3A_336 : vector<1x512xi32> to vector<3x512xi32>
    %eq3A_338 = arith.cmpi eq, %iota3A_335, %eq3A_337 : vector<3x512xi32>
    %convert_element_type3A_339 = arith.extui %eq3A_338 : vector<3x512xi1> to vector<3x512xi32>
    %convert_element_type3A_340 = arith.sitofp %convert_element_type3A_339 : vector<3x512xi32> to vector<3x512xf32>
    %mul3A_341 = arith.constant 0.333333343 : f32
    %mul3A_342 = vector.broadcast %mul3A_341 : f32 to vector<3x512xf32>
    %mul3A_343 = arith.mulf %add3A_263, %mul3A_342 : vector<3x512xf32>
    %mul3A_344 = arith.mulf %get3A_308, %get3A_308 : vector<512x512xf32>
    %reduce_sum3A_345 = arith.constant dense<0.000000e+00> : vector<512xf32>
    %reduce_sum3A_346 = vector.multi_reduction <add>, %mul3A_344, %reduce_sum3A_345 [1] : vector<512x512xf32> to vector<512xf32>
    %mul3A_347 = arith.mulf %mul3A_343, %mul3A_343 : vector<3x512xf32>
    %reduce_sum3A_348 = arith.constant dense<0.000000e+00> : vector<3xf32>
    %reduce_sum3A_349 = vector.multi_reduction <add>, %mul3A_347, %reduce_sum3A_348 [1] : vector<3x512xf32> to vector<3xf32>
    %broadcast_in_dim3A_350 = vector.shape_cast %reduce_sum3A_349 : vector<3xf32> to vector<3x1xf32>
    %broadcast_in_dim3A_351 = arith.constant 1.000000e+00 : f32
    %broadcast_in_dim3A_352 = vector.broadcast %broadcast_in_dim3A_351 : f32 to vector<512x1xf32>
    %dot_general3A_353 = arith.constant dense<0.000000e+00> : vector<3x512xf32>
    %dot_general3A_354 = tpu.matmul %mul3A_343, %get3A_308, %dot_general3A_353 {dimension_numbers = #tpu.dot_dimension_numbers<[1], [1], [0], [0], [0, 0, 1, 0], [], []>, transpose_lhs_hint = false} : vector<3x512xf32>, vector<512x512xf32>, vector<3x512xf32> -> vector<3x512xf32>
    %dot_general3A_355 = arith.constant dense<0.000000e+00> : vector<3x512xf32>
    %dot_general3A_356 = tpu.matmul %broadcast_in_dim3A_350, %broadcast_in_dim3A_352, %dot_general3A_355 {dimension_numbers = #tpu.dot_dimension_numbers<[1], [1], [0], [0], [0, 0, 1, 0], [], []>, transpose_lhs_hint = false} : vector<3x1xf32>, vector<512x1xf32>, vector<3x512xf32> -> vector<3x512xf32>
    %mul3A_357 = arith.constant 2.000000e+00 : f32
    %mul3A_358 = vector.broadcast %mul3A_357 : f32 to vector<3x512xf32>
    %mul3A_359 = arith.mulf %mul3A_358, %dot_general3A_354 : vector<3x512xf32>
    %sub3A_360 = arith.subf %dot_general3A_356, %mul3A_359 : vector<3x512xf32>
    %mul3A_361 = arith.mulf %convert_element_type3A_340, %sub3A_360 : vector<3x512xf32>
    %reduce_sum3A_362 = arith.constant dense<0.000000e+00> : vector<512xf32>
    %reduce_sum3A_363 = vector.multi_reduction <add>, %mul3A_361, %reduce_sum3A_362 [0] : vector<3x512xf32> to vector<512xf32>
    %add3A_364 = arith.addf %reduce_sum3A_346, %reduce_sum3A_363 : vector<512xf32>
    %mul3A_365 = arith.constant -5.000000e-01 : f32
    %mul3A_366 = vector.broadcast %mul3A_365 : f32 to vector<512xf32>
    %mul3A_367 = arith.mulf %mul3A_366, %add3A_364 : vector<512xf32>
    %exp3A_368 = math.exp %mul3A_367 : vector<512xf32>
    %broadcast_in_dim3A_369 = vector.shape_cast %exp3A_368 : vector<512xf32> to vector<1x512xf32>
    %mul3A_370 = vector.broadcast %broadcast_in_dim3A_369 : vector<1x512xf32> to vector<3x512xf32>
    %mul3A_371 = arith.mulf %mul3A_370, %convert_element_type3A_340 : vector<3x512xf32>
    %swap3A = arith.constant 0 : index
    %swap3A_372 = arith.constant 0 : index
    %swap3A_373 = vector.load %arg6[%swap3A, %swap3A_372] : memref<515x515xf32, #tpu.memory_space<vmem>>, vector<512x512xf32>
    tpu.vector_store %arg6[%swap3A, %swap3A_372], %select_n3A_305 {strides = array<i32>} : memref<515x515xf32, #tpu.memory_space<vmem>>, vector<512x512xf32>,
    %transpose3A = tpu.transpose %mul3A_371, [1, 0] : vector<3x512xf32> -> vector<512x3xf32>
    %swap3A_374 = arith.constant 0 : index
    %swap3A_375 = arith.constant 512 : index
    %swap3A_376 = vector.load %arg6[%swap3A_374, %swap3A_375] : memref<515x515xf32, #tpu.memory_space<vmem>>, vector<512x3xf32>
    tpu.vector_store %arg6[%swap3A_374, %swap3A_375], %transpose3A {strides = array<i32>} : memref<515x515xf32, #tpu.memory_space<vmem>>, vector<512x3xf32>,
    %swap3A_377 = arith.constant 512 : index
    %swap3A_378 = arith.constant 0 : index
    %swap3A_379 = vector.load %arg6[%swap3A_377, %swap3A_378] : memref<515x515xf32, #tpu.memory_space<vmem>>, vector<3x512xf32>
    tpu.vector_store %arg6[%swap3A_377, %swap3A_378], %mul3A_371 {strides = array<i32>} : memref<515x515xf32, #tpu.memory_space<vmem>>, vector<3x512xf32>,
    %broadcast_in_dim3A_380 = arith.constant 0.000000e+00 : f32
    %broadcast_in_dim3A_381 = vector.broadcast %broadcast_in_dim3A_380 : f32 to vector<3x3xf32>
    %swap3A_382 = arith.constant 512 : index
    %swap3A_383 = arith.constant 512 : index
    %swap3A_384 = vector.load %arg6[%swap3A_382, %swap3A_383] : memref<515x515xf32, #tpu.memory_space<vmem>>, vector<3x3xf32>
    tpu.vector_store %arg6[%swap3A_382, %swap3A_383], %broadcast_in_dim3A_381 {strides = array<i32>} : memref<515x515xf32, #tpu.memory_space<vmem>>, vector<3x3xf32>,
    %swap3A_385 = arith.constant 0 : index
    %swap3A_386 = arith.constant 0 : index
    %swap3A_387 = vector.load %arg7[%swap3A_385, %swap3A_386] : memref<515x512xf32, #tpu.memory_space<vmem>>, vector<512x512xf32>
    tpu.vector_store %arg7[%swap3A_385, %swap3A_386], %get3A_308 {strides = array<i32>} : memref<515x512xf32, #tpu.memory_space<vmem>>, vector<512x512xf32>,
    %swap3A_388 = arith.constant 512 : index
    %swap3A_389 = arith.constant 0 : index
    %swap3A_390 = vector.load %arg7[%swap3A_388, %swap3A_389] : memref<515x512xf32, #tpu.memory_space<vmem>>, vector<3x512xf32>
    tpu.vector_store %arg7[%swap3A_388, %swap3A_389], %get3A_311 {strides = array<i32>} : memref<515x512xf32, #tpu.memory_space<vmem>>, vector<3x512xf32>,
    return
  }
}

</mosaic_0001>

<sc_bundles>
// kernel: kernel.4.cloned.1.call-start
scs
__scs_entry_jumppad:
0x0: {  	(pc) =	sbr.rel $0x88, $3  }
0x1: {  	(tag) =	ssettag $0x0;
	lr =	simm.s32 $0x1  }
0x2: {  	[smem:$0x3F99] =	sst lr;
	_ =	strace $0xD0000000  }
0x3: {  	_ = 	snop  }
0x4: {  	_ = 	snop  }
0x5: {  	_ = 	snop  }
0x6: {  	_ = 	snop  }
0x7: {  	_ = 	snop  }
__scs_overlays_trampoline_lowered:
0x8: {  	[smem:$0x3FA8] =	sst s0  }
0x9: {  	[smem:$0x3FA9] =	sst s1  }
0xa: {  	[smem:$0x3FAA] =	sst s2  }
0xb: {  	[smem:$0x3FAB] =	sst s3  }
0xc: {  	[smem:$0x3FAC] =	sst s4  }
0xd: {  	[smem:$0x3FAD] =	sst s5  }
0xe: {  	[smem:$0x3FAE] =	sst s6  }
0xf: {  	[smem:$0x3FAF] =	sst s7  }
0x10: {  	[smem:$0x3FB0] =	sst s8  }
0x11: {  	[smem:$0x3FB1] =	sst s9;
	s0 =	simm.s32 @!p0 $0x0  }
0x12: {  	s1 =	sld [smem:$0x3F97];
	s0 =	simm.s32 @p0 $0x1  }
0x13: {  	[smem:$0x3FB2] =	sst s0;
	s0 =	simm.s32 @!p1 $0x0  }
0x14: {  	s2 =	sld [smem:$0x3F96];
	s0 =	simm.s32 @p1 $0x1  }
0x15: {  	[smem:$0x3FB3] =	sst s0;
	s0 =	simm.s32 @!p2 $0x0  }
0x16: {  	s3 =	sld [smem:$0x3FDB];
	s0 =	simm.s32 @p2 $0x1  }
0x17: {  	s4 =	simm.s32 $0x1BF5;
	[smem:$0x3FB5] =	sst s0  }
0x18: {  	s0 =	sld [smem:$0x3F98];
	_ =	swait.ge [sflag:s4], $0x0  }
0x19: {  	s7 =	sld [smem:$0x3F99]  }
0x1a: {  	s8 =	sadd.s32 $0xFFFFE003, lr  }
0x1b: {  	s9 =	sadd.s32 $0xFFFFFEF7, lr;
	s5 =	simm.s32 $0xFFFFFFFF;
	p2 =	slt.u32 s8, $0xFFFFF086  }
0x1c: {  	p1 =	slt.u32 s9, $0xF7A;
	s5 =	simm.s32 @!p2 $0x0  }
0x1d: {  	s5 =	simm.s32 @p1 $0x1;
	p0 =	seq.s32 s7, s2  }
0x1e: {  	s7 =	smul.u32 @!p0 $0xF7A, s2;
	p2 =	seq.s32 @!p0 s5, $0x0  }
0x1f: {  	s9 =	smul.u32 $0xF7A, s1;
	s8 =	simm.s32 @!p0 $0x1BF5;
	p2 =	por !p2, p0  }
0x20: {  	[sflag:s8] =	ssyncset.s32 @!p0 $0xFFFFF086;
	s6 =	sadd.s32 @!p0 s3, s7;
	s7 =	simm.s32 @!p0 $0x108  }
0x21: {  	s3 =	sadd.s32 s3, s9;
	s6 =	sadd.s32 @!p0 $0x88, s6;
	s7 =	simm.s32 @p2 $0x1082  }
0x22: {  	[simem:s7], [sflag:s8] =	dma.local @!p0 [hbm:s6], $0xF7A  }
0x23: {  	s9 =	sor.u32 $0xD0000000, s2;
	s6 =	simm.s32 $0x108;
	_ =	swait.ge @!p0 [sflag:s8], $0x0  }
0x24: {  	s3 =	sadd.s32 $0x88, s3;
	s6 =	simm.s32 @!p1 $0x1082;
	[sflag:s4] =	ssyncset.s32 $0xFFFFF086  }
0x25: {  	[simem:s6], [sflag:s4] =	dma.local [hbm:s3], $0xF7A  }
0x26: {  	[smem:$0x3F99] =	sst s1;
	(tag) =	ssettag s2;
	_ =	strace s9  }
0x27: {  	s1 =	sld [smem:$0x3FA9]  }
0x28: {  	s2 =	sld [smem:$0x3FAA]  }
0x29: {  	s4 =	sld [smem:$0x3FAC]  }
0x2a: {  	p0 =	seq.s32 s5, $0x0;
	s5 =	sld [smem:$0x3FAD]  }
0x2b: {  	s6 =	sld [smem:$0x3FAE]  }
0x2c: {  	s7 =	sld [smem:$0x3FAF]  }
0x2d: {  	s3 =	simm.s32 $0x108;
	s8 =	sld [smem:$0x3FB0]  }
0x2e: {  	s3 =	simm.s32 @!p0 $0x1082;
	s9 =	sld [smem:$0x3FB1]  }
0x2f: {  	lr =	sadd.s32 s0, s3;
	s0 =	sld [smem:$0x3FA8]  }
0x30: {  	s3 =	sld [smem:$0x3FAB]  }
0x31: {  	[smem:$0x3FB4] =	sst s10  }
0x32: {  	s10 =	sld [smem:$0x3FB2];
	_ =	sdelay $0x3  }
0x33: {  	p0 =	seq.s32 s10, $0x1;
	s10 =	sld [smem:$0x3FB4];
	_ =	sdelay $0x3  }
0x34: {  	[smem:$0x3FB4] =	sst s10  }
0x35: {  	s10 =	sld [smem:$0x3FB3];
	_ =	sdelay $0x3  }
0x36: {  	p1 =	seq.s32 s10, $0x1;
	s10 =	sld [smem:$0x3FB4];
	_ =	sdelay $0x3  }
0x37: {  	[smem:$0x3FB4] =	sst s10  }
0x38: {  	s10 =	sld [smem:$0x3FB5]  }
0x39: {  	_ = 	snop;
	(pc) =	sbr.ind lr, $3  }
0x3a: {  	_ = 	snop  }
0x3b: {  	_ = 	snop  }
0x3c: {  	p2 =	seq.s32 s10, $0x1;
	s10 =	sld [smem:$0x3FB4]  }
0x3d: {  	_ =	shalt  }
0x3e: {  	_ =	shalt  }
0x3f: {  	_ =	shalt  }
0x40: {  	_ =	shalt  }
0x41: {  	_ =	shalt  }
0x42: {  	_ =	shalt  }
0x43: {  	_ =	shalt  }
0x44: {  	_ =	shalt  }
0x45: {  	_ =	shalt  }
0x46: {  	_ =	shalt  }
0x47: {  	_ =	shalt  }
0x48: {  	_ =	shalt  }
0x49: {  	_ =	shalt  }
0x4a: {  	_ =	shalt  }
0x4b: {  	_ =	shalt  }
0x4c: {  	_ =	shalt  }
0x4d: {  	_ =	shalt  }
0x4e: {  	_ =	shalt  }
0x4f: {  	_ =	shalt  }
0x50: {  	_ =	shalt  }
0x51: {  	_ =	shalt  }
0x52: {  	_ =	shalt  }
0x53: {  	_ =	shalt  }
0x54: {  	_ =	shalt  }
0x55: {  	_ =	shalt  }
0x56: {  	_ =	shalt  }
0x57: {  	_ =	shalt  }
0x58: {  	_ =	shalt  }
0x59: {  	_ =	shalt  }
0x5a: {  	_ =	shalt  }
0x5b: {  	_ =	shalt  }
0x5c: {  	_ =	shalt  }
0x5d: {  	_ =	shalt  }
0x5e: {  	_ =	shalt  }
0x5f: {  	_ =	shalt  }
0x60: {  	_ =	shalt  }
0x61: {  	_ =	shalt  }
0x62: {  	_ =	shalt  }
0x63: {  	_ =	shalt  }
0x64: {  	_ =	shalt  }
0x65: {  	_ =	shalt  }
0x66: {  	_ =	shalt  }
0x67: {  	_ =	shalt  }
0x68: {  	_ =	shalt  }
0x69: {  	_ =	shalt  }
0x6a: {  	_ =	shalt  }
0x6b: {  	_ =	shalt  }
0x6c: {  	_ =	shalt  }
0x6d: {  	_ =	shalt  }
0x6e: {  	_ =	shalt  }
0x6f: {  	_ =	shalt  }
0x70: {  	_ =	shalt  }
0x71: {  	_ =	shalt  }
0x72: {  	_ =	shalt  }
0x73: {  	_ =	shalt  }
0x74: {  	_ =	shalt  }
0x75: {  	_ =	shalt  }
0x76: {  	_ =	shalt  }
0x77: {  	_ =	shalt  }
0x78: {  	_ =	shalt  }
0x79: {  	_ =	shalt  }
0x7a: {  	_ =	shalt  }
0x7b: {  	_ =	shalt  }
0x7c: {  	_ =	shalt  }
0x7d: {  	_ =	shalt  }
0x7e: {  	_ =	shalt  }
0x7f: {  	_ =	shalt  }
0x80: {  	_ =	shalt  }
0x81: {  	_ =	shalt  }
0x82: {  	_ =	shalt  }
0x83: {  	_ =	shalt  }
0x84: {  	_ =	shalt  }
0x85: {  	_ =	shalt  }
0x86: {  	_ =	shalt  }
0x87: {  	_ =	shalt  }
.Lfunc_end0:
.L_simem_size_0:
called_computation_lowered:
.L_overlay_start_0:
0x88: {  	s2 =	sld [smem:$0x3FD9]  }
0x89: {  	s3 =	sld [smem:$0x3FFE];
	_ =	sdelay $0x1  }
0x8a: {  	s1 =	srdreg.scid  }
0x8b: {  	s0 =	sand.u32 $0x1, s1  }
0x8c: {  	s14 =	sshll.u32 s0, $0xA;
	s2 =	sadd.s32 s3, s2  }
0x8d: {  	s2 =	sadd.s32 s2, s14  }
0x8e: {  	[smem:$0x3FC0] =	sst s2  }
0x8f: {  	_ = 	snop  }
0x90: {  	s2 =	sld [smem:$0x3FD0];
	_ =	sdelay $0x2  }
0x91: {  	s15 =	simm.s32 $0xA;
	s4 =	simm.s32 $0x10  }
0x92: {  	[smem:s4], [sflag:s15] =	dma.local [hbm:s2], $0x1  }
0x93: {  	_ =	swait.eq [sflag:s15], $0x1  }
0x94: {  	[sflag:s15] =	ssyncset.done $0x0  }
0x95: {  	s16 =	sld [smem:$0x10];
	[sflag:s15] =	ssyncadd.s32 $0xFFFFFFFF  }
0x96: {  	s17 =	sld [smem:$0x11];
	(tm) =	ssettm $0x1  }
0x97: {  	s18 =	sld [smem:$0x3FFB];
	_ =	sdelay $0x3  }
0x98: {  	_ =	strace s18  }
0x99: {  	s4 =	sld [smem:$0x3FFC];
	_ =	sdelay $0x3  }
0x9a: {  	_ =	strace s4  }
0x9b: {  	s4 =	sld [smem:$0x3FFD];
	_ =	sdelay $0x3  }
0x9c: {  	_ =	strace s4  }
0x9d: {  	_ =	strace $0x8FFFFFFF  }
0x9e: {  	s19 =	sld [smem:$0x3FDB];
	_ =	sdelay $0x1  }
0x9f: {  	s5 =	simm.s32 $_scs_section_size  }
0xa0: {  	s6 =	simm.s32 $_size__tile_overlayer_lowered;
	s7 =	simm.s32 $_tile_overlayer_lowered  }
0xa1: {  	s22 =	simm.s32 $0x1BFF;
	s21 =	sshll.u32 s7, $0x1;
	s4 =	sadd.s32 s5, s19  }
0xa2: {  	s8 =	simm.s32 $0x0;
	s20 =	sshll.u32 s6, $0x1;
	s6 =	sadd.s32 s21, s4  }
0xa3: {  	[timem:s8], [sflag:s22] =	dma.local [hbm:s6], s20  }
0xa4: {  	_ =	swait.ge [sflag:s22], s20  }
0xa5: {  	s5 =	ssub.s32 $0x0, s20;
	[sflag:s22] =	ssyncset.done $0x0  }
0xa6: {  	[sflag:s22] =	ssyncadd.s32 s5;
	_ =	sdelay $0x1  }
0xa7: {  	s23 =	simm.s32 $0x1B8B  }
0xa8: {  	_ =	swait.ge [sflag:s23], $0x1  }
0xa9: {  	[sflag:s23] =	ssyncset.done $0x0  }
0xaa: {  	s25 =	simm.s32 $0x1B8E;
	s24 =	sld [smem:$0x3FFE];
	[sflag:s23] =	ssyncadd.s32 $0xFFFFFFFF  }
0xab: {  	s26 =	simm.s32 $execute0_lowered;
	[smem:$0x3FD2] =	sst s25  }
0xac: {  	s6 =	sshll.u32 s26, $0x1;
	_ =	strace $0x80000046;
	[dreg:$0x1] =	wrdreg $0xFFFFFFFF  }
0xad: {  	s28 =	simm.s32 $_size_execute0_lowered;
	s4 =	sadd.s32 s4, s6;
	[dreg:$0x0] =	wrdreg $0x0  }
0xae: {  	s6 =	sshll.u32 s28, $0x1;
	[dreg:$0x2] =	wrdreg s4  }
0xaf: {  	[dreg:$0x3] =	wrdreg s6  }
0xb0: {  	[dreg:$0x4] =	wrdreg $0xC0  }
0xb1: {  	_ =	task [dreg:s8], $0x5FFFF  }
0xb2: {  	[dreg:$0x1] =	wrdreg $0xFFFFFFFF  }
0xb3: {  	[dreg:$0x0] =	wrdreg $0x60  }
0xb4: {  	[dreg:$0x2] =	wrdreg s16  }
0xb5: {  	[dreg:$0x3] =	wrdreg s24  }
0xb6: {  	[dreg:$0x4] =	wrdreg s17  }
0xb7: {  	[dreg:$0x5] =	wrdreg $0x9  }
0xb8: {  	_ =	task.clear_ibuf [dreg:s8], $0x6FFFF;
	_ =	strace $0x90000046  }
0xb9: {  	s29 =	simm.s32 $0x9;
	_ =	strace $0x80000048  }
0xba: {  	_ =	swait.ge [sflag:s29], $0x1  }
0xbb: {  	[sflag:s29] =	ssyncadd.s32 $0xFFFFFFFF  }
0xbc: {  	_ =	strace $0x90000048  }
0xbd: {  	_ =	sfence  }
0xbe: {  	s30 =	sld [smem:$0x0];
	_ =	sdelay $0x2  }
0xbf: {  	s31 =	sshll.u32 s1, $0xD;
	s1 =	sshrl.u32 s1, $0x2  }
0xc0: {  	s3 =	sand.u32 $0x4000, s31;
	s1 =	sadd.s32 s1, s30  }
0xc1: {  	s0 =	sor.u32 s3, s0;
	s1 =	sshll.u32 s1, $0x11  }
0xc2: {  	s0 =	sor.u32 s1, s0  }
0xc3: {  	s0 =	sadd.s32 $0x8F2B, s0  }
0xc4: {  	[sflag:s0] =	ssyncadd.remote.s32 $0x1  }
0xc5: {  	_ =	sfence.sel $0xFFFF  }
0xc6: {  	[dreg:$0x0] =	wrdreg $0xFFFFFFFF;
	(pc) =	sbr.abs _section_cstart, $3  }
0xc7: {  	[dreg:$0x1] =	wrdreg $0xFFFFFFFF  }
0xc8: {  	_ =	task.clear_ibuf [dreg:s8], $0x2FFFF;
	_ =	strace $0x9FFFFFFF  }
0xc9: {  	(tm) =	ssettm $0x7FFFFFFF  }
tec
execute0_lowered:
.L_overlay_start_1:
0x0: {  	(tag) =	ssettag $0x1  }
0x1: {  	v0 =	vlaneseq.u32  }
0x2: {  	v0 =	vmul.u32 $0x3, v0  }
0x3: {  	s0 =	rddreg [dreg:$0x0]  }
0x4: {  	s6 =	rddreg [dreg:$0x1];
	v1 =	vadd.s32 $0x30, v0;
	v3 =	vadd.s32 $0x90, v0;
	v4 =	vor.u32 $0xC0, v0  }
0x5: {  	s2 =	rddreg [dreg:$0x2];
	v5 =	vadd.s32 $0xF0, v0;
	v6 =	vadd.s32 $0x120, v0;
	v7 =	vadd.s32 $0x150, v0  }
0x6: {  	s1 =	rddreg [dreg:$0x3];
	s3 =	simm.s32 $0x0;
	v8 =	vor.u32 $0x180, v0;
	v9 =	vadd.s32 $0x1B0, v0;
	v10 =	vadd.s32 $0x1E0, v0  }
0x7: {  	s4 =	srdreg.scid;
	s17 =	simm.s32 $0x600;
	[smem:$0x7FF] =	sst s3;
	v11 =	vadd.s32 $0x210, v0;
	v12 =	vor.u32 $0x240, v0;
	v13 =	vadd.s32 $0x270, v0  }
0x8: {  	s7 =	sand.u32 $0x1, s4;
	s5 =	sadd.s32 $0xE00, s6;
	s4 =	stileid.u32;
	v14 =	vadd.s32 $0x2A0, v0;
	v15 =	vadd.s32 $0x2D0, v0;
	v16 =	vor.u32 $0x300, v0  }
0x9: {  	s6 =	sadd.s32 $0x1000, s6;
	s10 =	sadd.s32 $0x140, s2;
	s11 =	sadd.s32 $0x100, s2;
	v17 =	vadd.s32 $0x330, v0;
	v18 =	vadd.s32 $0x360, v0;
	v19 =	vadd.s32 $0x390, v0  }
0xa: {  	s12 =	sadd.s32 $0xC0, s2;
	s13 =	sadd.s32 $0x80, s2;
	s31 =	sshll.u32 s4, $0x1;
	v20 =	vor.u32 $0x3C0, v0;
	v21 =	vadd.s32 $0x3F0, v0;
	v22 =	vadd.s32 $0x420, v0  }
0xb: {  	s14 =	sadd.s32 $0x40, s2;
	s8 =	ssub.s32 $0x2, s7;
	v23 =	vadd.s32 $0x450, v0;
	v24 =	vor.u32 $0x480, v0;
	v25 =	vadd.s32 $0x4B0, v0;
	s18 =	sor.u32 s7, s31  }
0xc: {  	v26 =	vadd.s32 $0x4E0, v0;
	v27 =	vadd.s32 $0x510, v0;
	v28 =	vor.u32 $0x540, v0;
	s9 =	sshrl.u32 s8, $0x1;
	s7 =	sadd.s32 $0x200, s2;
	p2 =	seq.s32 s18, $0x0  }
0xd: {  	v29 =	vadd.s32 $0x570, v0;
	v30 =	vadd.s32 $0x5A0, v0;
	v31 =	vadd.s32 $0x5D0, v0;
	s15 =	ssub.s32 s8, s9;
	s8 =	sadd.s32 $0x1C0, s2;
	s16 =	simm.s32 @!p2 $0x0  }
0xe: {  	v32 =	vadd.s32 $0x1, v0;
	v33 =	vadd.s32 $0x31, v0;
	v34 =	vadd.s32 $0x61, v0;
	p0 =	sgt.s32 s18, $0x3;
	s16 =	simm.s32 @p2 $0x1;
	p2 =	seq.s32 s18, $0x1  }
0xf: {  	v35 =	vadd.s32 $0x91, v0;
	v36 =	vadd.s32 $0xC1, v0;
	[tilespmem:$0x1FFE0] =	vst v1;
	v1 =	vadd.s32 $0x60, v0;
	p1 =	sgt.s32 s18, $0x1;
	p6 =	sgt.s32 s18, $0x5;
	s19 =	simm.s32 @!p2 $0x0  }
0x10: {  	v37 =	vadd.s32 $0xF1, v0;
	v38 =	vadd.s32 $0x121, v0;
	v39 =	vadd.s32 $0x151, v0;
	p3 =	seq.s32 s18, $0x4;
	[tilespmem:$0x1FFF0] =	vst v1;
	s19 =	simm.s32 @p2 $0x1;
	p2 =	seq.s32 s18, $0x2  }
0x11: {  	v40 =	vadd.s32 $0x181, v0;
	v41 =	vadd.s32 $0x1B1, v0;
	v42 =	vadd.s32 $0x1E1, v0;
	_ =	strace $0x80000047;
	[smem:$0x7F9] =	sst s19;
	s19 =	simm.s32 @!p2 $0x0  }
0x12: {  	v43 =	vadd.s32 $0x211, v0;
	v44 =	vadd.s32 $0x241, v0;
	v45 =	vadd.s32 $0x271, v0;
	[smem:$0x7F8] =	sst s16;
	s19 =	simm.s32 @p2 $0x1;
	p2 =	seq.s32 s18, $0x3  }
0x13: {  	v46 =	vadd.s32 $0x2A1, v0;
	v47 =	vadd.s32 $0x2D1, v0;
	v48 =	vadd.s32 $0x301, v0;
	p5 =	seq.s32 s18, $0x6;
	[smem:$0x7FA] =	sst s19;
	s19 =	simm.s32 @!p2 $0x0  }
.Ltmp0:
0x14: {  	v49 =	vadd.s32 $0x331, v0;
	v50 =	vadd.s32 $0x361, v0;
	v51 =	vadd.s32 $0x391, v0;
	s19 =	simm.s32 @p2 $0x1;
	p2 =	seq.s32 s18, $0x5;
	(pc) =	sbr.rel .LBB2_1-.Ltmp0, $4  }
0x15: {  	v52 =	vadd.s32 $0x3C1, v0;
	v53 =	vadd.s32 $0x3F1, v0;
	v54 =	vadd.s32 $0x421, v0;
	p4 =	seq.s32 s18, $0x8;
	[smem:$0x7FB] =	sst s19;
	s19 =	simm.s32 @!p2 $0x0  }
0x16: {  	v55 =	vadd.s32 $0x451, v0;
	v56 =	vadd.s32 $0x481, v0;
	v57 =	vadd.s32 $0x4B1, v0;
	s19 =	simm.s32 @p2 $0x1;
	p2 =	seq.s32 s18, $0x7;
	s18 =	simm.s32 @!p4 $0x0  }
0x17: {  	v58 =	vadd.s32 $0x4E1, v0;
	v59 =	vadd.s32 $0x511, v0;
	v60 =	vadd.s32 $0x541, v0;
	s9 =	sadd.s32 $0x180, s2;
	[smem:$0x7FC] =	sst s19;
	s18 =	simm.s32 @p4 $0x1  }
0x18: {  	v61 =	vadd.s32 $0x571, v0;
	v62 =	vadd.s32 $0x5A1, v0;
	v63 =	vadd.s32 $0x5D1, v0;
	s15 =	smax.u32 s15, $0x1;
	s16 =	simm.s32 $0x1;
	[smem:$0x7FD] =	sst s18  }
.LBB2_18:
0x19: {  	v1 =	vadd.s32 $0x2, v0  }
0x1a: {  	[tilespmem:s3], [sflag:$0x1] =	stream.linear.gather [hbm4b:s0+s3], $0x600, $0x38;
	[tilespmem:$0x800] =	vst v63  }
0x1b: {  	_ =	swait.ge [sflag:s16], $0x600  }
0x1c: {  	[sflag:s16] =	ssyncset.done $0x0  }
0x1d: {  	[sflag:s16] =	ssyncadd.s32 $0xFFFFFA00  }
0x1e: {  	v1 =	vld.idx.msk [tilespmem:v1+s3+$0x0], $0xffff  }
0x1f: {  	v2 =	vadd.s32 $0x32, v0;
	_ =	sdelay $0x3  }
0x20: {  	[tilespmem:$0x600] =	vst v1  }
0x21: {  	v1 =	vld.idx.msk [tilespmem:v2+s3+$0x0], $0xffff  }
0x22: {  	v2 =	vadd.s32 $0x62, v0;
	_ =	sdelay $0x3  }
0x23: {  	[tilespmem:$0x610] =	vst v1  }
0x24: {  	v1 =	vld.idx.msk [tilespmem:v2+s3+$0x0], $0xffff  }
0x25: {  	v2 =	vadd.s32 $0x92, v0;
	_ =	sdelay $0x3  }
0x26: {  	[tilespmem:$0x620] =	vst v1  }
0x27: {  	v1 =	vld.idx.msk [tilespmem:v2+s3+$0x0], $0xffff  }
0x28: {  	v2 =	vadd.s32 $0xC2, v0;
	_ =	sdelay $0x3  }
0x29: {  	[tilespmem:$0x630] =	vst v1  }
0x2a: {  	v1 =	vld.idx.msk [tilespmem:v2+s3+$0x0], $0xffff  }
0x2b: {  	v2 =	vadd.s32 $0xF2, v0;
	_ =	sdelay $0x3  }
0x2c: {  	[tilespmem:$0x640] =	vst v1  }
0x2d: {  	v1 =	vld.idx.msk [tilespmem:v2+s3+$0x0], $0xffff  }
0x2e: {  	v2 =	vadd.s32 $0x122, v0;
	_ =	sdelay $0x3  }
0x2f: {  	[tilespmem:$0x650] =	vst v1  }
0x30: {  	v1 =	vld.idx.msk [tilespmem:v2+s3+$0x0], $0xffff  }
0x31: {  	v2 =	vadd.s32 $0x152, v0;
	_ =	sdelay $0x3  }
0x32: {  	[tilespmem:$0x660] =	vst v1  }
0x33: {  	v1 =	vld.idx.msk [tilespmem:v2+s3+$0x0], $0xffff  }
0x34: {  	v2 =	vadd.s32 $0x182, v0;
	_ =	sdelay $0x3  }
0x35: {  	[tilespmem:$0x670] =	vst v1  }
0x36: {  	v1 =	vld.idx.msk [tilespmem:v2+s3+$0x0], $0xffff  }
0x37: {  	v2 =	vadd.s32 $0x1B2, v0;
	_ =	sdelay $0x3  }
0x38: {  	[tilespmem:$0x680] =	vst v1  }
0x39: {  	v1 =	vld.idx.msk [tilespmem:v2+s3+$0x0], $0xffff  }
0x3a: {  	v2 =	vadd.s32 $0x1E2, v0;
	_ =	sdelay $0x3  }
0x3b: {  	[tilespmem:$0x690] =	vst v1  }
0x3c: {  	v1 =	vld.idx.msk [tilespmem:v2+s3+$0x0], $0xffff  }
0x3d: {  	v2 =	vadd.s32 $0x212, v0;
	_ =	sdelay $0x3  }
0x3e: {  	[tilespmem:$0x6A0] =	vst v1  }
0x3f: {  	v1 =	vld.idx.msk [tilespmem:v2+s3+$0x0], $0xffff  }
0x40: {  	v2 =	vadd.s32 $0x242, v0;
	_ =	sdelay $0x3  }
0x41: {  	[tilespmem:$0x6B0] =	vst v1  }
0x42: {  	v1 =	vld.idx.msk [tilespmem:v2+s3+$0x0], $0xffff  }
0x43: {  	v2 =	vadd.s32 $0x272, v0;
	_ =	sdelay $0x3  }
0x44: {  	[tilespmem:$0x6C0] =	vst v1  }
0x45: {  	v1 =	vld.idx.msk [tilespmem:v2+s3+$0x0], $0xffff  }
0x46: {  	v2 =	vadd.s32 $0x2A2, v0;
	_ =	sdelay $0x3  }
0x47: {  	[tilespmem:$0x6D0] =	vst v1  }
0x48: {  	v1 =	vld.idx.msk [tilespmem:v2+s3+$0x0], $0xffff  }
0x49: {  	v2 =	vadd.s32 $0x2D2, v0;
	_ =	sdelay $0x3  }
0x4a: {  	[tilespmem:$0x6E0] =	vst v1  }
0x4b: {  	v1 =	vld.idx.msk [tilespmem:v2+s3+$0x0], $0xffff  }
0x4c: {  	v2 =	vadd.s32 $0x302, v0;
	_ =	sdelay $0x3  }
0x4d: {  	[tilespmem:$0x6F0] =	vst v1  }
0x4e: {  	v1 =	vld.idx.msk [tilespmem:v2+s3+$0x0], $0xffff  }
0x4f: {  	v2 =	vadd.s32 $0x332, v0;
	_ =	sdelay $0x3  }
0x50: {  	[tilespmem:$0x700] =	vst v1  }
0x51: {  	v1 =	vld.idx.msk [tilespmem:v2+s3+$0x0], $0xffff  }
0x52: {  	v2 =	vadd.s32 $0x362, v0;
	_ =	sdelay $0x3  }
0x53: {  	[tilespmem:$0x710] =	vst v1  }
0x54: {  	v1 =	vld.idx.msk [tilespmem:v2+s3+$0x0], $0xffff  }
0x55: {  	v2 =	vadd.s32 $0x392, v0;
	_ =	sdelay $0x3  }
0x56: {  	[tilespmem:$0x720] =	vst v1  }
0x57: {  	v1 =	vld.idx.msk [tilespmem:v2+s3+$0x0], $0xffff  }
0x58: {  	v2 =	vadd.s32 $0x3C2, v0;
	_ =	sdelay $0x3  }
0x59: {  	[tilespmem:$0x730] =	vst v1  }
0x5a: {  	v1 =	vld.idx.msk [tilespmem:v2+s3+$0x0], $0xffff  }
0x5b: {  	v2 =	vadd.s32 $0x3F2, v0;
	_ =	sdelay $0x3  }
0x5c: {  	[tilespmem:$0x740] =	vst v1  }
0x5d: {  	v1 =	vld.idx.msk [tilespmem:v2+s3+$0x0], $0xffff  }
0x5e: {  	v2 =	vadd.s32 $0x422, v0;
	_ =	sdelay $0x3  }
0x5f: {  	[tilespmem:$0x750] =	vst v1  }
0x60: {  	v1 =	vld.idx.msk [tilespmem:v2+s3+$0x0], $0xffff  }
0x61: {  	v2 =	vadd.s32 $0x452, v0;
	_ =	sdelay $0x3  }
0x62: {  	[tilespmem:$0x760] =	vst v1  }
0x63: {  	v1 =	vld.idx.msk [tilespmem:v2+s3+$0x0], $0xffff  }
0x64: {  	v2 =	vadd.s32 $0x482, v0;
	_ =	sdelay $0x3  }
0x65: {  	[tilespmem:$0x770] =	vst v1  }
0x66: {  	v1 =	vld.idx.msk [tilespmem:v2+s3+$0x0], $0xffff  }
0x67: {  	v2 =	vadd.s32 $0x4B2, v0;
	_ =	sdelay $0x3  }
0x68: {  	[tilespmem:$0x780] =	vst v1  }
0x69: {  	v1 =	vld.idx.msk [tilespmem:v2+s3+$0x0], $0xffff  }
0x6a: {  	v2 =	vadd.s32 $0x4E2, v0;
	_ =	sdelay $0x3  }
0x6b: {  	[tilespmem:$0x790] =	vst v1  }
0x6c: {  	v1 =	vld.idx.msk [tilespmem:v2+s3+$0x0], $0xffff  }
0x6d: {  	v2 =	vadd.s32 $0x512, v0;
	_ =	sdelay $0x3  }
0x6e: {  	[tilespmem:$0x7A0] =	vst v1  }
0x6f: {  	v1 =	vld.idx.msk [tilespmem:v2+s3+$0x0], $0xffff  }
0x70: {  	v2 =	vadd.s32 $0x542, v0;
	_ =	sdelay $0x3  }
0x71: {  	[tilespmem:$0x7B0] =	vst v1  }
0x72: {  	v1 =	vld.idx.msk [tilespmem:v2+s3+$0x0], $0xffff  }
0x73: {  	v2 =	vadd.s32 $0x572, v0;
	_ =	sdelay $0x3  }
0x74: {  	[tilespmem:$0x7C0] =	vst v1  }
0x75: {  	v1 =	vld.idx.msk [tilespmem:v2+s3+$0x0], $0xffff  }
0x76: {  	v2 =	vadd.s32 $0x5A2, v0;
	_ =	sdelay $0x3  }
0x77: {  	[tilespmem:$0x7D0] =	vst v1  }
0x78: {  	v1 =	vld.idx.msk [tilespmem:v2+s3+$0x0], $0xffff  }
0x79: {  	v2 =	vadd.s32 $0x5D2, v0;
	_ =	sdelay $0x3  }
0x7a: {  	[tilespmem:$0x7E0] =	vst v1  }
0x7b: {  	v1 =	vld.idx.msk [tilespmem:v2+s3+$0x0], $0xffff;
	_ =	sdelay $0x4  }
0x7c: {  	[tilespmem:$0x7F0] =	vst v1  }
0x7d: {  	[hbm4b:s13+s3] =	stream.linear.scatter [tilespmem:s17], [sflag:$0x1], $0x200, $0x38;
	[tilespmem:$0x800] =	vst v63  }
.LBB2_22:
0x7e: {  	_ =	swait.ge [sflag:s16], $0x200  }
0x7f: {  	[sflag:s16] =	ssyncset.done $0x0  }
0x80: {  	[sflag:s16] =	ssyncadd.s32 $0xFFFFFE00  }
.LBB2_23:
0x81: {  	s15 =	sadd.s32 $0xFFFFFFFF, s15  }
0x82: {  	p4 =	sne.s32 s15, $0x0  }
.Ltmp1:
0x83: {  	_ = 	snop;
	(pc) =	sbr.rel @!p4 .LBB2_24-.Ltmp1, $1  }
0x84: {  	_ =	sdelay $0x3  }
.LBB2_1:
.Ltmp2:
0x85: {  	(pc) =	sbr.rel @!p0 .LBB2_2-.Ltmp2, $1  }
0x86: {  	_ =	sdelay $0x3  }
.Ltmp3:
0x87: {  	(pc) =	sbr.rel @!p6 .LBB2_10-.Ltmp3, $1  }
0x88: {  	_ =	sdelay $0x3  }
.Ltmp4:
0x89: {  	(pc) =	sbr.rel @p5 .LBB2_20-.Ltmp4, $1  }
0x8a: {  	_ =	sdelay $0x3  }
.Ltmp5:
0x8b: {  	(pc) =	sbr.rel @p2 .LBB2_21-.Ltmp5, $1  }
0x8c: {  	_ =	sdelay $0x3  }
0x8d: {  	s18 =	sld [smem:$0x7FD];
	_ =	sdelay $0x2  }
0x8e: {  	p4 =	seq.s32 s18, $0x1  }
.Ltmp6:
0x8f: {  	_ = 	snop;
	(pc) =	sbr.rel @!p4 .LBB2_23-.Ltmp6, $1  }
0x90: {  	_ =	sdelay $0x3  }
0x91: {  	v1 =	vadd.s32 $0x2, v0  }
0x92: {  	[tilespmem:s3], [sflag:$0x1] =	stream.linear.gather [hbm4b:s6+s3], $0x600, $0x38;
	[tilespmem:$0x800] =	vst v63  }
0x93: {  	_ =	swait.ge [sflag:s16], $0x600  }
0x94: {  	[sflag:s16] =	ssyncset.done $0x0  }
0x95: {  	[sflag:s16] =	ssyncadd.s32 $0xFFFFFA00  }
0x96: {  	v1 =	vld.idx.msk [tilespmem:v1+s3+$0x0], $0xffff  }
0x97: {  	v2 =	vadd.s32 $0x32, v0;
	_ =	sdelay $0x3  }
0x98: {  	[tilespmem:$0x600] =	vst v1  }
0x99: {  	v1 =	vld.idx.msk [tilespmem:v2+s3+$0x0], $0xffff  }
0x9a: {  	v2 =	vadd.s32 $0x62, v0;
	_ =	sdelay $0x3  }
0x9b: {  	[tilespmem:$0x610] =	vst v1  }
0x9c: {  	v1 =	vld.idx.msk [tilespmem:v2+s3+$0x0], $0xffff  }
0x9d: {  	v2 =	vadd.s32 $0x92, v0;
	_ =	sdelay $0x3  }
0x9e: {  	[tilespmem:$0x620] =	vst v1  }
0x9f: {  	v1 =	vld.idx.msk [tilespmem:v2+s3+$0x0], $0xffff  }
0xa0: {  	v2 =	vadd.s32 $0xC2, v0;
	_ =	sdelay $0x3  }
0xa1: {  	[tilespmem:$0x630] =	vst v1  }
0xa2: {  	v1 =	vld.idx.msk [tilespmem:v2+s3+$0x0], $0xffff  }
0xa3: {  	v2 =	vadd.s32 $0xF2, v0;
	_ =	sdelay $0x3  }
0xa4: {  	[tilespmem:$0x640] =	vst v1  }
0xa5: {  	v1 =	vld.idx.msk [tilespmem:v2+s3+$0x0], $0xffff  }
0xa6: {  	v2 =	vadd.s32 $0x122, v0;
	_ =	sdelay $0x3  }
0xa7: {  	[tilespmem:$0x650] =	vst v1  }
0xa8: {  	v1 =	vld.idx.msk [tilespmem:v2+s3+$0x0], $0xffff  }
0xa9: {  	v2 =	vadd.s32 $0x152, v0;
	_ =	sdelay $0x3  }
0xaa: {  	[tilespmem:$0x660] =	vst v1  }
0xab: {  	v1 =	vld.idx.msk [tilespmem:v2+s3+$0x0], $0xffff  }
0xac: {  	v2 =	vadd.s32 $0x182, v0;
	_ =	sdelay $0x3  }
0xad: {  	[tilespmem:$0x670] =	vst v1  }
0xae: {  	v1 =	vld.idx.msk [tilespmem:v2+s3+$0x0], $0xffff  }
0xaf: {  	v2 =	vadd.s32 $0x1B2, v0;
	_ =	sdelay $0x3  }
0xb0: {  	[tilespmem:$0x680] =	vst v1  }
0xb1: {  	v1 =	vld.idx.msk [tilespmem:v2+s3+$0x0], $0xffff  }
0xb2: {  	v2 =	vadd.s32 $0x1E2, v0;
	_ =	sdelay $0x3  }
0xb3: {  	[tilespmem:$0x690] =	vst v1  }
0xb4: {  	v1 =	vld.idx.msk [tilespmem:v2+s3+$0x0], $0xffff  }
0xb5: {  	v2 =	vadd.s32 $0x212, v0;
	_ =	sdelay $0x3  }
0xb6: {  	[tilespmem:$0x6A0] =	vst v1  }
0xb7: {  	v1 =	vld.idx.msk [tilespmem:v2+s3+$0x0], $0xffff  }
0xb8: {  	v2 =	vadd.s32 $0x242, v0;
	_ =	sdelay $0x3  }
0xb9: {  	[tilespmem:$0x6B0] =	vst v1  }
0xba: {  	v1 =	vld.idx.msk [tilespmem:v2+s3+$0x0], $0xffff  }
0xbb: {  	v2 =	vadd.s32 $0x272, v0;
	_ =	sdelay $0x3  }
0xbc: {  	[tilespmem:$0x6C0] =	vst v1  }
0xbd: {  	v1 =	vld.idx.msk [tilespmem:v2+s3+$0x0], $0xffff  }
0xbe: {  	v2 =	vadd.s32 $0x2A2, v0;
	_ =	sdelay $0x3  }
0xbf: {  	[tilespmem:$0x6D0] =	vst v1  }
0xc0: {  	v1 =	vld.idx.msk [tilespmem:v2+s3+$0x0], $0xffff  }
0xc1: {  	v2 =	vadd.s32 $0x2D2, v0;
	_ =	sdelay $0x3  }
0xc2: {  	[tilespmem:$0x6E0] =	vst v1  }
0xc3: {  	v1 =	vld.idx.msk [tilespmem:v2+s3+$0x0], $0xffff  }
0xc4: {  	v2 =	vadd.s32 $0x302, v0;
	_ =	sdelay $0x3  }
0xc5: {  	[tilespmem:$0x6F0] =	vst v1  }
0xc6: {  	v1 =	vld.idx.msk [tilespmem:v2+s3+$0x0], $0xffff  }
0xc7: {  	v2 =	vadd.s32 $0x332, v0;
	_ =	sdelay $0x3  }
0xc8: {  	[tilespmem:$0x700] =	vst v1  }
0xc9: {  	v1 =	vld.idx.msk [tilespmem:v2+s3+$0x0], $0xffff  }
0xca: {  	v2 =	vadd.s32 $0x362, v0;
	_ =	sdelay $0x3  }
0xcb: {  	[tilespmem:$0x710] =	vst v1  }
0xcc: {  	v1 =	vld.idx.msk [tilespmem:v2+s3+$0x0], $0xffff  }
0xcd: {  	v2 =	vadd.s32 $0x392, v0;
	_ =	sdelay $0x3  }
0xce: {  	[tilespmem:$0x720] =	vst v1  }
0xcf: {  	v1 =	vld.idx.msk [tilespmem:v2+s3+$0x0], $0xffff  }
0xd0: {  	v2 =	vadd.s32 $0x3C2, v0;
	_ =	sdelay $0x3  }
0xd1: {  	[tilespmem:$0x730] =	vst v1  }
0xd2: {  	v1 =	vld.idx.msk [tilespmem:v2+s3+$0x0], $0xffff  }
0xd3: {  	v2 =	vadd.s32 $0x3F2, v0;
	_ =	sdelay $0x3  }
0xd4: {  	[tilespmem:$0x740] =	vst v1  }
0xd5: {  	v1 =	vld.idx.msk [tilespmem:v2+s3+$0x0], $0xffff  }
0xd6: {  	v2 =	vadd.s32 $0x422, v0;
	_ =	sdelay $0x3  }
0xd7: {  	[tilespmem:$0x750] =	vst v1  }
0xd8: {  	v1 =	vld.idx.msk [tilespmem:v2+s3+$0x0], $0xffff  }
0xd9: {  	v2 =	vadd.s32 $0x452, v0;
	_ =	sdelay $0x3  }
0xda: {  	[tilespmem:$0x760] =	vst v1  }
0xdb: {  	v1 =	vld.idx.msk [tilespmem:v2+s3+$0x0], $0xffff  }
0xdc: {  	v2 =	vadd.s32 $0x482, v0;
	_ =	sdelay $0x3  }
0xdd: {  	[tilespmem:$0x770] =	vst v1  }
0xde: {  	v1 =	vld.idx.msk [tilespmem:v2+s3+$0x0], $0xffff  }
0xdf: {  	v2 =	vadd.s32 $0x4B2, v0;
	_ =	sdelay $0x3  }
0xe0: {  	[tilespmem:$0x780] =	vst v1  }
0xe1: {  	v1 =	vld.idx.msk [tilespmem:v2+s3+$0x0], $0xffff  }
0xe2: {  	v2 =	vadd.s32 $0x4E2, v0;
	_ =	sdelay $0x3  }
0xe3: {  	[tilespmem:$0x790] =	vst v1  }
0xe4: {  	v1 =	vld.idx.msk [tilespmem:v2+s3+$0x0], $0xffff  }
0xe5: {  	v2 =	vadd.s32 $0x512, v0;
	_ =	sdelay $0x3  }
0xe6: {  	[tilespmem:$0x7A0] =	vst v1  }
0xe7: {  	v1 =	vld.idx.msk [tilespmem:v2+s3+$0x0], $0xffff  }
0xe8: {  	v2 =	vadd.s32 $0x542, v0;
	_ =	sdelay $0x3  }
0xe9: {  	[tilespmem:$0x7B0] =	vst v1  }
0xea: {  	v1 =	vld.idx.msk [tilespmem:v2+s3+$0x0], $0xffff  }
0xeb: {  	v2 =	vadd.s32 $0x572, v0;
	_ =	sdelay $0x3  }
0xec: {  	[tilespmem:$0x7C0] =	vst v1  }
0xed: {  	v1 =	vld.idx.msk [tilespmem:v2+s3+$0x0], $0xffff  }
0xee: {  	v2 =	vadd.s32 $0x5A2, v0;
	_ =	sdelay $0x3  }
0xef: {  	[tilespmem:$0x7D0] =	vst v1  }
0xf0: {  	v1 =	vld.idx.msk [tilespmem:v2+s3+$0x0], $0xffff  }
0xf1: {  	v2 =	vadd.s32 $0x5D2, v0;
	_ =	sdelay $0x3  }
0xf2: {  	[tilespmem:$0x7E0] =	vst v1  }
0xf3: {  	v1 =	vld.idx.msk [tilespmem:v2+s3+$0x0], $0xffff;
	_ =	sdelay $0x1  }
.Ltmp7:
0xf4: {  	_ = 	snop;
	(pc) =	sbr.rel .LBB2_22-.Ltmp7, $3  }
0xf5: {  	_ =	sdelay $0x1  }
0xf6: {  	[tilespmem:$0x7F0] =	vst v1  }
0xf7: {  	[hbm4b:s7+s3] =	stream.linear.scatter [tilespmem:s17], [sflag:$0x1], $0x200, $0x38;
	[tilespmem:$0x800] =	vst v63  }
.LBB2_2:
.Ltmp8:
0xf8: {  	(pc) =	sbr.rel @p1 .LBB2_6-.Ltmp8, $1  }
0xf9: {  	_ =	sdelay $0x3  }
0xfa: {  	s18 =	sld [smem:$0x7F8];
	_ =	sdelay $0x2  }
0xfb: {  	p4 =	seq.s32 s18, $0x1  }
.Ltmp9:
0xfc: {  	_ = 	snop;
	(pc) =	sbr.rel @p4 .LBB2_17-.Ltmp9, $1  }
0xfd: {  	_ =	sdelay $0x3  }
0xfe: {  	s18 =	sld [smem:$0x7F9];
	_ =	sdelay $0x2  }
0xff: {  	p4 =	seq.s32 s18, $0x1  }
.Ltmp10:
0x100: {  	_ = 	snop;
	(pc) =	sbr.rel @!p4 .LBB2_23-.Ltmp10, $1  }
0x101: {  	_ =	sdelay $0x3  }
0x102: {  	[tilespmem:s3], [sflag:$0x1] =	stream.linear.gather [hbm4b:s0+s3], $0x600, $0x38;
	[tilespmem:$0x800] =	vst v63  }
0x103: {  	_ =	swait.ge [sflag:s16], $0x600  }
0x104: {  	[sflag:s16] =	ssyncset.done $0x0  }
0x105: {  	[sflag:s16] =	ssyncadd.s32 $0xFFFFFA00  }
0x106: {  	v1 =	vld.idx.msk [tilespmem:v32+s3+$0x0], $0xffff;
	_ =	sdelay $0x4  }
0x107: {  	[tilespmem:$0x600] =	vst v1  }
0x108: {  	v1 =	vld.idx.msk [tilespmem:v33+s3+$0x0], $0xffff;
	_ =	sdelay $0x4  }
0x109: {  	[tilespmem:$0x610] =	vst v1  }
0x10a: {  	v1 =	vld.idx.msk [tilespmem:v34+s3+$0x0], $0xffff;
	_ =	sdelay $0x4  }
0x10b: {  	[tilespmem:$0x620] =	vst v1  }
0x10c: {  	v1 =	vld.idx.msk [tilespmem:v35+s3+$0x0], $0xffff;
	_ =	sdelay $0x4  }
0x10d: {  	[tilespmem:$0x630] =	vst v1  }
0x10e: {  	v1 =	vld.idx.msk [tilespmem:v36+s3+$0x0], $0xffff;
	_ =	sdelay $0x4  }
0x10f: {  	[tilespmem:$0x640] =	vst v1  }
0x110: {  	v1 =	vld.idx.msk [tilespmem:v37+s3+$0x0], $0xffff;
	_ =	sdelay $0x4  }
0x111: {  	[tilespmem:$0x650] =	vst v1  }
0x112: {  	v1 =	vld.idx.msk [tilespmem:v38+s3+$0x0], $0xffff;
	_ =	sdelay $0x4  }
0x113: {  	[tilespmem:$0x660] =	vst v1  }
0x114: {  	v1 =	vld.idx.msk [tilespmem:v39+s3+$0x0], $0xffff;
	_ =	sdelay $0x4  }
0x115: {  	[tilespmem:$0x670] =	vst v1  }
0x116: {  	v1 =	vld.idx.msk [tilespmem:v40+s3+$0x0], $0xffff;
	_ =	sdelay $0x4  }
0x117: {  	[tilespmem:$0x680] =	vst v1  }
0x118: {  	v1 =	vld.idx.msk [tilespmem:v41+s3+$0x0], $0xffff;
	_ =	sdelay $0x4  }
0x119: {  	[tilespmem:$0x690] =	vst v1  }
0x11a: {  	v1 =	vld.idx.msk [tilespmem:v42+s3+$0x0], $0xffff;
	_ =	sdelay $0x4  }
0x11b: {  	[tilespmem:$0x6A0] =	vst v1  }
0x11c: {  	v1 =	vld.idx.msk [tilespmem:v43+s3+$0x0], $0xffff;
	_ =	sdelay $0x4  }
0x11d: {  	[tilespmem:$0x6B0] =	vst v1  }
0x11e: {  	v1 =	vld.idx.msk [tilespmem:v44+s3+$0x0], $0xffff;
	_ =	sdelay $0x4  }
0x11f: {  	[tilespmem:$0x6C0] =	vst v1  }
0x120: {  	v1 =	vld.idx.msk [tilespmem:v45+s3+$0x0], $0xffff;
	_ =	sdelay $0x4  }
0x121: {  	[tilespmem:$0x6D0] =	vst v1  }
0x122: {  	v1 =	vld.idx.msk [tilespmem:v46+s3+$0x0], $0xffff;
	_ =	sdelay $0x4  }
0x123: {  	[tilespmem:$0x6E0] =	vst v1  }
0x124: {  	v1 =	vld.idx.msk [tilespmem:v47+s3+$0x0], $0xffff;
	_ =	sdelay $0x4  }
0x125: {  	[tilespmem:$0x6F0] =	vst v1  }
0x126: {  	v1 =	vld.idx.msk [tilespmem:v48+s3+$0x0], $0xffff;
	_ =	sdelay $0x4  }
0x127: {  	[tilespmem:$0x700] =	vst v1  }
0x128: {  	v1 =	vld.idx.msk [tilespmem:v49+s3+$0x0], $0xffff;
	_ =	sdelay $0x4  }
0x129: {  	[tilespmem:$0x710] =	vst v1  }
0x12a: {  	v1 =	vld.idx.msk [tilespmem:v50+s3+$0x0], $0xffff;
	_ =	sdelay $0x4  }
0x12b: {  	[tilespmem:$0x720] =	vst v1  }
0x12c: {  	v1 =	vld.idx.msk [tilespmem:v51+s3+$0x0], $0xffff;
	_ =	sdelay $0x4  }
0x12d: {  	[tilespmem:$0x730] =	vst v1  }
0x12e: {  	v1 =	vld.idx.msk [tilespmem:v52+s3+$0x0], $0xffff;
	_ =	sdelay $0x4  }
0x12f: {  	[tilespmem:$0x740] =	vst v1  }
0x130: {  	v1 =	vld.idx.msk [tilespmem:v53+s3+$0x0], $0xffff;
	_ =	sdelay $0x4  }
0x131: {  	[tilespmem:$0x750] =	vst v1  }
0x132: {  	v1 =	vld.idx.msk [tilespmem:v54+s3+$0x0], $0xffff;
	_ =	sdelay $0x4  }
0x133: {  	[tilespmem:$0x760] =	vst v1  }
0x134: {  	v1 =	vld.idx.msk [tilespmem:v55+s3+$0x0], $0xffff;
	_ =	sdelay $0x4  }
0x135: {  	[tilespmem:$0x770] =	vst v1  }
0x136: {  	v1 =	vld.idx.msk [tilespmem:v56+s3+$0x0], $0xffff;
	_ =	sdelay $0x4  }
0x137: {  	[tilespmem:$0x780] =	vst v1  }
0x138: {  	v1 =	vld.idx.msk [tilespmem:v57+s3+$0x0], $0xffff;
	_ =	sdelay $0x4  }
0x139: {  	[tilespmem:$0x790] =	vst v1  }
0x13a: {  	v1 =	vld.idx.msk [tilespmem:v58+s3+$0x0], $0xffff;
	_ =	sdelay $0x4  }
0x13b: {  	[tilespmem:$0x7A0] =	vst v1  }
0x13c: {  	v1 =	vld.idx.msk [tilespmem:v59+s3+$0x0], $0xffff;
	_ =	sdelay $0x4  }
0x13d: {  	[tilespmem:$0x7B0] =	vst v1  }
0x13e: {  	v1 =	vld.idx.msk [tilespmem:v60+s3+$0x0], $0xffff;
	_ =	sdelay $0x4  }
0x13f: {  	[tilespmem:$0x7C0] =	vst v1  }
0x140: {  	v1 =	vld.idx.msk [tilespmem:v61+s3+$0x0], $0xffff;
	_ =	sdelay $0x4  }
0x141: {  	[tilespmem:$0x7D0] =	vst v1  }
0x142: {  	v1 =	vld.idx.msk [tilespmem:v62+s3+$0x0], $0xffff;
	_ =	sdelay $0x4  }
0x143: {  	[tilespmem:$0x7E0] =	vst v1  }
0x144: {  	v1 =	vld.idx.msk [tilespmem:v63+s3+$0x0], $0xffff;
	_ =	sdelay $0x1  }
.Ltmp11:
0x145: {  	_ = 	snop;
	(pc) =	sbr.rel .LBB2_22-.Ltmp11, $3  }
0x146: {  	_ =	sdelay $0x1  }
0x147: {  	[tilespmem:$0x7F0] =	vst v1  }
0x148: {  	[hbm4b:s14+s3] =	stream.linear.scatter [tilespmem:s17], [sflag:$0x1], $0x200, $0x38;
	[tilespmem:$0x800] =	vst v63  }
.LBB2_6:
0x149: {  	s18 =	sld [smem:$0x7FA];
	_ =	sdelay $0x2  }
0x14a: {  	p4 =	seq.s32 s18, $0x1  }
.Ltmp12:
0x14b: {  	_ = 	snop;
	(pc) =	sbr.rel @p4 .LBB2_18-.Ltmp12, $1  }
0x14c: {  	_ =	sdelay $0x3  }
0x14d: {  	s18 =	sld [smem:$0x7FB];
	_ =	sdelay $0x2  }
0x14e: {  	p4 =	seq.s32 s18, $0x1  }
.Ltmp13:
0x14f: {  	_ = 	snop;
	(pc) =	sbr.rel @!p4 .LBB2_23-.Ltmp13, $1  }
0x150: {  	_ =	sdelay $0x3  }
0x151: {  	[tilespmem:s3], [sflag:$0x1] =	stream.linear.gather [hbm4b:s5+s3], $0x600, $0x38;
	[tilespmem:$0x800] =	vst v63  }
0x152: {  	_ =	swait.ge [sflag:s16], $0x600  }
0x153: {  	[sflag:s16] =	ssyncset.done $0x0  }
0x154: {  	[sflag:s16] =	ssyncadd.s32 $0xFFFFFA00  }
0x155: {  	v1 =	vld.idx.msk [tilespmem:v0+s3+$0x0], $0xffff;
	_ =	sdelay $0x4  }
0x156: {  	[tilespmem:$0x600] =	vst v1;
	v1 =	vld [tilespmem:$0x1FFE0];
	_ =	sdelay $0x7  }
0x157: {  	v1 =	vld.idx.msk [tilespmem:v1+s3+$0x0], $0xffff;
	_ =	sdelay $0x4  }
0x158: {  	[tilespmem:$0x610] =	vst v1;
	v1 =	vld [tilespmem:$0x1FFF0];
	_ =	sdelay $0x7  }
0x159: {  	v1 =	vld.idx.msk [tilespmem:v1+s3+$0x0], $0xffff;
	_ =	sdelay $0x4  }
0x15a: {  	[tilespmem:$0x620] =	vst v1  }
0x15b: {  	v1 =	vld.idx.msk [tilespmem:v3+s3+$0x0], $0xffff;
	_ =	sdelay $0x4  }
0x15c: {  	[tilespmem:$0x630] =	vst v1  }
0x15d: {  	v1 =	vld.idx.msk [tilespmem:v4+s3+$0x0], $0xffff;
	_ =	sdelay $0x4  }
0x15e: {  	[tilespmem:$0x640] =	vst v1  }
0x15f: {  	v1 =	vld.idx.msk [tilespmem:v5+s3+$0x0], $0xffff;
	_ =	sdelay $0x4  }
0x160: {  	[tilespmem:$0x650] =	vst v1  }
0x161: {  	v1 =	vld.idx.msk [tilespmem:v6+s3+$0x0], $0xffff;
	_ =	sdelay $0x4  }
0x162: {  	[tilespmem:$0x660] =	vst v1  }
0x163: {  	v1 =	vld.idx.msk [tilespmem:v7+s3+$0x0], $0xffff;
	_ =	sdelay $0x4  }
0x164: {  	[tilespmem:$0x670] =	vst v1  }
0x165: {  	v1 =	vld.idx.msk [tilespmem:v8+s3+$0x0], $0xffff;
	_ =	sdelay $0x4  }
0x166: {  	[tilespmem:$0x680] =	vst v1  }
0x167: {  	v1 =	vld.idx.msk [tilespmem:v9+s3+$0x0], $0xffff;
	_ =	sdelay $0x4  }
0x168: {  	[tilespmem:$0x690] =	vst v1  }
0x169: {  	v1 =	vld.idx.msk [tilespmem:v10+s3+$0x0], $0xffff;
	_ =	sdelay $0x4  }
0x16a: {  	[tilespmem:$0x6A0] =	vst v1  }
0x16b: {  	v1 =	vld.idx.msk [tilespmem:v11+s3+$0x0], $0xffff;
	_ =	sdelay $0x4  }
0x16c: {  	[tilespmem:$0x6B0] =	vst v1  }
0x16d: {  	v1 =	vld.idx.msk [tilespmem:v12+s3+$0x0], $0xffff;
	_ =	sdelay $0x4  }
0x16e: {  	[tilespmem:$0x6C0] =	vst v1  }
0x16f: {  	v1 =	vld.idx.msk [tilespmem:v13+s3+$0x0], $0xffff;
	_ =	sdelay $0x4  }
0x170: {  	[tilespmem:$0x6D0] =	vst v1  }
0x171: {  	v1 =	vld.idx.msk [tilespmem:v14+s3+$0x0], $0xffff;
	_ =	sdelay $0x4  }
0x172: {  	[tilespmem:$0x6E0] =	vst v1  }
0x173: {  	v1 =	vld.idx.msk [tilespmem:v15+s3+$0x0], $0xffff;
	_ =	sdelay $0x4  }
0x174: {  	[tilespmem:$0x6F0] =	vst v1  }
0x175: {  	v1 =	vld.idx.msk [tilespmem:v16+s3+$0x0], $0xffff;
	_ =	sdelay $0x4  }
0x176: {  	[tilespmem:$0x700] =	vst v1  }
0x177: {  	v1 =	vld.idx.msk [tilespmem:v17+s3+$0x0], $0xffff;
	_ =	sdelay $0x4  }
0x178: {  	[tilespmem:$0x710] =	vst v1  }
0x179: {  	v1 =	vld.idx.msk [tilespmem:v18+s3+$0x0], $0xffff;
	_ =	sdelay $0x4  }
0x17a: {  	[tilespmem:$0x720] =	vst v1  }
0x17b: {  	v1 =	vld.idx.msk [tilespmem:v19+s3+$0x0], $0xffff;
	_ =	sdelay $0x4  }
0x17c: {  	[tilespmem:$0x730] =	vst v1  }
0x17d: {  	v1 =	vld.idx.msk [tilespmem:v20+s3+$0x0], $0xffff;
	_ =	sdelay $0x4  }
0x17e: {  	[tilespmem:$0x740] =	vst v1  }
0x17f: {  	v1 =	vld.idx.msk [tilespmem:v21+s3+$0x0], $0xffff;
	_ =	sdelay $0x4  }
0x180: {  	[tilespmem:$0x750] =	vst v1  }
0x181: {  	v1 =	vld.idx.msk [tilespmem:v22+s3+$0x0], $0xffff;
	_ =	sdelay $0x4  }
0x182: {  	[tilespmem:$0x760] =	vst v1  }
0x183: {  	v1 =	vld.idx.msk [tilespmem:v23+s3+$0x0], $0xffff;
	_ =	sdelay $0x4  }
0x184: {  	[tilespmem:$0x770] =	vst v1  }
0x185: {  	v1 =	vld.idx.msk [tilespmem:v24+s3+$0x0], $0xffff;
	_ =	sdelay $0x4  }
0x186: {  	[tilespmem:$0x780] =	vst v1  }
0x187: {  	v1 =	vld.idx.msk [tilespmem:v25+s3+$0x0], $0xffff;
	_ =	sdelay $0x4  }
0x188: {  	[tilespmem:$0x790] =	vst v1  }
0x189: {  	v1 =	vld.idx.msk [tilespmem:v26+s3+$0x0], $0xffff;
	_ =	sdelay $0x4  }
0x18a: {  	[tilespmem:$0x7A0] =	vst v1  }
0x18b: {  	v1 =	vld.idx.msk [tilespmem:v27+s3+$0x0], $0xffff;
	_ =	sdelay $0x4  }
0x18c: {  	[tilespmem:$0x7B0] =	vst v1  }
0x18d: {  	v1 =	vld.idx.msk [tilespmem:v28+s3+$0x0], $0xffff;
	_ =	sdelay $0x4  }
0x18e: {  	[tilespmem:$0x7C0] =	vst v1  }
0x18f: {  	v1 =	vld.idx.msk [tilespmem:v29+s3+$0x0], $0xffff;
	_ =	sdelay $0x4  }
0x190: {  	[tilespmem:$0x7D0] =	vst v1  }
0x191: {  	v1 =	vld.idx.msk [tilespmem:v30+s3+$0x0], $0xffff;
	_ =	sdelay $0x4  }
0x192: {  	[tilespmem:$0x7E0] =	vst v1  }
0x193: {  	v1 =	vld.idx.msk [tilespmem:v31+s3+$0x0], $0xffff;
	_ =	sdelay $0x1  }
.Ltmp14:
0x194: {  	_ = 	snop;
	(pc) =	sbr.rel .LBB2_22-.Ltmp14, $3  }
0x195: {  	_ =	sdelay $0x1  }
0x196: {  	[tilespmem:$0x7F0] =	vst v1  }
0x197: {  	[hbm4b:s12+s3] =	stream.linear.scatter [tilespmem:s17], [sflag:$0x1], $0x200, $0x38;
	[tilespmem:$0x800] =	vst v63  }
.LBB2_10:
.Ltmp15:
0x198: {  	(pc) =	sbr.rel @p3 .LBB2_19-.Ltmp15, $1  }
0x199: {  	_ =	sdelay $0x3  }
0x19a: {  	s18 =	sld [smem:$0x7FC];
	_ =	sdelay $0x2  }
0x19b: {  	p4 =	seq.s32 s18, $0x1  }
.Ltmp16:
0x19c: {  	_ = 	snop;
	(pc) =	sbr.rel @!p4 .LBB2_23-.Ltmp16, $1  }
0x19d: {  	_ =	sdelay $0x3  }
0x19e: {  	v1 =	vadd.s32 $0x2, v0  }
0x19f: {  	[tilespmem:s3], [sflag:$0x1] =	stream.linear.gather [hbm4b:s5+s3], $0x600, $0x38;
	[tilespmem:$0x800] =	vst v63  }
0x1a0: {  	_ =	swait.ge [sflag:s16], $0x600  }
0x1a1: {  	[sflag:s16] =	ssyncset.done $0x0  }
0x1a2: {  	[sflag:s16] =	ssyncadd.s32 $0xFFFFFA00  }
0x1a3: {  	v1 =	vld.idx.msk [tilespmem:v1+s3+$0x0], $0xffff  }
0x1a4: {  	v2 =	vadd.s32 $0x32, v0;
	_ =	sdelay $0x3  }
0x1a5: {  	[tilespmem:$0x600] =	vst v1  }
0x1a6: {  	v1 =	vld.idx.msk [tilespmem:v2+s3+$0x0], $0xffff  }
0x1a7: {  	v2 =	vadd.s32 $0x62, v0;
	_ =	sdelay $0x3  }
0x1a8: {  	[tilespmem:$0x610] =	vst v1  }
0x1a9: {  	v1 =	vld.idx.msk [tilespmem:v2+s3+$0x0], $0xffff  }
0x1aa: {  	v2 =	vadd.s32 $0x92, v0;
	_ =	sdelay $0x3  }
0x1ab: {  	[tilespmem:$0x620] =	vst v1  }
0x1ac: {  	v1 =	vld.idx.msk [tilespmem:v2+s3+$0x0], $0xffff  }
0x1ad: {  	v2 =	vadd.s32 $0xC2, v0;
	_ =	sdelay $0x3  }
0x1ae: {  	[tilespmem:$0x630] =	vst v1  }
0x1af: {  	v1 =	vld.idx.msk [tilespmem:v2+s3+$0x0], $0xffff  }
0x1b0: {  	v2 =	vadd.s32 $0xF2, v0;
	_ =	sdelay $0x3  }
0x1b1: {  	[tilespmem:$0x640] =	vst v1  }
0x1b2: {  	v1 =	vld.idx.msk [tilespmem:v2+s3+$0x0], $0xffff  }
0x1b3: {  	v2 =	vadd.s32 $0x122, v0;
	_ =	sdelay $0x3  }
0x1b4: {  	[tilespmem:$0x650] =	vst v1  }
0x1b5: {  	v1 =	vld.idx.msk [tilespmem:v2+s3+$0x0], $0xffff  }
0x1b6: {  	v2 =	vadd.s32 $0x152, v0;
	_ =	sdelay $0x3  }
0x1b7: {  	[tilespmem:$0x660] =	vst v1  }
0x1b8: {  	v1 =	vld.idx.msk [tilespmem:v2+s3+$0x0], $0xffff  }
0x1b9: {  	v2 =	vadd.s32 $0x182, v0;
	_ =	sdelay $0x3  }
0x1ba: {  	[tilespmem:$0x670] =	vst v1  }
0x1bb: {  	v1 =	vld.idx.msk [tilespmem:v2+s3+$0x0], $0xffff  }
0x1bc: {  	v2 =	vadd.s32 $0x1B2, v0;
	_ =	sdelay $0x3  }
0x1bd: {  	[tilespmem:$0x680] =	vst v1  }
0x1be: {  	v1 =	vld.idx.msk [tilespmem:v2+s3+$0x0], $0xffff  }
0x1bf: {  	v2 =	vadd.s32 $0x1E2, v0;
	_ =	sdelay $0x3  }
0x1c0: {  	[tilespmem:$0x690] =	vst v1  }
0x1c1: {  	v1 =	vld.idx.msk [tilespmem:v2+s3+$0x0], $0xffff  }
0x1c2: {  	v2 =	vadd.s32 $0x212, v0;
	_ =	sdelay $0x3  }
0x1c3: {  	[tilespmem:$0x6A0] =	vst v1  }
0x1c4: {  	v1 =	vld.idx.msk [tilespmem:v2+s3+$0x0], $0xffff  }
0x1c5: {  	v2 =	vadd.s32 $0x242, v0;
	_ =	sdelay $0x3  }
0x1c6: {  	[tilespmem:$0x6B0] =	vst v1  }
0x1c7: {  	v1 =	vld.idx.msk [tilespmem:v2+s3+$0x0], $0xffff  }
0x1c8: {  	v2 =	vadd.s32 $0x272, v0;
	_ =	sdelay $0x3  }
0x1c9: {  	[tilespmem:$0x6C0] =	vst v1  }
0x1ca: {  	v1 =	vld.idx.msk [tilespmem:v2+s3+$0x0], $0xffff  }
0x1cb: {  	v2 =	vadd.s32 $0x2A2, v0;
	_ =	sdelay $0x3  }
0x1cc: {  	[tilespmem:$0x6D0] =	vst v1  }
0x1cd: {  	v1 =	vld.idx.msk [tilespmem:v2+s3+$0x0], $0xffff  }
0x1ce: {  	v2 =	vadd.s32 $0x2D2, v0;
	_ =	sdelay $0x3  }
0x1cf: {  	[tilespmem:$0x6E0] =	vst v1  }
0x1d0: {  	v1 =	vld.idx.msk [tilespmem:v2+s3+$0x0], $0xffff  }
0x1d1: {  	v2 =	vadd.s32 $0x302, v0;
	_ =	sdelay $0x3  }
0x1d2: {  	[tilespmem:$0x6F0] =	vst v1  }
0x1d3: {  	v1 =	vld.idx.msk [tilespmem:v2+s3+$0x0], $0xffff  }
0x1d4: {  	v2 =	vadd.s32 $0x332, v0;
	_ =	sdelay $0x3  }
0x1d5: {  	[tilespmem:$0x700] =	vst v1  }
0x1d6: {  	v1 =	vld.idx.msk [tilespmem:v2+s3+$0x0], $0xffff  }
0x1d7: {  	v2 =	vadd.s32 $0x362, v0;
	_ =	sdelay $0x3  }
0x1d8: {  	[tilespmem:$0x710] =	vst v1  }
0x1d9: {  	v1 =	vld.idx.msk [tilespmem:v2+s3+$0x0], $0xffff  }
0x1da: {  	v2 =	vadd.s32 $0x392, v0;
	_ =	sdelay $0x3  }
0x1db: {  	[tilespmem:$0x720] =	vst v1  }
0x1dc: {  	v1 =	vld.idx.msk [tilespmem:v2+s3+$0x0], $0xffff  }
0x1dd: {  	v2 =	vadd.s32 $0x3C2, v0;
	_ =	sdelay $0x3  }
0x1de: {  	[tilespmem:$0x730] =	vst v1  }
0x1df: {  	v1 =	vld.idx.msk [tilespmem:v2+s3+$0x0], $0xffff  }
0x1e0: {  	v2 =	vadd.s32 $0x3F2, v0;
	_ =	sdelay $0x3  }
0x1e1: {  	[tilespmem:$0x740] =	vst v1  }
0x1e2: {  	v1 =	vld.idx.msk [tilespmem:v2+s3+$0x0], $0xffff  }
0x1e3: {  	v2 =	vadd.s32 $0x422, v0;
	_ =	sdelay $0x3  }
0x1e4: {  	[tilespmem:$0x750] =	vst v1  }
0x1e5: {  	v1 =	vld.idx.msk [tilespmem:v2+s3+$0x0], $0xffff  }
0x1e6: {  	v2 =	vadd.s32 $0x452, v0;
	_ =	sdelay $0x3  }
0x1e7: {  	[tilespmem:$0x760] =	vst v1  }
0x1e8: {  	v1 =	vld.idx.msk [tilespmem:v2+s3+$0x0], $0xffff  }
0x1e9: {  	v2 =	vadd.s32 $0x482, v0;
	_ =	sdelay $0x3  }
0x1ea: {  	[tilespmem:$0x770] =	vst v1  }
0x1eb: {  	v1 =	vld.idx.msk [tilespmem:v2+s3+$0x0], $0xffff  }
0x1ec: {  	v2 =	vadd.s32 $0x4B2, v0;
	_ =	sdelay $0x3  }
0x1ed: {  	[tilespmem:$0x780] =	vst v1  }
0x1ee: {  	v1 =	vld.idx.msk [tilespmem:v2+s3+$0x0], $0xffff  }
0x1ef: {  	v2 =	vadd.s32 $0x4E2, v0;
	_ =	sdelay $0x3  }
0x1f0: {  	[tilespmem:$0x790] =	vst v1  }
0x1f1: {  	v1 =	vld.idx.msk [tilespmem:v2+s3+$0x0], $0xffff  }
0x1f2: {  	v2 =	vadd.s32 $0x512, v0;
	_ =	sdelay $0x3  }
0x1f3: {  	[tilespmem:$0x7A0] =	vst v1  }
0x1f4: {  	v1 =	vld.idx.msk [tilespmem:v2+s3+$0x0], $0xffff  }
0x1f5: {  	v2 =	vadd.s32 $0x542, v0;
	_ =	sdelay $0x3  }
0x1f6: {  	[tilespmem:$0x7B0] =	vst v1  }
0x1f7: {  	v1 =	vld.idx.msk [tilespmem:v2+s3+$0x0], $0xffff  }
0x1f8: {  	v2 =	vadd.s32 $0x572, v0;
	_ =	sdelay $0x3  }
0x1f9: {  	[tilespmem:$0x7C0] =	vst v1  }
0x1fa: {  	v1 =	vld.idx.msk [tilespmem:v2+s3+$0x0], $0xffff  }
0x1fb: {  	v2 =	vadd.s32 $0x5A2, v0;
	_ =	sdelay $0x3  }
0x1fc: {  	[tilespmem:$0x7D0] =	vst v1  }
0x1fd: {  	v1 =	vld.idx.msk [tilespmem:v2+s3+$0x0], $0xffff  }
0x1fe: {  	v2 =	vadd.s32 $0x5D2, v0;
	_ =	sdelay $0x3  }
0x1ff: {  	[tilespmem:$0x7E0] =	vst v1  }
0x200: {  	v1 =	vld.idx.msk [tilespmem:v2+s3+$0x0], $0xffff;
	_ =	sdelay $0x1  }
.Ltmp17:
0x201: {  	_ = 	snop;
	(pc) =	sbr.rel .LBB2_22-.Ltmp17, $3  }
0x202: {  	_ =	sdelay $0x1  }
0x203: {  	[tilespmem:$0x7F0] =	vst v1  }
0x204: {  	[hbm4b:s10+s3] =	stream.linear.scatter [tilespmem:s17], [sflag:$0x1], $0x200, $0x38;
	[tilespmem:$0x800] =	vst v63  }
.LBB2_17:
0x205: {  	[tilespmem:s3], [sflag:$0x1] =	stream.linear.gather [hbm4b:s0+s3], $0x600, $0x38;
	[tilespmem:$0x800] =	vst v63  }
0x206: {  	_ =	swait.ge [sflag:s16], $0x600  }
0x207: {  	[sflag:s16] =	ssyncset.done $0x0  }
0x208: {  	[sflag:s16] =	ssyncadd.s32 $0xFFFFFA00  }
0x209: {  	v1 =	vld.idx.msk [tilespmem:v0+s3+$0x0], $0xffff;
	_ =	sdelay $0x4  }
0x20a: {  	[tilespmem:$0x600] =	vst v1;
	v1 =	vld [tilespmem:$0x1FFE0];
	_ =	sdelay $0x7  }
0x20b: {  	v1 =	vld.idx.msk [tilespmem:v1+s3+$0x0], $0xffff;
	_ =	sdelay $0x4  }
0x20c: {  	[tilespmem:$0x610] =	vst v1;
	v1 =	vld [tilespmem:$0x1FFF0];
	_ =	sdelay $0x7  }
0x20d: {  	v1 =	vld.idx.msk [tilespmem:v1+s3+$0x0], $0xffff;
	_ =	sdelay $0x4  }
0x20e: {  	[tilespmem:$0x620] =	vst v1  }
0x20f: {  	v1 =	vld.idx.msk [tilespmem:v3+s3+$0x0], $0xffff;
	_ =	sdelay $0x4  }
0x210: {  	[tilespmem:$0x630] =	vst v1  }
0x211: {  	v1 =	vld.idx.msk [tilespmem:v4+s3+$0x0], $0xffff;
	_ =	sdelay $0x4  }
0x212: {  	[tilespmem:$0x640] =	vst v1  }
0x213: {  	v1 =	vld.idx.msk [tilespmem:v5+s3+$0x0], $0xffff;
	_ =	sdelay $0x4  }
0x214: {  	[tilespmem:$0x650] =	vst v1  }
0x215: {  	v1 =	vld.idx.msk [tilespmem:v6+s3+$0x0], $0xffff;
	_ =	sdelay $0x4  }
0x216: {  	[tilespmem:$0x660] =	vst v1  }
0x217: {  	v1 =	vld.idx.msk [tilespmem:v7+s3+$0x0], $0xffff;
	_ =	sdelay $0x4  }
0x218: {  	[tilespmem:$0x670] =	vst v1  }
0x219: {  	v1 =	vld.idx.msk [tilespmem:v8+s3+$0x0], $0xffff;
	_ =	sdelay $0x4  }
0x21a: {  	[tilespmem:$0x680] =	vst v1  }
0x21b: {  	v1 =	vld.idx.msk [tilespmem:v9+s3+$0x0], $0xffff;
	_ =	sdelay $0x4  }
0x21c: {  	[tilespmem:$0x690] =	vst v1  }
0x21d: {  	v1 =	vld.idx.msk [tilespmem:v10+s3+$0x0], $0xffff;
	_ =	sdelay $0x4  }
0x21e: {  	[tilespmem:$0x6A0] =	vst v1  }
0x21f: {  	v1 =	vld.idx.msk [tilespmem:v11+s3+$0x0], $0xffff;
	_ =	sdelay $0x4  }
0x220: {  	[tilespmem:$0x6B0] =	vst v1  }
0x221: {  	v1 =	vld.idx.msk [tilespmem:v12+s3+$0x0], $0xffff;
	_ =	sdelay $0x4  }
0x222: {  	[tilespmem:$0x6C0] =	vst v1  }
0x223: {  	v1 =	vld.idx.msk [tilespmem:v13+s3+$0x0], $0xffff;
	_ =	sdelay $0x4  }
0x224: {  	[tilespmem:$0x6D0] =	vst v1  }
0x225: {  	v1 =	vld.idx.msk [tilespmem:v14+s3+$0x0], $0xffff;
	_ =	sdelay $0x4  }
0x226: {  	[tilespmem:$0x6E0] =	vst v1  }
0x227: {  	v1 =	vld.idx.msk [tilespmem:v15+s3+$0x0], $0xffff;
	_ =	sdelay $0x4  }
0x228: {  	[tilespmem:$0x6F0] =	vst v1  }
0x229: {  	v1 =	vld.idx.msk [tilespmem:v16+s3+$0x0], $0xffff;
	_ =	sdelay $0x4  }
0x22a: {  	[tilespmem:$0x700] =	vst v1  }
0x22b: {  	v1 =	vld.idx.msk [tilespmem:v17+s3+$0x0], $0xffff;
	_ =	sdelay $0x4  }
0x22c: {  	[tilespmem:$0x710] =	vst v1  }
0x22d: {  	v1 =	vld.idx.msk [tilespmem:v18+s3+$0x0], $0xffff;
	_ =	sdelay $0x4  }
0x22e: {  	[tilespmem:$0x720] =	vst v1  }
0x22f: {  	v1 =	vld.idx.msk [tilespmem:v19+s3+$0x0], $0xffff;
	_ =	sdelay $0x4  }
0x230: {  	[tilespmem:$0x730] =	vst v1  }
0x231: {  	v1 =	vld.idx.msk [tilespmem:v20+s3+$0x0], $0xffff;
	_ =	sdelay $0x4  }
0x232: {  	[tilespmem:$0x740] =	vst v1  }
0x233: {  	v1 =	vld.idx.msk [tilespmem:v21+s3+$0x0], $0xffff;
	_ =	sdelay $0x4  }
0x234: {  	[tilespmem:$0x750] =	vst v1  }
0x235: {  	v1 =	vld.idx.msk [tilespmem:v22+s3+$0x0], $0xffff;
	_ =	sdelay $0x4  }
0x236: {  	[tilespmem:$0x760] =	vst v1  }
0x237: {  	v1 =	vld.idx.msk [tilespmem:v23+s3+$0x0], $0xffff;
	_ =	sdelay $0x4  }
0x238: {  	[tilespmem:$0x770] =	vst v1  }
0x239: {  	v1 =	vld.idx.msk [tilespmem:v24+s3+$0x0], $0xffff;
	_ =	sdelay $0x4  }
0x23a: {  	[tilespmem:$0x780] =	vst v1  }
0x23b: {  	v1 =	vld.idx.msk [tilespmem:v25+s3+$0x0], $0xffff;
	_ =	sdelay $0x4  }
0x23c: {  	[tilespmem:$0x790] =	vst v1  }
0x23d: {  	v1 =	vld.idx.msk [tilespmem:v26+s3+$0x0], $0xffff;
	_ =	sdelay $0x4  }
0x23e: {  	[tilespmem:$0x7A0] =	vst v1  }
0x23f: {  	v1 =	vld.idx.msk [tilespmem:v27+s3+$0x0], $0xffff;
	_ =	sdelay $0x4  }
0x240: {  	[tilespmem:$0x7B0] =	vst v1  }
0x241: {  	v1 =	vld.idx.msk [tilespmem:v28+s3+$0x0], $0xffff;
	_ =	sdelay $0x4  }
0x242: {  	[tilespmem:$0x7C0] =	vst v1  }
0x243: {  	v1 =	vld.idx.msk [tilespmem:v29+s3+$0x0], $0xffff;
	_ =	sdelay $0x4  }
0x244: {  	[tilespmem:$0x7D0] =	vst v1  }
0x245: {  	v1 =	vld.idx.msk [tilespmem:v30+s3+$0x0], $0xffff;
	_ =	sdelay $0x4  }
0x246: {  	[tilespmem:$0x7E0] =	vst v1  }
0x247: {  	v1 =	vld.idx.msk [tilespmem:v31+s3+$0x0], $0xffff;
	_ =	sdelay $0x1  }
.Ltmp18:
0x248: {  	_ = 	snop;
	(pc) =	sbr.rel .LBB2_22-.Ltmp18, $3  }
0x249: {  	_ =	sdelay $0x1  }
0x24a: {  	[tilespmem:$0x7F0] =	vst v1  }
0x24b: {  	[hbm4b:s2+s3] =	stream.linear.scatter [tilespmem:s17], [sflag:$0x1], $0x200, $0x38;
	[tilespmem:$0x800] =	vst v63  }
.LBB2_20:
0x24c: {  	[tilespmem:s3], [sflag:$0x1] =	stream.linear.gather [hbm4b:s6+s3], $0x600, $0x38;
	[tilespmem:$0x800] =	vst v63  }
0x24d: {  	_ =	swait.ge [sflag:s16], $0x600  }
0x24e: {  	[sflag:s16] =	ssyncset.done $0x0  }
0x24f: {  	[sflag:s16] =	ssyncadd.s32 $0xFFFFFA00  }
0x250: {  	v1 =	vld.idx.msk [tilespmem:v0+s3+$0x0], $0xffff;
	_ =	sdelay $0x4  }
0x251: {  	[tilespmem:$0x600] =	vst v1;
	v1 =	vld [tilespmem:$0x1FFE0];
	_ =	sdelay $0x7  }
0x252: {  	v1 =	vld.idx.msk [tilespmem:v1+s3+$0x0], $0xffff;
	_ =	sdelay $0x4  }
0x253: {  	[tilespmem:$0x610] =	vst v1;
	v1 =	vld [tilespmem:$0x1FFF0];
	_ =	sdelay $0x7  }
0x254: {  	v1 =	vld.idx.msk [tilespmem:v1+s3+$0x0], $0xffff;
	_ =	sdelay $0x4  }
0x255: {  	[tilespmem:$0x620] =	vst v1  }
0x256: {  	v1 =	vld.idx.msk [tilespmem:v3+s3+$0x0], $0xffff;
	_ =	sdelay $0x4  }
0x257: {  	[tilespmem:$0x630] =	vst v1  }
0x258: {  	v1 =	vld.idx.msk [tilespmem:v4+s3+$0x0], $0xffff;
	_ =	sdelay $0x4  }
0x259: {  	[tilespmem:$0x640] =	vst v1  }
0x25a: {  	v1 =	vld.idx.msk [tilespmem:v5+s3+$0x0], $0xffff;
	_ =	sdelay $0x4  }
0x25b: {  	[tilespmem:$0x650] =	vst v1  }
0x25c: {  	v1 =	vld.idx.msk [tilespmem:v6+s3+$0x0], $0xffff;
	_ =	sdelay $0x4  }
0x25d: {  	[tilespmem:$0x660] =	vst v1  }
0x25e: {  	v1 =	vld.idx.msk [tilespmem:v7+s3+$0x0], $0xffff;
	_ =	sdelay $0x4  }
0x25f: {  	[tilespmem:$0x670] =	vst v1  }
0x260: {  	v1 =	vld.idx.msk [tilespmem:v8+s3+$0x0], $0xffff;
	_ =	sdelay $0x4  }
0x261: {  	[tilespmem:$0x680] =	vst v1  }
0x262: {  	v1 =	vld.idx.msk [tilespmem:v9+s3+$0x0], $0xffff;
	_ =	sdelay $0x4  }
0x263: {  	[tilespmem:$0x690] =	vst v1  }
0x264: {  	v1 =	vld.idx.msk [tilespmem:v10+s3+$0x0], $0xffff;
	_ =	sdelay $0x4  }
0x265: {  	[tilespmem:$0x6A0] =	vst v1  }
0x266: {  	v1 =	vld.idx.msk [tilespmem:v11+s3+$0x0], $0xffff;
	_ =	sdelay $0x4  }
0x267: {  	[tilespmem:$0x6B0] =	vst v1  }
0x268: {  	v1 =	vld.idx.msk [tilespmem:v12+s3+$0x0], $0xffff;
	_ =	sdelay $0x4  }
0x269: {  	[tilespmem:$0x6C0] =	vst v1  }
0x26a: {  	v1 =	vld.idx.msk [tilespmem:v13+s3+$0x0], $0xffff;
	_ =	sdelay $0x4  }
0x26b: {  	[tilespmem:$0x6D0] =	vst v1  }
0x26c: {  	v1 =	vld.idx.msk [tilespmem:v14+s3+$0x0], $0xffff;
	_ =	sdelay $0x4  }
0x26d: {  	[tilespmem:$0x6E0] =	vst v1  }
0x26e: {  	v1 =	vld.idx.msk [tilespmem:v15+s3+$0x0], $0xffff;
	_ =	sdelay $0x4  }
0x26f: {  	[tilespmem:$0x6F0] =	vst v1  }
0x270: {  	v1 =	vld.idx.msk [tilespmem:v16+s3+$0x0], $0xffff;
	_ =	sdelay $0x4  }
0x271: {  	[tilespmem:$0x700] =	vst v1  }
0x272: {  	v1 =	vld.idx.msk [tilespmem:v17+s3+$0x0], $0xffff;
	_ =	sdelay $0x4  }
0x273: {  	[tilespmem:$0x710] =	vst v1  }
0x274: {  	v1 =	vld.idx.msk [tilespmem:v18+s3+$0x0], $0xffff;
	_ =	sdelay $0x4  }
0x275: {  	[tilespmem:$0x720] =	vst v1  }
0x276: {  	v1 =	vld.idx.msk [tilespmem:v19+s3+$0x0], $0xffff;
	_ =	sdelay $0x4  }
0x277: {  	[tilespmem:$0x730] =	vst v1  }
0x278: {  	v1 =	vld.idx.msk [tilespmem:v20+s3+$0x0], $0xffff;
	_ =	sdelay $0x4  }
0x279: {  	[tilespmem:$0x740] =	vst v1  }
0x27a: {  	v1 =	vld.idx.msk [tilespmem:v21+s3+$0x0], $0xffff;
	_ =	sdelay $0x4  }
0x27b: {  	[tilespmem:$0x750] =	vst v1  }
0x27c: {  	v1 =	vld.idx.msk [tilespmem:v22+s3+$0x0], $0xffff;
	_ =	sdelay $0x4  }
0x27d: {  	[tilespmem:$0x760] =	vst v1  }
0x27e: {  	v1 =	vld.idx.msk [tilespmem:v23+s3+$0x0], $0xffff;
	_ =	sdelay $0x4  }
0x27f: {  	[tilespmem:$0x770] =	vst v1  }
0x280: {  	v1 =	vld.idx.msk [tilespmem:v24+s3+$0x0], $0xffff;
	_ =	sdelay $0x4  }
0x281: {  	[tilespmem:$0x780] =	vst v1  }
0x282: {  	v1 =	vld.idx.msk [tilespmem:v25+s3+$0x0], $0xffff;
	_ =	sdelay $0x4  }
0x283: {  	[tilespmem:$0x790] =	vst v1  }
0x284: {  	v1 =	vld.idx.msk [tilespmem:v26+s3+$0x0], $0xffff;
	_ =	sdelay $0x4  }
0x285: {  	[tilespmem:$0x7A0] =	vst v1  }
0x286: {  	v1 =	vld.idx.msk [tilespmem:v27+s3+$0x0], $0xffff;
	_ =	sdelay $0x4  }
0x287: {  	[tilespmem:$0x7B0] =	vst v1  }
0x288: {  	v1 =	vld.idx.msk [tilespmem:v28+s3+$0x0], $0xffff;
	_ =	sdelay $0x4  }
0x289: {  	[tilespmem:$0x7C0] =	vst v1  }
0x28a: {  	v1 =	vld.idx.msk [tilespmem:v29+s3+$0x0], $0xffff;
	_ =	sdelay $0x4  }
0x28b: {  	[tilespmem:$0x7D0] =	vst v1  }
0x28c: {  	v1 =	vld.idx.msk [tilespmem:v30+s3+$0x0], $0xffff;
	_ =	sdelay $0x4  }
0x28d: {  	[tilespmem:$0x7E0] =	vst v1  }
0x28e: {  	v1 =	vld.idx.msk [tilespmem:v31+s3+$0x0], $0xffff;
	_ =	sdelay $0x1  }
.Ltmp19:
0x28f: {  	_ = 	snop;
	(pc) =	sbr.rel .LBB2_22-.Ltmp19, $3  }
0x290: {  	_ =	sdelay $0x1  }
0x291: {  	[tilespmem:$0x7F0] =	vst v1  }
0x292: {  	[hbm4b:s9+s3] =	stream.linear.scatter [tilespmem:s17], [sflag:$0x1], $0x200, $0x38;
	[tilespmem:$0x800] =	vst v63  }
.LBB2_19:
0x293: {  	[tilespmem:s3], [sflag:$0x1] =	stream.linear.gather [hbm4b:s5+s3], $0x600, $0x38;
	[tilespmem:$0x800] =	vst v63  }
0x294: {  	_ =	swait.ge [sflag:s16], $0x600  }
0x295: {  	[sflag:s16] =	ssyncset.done $0x0  }
0x296: {  	[sflag:s16] =	ssyncadd.s32 $0xFFFFFA00  }
0x297: {  	v1 =	vld.idx.msk [tilespmem:v32+s3+$0x0], $0xffff;
	_ =	sdelay $0x4  }
0x298: {  	[tilespmem:$0x600] =	vst v1  }
0x299: {  	v1 =	vld.idx.msk [tilespmem:v33+s3+$0x0], $0xffff;
	_ =	sdelay $0x4  }
0x29a: {  	[tilespmem:$0x610] =	vst v1  }
0x29b: {  	v1 =	vld.idx.msk [tilespmem:v34+s3+$0x0], $0xffff;
	_ =	sdelay $0x4  }
0x29c: {  	[tilespmem:$0x620] =	vst v1  }
0x29d: {  	v1 =	vld.idx.msk [tilespmem:v35+s3+$0x0], $0xffff;
	_ =	sdelay $0x4  }
0x29e: {  	[tilespmem:$0x630] =	vst v1  }
0x29f: {  	v1 =	vld.idx.msk [tilespmem:v36+s3+$0x0], $0xffff;
	_ =	sdelay $0x4  }
0x2a0: {  	[tilespmem:$0x640] =	vst v1  }
0x2a1: {  	v1 =	vld.idx.msk [tilespmem:v37+s3+$0x0], $0xffff;
	_ =	sdelay $0x4  }
0x2a2: {  	[tilespmem:$0x650] =	vst v1  }
0x2a3: {  	v1 =	vld.idx.msk [tilespmem:v38+s3+$0x0], $0xffff;
	_ =	sdelay $0x4  }
0x2a4: {  	[tilespmem:$0x660] =	vst v1  }
0x2a5: {  	v1 =	vld.idx.msk [tilespmem:v39+s3+$0x0], $0xffff;
	_ =	sdelay $0x4  }
0x2a6: {  	[tilespmem:$0x670] =	vst v1  }
0x2a7: {  	v1 =	vld.idx.msk [tilespmem:v40+s3+$0x0], $0xffff;
	_ =	sdelay $0x4  }
0x2a8: {  	[tilespmem:$0x680] =	vst v1  }
0x2a9: {  	v1 =	vld.idx.msk [tilespmem:v41+s3+$0x0], $0xffff;
	_ =	sdelay $0x4  }
0x2aa: {  	[tilespmem:$0x690] =	vst v1  }
0x2ab: {  	v1 =	vld.idx.msk [tilespmem:v42+s3+$0x0], $0xffff;
	_ =	sdelay $0x4  }
0x2ac: {  	[tilespmem:$0x6A0] =	vst v1  }
0x2ad: {  	v1 =	vld.idx.msk [tilespmem:v43+s3+$0x0], $0xffff;
	_ =	sdelay $0x4  }
0x2ae: {  	[tilespmem:$0x6B0] =	vst v1  }
0x2af: {  	v1 =	vld.idx.msk [tilespmem:v44+s3+$0x0], $0xffff;
	_ =	sdelay $0x4  }
0x2b0: {  	[tilespmem:$0x6C0] =	vst v1  }
0x2b1: {  	v1 =	vld.idx.msk [tilespmem:v45+s3+$0x0], $0xffff;
	_ =	sdelay $0x4  }
0x2b2: {  	[tilespmem:$0x6D0] =	vst v1  }
0x2b3: {  	v1 =	vld.idx.msk [tilespmem:v46+s3+$0x0], $0xffff;
	_ =	sdelay $0x4  }
0x2b4: {  	[tilespmem:$0x6E0] =	vst v1  }
0x2b5: {  	v1 =	vld.idx.msk [tilespmem:v47+s3+$0x0], $0xffff;
	_ =	sdelay $0x4  }
0x2b6: {  	[tilespmem:$0x6F0] =	vst v1  }
0x2b7: {  	v1 =	vld.idx.msk [tilespmem:v48+s3+$0x0], $0xffff;
	_ =	sdelay $0x4  }
0x2b8: {  	[tilespmem:$0x700] =	vst v1  }
0x2b9: {  	v1 =	vld.idx.msk [tilespmem:v49+s3+$0x0], $0xffff;
	_ =	sdelay $0x4  }
0x2ba: {  	[tilespmem:$0x710] =	vst v1  }
0x2bb: {  	v1 =	vld.idx.msk [tilespmem:v50+s3+$0x0], $0xffff;
	_ =	sdelay $0x4  }
0x2bc: {  	[tilespmem:$0x720] =	vst v1  }
0x2bd: {  	v1 =	vld.idx.msk [tilespmem:v51+s3+$0x0], $0xffff;
	_ =	sdelay $0x4  }
0x2be: {  	[tilespmem:$0x730] =	vst v1  }
0x2bf: {  	v1 =	vld.idx.msk [tilespmem:v52+s3+$0x0], $0xffff;
	_ =	sdelay $0x4  }
0x2c0: {  	[tilespmem:$0x740] =	vst v1  }
0x2c1: {  	v1 =	vld.idx.msk [tilespmem:v53+s3+$0x0], $0xffff;
	_ =	sdelay $0x4  }
0x2c2: {  	[tilespmem:$0x750] =	vst v1  }
0x2c3: {  	v1 =	vld.idx.msk [tilespmem:v54+s3+$0x0], $0xffff;
	_ =	sdelay $0x4  }
0x2c4: {  	[tilespmem:$0x760] =	vst v1  }
0x2c5: {  	v1 =	vld.idx.msk [tilespmem:v55+s3+$0x0], $0xffff;
	_ =	sdelay $0x4  }
0x2c6: {  	[tilespmem:$0x770] =	vst v1  }
0x2c7: {  	v1 =	vld.idx.msk [tilespmem:v56+s3+$0x0], $0xffff;
	_ =	sdelay $0x4  }
0x2c8: {  	[tilespmem:$0x780] =	vst v1  }
0x2c9: {  	v1 =	vld.idx.msk [tilespmem:v57+s3+$0x0], $0xffff;
	_ =	sdelay $0x4  }
0x2ca: {  	[tilespmem:$0x790] =	vst v1  }
0x2cb: {  	v1 =	vld.idx.msk [tilespmem:v58+s3+$0x0], $0xffff;
	_ =	sdelay $0x4  }
0x2cc: {  	[tilespmem:$0x7A0] =	vst v1  }
0x2cd: {  	v1 =	vld.idx.msk [tilespmem:v59+s3+$0x0], $0xffff;
	_ =	sdelay $0x4  }
0x2ce: {  	[tilespmem:$0x7B0] =	vst v1  }
0x2cf: {  	v1 =	vld.idx.msk [tilespmem:v60+s3+$0x0], $0xffff;
	_ =	sdelay $0x4  }
0x2d0: {  	[tilespmem:$0x7C0] =	vst v1  }
0x2d1: {  	v1 =	vld.idx.msk [tilespmem:v61+s3+$0x0], $0xffff;
	_ =	sdelay $0x4  }
0x2d2: {  	[tilespmem:$0x7D0] =	vst v1  }
0x2d3: {  	v1 =	vld.idx.msk [tilespmem:v62+s3+$0x0], $0xffff;
	_ =	sdelay $0x4  }
0x2d4: {  	[tilespmem:$0x7E0] =	vst v1  }
0x2d5: {  	v1 =	vld.idx.msk [tilespmem:v63+s3+$0x0], $0xffff;
	_ =	sdelay $0x1  }
.Ltmp20:
0x2d6: {  	_ = 	snop;
	(pc) =	sbr.rel .LBB2_22-.Ltmp20, $3  }
0x2d7: {  	_ =	sdelay $0x1  }
0x2d8: {  	[tilespmem:$0x7F0] =	vst v1  }
0x2d9: {  	[hbm4b:s11+s3] =	stream.linear.scatter [tilespmem:s17], [sflag:$0x1], $0x200, $0x38;
	[tilespmem:$0x800] =	vst v63  }
.LBB2_21:
0x2da: {  	[tilespmem:s3], [sflag:$0x1] =	stream.linear.gather [hbm4b:s6+s3], $0x600, $0x38;
	[tilespmem:$0x800] =	vst v63  }
0x2db: {  	_ =	swait.ge [sflag:s16], $0x600  }
0x2dc: {  	[sflag:s16] =	ssyncset.done $0x0  }
0x2dd: {  	[sflag:s16] =	ssyncadd.s32 $0xFFFFFA00  }
0x2de: {  	v1 =	vld.idx.msk [tilespmem:v32+s3+$0x0], $0xffff;
	_ =	sdelay $0x4  }
0x2df: {  	[tilespmem:$0x600] =	vst v1  }
0x2e0: {  	v1 =	vld.idx.msk [tilespmem:v33+s3+$0x0], $0xffff;
	_ =	sdelay $0x4  }
0x2e1: {  	[tilespmem:$0x610] =	vst v1  }
0x2e2: {  	v1 =	vld.idx.msk [tilespmem:v34+s3+$0x0], $0xffff;
	_ =	sdelay $0x4  }
0x2e3: {  	[tilespmem:$0x620] =	vst v1  }
0x2e4: {  	v1 =	vld.idx.msk [tilespmem:v35+s3+$0x0], $0xffff;
	_ =	sdelay $0x4  }
0x2e5: {  	[tilespmem:$0x630] =	vst v1  }
0x2e6: {  	v1 =	vld.idx.msk [tilespmem:v36+s3+$0x0], $0xffff;
	_ =	sdelay $0x4  }
0x2e7: {  	[tilespmem:$0x640] =	vst v1  }
0x2e8: {  	v1 =	vld.idx.msk [tilespmem:v37+s3+$0x0], $0xffff;
	_ =	sdelay $0x4  }
0x2e9: {  	[tilespmem:$0x650] =	vst v1  }
0x2ea: {  	v1 =	vld.idx.msk [tilespmem:v38+s3+$0x0], $0xffff;
	_ =	sdelay $0x4  }
0x2eb: {  	[tilespmem:$0x660] =	vst v1  }
0x2ec: {  	v1 =	vld.idx.msk [tilespmem:v39+s3+$0x0], $0xffff;
	_ =	sdelay $0x4  }
0x2ed: {  	[tilespmem:$0x670] =	vst v1  }
0x2ee: {  	v1 =	vld.idx.msk [tilespmem:v40+s3+$0x0], $0xffff;
	_ =	sdelay $0x4  }
0x2ef: {  	[tilespmem:$0x680] =	vst v1  }
0x2f0: {  	v1 =	vld.idx.msk [tilespmem:v41+s3+$0x0], $0xffff;
	_ =	sdelay $0x4  }
0x2f1: {  	[tilespmem:$0x690] =	vst v1  }
0x2f2: {  	v1 =	vld.idx.msk [tilespmem:v42+s3+$0x0], $0xffff;
	_ =	sdelay $0x4  }
0x2f3: {  	[tilespmem:$0x6A0] =	vst v1  }
0x2f4: {  	v1 =	vld.idx.msk [tilespmem:v43+s3+$0x0], $0xffff;
	_ =	sdelay $0x4  }
0x2f5: {  	[tilespmem:$0x6B0] =	vst v1  }
0x2f6: {  	v1 =	vld.idx.msk [tilespmem:v44+s3+$0x0], $0xffff;
	_ =	sdelay $0x4  }
0x2f7: {  	[tilespmem:$0x6C0] =	vst v1  }
0x2f8: {  	v1 =	vld.idx.msk [tilespmem:v45+s3+$0x0], $0xffff;
	_ =	sdelay $0x4  }
0x2f9: {  	[tilespmem:$0x6D0] =	vst v1  }
0x2fa: {  	v1 =	vld.idx.msk [tilespmem:v46+s3+$0x0], $0xffff;
	_ =	sdelay $0x4  }
0x2fb: {  	[tilespmem:$0x6E0] =	vst v1  }
0x2fc: {  	v1 =	vld.idx.msk [tilespmem:v47+s3+$0x0], $0xffff;
	_ =	sdelay $0x4  }
0x2fd: {  	[tilespmem:$0x6F0] =	vst v1  }
0x2fe: {  	v1 =	vld.idx.msk [tilespmem:v48+s3+$0x0], $0xffff;
	_ =	sdelay $0x4  }
0x2ff: {  	[tilespmem:$0x700] =	vst v1  }
0x300: {  	v1 =	vld.idx.msk [tilespmem:v49+s3+$0x0], $0xffff;
	_ =	sdelay $0x4  }
0x301: {  	[tilespmem:$0x710] =	vst v1  }
0x302: {  	v1 =	vld.idx.msk [tilespmem:v50+s3+$0x0], $0xffff;
	_ =	sdelay $0x4  }
0x303: {  	[tilespmem:$0x720] =	vst v1  }
0x304: {  	v1 =	vld.idx.msk [tilespmem:v51+s3+$0x0], $0xffff;
	_ =	sdelay $0x4  }
0x305: {  	[tilespmem:$0x730] =	vst v1  }
0x306: {  	v1 =	vld.idx.msk [tilespmem:v52+s3+$0x0], $0xffff;
	_ =	sdelay $0x4  }
0x307: {  	[tilespmem:$0x740] =	vst v1  }
0x308: {  	v1 =	vld.idx.msk [tilespmem:v53+s3+$0x0], $0xffff;
	_ =	sdelay $0x4  }
0x309: {  	[tilespmem:$0x750] =	vst v1  }
0x30a: {  	v1 =	vld.idx.msk [tilespmem:v54+s3+$0x0], $0xffff;
	_ =	sdelay $0x4  }
0x30b: {  	[tilespmem:$0x760] =	vst v1  }
0x30c: {  	v1 =	vld.idx.msk [tilespmem:v55+s3+$0x0], $0xffff;
	_ =	sdelay $0x4  }
0x30d: {  	[tilespmem:$0x770] =	vst v1  }
0x30e: {  	v1 =	vld.idx.msk [tilespmem:v56+s3+$0x0], $0xffff;
	_ =	sdelay $0x4  }
0x30f: {  	[tilespmem:$0x780] =	vst v1  }
0x310: {  	v1 =	vld.idx.msk [tilespmem:v57+s3+$0x0], $0xffff;
	_ =	sdelay $0x4  }
0x311: {  	[tilespmem:$0x790] =	vst v1  }
0x312: {  	v1 =	vld.idx.msk [tilespmem:v58+s3+$0x0], $0xffff;
	_ =	sdelay $0x4  }
0x313: {  	[tilespmem:$0x7A0] =	vst v1  }
0x314: {  	v1 =	vld.idx.msk [tilespmem:v59+s3+$0x0], $0xffff;
	_ =	sdelay $0x4  }
0x315: {  	[tilespmem:$0x7B0] =	vst v1  }
0x316: {  	v1 =	vld.idx.msk [tilespmem:v60+s3+$0x0], $0xffff;
	_ =	sdelay $0x4  }
0x317: {  	[tilespmem:$0x7C0] =	vst v1  }
0x318: {  	v1 =	vld.idx.msk [tilespmem:v61+s3+$0x0], $0xffff;
	_ =	sdelay $0x4  }
0x319: {  	[tilespmem:$0x7D0] =	vst v1  }
0x31a: {  	v1 =	vld.idx.msk [tilespmem:v62+s3+$0x0], $0xffff;
	_ =	sdelay $0x4  }
0x31b: {  	[tilespmem:$0x7E0] =	vst v1  }
0x31c: {  	v1 =	vld.idx.msk [tilespmem:v63+s3+$0x0], $0xffff;
	_ =	sdelay $0x1  }
.Ltmp21:
0x31d: {  	_ = 	snop;
	(pc) =	sbr.rel .LBB2_22-.Ltmp21, $3  }
0x31e: {  	_ =	sdelay $0x1  }
0x31f: {  	[tilespmem:$0x7F0] =	vst v1  }
0x320: {  	[hbm4b:s8+s3] =	stream.linear.scatter [tilespmem:s17], [sflag:$0x1], $0x200, $0x38;
	[tilespmem:$0x800] =	vst v63  }
.LBB2_24:
0x321: {  	_ =	sfence.sel $0x180000  }
0x322: {  	[bflag:$0x0] =	sbarrier.arrive $0xFFFF  }
0x323: {  	p0 =	sne.s32 s4, $0x0;
	_ =	strace $0x90000047  }
0x324: {  	s0 =	sadd.s32 @!p0 $0x100000, s1;
	[bflag:$0x2] =	sbarrier.arrive $0xFFFF  }
0x325: {  	[sflag:s0] =	ssyncadd.tile.s32 @!p0 $0x1;
	_ =	shalt  }
.Lfunc_end2:
_tile_overlayer_lowered:
.L_overlay_start_2:
0x326: {  	(tag) =	ssettag $0x2  }
0x327: {  	s0 =	rddreg [dreg:$0x0];
	s2 =	stileid.u32  }
0x328: {  	s1 =	rddreg [dreg:$0x1];
	p0 =	sne.s32 s2, $0x0  }
0x329: {  	s3 =	rddreg [dreg:$0x2];
	[bflag:$0x3] =	sbarrier.arrive $0xFFFF;
	s2 =	simm.s32 @!p0 $0x1C01  }
0x32a: {  	[timem:s3], [sflag:s2] =	dma.local @!p0 [hbm:s0], s1  }
0x32b: {  	s0 =	simm.s32 @!p0 $0x1  }
0x32c: {  	_ =	swait.ge @!p0 [sflag:s0], s1  }
0x32d: {  	s1 =	ssub.s32 @!p0 $0x0, s1;
	[sflag:s0] =	ssyncset.done @!p0 $0x0  }
0x32e: {  	[sflag:s0] =	ssyncadd.s32 @!p0 s1  }
0x32f: {  	[bflag:$0x3] =	sbarrier.arrive $0xFFFF  }
0x330: {  	_ =	shalt  }

</sc_bundles>
